<compile_context>
chip_gen: v7x
topology: tpu7x:2x2x1
jax: 0.10.2.dev20260603
libtpu: 0.0.44.dev20260713+nightly
codegen_flags: <defaults>
</compile_context>

<pallas_src>
import functools

import jax
import jax.numpy as jnp
from jax import lax
from jax.experimental import pallas as pl
from jax.experimental.pallas import tpu as pltpu
from jax.experimental.pallas import tpu_sc as plsc

N = 2048
D_IN = 1024
HID = 1024
T = 16
B = 256
NBLK = 23
P = NBLK * B
BT_LEN = 32

NC, NS, L = 2, 16, 16
NW = NC * NS
CHUNK = N // NW


def _mesh():
    return plsc.VectorSubcoreMesh(core_axis_name="c", subcore_axis_name="s")


def _mesh1():
    return plsc.VectorSubcoreMesh(
        core_axis_name="c", subcore_axis_name="s", num_cores=1)


_SC_PARAMS = pltpu.CompilerParams(needs_layout_passes=False)


def _backbone_body(x_ref, wb_ref, bb_ref, out_ref):
    xb = x_ref[...].astype(jnp.bfloat16)
    wb = wb_ref[...].astype(jnp.bfloat16)
    acc = jnp.dot(xb, wb, preferred_element_type=jnp.float32)
    out_ref[...] = jnp.maximum(acc + bb_ref[...], 0.0)


def _backbone(x, Wb, bb2):
    return pl.pallas_call(
        _backbone_body,
        grid=(8,),
        in_specs=[
            pl.BlockSpec((N // 8, D_IN), lambda i: (i, 0)),
            pl.BlockSpec((D_IN, HID), lambda i: (0, 0)),
            pl.BlockSpec((1, HID), lambda i: (0, 0)),
        ],
        out_specs=pl.BlockSpec((N // 8, HID), lambda i: (i, 0)),
        out_shape=jax.ShapeDtypeStruct((N, HID), jnp.float32),
    )(x, Wb, bb2)




def _hist_body(tids_hbm, counts_hbm, rank_hbm, tids_v, rank_v, cnt_vv):
    wid = lax.axis_index("c") * NS + lax.axis_index("s")
    base = wid * CHUNK
    lanes = lax.iota(jnp.int32, L)

    pltpu.sync_copy(tids_hbm.at[pl.ds(base, CHUNK)], tids_v)

    cnt = jnp.zeros((L,), jnp.int32)
    for g in range(CHUNK // L):
        tvec = tids_v[pl.ds(g * L, L)]
        rank_acc = jnp.zeros((L,), jnp.int32)
        for l in range(L):
            tid = tvec[l]
            m = lanes == tid
            r = jnp.sum(jnp.where(m, cnt, 0))
            rank_acc = jnp.where(lanes == l, r, rank_acc)
            cnt = cnt + jnp.where(m, 1, 0)
        rank_v[pl.ds(g * L, L)] = rank_acc
    cnt_vv[...] = cnt
    pltpu.sync_copy(cnt_vv, counts_hbm.at[wid])
    pltpu.sync_copy(rank_v, rank_hbm.at[pl.ds(base, CHUNK)])


def _hist(task_ids):
    f = functools.partial(
        pl.kernel,
        mesh=_mesh(),
        compiler_params=_SC_PARAMS,
        out_type=[jax.ShapeDtypeStruct((NW, L), jnp.int32),
                  jax.ShapeDtypeStruct((N,), jnp.int32)],
        scratch_types=[
            pltpu.VMEM((CHUNK,), jnp.int32),
            pltpu.VMEM((CHUNK,), jnp.int32),
            pltpu.VMEM((L,), jnp.int32),
        ],
    )(_hist_body)
    return f(task_ids)


def _global_offsets(cnt32_v, wid):
    tot = jnp.zeros((L,), jnp.int32)
    pre = jnp.zeros((L,), jnp.int32)
    for i in range(NW):
        row = cnt32_v[i]
        tot = tot + row
        pre = pre + row * (i < wid).astype(jnp.int32)
    cap = ((tot + (B - 1)) // B) * B
    start = plsc.cumsum(cap) - cap
    return start, cap, start + pre


def _scatter_body(feats_hbm, tids_hbm, counts_hbm, rank_hbm,
                  fs_hbm, pos_hbm, bt_hbm,
                  tids_v, rank_v, pos_v, base_v, cnt32_v, bt_v, bufs, ssem):
    wid = lax.axis_index("c") * NS + lax.axis_index("s")
    base = wid * CHUNK
    lanes = lax.iota(jnp.int32, L)

    pltpu.sync_copy(counts_hbm, cnt32_v)
    pltpu.sync_copy(tids_hbm.at[pl.ds(base, CHUNK)], tids_v)
    pltpu.sync_copy(rank_hbm.at[pl.ds(base, CHUNK)], rank_v)
    start, cap, wbase = _global_offsets(cnt32_v, wid)
    base_v[...] = wbase

    for g in range(CHUNK // L):
        idx = tids_v[pl.ds(g * L, L)]
        r = rank_v[pl.ds(g * L, L)]
        pos_v[pl.ds(g * L, L)] = plsc.load_gather(base_v, [idx]) + r
    pltpu.sync_copy(pos_v, pos_hbm.at[pl.ds(base, CHUNK)])

    pltpu.sync_copy(feats_hbm.at[pl.ds(base, CHUNK)], bufs)
    pltpu.async_copy(bufs, fs_hbm.at[pos_v], ssem).wait()

    blk_start = start // B
    blk_end = blk_start + cap // B
    for h in range(BT_LEN // L):
        bvec = lanes + h * L
        btvec = jnp.full((L,), -1, jnp.int32)
        for t in range(T):
            hit = (bvec >= blk_start[t]) & (bvec < blk_end[t])
            btvec = jnp.where(hit, t, btvec)
        bt_v[pl.ds(h * L, L)] = btvec

    @pl.when(wid == 0)
    def _():
        pltpu.sync_copy(bt_v, bt_hbm)


def _scatter(feats, tids, counts, rank):
    f = functools.partial(
        pl.kernel,
        mesh=_mesh(),
        compiler_params=_SC_PARAMS,
        out_type=[jax.ShapeDtypeStruct((P, HID), jnp.float32),
                  jax.ShapeDtypeStruct((N,), jnp.int32),
                  jax.ShapeDtypeStruct((BT_LEN,), jnp.int32)],
        scratch_types=[
            pltpu.VMEM((CHUNK,), jnp.int32),
            pltpu.VMEM((CHUNK,), jnp.int32),
            pltpu.VMEM((CHUNK,), jnp.int32),
            pltpu.VMEM((L,), jnp.int32),
            pltpu.VMEM((NW, L), jnp.int32),
            pltpu.VMEM((BT_LEN,), jnp.int32),
            pltpu.VMEM((CHUNK, HID), jnp.float32),
            pltpu.SemaphoreType.DMA,
        ],
    )(_scatter_body)
    return f(feats, tids, counts, rank)


def _heads_body(bt_ref, fs_ref, w1_ref, b1_ref, w2_ref, b2_ref, wo_ref, out_ref):
    xb = fs_ref[...].astype(jnp.bfloat16)
    h1 = jnp.dot(xb, w1_ref[0].astype(jnp.bfloat16),
                 preferred_element_type=jnp.float32)
    h1 = jnp.maximum(h1 + b1_ref[0], 0.0)
    h2 = jnp.dot(h1, w2_ref[0], preferred_element_type=jnp.float32)
    h2 = jnp.maximum(h2 + b2_ref[0], 0.0)
    o = lax.dot_general(wo_ref[0], h2, (((1,), (1,)), ((), ())),
                        preferred_element_type=jnp.float32)
    out_ref[...] = jnp.broadcast_to(o, (8, B))


def _heads(block_task, feats_s, W1, b1, W2p, b2a, woa):
    grid_spec = pltpu.PrefetchScalarGridSpec(
        num_scalar_prefetch=1,
        grid=(NBLK,),
        in_specs=[
            pl.BlockSpec((B, HID), lambda b, bt: (jnp.where(bt[b] < 0, 0, b), 0)),
            pl.BlockSpec((1, HID, 128), lambda b, bt: (jnp.maximum(bt[b], 0), 0, 0)),
            pl.BlockSpec((1, 1, 128), lambda b, bt: (jnp.maximum(bt[b], 0), 0, 0)),
            pl.BlockSpec((1, 128, 128), lambda b, bt: (jnp.maximum(bt[b], 0), 0, 0)),
            pl.BlockSpec((1, 1, 128), lambda b, bt: (jnp.maximum(bt[b], 0), 0, 0)),
            pl.BlockSpec((1, 1, 128), lambda b, bt: (jnp.maximum(bt[b], 0), 0, 0)),
        ],
        out_specs=pl.BlockSpec((8, B), lambda b, bt: (0, b)),
    )
    return pl.pallas_call(
        _heads_body,
        grid_spec=grid_spec,
        out_shape=jax.ShapeDtypeStruct((8, NBLK * B), jnp.float32),
    )(block_task, feats_s, W1, b1, W2p, b2a, woa)


def _unsort_body(os_hbm, pos_hbm, out_hbm, os_v, pos_v, out_v):
    wid = lax.axis_index("c") * NS + lax.axis_index("s")
    base = wid * CHUNK
    pltpu.sync_copy(os_hbm.at[0], os_v)
    pltpu.sync_copy(pos_hbm.at[pl.ds(base, CHUNK)], pos_v)
    for g in range(CHUNK // L):
        p = pos_v[pl.ds(g * L, L)]
        out_v[pl.ds(g * L, L)] = plsc.load_gather(os_v, [p])
    pltpu.sync_copy(out_v, out_hbm.at[pl.ds(base, CHUNK)])


def _unsort(o_rows, pos):
    f = functools.partial(
        pl.kernel,
        mesh=_mesh(),
        compiler_params=_SC_PARAMS,
        out_type=jax.ShapeDtypeStruct((N,), jnp.float32),
        scratch_types=[
            pltpu.VMEM((P,), jnp.float32),
            pltpu.VMEM((CHUNK,), jnp.int32),
            pltpu.VMEM((CHUNK,), jnp.float32),
        ],
    )(_unsort_body)
    return f(o_rows, pos)


def kernel(x, task_ids, Wb, bb, W1, b1, W2, b2, Wo, bo):
    tids = task_ids.astype(jnp.int32)
    bb2 = bb.reshape(1, HID)
    W2p = jnp.pad(W2, ((0, 0), (0, 0), (0, 128 - 64)))
    b1r = b1.reshape(T, 1, 128)
    b2a = jnp.concatenate(
        [b2, jnp.ones((T, 1), jnp.float32), jnp.zeros((T, 63), jnp.float32)],
        axis=1).reshape(T, 1, 128)
    woa = jnp.concatenate(
        [Wo[:, :, 0], bo, jnp.zeros((T, 63), jnp.float32)], axis=1).reshape(T, 1, 128)

    feats = _backbone(x, Wb, bb2)
    counts, rank = _hist(tids)
    feats_s, pos, block_task = _scatter(feats, tids, counts, rank)
    o_s = _heads(block_task, feats_s, W1, b1r, W2p, b2a, woa)
    out = _unsort(o_s, pos)
    return out.reshape(N, 1)

# --- scband reference (transcript-rebuilt; emitter-appended) ---
"""Pipeline reference for scband-multi-task-model-34445637714048 (READ-ONLY COPY).

The authoritative reference and input builder live on the scoring server;
editing this copy changes nothing except your own understanding.
"""

import jax, jax.numpy as jnp
import numpy as np

N, D_IN, HIDDEN, T = 2048, 1024, 1024, 16

# NOTE: BaseFeatureExtractor is undefined in the source; assumed to be
# Linear(d_in=1024, hidden) + ReLU, a standard shared-backbone feature extractor.

def setup_inputs(seed: int = 0) -> dict:
    key = jax.random.key(seed)
    ks = jax.random.split(key, 8)
    x = jax.random.normal(ks[0], (N, D_IN), dtype=jnp.float32)
    task_ids = jax.random.randint(ks[1], (N,), 0, T)
    Wb = jax.random.normal(ks[2], (D_IN, HIDDEN), dtype=jnp.float32) * 0.02
    bb = jnp.zeros((HIDDEN,), dtype=jnp.float32)
    W1 = jax.random.normal(ks[3], (T, HIDDEN, 128), dtype=jnp.float32) * 0.02
    b1 = jnp.zeros((T, 128), dtype=jnp.float32)
    W2 = jax.random.normal(ks[4], (T, 128, 64), dtype=jnp.float32) * 0.02
    b2 = jnp.zeros((T, 64), dtype=jnp.float32)
    Wo = jax.random.normal(ks[5], (T, 64, 1), dtype=jnp.float32) * 0.02
    bo = jnp.zeros((T, 1), dtype=jnp.float32)
    return {"x": x, "task_ids": task_ids, "Wb": Wb, "bb": bb,
            "W1": W1, "b1": b1, "W2": W2, "b2": b2, "Wo": Wo, "bo": bo}

def reference(x, task_ids, Wb, bb, W1, b1, W2, b2, Wo, bo):
    # shared backbone
    feats = jax.nn.relu(x @ Wb + bb)  # [N, hidden]
    # head1: per-task Linear(hidden,128)+ReLU. Compute all-task then select per token;
    # gradients flow only through selected (task-matched) entries, matching the
    # torch masked per-task dispatch exactly.
    h1_all = jax.nn.relu(jnp.einsum('nh,thk->ntk', feats, W1) + b1[None, :, :])  # [N,T,128]
    h1 = jnp.take_along_axis(h1_all, task_ids[:, None, None], axis=1)[:, 0, :]  # [N,128]
    # head2: gather per-token task weights (SparseCore-style gather), Linear(128,64)+ReLU
    W2g = jnp.take(W2, task_ids, axis=0)  # [N,128,64]
    b2g = jnp.take(b2, task_ids, axis=0)  # [N,64]
    h2 = jax.nn.relu(jnp.einsum('nk,nkm->nm', h1, W2g) + b2g)  # [N,64]
    # out: Linear(64,1) per task
    Wog = jnp.take(Wo, task_ids, axis=0)  # [N,64,1]
    bog = jnp.take(bo, task_ids, axis=0)  # [N,1]
    out = jnp.einsum('nm,nmo->no', h2, Wog) + bog  # [N,1]
    return out

if __name__ == "__main__":
    import jax
    _d = setup_inputs()
    print(jax.jit(kernel)(*tuple(_d.values())))

</pallas_src>

<mosaic_0001>
#map = affine_map<(d0, d1) -> (0)>
#map1 = affine_map<(d0, d1) -> (0, 0)>
module attributes {stable_mosaic.version = 14 : i64} {
  func.func @_hist_body(%arg0: i32, %arg1: i32, %arg2: memref<2048xi32, #tpu.memory_space<hbm>>, %arg3: memref<32x16xi32, #tpu.memory_space<hbm>>, %arg4: memref<2048xi32, #tpu.memory_space<hbm>>, %arg5: memref<64xi32, #tpu.memory_space<vmem>>, %arg6: memref<64xi32, #tpu.memory_space<vmem>>, %arg7: memref<16xi32, #tpu.memory_space<vmem>>) attributes {dimension_semantics = [#tpu.dimension_semantics<core_parallel>, #tpu.dimension_semantics<subcore_parallel>], iteration_bounds = array<i64: 2, 16>, scalar_prefetch = 0 : i64, scratch_operands = 3 : i64, tpu.core_type = #tpu.core_type<sc_vector_subcore>, window_params = [{transform_indices = #map}, {transform_indices = #map1}, {transform_indices = #map}]} {
    %mul3A = arith.constant 16 : i32
    %mul3A_0 = arith.muli %arg0, %mul3A : i32
    %add3A = arith.addi %mul3A_0, %arg1 : i32
    %mul3A_1 = arith.constant 64 : i32
    %mul3A_2 = arith.muli %add3A, %mul3A_1 : i32
    %iota3A = tpu.iota {dimensions = array<i32: 0>} : vector<16xi32>
    "tpu.region"() ({
      %run_scoped3A = tpu.sem_alloc : memref<!tpu.dma_semaphore, #tpu.memory_space<semaphore_mem>>
      %dma_start3A = tpu.memref_slice %arg2[%mul3A_2] : memref<2048xi32, #tpu.memory_space<hbm>> -> memref<64xi32, #tpu.memory_space<hbm>>
      %dma_start3A_1430 = tpu.memref_slice %arg2[%mul3A_2] : memref<2048xi32, #tpu.memory_space<hbm>> -> memref<64xi32, #tpu.memory_space<hbm>>
      tpu.enqueue_dma source(%dma_start3A_1430 : memref<64xi32, #tpu.memory_space<hbm>>) target(%arg5 : memref<64xi32, #tpu.memory_space<vmem>>) target_semaphore(%run_scoped3A : memref<!tpu.dma_semaphore, #tpu.memory_space<semaphore_mem>>)
      %dma_wait3A = tpu.memref_slice %arg2[%mul3A_2] : memref<2048xi32, #tpu.memory_space<hbm>> -> memref<64xi32, #tpu.memory_space<hbm>>
      %dma_wait3A_1431 = tpu.memref_slice %arg2[%mul3A_2] : memref<2048xi32, #tpu.memory_space<hbm>> -> memref<64xi32, #tpu.memory_space<hbm>>
      tpu.wait_dma2 semaphore(%run_scoped3A : memref<!tpu.dma_semaphore, #tpu.memory_space<semaphore_mem>>) src(%dma_wait3A_1431 : memref<64xi32, #tpu.memory_space<hbm>>) dst(%arg5 : memref<64xi32, #tpu.memory_space<vmem>>)
      tpu.yield
    }) : () -> ()
    %broadcast_in_dim3A = arith.constant 0 : i32
    %broadcast_in_dim3A_3 = vector.broadcast %broadcast_in_dim3A : i32 to vector<16xi32>
    %get3A = arith.constant 0 : index
    %get3A_4 = tpu.vector_load %arg5[%get3A] {strides = array<i32>} : memref<64xi32, #tpu.memory_space<vmem>>, vector<16xi32>,
    %broadcast_in_dim3A_5 = arith.constant 0 : i32
    %broadcast_in_dim3A_6 = vector.broadcast %broadcast_in_dim3A_5 : i32 to vector<16xi32>
    %slice3A = vector.extract_strided_slice %get3A_4 {offsets = [0], sizes = [1], strides = [1]} : vector<16xi32> to vector<1xi32>
    %squeeze3A = vector.extract %slice3A[0] : i32 from vector<1xi32>
    %eq3A = vector.broadcast %squeeze3A : i32 to vector<16xi32>
    %eq3A_7 = arith.cmpi eq, %iota3A, %eq3A : vector<16xi32>
    %jit3A = arith.constant 0 : i32
    %broadcast_in_dim3A_8 = vector.broadcast %jit3A : i32 to vector<16xi32>
    %select_n3A = arith.select %eq3A_7, %broadcast_in_dim3A_3, %broadcast_in_dim3A_8 : vector<16xi1>, vector<16xi32>
    %reduce_sum3A = arith.constant true
    %reduce_sum3A_9 = vector.broadcast %reduce_sum3A : i1 to vector<16xi1>
    %reduce_sum3A_10 = tpu.scan <sum>, %select_n3A masked %reduce_sum3A_9 : vector<16xi32>, vector<16xi1> -> vector<16xi32>
    %reduce_sum3A_11 = vector.extract %reduce_sum3A_10[15] : i32 from vector<16xi32>
    %eq3A_12 = arith.constant 0 : i32
    %eq3A_13 = vector.broadcast %eq3A_12 : i32 to vector<16xi32>
    %eq3A_14 = arith.cmpi eq, %iota3A, %eq3A_13 : vector<16xi32>
    %broadcast_in_dim3A_15 = vector.broadcast %reduce_sum3A_11 : i32 to vector<16xi32>
    %select_n3A_16 = arith.select %eq3A_14, %broadcast_in_dim3A_15, %broadcast_in_dim3A_6 : vector<16xi1>, vector<16xi32>
    %jit3A_17 = arith.constant 1 : i32
    %jit3A_18 = arith.constant 0 : i32
    %broadcast_in_dim3A_19 = vector.broadcast %jit3A_17 : i32 to vector<16xi32>
    %broadcast_in_dim3A_20 = vector.broadcast %jit3A_18 : i32 to vector<16xi32>
    %select_n3A_21 = arith.select %eq3A_7, %broadcast_in_dim3A_19, %broadcast_in_dim3A_20 : vector<16xi1>, vector<16xi32>
    %add3A_22 = arith.addi %broadcast_in_dim3A_3, %select_n3A_21 : vector<16xi32>
    %slice3A_23 = vector.extract_strided_slice %get3A_4 {offsets = [1], sizes = [1], strides = [1]} : vector<16xi32> to vector<1xi32>
    %squeeze3A_24 = vector.extract %slice3A_23[0] : i32 from vector<1xi32>
    %eq3A_25 = vector.broadcast %squeeze3A_24 : i32 to vector<16xi32>
    %eq3A_26 = arith.cmpi eq, %iota3A, %eq3A_25 : vector<16xi32>
    %jit3A_27 = arith.constant 0 : i32
    %broadcast_in_dim3A_28 = vector.broadcast %jit3A_27 : i32 to vector<16xi32>
    %select_n3A_29 = arith.select %eq3A_26, %add3A_22, %broadcast_in_dim3A_28 : vector<16xi1>, vector<16xi32>
    %reduce_sum3A_30 = arith.constant true
    %reduce_sum3A_31 = vector.broadcast %reduce_sum3A_30 : i1 to vector<16xi1>
    %reduce_sum3A_32 = tpu.scan <sum>, %select_n3A_29 masked %reduce_sum3A_31 : vector<16xi32>, vector<16xi1> -> vector<16xi32>
    %reduce_sum3A_33 = vector.extract %reduce_sum3A_32[15] : i32 from vector<16xi32>
    %eq3A_34 = arith.constant 1 : i32
    %eq3A_35 = vector.broadcast %eq3A_34 : i32 to vector<16xi32>
    %eq3A_36 = arith.cmpi eq, %iota3A, %eq3A_35 : vector<16xi32>
    %broadcast_in_dim3A_37 = vector.broadcast %reduce_sum3A_33 : i32 to vector<16xi32>
    %select_n3A_38 = arith.select %eq3A_36, %broadcast_in_dim3A_37, %select_n3A_16 : vector<16xi1>, vector<16xi32>
    %jit3A_39 = arith.constant 1 : i32
    %jit3A_40 = arith.constant 0 : i32
    %broadcast_in_dim3A_41 = vector.broadcast %jit3A_39 : i32 to vector<16xi32>
    %broadcast_in_dim3A_42 = vector.broadcast %jit3A_40 : i32 to vector<16xi32>
    %select_n3A_43 = arith.select %eq3A_26, %broadcast_in_dim3A_41, %broadcast_in_dim3A_42 : vector<16xi1>, vector<16xi32>
    %add3A_44 = arith.addi %add3A_22, %select_n3A_43 : vector<16xi32>
    %slice3A_45 = vector.extract_strided_slice %get3A_4 {offsets = [2], sizes = [1], strides = [1]} : vector<16xi32> to vector<1xi32>
    %squeeze3A_46 = vector.extract %slice3A_45[0] : i32 from vector<1xi32>
    %eq3A_47 = vector.broadcast %squeeze3A_46 : i32 to vector<16xi32>
    %eq3A_48 = arith.cmpi eq, %iota3A, %eq3A_47 : vector<16xi32>
    %jit3A_49 = arith.constant 0 : i32
    %broadcast_in_dim3A_50 = vector.broadcast %jit3A_49 : i32 to vector<16xi32>
    %select_n3A_51 = arith.select %eq3A_48, %add3A_44, %broadcast_in_dim3A_50 : vector<16xi1>, vector<16xi32>
    %reduce_sum3A_52 = arith.constant true
    %reduce_sum3A_53 = vector.broadcast %reduce_sum3A_52 : i1 to vector<16xi1>
    %reduce_sum3A_54 = tpu.scan <sum>, %select_n3A_51 masked %reduce_sum3A_53 : vector<16xi32>, vector<16xi1> -> vector<16xi32>
    %reduce_sum3A_55 = vector.extract %reduce_sum3A_54[15] : i32 from vector<16xi32>
    %eq3A_56 = arith.constant 2 : i32
    %eq3A_57 = vector.broadcast %eq3A_56 : i32 to vector<16xi32>
    %eq3A_58 = arith.cmpi eq, %iota3A, %eq3A_57 : vector<16xi32>
    %broadcast_in_dim3A_59 = vector.broadcast %reduce_sum3A_55 : i32 to vector<16xi32>
    %select_n3A_60 = arith.select %eq3A_58, %broadcast_in_dim3A_59, %select_n3A_38 : vector<16xi1>, vector<16xi32>
    %jit3A_61 = arith.constant 1 : i32
    %jit3A_62 = arith.constant 0 : i32
    %broadcast_in_dim3A_63 = vector.broadcast %jit3A_61 : i32 to vector<16xi32>
    %broadcast_in_dim3A_64 = vector.broadcast %jit3A_62 : i32 to vector<16xi32>
    %select_n3A_65 = arith.select %eq3A_48, %broadcast_in_dim3A_63, %broadcast_in_dim3A_64 : vector<16xi1>, vector<16xi32>
    %add3A_66 = arith.addi %add3A_44, %select_n3A_65 : vector<16xi32>
    %slice3A_67 = vector.extract_strided_slice %get3A_4 {offsets = [3], sizes = [1], strides = [1]} : vector<16xi32> to vector<1xi32>
    %squeeze3A_68 = vector.extract %slice3A_67[0] : i32 from vector<1xi32>
    %eq3A_69 = vector.broadcast %squeeze3A_68 : i32 to vector<16xi32>
    %eq3A_70 = arith.cmpi eq, %iota3A, %eq3A_69 : vector<16xi32>
    %jit3A_71 = arith.constant 0 : i32
    %broadcast_in_dim3A_72 = vector.broadcast %jit3A_71 : i32 to vector<16xi32>
    %select_n3A_73 = arith.select %eq3A_70, %add3A_66, %broadcast_in_dim3A_72 : vector<16xi1>, vector<16xi32>
    %reduce_sum3A_74 = arith.constant true
    %reduce_sum3A_75 = vector.broadcast %reduce_sum3A_74 : i1 to vector<16xi1>
    %reduce_sum3A_76 = tpu.scan <sum>, %select_n3A_73 masked %reduce_sum3A_75 : vector<16xi32>, vector<16xi1> -> vector<16xi32>
    %reduce_sum3A_77 = vector.extract %reduce_sum3A_76[15] : i32 from vector<16xi32>
    %eq3A_78 = arith.constant 3 : i32
    %eq3A_79 = vector.broadcast %eq3A_78 : i32 to vector<16xi32>
    %eq3A_80 = arith.cmpi eq, %iota3A, %eq3A_79 : vector<16xi32>
    %broadcast_in_dim3A_81 = vector.broadcast %reduce_sum3A_77 : i32 to vector<16xi32>
    %select_n3A_82 = arith.select %eq3A_80, %broadcast_in_dim3A_81, %select_n3A_60 : vector<16xi1>, vector<16xi32>
    %jit3A_83 = arith.constant 1 : i32
    %jit3A_84 = arith.constant 0 : i32
    %broadcast_in_dim3A_85 = vector.broadcast %jit3A_83 : i32 to vector<16xi32>
    %broadcast_in_dim3A_86 = vector.broadcast %jit3A_84 : i32 to vector<16xi32>
    %select_n3A_87 = arith.select %eq3A_70, %broadcast_in_dim3A_85, %broadcast_in_dim3A_86 : vector<16xi1>, vector<16xi32>
    %add3A_88 = arith.addi %add3A_66, %select_n3A_87 : vector<16xi32>
    %slice3A_89 = vector.extract_strided_slice %get3A_4 {offsets = [4], sizes = [1], strides = [1]} : vector<16xi32> to vector<1xi32>
    %squeeze3A_90 = vector.extract %slice3A_89[0] : i32 from vector<1xi32>
    %eq3A_91 = vector.broadcast %squeeze3A_90 : i32 to vector<16xi32>
    %eq3A_92 = arith.cmpi eq, %iota3A, %eq3A_91 : vector<16xi32>
    %jit3A_93 = arith.constant 0 : i32
    %broadcast_in_dim3A_94 = vector.broadcast %jit3A_93 : i32 to vector<16xi32>
    %select_n3A_95 = arith.select %eq3A_92, %add3A_88, %broadcast_in_dim3A_94 : vector<16xi1>, vector<16xi32>
    %reduce_sum3A_96 = arith.constant true
    %reduce_sum3A_97 = vector.broadcast %reduce_sum3A_96 : i1 to vector<16xi1>
    %reduce_sum3A_98 = tpu.scan <sum>, %select_n3A_95 masked %reduce_sum3A_97 : vector<16xi32>, vector<16xi1> -> vector<16xi32>
    %reduce_sum3A_99 = vector.extract %reduce_sum3A_98[15] : i32 from vector<16xi32>
    %eq3A_100 = arith.constant 4 : i32
    %eq3A_101 = vector.broadcast %eq3A_100 : i32 to vector<16xi32>
    %eq3A_102 = arith.cmpi eq, %iota3A, %eq3A_101 : vector<16xi32>
    %broadcast_in_dim3A_103 = vector.broadcast %reduce_sum3A_99 : i32 to vector<16xi32>
    %select_n3A_104 = arith.select %eq3A_102, %broadcast_in_dim3A_103, %select_n3A_82 : vector<16xi1>, vector<16xi32>
    %jit3A_105 = arith.constant 1 : i32
    %jit3A_106 = arith.constant 0 : i32
    %broadcast_in_dim3A_107 = vector.broadcast %jit3A_105 : i32 to vector<16xi32>
    %broadcast_in_dim3A_108 = vector.broadcast %jit3A_106 : i32 to vector<16xi32>
    %select_n3A_109 = arith.select %eq3A_92, %broadcast_in_dim3A_107, %broadcast_in_dim3A_108 : vector<16xi1>, vector<16xi32>
    %add3A_110 = arith.addi %add3A_88, %select_n3A_109 : vector<16xi32>
    %slice3A_111 = vector.extract_strided_slice %get3A_4 {offsets = [5], sizes = [1], strides = [1]} : vector<16xi32> to vector<1xi32>
    %squeeze3A_112 = vector.extract %slice3A_111[0] : i32 from vector<1xi32>
    %eq3A_113 = vector.broadcast %squeeze3A_112 : i32 to vector<16xi32>
    %eq3A_114 = arith.cmpi eq, %iota3A, %eq3A_113 : vector<16xi32>
    %jit3A_115 = arith.constant 0 : i32
    %broadcast_in_dim3A_116 = vector.broadcast %jit3A_115 : i32 to vector<16xi32>
    %select_n3A_117 = arith.select %eq3A_114, %add3A_110, %broadcast_in_dim3A_116 : vector<16xi1>, vector<16xi32>
    %reduce_sum3A_118 = arith.constant true
    %reduce_sum3A_119 = vector.broadcast %reduce_sum3A_118 : i1 to vector<16xi1>
    %reduce_sum3A_120 = tpu.scan <sum>, %select_n3A_117 masked %reduce_sum3A_119 : vector<16xi32>, vector<16xi1> -> vector<16xi32>
    %reduce_sum3A_121 = vector.extract %reduce_sum3A_120[15] : i32 from vector<16xi32>
    %eq3A_122 = arith.constant 5 : i32
    %eq3A_123 = vector.broadcast %eq3A_122 : i32 to vector<16xi32>
    %eq3A_124 = arith.cmpi eq, %iota3A, %eq3A_123 : vector<16xi32>
    %broadcast_in_dim3A_125 = vector.broadcast %reduce_sum3A_121 : i32 to vector<16xi32>
    %select_n3A_126 = arith.select %eq3A_124, %broadcast_in_dim3A_125, %select_n3A_104 : vector<16xi1>, vector<16xi32>
    %jit3A_127 = arith.constant 1 : i32
    %jit3A_128 = arith.constant 0 : i32
    %broadcast_in_dim3A_129 = vector.broadcast %jit3A_127 : i32 to vector<16xi32>
    %broadcast_in_dim3A_130 = vector.broadcast %jit3A_128 : i32 to vector<16xi32>
    %select_n3A_131 = arith.select %eq3A_114, %broadcast_in_dim3A_129, %broadcast_in_dim3A_130 : vector<16xi1>, vector<16xi32>
    %add3A_132 = arith.addi %add3A_110, %select_n3A_131 : vector<16xi32>
    %slice3A_133 = vector.extract_strided_slice %get3A_4 {offsets = [6], sizes = [1], strides = [1]} : vector<16xi32> to vector<1xi32>
    %squeeze3A_134 = vector.extract %slice3A_133[0] : i32 from vector<1xi32>
    %eq3A_135 = vector.broadcast %squeeze3A_134 : i32 to vector<16xi32>
    %eq3A_136 = arith.cmpi eq, %iota3A, %eq3A_135 : vector<16xi32>
    %jit3A_137 = arith.constant 0 : i32
    %broadcast_in_dim3A_138 = vector.broadcast %jit3A_137 : i32 to vector<16xi32>
    %select_n3A_139 = arith.select %eq3A_136, %add3A_132, %broadcast_in_dim3A_138 : vector<16xi1>, vector<16xi32>
    %reduce_sum3A_140 = arith.constant true
    %reduce_sum3A_141 = vector.broadcast %reduce_sum3A_140 : i1 to vector<16xi1>
    %reduce_sum3A_142 = tpu.scan <sum>, %select_n3A_139 masked %reduce_sum3A_141 : vector<16xi32>, vector<16xi1> -> vector<16xi32>
    %reduce_sum3A_143 = vector.extract %reduce_sum3A_142[15] : i32 from vector<16xi32>
    %eq3A_144 = arith.constant 6 : i32
    %eq3A_145 = vector.broadcast %eq3A_144 : i32 to vector<16xi32>
    %eq3A_146 = arith.cmpi eq, %iota3A, %eq3A_145 : vector<16xi32>
    %broadcast_in_dim3A_147 = vector.broadcast %reduce_sum3A_143 : i32 to vector<16xi32>
    %select_n3A_148 = arith.select %eq3A_146, %broadcast_in_dim3A_147, %select_n3A_126 : vector<16xi1>, vector<16xi32>
    %jit3A_149 = arith.constant 1 : i32
    %jit3A_150 = arith.constant 0 : i32
    %broadcast_in_dim3A_151 = vector.broadcast %jit3A_149 : i32 to vector<16xi32>
    %broadcast_in_dim3A_152 = vector.broadcast %jit3A_150 : i32 to vector<16xi32>
    %select_n3A_153 = arith.select %eq3A_136, %broadcast_in_dim3A_151, %broadcast_in_dim3A_152 : vector<16xi1>, vector<16xi32>
    %add3A_154 = arith.addi %add3A_132, %select_n3A_153 : vector<16xi32>
    %slice3A_155 = vector.extract_strided_slice %get3A_4 {offsets = [7], sizes = [1], strides = [1]} : vector<16xi32> to vector<1xi32>
    %squeeze3A_156 = vector.extract %slice3A_155[0] : i32 from vector<1xi32>
    %eq3A_157 = vector.broadcast %squeeze3A_156 : i32 to vector<16xi32>
    %eq3A_158 = arith.cmpi eq, %iota3A, %eq3A_157 : vector<16xi32>
    %jit3A_159 = arith.constant 0 : i32
    %broadcast_in_dim3A_160 = vector.broadcast %jit3A_159 : i32 to vector<16xi32>
    %select_n3A_161 = arith.select %eq3A_158, %add3A_154, %broadcast_in_dim3A_160 : vector<16xi1>, vector<16xi32>
    %reduce_sum3A_162 = arith.constant true
    %reduce_sum3A_163 = vector.broadcast %reduce_sum3A_162 : i1 to vector<16xi1>
    %reduce_sum3A_164 = tpu.scan <sum>, %select_n3A_161 masked %reduce_sum3A_163 : vector<16xi32>, vector<16xi1> -> vector<16xi32>
    %reduce_sum3A_165 = vector.extract %reduce_sum3A_164[15] : i32 from vector<16xi32>
    %eq3A_166 = arith.constant 7 : i32
    %eq3A_167 = vector.broadcast %eq3A_166 : i32 to vector<16xi32>
    %eq3A_168 = arith.cmpi eq, %iota3A, %eq3A_167 : vector<16xi32>
    %broadcast_in_dim3A_169 = vector.broadcast %reduce_sum3A_165 : i32 to vector<16xi32>
    %select_n3A_170 = arith.select %eq3A_168, %broadcast_in_dim3A_169, %select_n3A_148 : vector<16xi1>, vector<16xi32>
    %jit3A_171 = arith.constant 1 : i32
    %jit3A_172 = arith.constant 0 : i32
    %broadcast_in_dim3A_173 = vector.broadcast %jit3A_171 : i32 to vector<16xi32>
    %broadcast_in_dim3A_174 = vector.broadcast %jit3A_172 : i32 to vector<16xi32>
    %select_n3A_175 = arith.select %eq3A_158, %broadcast_in_dim3A_173, %broadcast_in_dim3A_174 : vector<16xi1>, vector<16xi32>
    %add3A_176 = arith.addi %add3A_154, %select_n3A_175 : vector<16xi32>
    %slice3A_177 = vector.extract_strided_slice %get3A_4 {offsets = [8], sizes = [1], strides = [1]} : vector<16xi32> to vector<1xi32>
    %squeeze3A_178 = vector.extract %slice3A_177[0] : i32 from vector<1xi32>
    %eq3A_179 = vector.broadcast %squeeze3A_178 : i32 to vector<16xi32>
    %eq3A_180 = arith.cmpi eq, %iota3A, %eq3A_179 : vector<16xi32>
    %jit3A_181 = arith.constant 0 : i32
    %broadcast_in_dim3A_182 = vector.broadcast %jit3A_181 : i32 to vector<16xi32>
    %select_n3A_183 = arith.select %eq3A_180, %add3A_176, %broadcast_in_dim3A_182 : vector<16xi1>, vector<16xi32>
    %reduce_sum3A_184 = arith.constant true
    %reduce_sum3A_185 = vector.broadcast %reduce_sum3A_184 : i1 to vector<16xi1>
    %reduce_sum3A_186 = tpu.scan <sum>, %select_n3A_183 masked %reduce_sum3A_185 : vector<16xi32>, vector<16xi1> -> vector<16xi32>
    %reduce_sum3A_187 = vector.extract %reduce_sum3A_186[15] : i32 from vector<16xi32>
    %eq3A_188 = arith.constant 8 : i32
    %eq3A_189 = vector.broadcast %eq3A_188 : i32 to vector<16xi32>
    %eq3A_190 = arith.cmpi eq, %iota3A, %eq3A_189 : vector<16xi32>
    %broadcast_in_dim3A_191 = vector.broadcast %reduce_sum3A_187 : i32 to vector<16xi32>
    %select_n3A_192 = arith.select %eq3A_190, %broadcast_in_dim3A_191, %select_n3A_170 : vector<16xi1>, vector<16xi32>
    %jit3A_193 = arith.constant 1 : i32
    %jit3A_194 = arith.constant 0 : i32
    %broadcast_in_dim3A_195 = vector.broadcast %jit3A_193 : i32 to vector<16xi32>
    %broadcast_in_dim3A_196 = vector.broadcast %jit3A_194 : i32 to vector<16xi32>
    %select_n3A_197 = arith.select %eq3A_180, %broadcast_in_dim3A_195, %broadcast_in_dim3A_196 : vector<16xi1>, vector<16xi32>
    %add3A_198 = arith.addi %add3A_176, %select_n3A_197 : vector<16xi32>
    %slice3A_199 = vector.extract_strided_slice %get3A_4 {offsets = [9], sizes = [1], strides = [1]} : vector<16xi32> to vector<1xi32>
    %squeeze3A_200 = vector.extract %slice3A_199[0] : i32 from vector<1xi32>
    %eq3A_201 = vector.broadcast %squeeze3A_200 : i32 to vector<16xi32>
    %eq3A_202 = arith.cmpi eq, %iota3A, %eq3A_201 : vector<16xi32>
    %jit3A_203 = arith.constant 0 : i32
    %broadcast_in_dim3A_204 = vector.broadcast %jit3A_203 : i32 to vector<16xi32>
    %select_n3A_205 = arith.select %eq3A_202, %add3A_198, %broadcast_in_dim3A_204 : vector<16xi1>, vector<16xi32>
    %reduce_sum3A_206 = arith.constant true
    %reduce_sum3A_207 = vector.broadcast %reduce_sum3A_206 : i1 to vector<16xi1>
    %reduce_sum3A_208 = tpu.scan <sum>, %select_n3A_205 masked %reduce_sum3A_207 : vector<16xi32>, vector<16xi1> -> vector<16xi32>
    %reduce_sum3A_209 = vector.extract %reduce_sum3A_208[15] : i32 from vector<16xi32>
    %eq3A_210 = arith.constant 9 : i32
    %eq3A_211 = vector.broadcast %eq3A_210 : i32 to vector<16xi32>
    %eq3A_212 = arith.cmpi eq, %iota3A, %eq3A_211 : vector<16xi32>
    %broadcast_in_dim3A_213 = vector.broadcast %reduce_sum3A_209 : i32 to vector<16xi32>
    %select_n3A_214 = arith.select %eq3A_212, %broadcast_in_dim3A_213, %select_n3A_192 : vector<16xi1>, vector<16xi32>
    %jit3A_215 = arith.constant 1 : i32
    %jit3A_216 = arith.constant 0 : i32
    %broadcast_in_dim3A_217 = vector.broadcast %jit3A_215 : i32 to vector<16xi32>
    %broadcast_in_dim3A_218 = vector.broadcast %jit3A_216 : i32 to vector<16xi32>
    %select_n3A_219 = arith.select %eq3A_202, %broadcast_in_dim3A_217, %broadcast_in_dim3A_218 : vector<16xi1>, vector<16xi32>
    %add3A_220 = arith.addi %add3A_198, %select_n3A_219 : vector<16xi32>
    %slice3A_221 = vector.extract_strided_slice %get3A_4 {offsets = [10], sizes = [1], strides = [1]} : vector<16xi32> to vector<1xi32>
    %squeeze3A_222 = vector.extract %slice3A_221[0] : i32 from vector<1xi32>
    %eq3A_223 = vector.broadcast %squeeze3A_222 : i32 to vector<16xi32>
    %eq3A_224 = arith.cmpi eq, %iota3A, %eq3A_223 : vector<16xi32>
    %jit3A_225 = arith.constant 0 : i32
    %broadcast_in_dim3A_226 = vector.broadcast %jit3A_225 : i32 to vector<16xi32>
    %select_n3A_227 = arith.select %eq3A_224, %add3A_220, %broadcast_in_dim3A_226 : vector<16xi1>, vector<16xi32>
    %reduce_sum3A_228 = arith.constant true
    %reduce_sum3A_229 = vector.broadcast %reduce_sum3A_228 : i1 to vector<16xi1>
    %reduce_sum3A_230 = tpu.scan <sum>, %select_n3A_227 masked %reduce_sum3A_229 : vector<16xi32>, vector<16xi1> -> vector<16xi32>
    %reduce_sum3A_231 = vector.extract %reduce_sum3A_230[15] : i32 from vector<16xi32>
    %eq3A_232 = arith.constant 10 : i32
    %eq3A_233 = vector.broadcast %eq3A_232 : i32 to vector<16xi32>
    %eq3A_234 = arith.cmpi eq, %iota3A, %eq3A_233 : vector<16xi32>
    %broadcast_in_dim3A_235 = vector.broadcast %reduce_sum3A_231 : i32 to vector<16xi32>
    %select_n3A_236 = arith.select %eq3A_234, %broadcast_in_dim3A_235, %select_n3A_214 : vector<16xi1>, vector<16xi32>
    %jit3A_237 = arith.constant 1 : i32
    %jit3A_238 = arith.constant 0 : i32
    %broadcast_in_dim3A_239 = vector.broadcast %jit3A_237 : i32 to vector<16xi32>
    %broadcast_in_dim3A_240 = vector.broadcast %jit3A_238 : i32 to vector<16xi32>
    %select_n3A_241 = arith.select %eq3A_224, %broadcast_in_dim3A_239, %broadcast_in_dim3A_240 : vector<16xi1>, vector<16xi32>
    %add3A_242 = arith.addi %add3A_220, %select_n3A_241 : vector<16xi32>
    %slice3A_243 = vector.extract_strided_slice %get3A_4 {offsets = [11], sizes = [1], strides = [1]} : vector<16xi32> to vector<1xi32>
    %squeeze3A_244 = vector.extract %slice3A_243[0] : i32 from vector<1xi32>
    %eq3A_245 = vector.broadcast %squeeze3A_244 : i32 to vector<16xi32>
    %eq3A_246 = arith.cmpi eq, %iota3A, %eq3A_245 : vector<16xi32>
    %jit3A_247 = arith.constant 0 : i32
    %broadcast_in_dim3A_248 = vector.broadcast %jit3A_247 : i32 to vector<16xi32>
    %select_n3A_249 = arith.select %eq3A_246, %add3A_242, %broadcast_in_dim3A_248 : vector<16xi1>, vector<16xi32>
    %reduce_sum3A_250 = arith.constant true
    %reduce_sum3A_251 = vector.broadcast %reduce_sum3A_250 : i1 to vector<16xi1>
    %reduce_sum3A_252 = tpu.scan <sum>, %select_n3A_249 masked %reduce_sum3A_251 : vector<16xi32>, vector<16xi1> -> vector<16xi32>
    %reduce_sum3A_253 = vector.extract %reduce_sum3A_252[15] : i32 from vector<16xi32>
    %eq3A_254 = arith.constant 11 : i32
    %eq3A_255 = vector.broadcast %eq3A_254 : i32 to vector<16xi32>
    %eq3A_256 = arith.cmpi eq, %iota3A, %eq3A_255 : vector<16xi32>
    %broadcast_in_dim3A_257 = vector.broadcast %reduce_sum3A_253 : i32 to vector<16xi32>
    %select_n3A_258 = arith.select %eq3A_256, %broadcast_in_dim3A_257, %select_n3A_236 : vector<16xi1>, vector<16xi32>
    %jit3A_259 = arith.constant 1 : i32
    %jit3A_260 = arith.constant 0 : i32
    %broadcast_in_dim3A_261 = vector.broadcast %jit3A_259 : i32 to vector<16xi32>
    %broadcast_in_dim3A_262 = vector.broadcast %jit3A_260 : i32 to vector<16xi32>
    %select_n3A_263 = arith.select %eq3A_246, %broadcast_in_dim3A_261, %broadcast_in_dim3A_262 : vector<16xi1>, vector<16xi32>
    %add3A_264 = arith.addi %add3A_242, %select_n3A_263 : vector<16xi32>
    %slice3A_265 = vector.extract_strided_slice %get3A_4 {offsets = [12], sizes = [1], strides = [1]} : vector<16xi32> to vector<1xi32>
    %squeeze3A_266 = vector.extract %slice3A_265[0] : i32 from vector<1xi32>
    %eq3A_267 = vector.broadcast %squeeze3A_266 : i32 to vector<16xi32>
    %eq3A_268 = arith.cmpi eq, %iota3A, %eq3A_267 : vector<16xi32>
    %jit3A_269 = arith.constant 0 : i32
    %broadcast_in_dim3A_270 = vector.broadcast %jit3A_269 : i32 to vector<16xi32>
    %select_n3A_271 = arith.select %eq3A_268, %add3A_264, %broadcast_in_dim3A_270 : vector<16xi1>, vector<16xi32>
    %reduce_sum3A_272 = arith.constant true
    %reduce_sum3A_273 = vector.broadcast %reduce_sum3A_272 : i1 to vector<16xi1>
    %reduce_sum3A_274 = tpu.scan <sum>, %select_n3A_271 masked %reduce_sum3A_273 : vector<16xi32>, vector<16xi1> -> vector<16xi32>
    %reduce_sum3A_275 = vector.extract %reduce_sum3A_274[15] : i32 from vector<16xi32>
    %eq3A_276 = arith.constant 12 : i32
    %eq3A_277 = vector.broadcast %eq3A_276 : i32 to vector<16xi32>
    %eq3A_278 = arith.cmpi eq, %iota3A, %eq3A_277 : vector<16xi32>
    %broadcast_in_dim3A_279 = vector.broadcast %reduce_sum3A_275 : i32 to vector<16xi32>
    %select_n3A_280 = arith.select %eq3A_278, %broadcast_in_dim3A_279, %select_n3A_258 : vector<16xi1>, vector<16xi32>
    %jit3A_281 = arith.constant 1 : i32
    %jit3A_282 = arith.constant 0 : i32
    %broadcast_in_dim3A_283 = vector.broadcast %jit3A_281 : i32 to vector<16xi32>
    %broadcast_in_dim3A_284 = vector.broadcast %jit3A_282 : i32 to vector<16xi32>
    %select_n3A_285 = arith.select %eq3A_268, %broadcast_in_dim3A_283, %broadcast_in_dim3A_284 : vector<16xi1>, vector<16xi32>
    %add3A_286 = arith.addi %add3A_264, %select_n3A_285 : vector<16xi32>
    %slice3A_287 = vector.extract_strided_slice %get3A_4 {offsets = [13], sizes = [1], strides = [1]} : vector<16xi32> to vector<1xi32>
    %squeeze3A_288 = vector.extract %slice3A_287[0] : i32 from vector<1xi32>
    %eq3A_289 = vector.broadcast %squeeze3A_288 : i32 to vector<16xi32>
    %eq3A_290 = arith.cmpi eq, %iota3A, %eq3A_289 : vector<16xi32>
    %jit3A_291 = arith.constant 0 : i32
    %broadcast_in_dim3A_292 = vector.broadcast %jit3A_291 : i32 to vector<16xi32>
    %select_n3A_293 = arith.select %eq3A_290, %add3A_286, %broadcast_in_dim3A_292 : vector<16xi1>, vector<16xi32>
    %reduce_sum3A_294 = arith.constant true
    %reduce_sum3A_295 = vector.broadcast %reduce_sum3A_294 : i1 to vector<16xi1>
    %reduce_sum3A_296 = tpu.scan <sum>, %select_n3A_293 masked %reduce_sum3A_295 : vector<16xi32>, vector<16xi1> -> vector<16xi32>
    %reduce_sum3A_297 = vector.extract %reduce_sum3A_296[15] : i32 from vector<16xi32>
    %eq3A_298 = arith.constant 13 : i32
    %eq3A_299 = vector.broadcast %eq3A_298 : i32 to vector<16xi32>
    %eq3A_300 = arith.cmpi eq, %iota3A, %eq3A_299 : vector<16xi32>
    %broadcast_in_dim3A_301 = vector.broadcast %reduce_sum3A_297 : i32 to vector<16xi32>
    %select_n3A_302 = arith.select %eq3A_300, %broadcast_in_dim3A_301, %select_n3A_280 : vector<16xi1>, vector<16xi32>
    %jit3A_303 = arith.constant 1 : i32
    %jit3A_304 = arith.constant 0 : i32
    %broadcast_in_dim3A_305 = vector.broadcast %jit3A_303 : i32 to vector<16xi32>
    %broadcast_in_dim3A_306 = vector.broadcast %jit3A_304 : i32 to vector<16xi32>
    %select_n3A_307 = arith.select %eq3A_290, %broadcast_in_dim3A_305, %broadcast_in_dim3A_306 : vector<16xi1>, vector<16xi32>
    %add3A_308 = arith.addi %add3A_286, %select_n3A_307 : vector<16xi32>
    %slice3A_309 = vector.extract_strided_slice %get3A_4 {offsets = [14], sizes = [1], strides = [1]} : vector<16xi32> to vector<1xi32>
    %squeeze3A_310 = vector.extract %slice3A_309[0] : i32 from vector<1xi32>
    %eq3A_311 = vector.broadcast %squeeze3A_310 : i32 to vector<16xi32>
    %eq3A_312 = arith.cmpi eq, %iota3A, %eq3A_311 : vector<16xi32>
    %jit3A_313 = arith.constant 0 : i32
    %broadcast_in_dim3A_314 = vector.broadcast %jit3A_313 : i32 to vector<16xi32>
    %select_n3A_315 = arith.select %eq3A_312, %add3A_308, %broadcast_in_dim3A_314 : vector<16xi1>, vector<16xi32>
    %reduce_sum3A_316 = arith.constant true
    %reduce_sum3A_317 = vector.broadcast %reduce_sum3A_316 : i1 to vector<16xi1>
    %reduce_sum3A_318 = tpu.scan <sum>, %select_n3A_315 masked %reduce_sum3A_317 : vector<16xi32>, vector<16xi1> -> vector<16xi32>
    %reduce_sum3A_319 = vector.extract %reduce_sum3A_318[15] : i32 from vector<16xi32>
    %eq3A_320 = arith.constant 14 : i32
    %eq3A_321 = vector.broadcast %eq3A_320 : i32 to vector<16xi32>
    %eq3A_322 = arith.cmpi eq, %iota3A, %eq3A_321 : vector<16xi32>
    %broadcast_in_dim3A_323 = vector.broadcast %reduce_sum3A_319 : i32 to vector<16xi32>
    %select_n3A_324 = arith.select %eq3A_322, %broadcast_in_dim3A_323, %select_n3A_302 : vector<16xi1>, vector<16xi32>
    %jit3A_325 = arith.constant 1 : i32
    %jit3A_326 = arith.constant 0 : i32
    %broadcast_in_dim3A_327 = vector.broadcast %jit3A_325 : i32 to vector<16xi32>
    %broadcast_in_dim3A_328 = vector.broadcast %jit3A_326 : i32 to vector<16xi32>
    %select_n3A_329 = arith.select %eq3A_312, %broadcast_in_dim3A_327, %broadcast_in_dim3A_328 : vector<16xi1>, vector<16xi32>
    %add3A_330 = arith.addi %add3A_308, %select_n3A_329 : vector<16xi32>
    %slice3A_331 = vector.extract_strided_slice %get3A_4 {offsets = [15], sizes = [1], strides = [1]} : vector<16xi32> to vector<1xi32>
    %squeeze3A_332 = vector.extract %slice3A_331[0] : i32 from vector<1xi32>
    %eq3A_333 = vector.broadcast %squeeze3A_332 : i32 to vector<16xi32>
    %eq3A_334 = arith.cmpi eq, %iota3A, %eq3A_333 : vector<16xi32>
    %jit3A_335 = arith.constant 0 : i32
    %broadcast_in_dim3A_336 = vector.broadcast %jit3A_335 : i32 to vector<16xi32>
    %select_n3A_337 = arith.select %eq3A_334, %add3A_330, %broadcast_in_dim3A_336 : vector<16xi1>, vector<16xi32>
    %reduce_sum3A_338 = arith.constant true
    %reduce_sum3A_339 = vector.broadcast %reduce_sum3A_338 : i1 to vector<16xi1>
    %reduce_sum3A_340 = tpu.scan <sum>, %select_n3A_337 masked %reduce_sum3A_339 : vector<16xi32>, vector<16xi1> -> vector<16xi32>
    %reduce_sum3A_341 = vector.extract %reduce_sum3A_340[15] : i32 from vector<16xi32>
    %eq3A_342 = arith.constant 15 : i32
    %eq3A_343 = vector.broadcast %eq3A_342 : i32 to vector<16xi32>
    %eq3A_344 = arith.cmpi eq, %iota3A, %eq3A_343 : vector<16xi32>
    %broadcast_in_dim3A_345 = vector.broadcast %reduce_sum3A_341 : i32 to vector<16xi32>
    %select_n3A_346 = arith.select %eq3A_344, %broadcast_in_dim3A_345, %select_n3A_324 : vector<16xi1>, vector<16xi32>
    %jit3A_347 = arith.constant 1 : i32
    %jit3A_348 = arith.constant 0 : i32
    %broadcast_in_dim3A_349 = vector.broadcast %jit3A_347 : i32 to vector<16xi32>
    %broadcast_in_dim3A_350 = vector.broadcast %jit3A_348 : i32 to vector<16xi32>
    %select_n3A_351 = arith.select %eq3A_334, %broadcast_in_dim3A_349, %broadcast_in_dim3A_350 : vector<16xi1>, vector<16xi32>
    %add3A_352 = arith.addi %add3A_330, %select_n3A_351 : vector<16xi32>
    %swap3A = arith.constant 0 : index
    %swap3A_353 = tpu.vector_load %arg6[%swap3A] {strides = array<i32>} : memref<64xi32, #tpu.memory_space<vmem>>, vector<16xi32>,
    tpu.vector_store %arg6[%swap3A], %select_n3A_346 {strides = array<i32>} : memref<64xi32, #tpu.memory_space<vmem>>, vector<16xi32>,
    %get3A_354 = arith.constant 16 : index
    %get3A_355 = tpu.vector_load %arg5[%get3A_354] {strides = array<i32>} : memref<64xi32, #tpu.memory_space<vmem>>, vector<16xi32>,
    %broadcast_in_dim3A_356 = arith.constant 0 : i32
    %broadcast_in_dim3A_357 = vector.broadcast %broadcast_in_dim3A_356 : i32 to vector<16xi32>
    %slice3A_358 = vector.extract_strided_slice %get3A_355 {offsets = [0], sizes = [1], strides = [1]} : vector<16xi32> to vector<1xi32>
    %squeeze3A_359 = vector.extract %slice3A_358[0] : i32 from vector<1xi32>
    %eq3A_360 = vector.broadcast %squeeze3A_359 : i32 to vector<16xi32>
    %eq3A_361 = arith.cmpi eq, %iota3A, %eq3A_360 : vector<16xi32>
    %jit3A_362 = arith.constant 0 : i32
    %broadcast_in_dim3A_363 = vector.broadcast %jit3A_362 : i32 to vector<16xi32>
    %select_n3A_364 = arith.select %eq3A_361, %add3A_352, %broadcast_in_dim3A_363 : vector<16xi1>, vector<16xi32>
    %reduce_sum3A_365 = arith.constant true
    %reduce_sum3A_366 = vector.broadcast %reduce_sum3A_365 : i1 to vector<16xi1>
    %reduce_sum3A_367 = tpu.scan <sum>, %select_n3A_364 masked %reduce_sum3A_366 : vector<16xi32>, vector<16xi1> -> vector<16xi32>
    %reduce_sum3A_368 = vector.extract %reduce_sum3A_367[15] : i32 from vector<16xi32>
    %eq3A_369 = arith.constant 0 : i32
    %eq3A_370 = vector.broadcast %eq3A_369 : i32 to vector<16xi32>
    %eq3A_371 = arith.cmpi eq, %iota3A, %eq3A_370 : vector<16xi32>
    %broadcast_in_dim3A_372 = vector.broadcast %reduce_sum3A_368 : i32 to vector<16xi32>
    %select_n3A_373 = arith.select %eq3A_371, %broadcast_in_dim3A_372, %broadcast_in_dim3A_357 : vector<16xi1>, vector<16xi32>
    %jit3A_374 = arith.constant 1 : i32
    %jit3A_375 = arith.constant 0 : i32
    %broadcast_in_dim3A_376 = vector.broadcast %jit3A_374 : i32 to vector<16xi32>
    %broadcast_in_dim3A_377 = vector.broadcast %jit3A_375 : i32 to vector<16xi32>
    %select_n3A_378 = arith.select %eq3A_361, %broadcast_in_dim3A_376, %broadcast_in_dim3A_377 : vector<16xi1>, vector<16xi32>
    %add3A_379 = arith.addi %add3A_352, %select_n3A_378 : vector<16xi32>
    %slice3A_380 = vector.extract_strided_slice %get3A_355 {offsets = [1], sizes = [1], strides = [1]} : vector<16xi32> to vector<1xi32>
    %squeeze3A_381 = vector.extract %slice3A_380[0] : i32 from vector<1xi32>
    %eq3A_382 = vector.broadcast %squeeze3A_381 : i32 to vector<16xi32>
    %eq3A_383 = arith.cmpi eq, %iota3A, %eq3A_382 : vector<16xi32>
    %jit3A_384 = arith.constant 0 : i32
    %broadcast_in_dim3A_385 = vector.broadcast %jit3A_384 : i32 to vector<16xi32>
    %select_n3A_386 = arith.select %eq3A_383, %add3A_379, %broadcast_in_dim3A_385 : vector<16xi1>, vector<16xi32>
    %reduce_sum3A_387 = arith.constant true
    %reduce_sum3A_388 = vector.broadcast %reduce_sum3A_387 : i1 to vector<16xi1>
    %reduce_sum3A_389 = tpu.scan <sum>, %select_n3A_386 masked %reduce_sum3A_388 : vector<16xi32>, vector<16xi1> -> vector<16xi32>
    %reduce_sum3A_390 = vector.extract %reduce_sum3A_389[15] : i32 from vector<16xi32>
    %eq3A_391 = arith.constant 1 : i32
    %eq3A_392 = vector.broadcast %eq3A_391 : i32 to vector<16xi32>
    %eq3A_393 = arith.cmpi eq, %iota3A, %eq3A_392 : vector<16xi32>
    %broadcast_in_dim3A_394 = vector.broadcast %reduce_sum3A_390 : i32 to vector<16xi32>
    %select_n3A_395 = arith.select %eq3A_393, %broadcast_in_dim3A_394, %select_n3A_373 : vector<16xi1>, vector<16xi32>
    %jit3A_396 = arith.constant 1 : i32
    %jit3A_397 = arith.constant 0 : i32
    %broadcast_in_dim3A_398 = vector.broadcast %jit3A_396 : i32 to vector<16xi32>
    %broadcast_in_dim3A_399 = vector.broadcast %jit3A_397 : i32 to vector<16xi32>
    %select_n3A_400 = arith.select %eq3A_383, %broadcast_in_dim3A_398, %broadcast_in_dim3A_399 : vector<16xi1>, vector<16xi32>
    %add3A_401 = arith.addi %add3A_379, %select_n3A_400 : vector<16xi32>
    %slice3A_402 = vector.extract_strided_slice %get3A_355 {offsets = [2], sizes = [1], strides = [1]} : vector<16xi32> to vector<1xi32>
    %squeeze3A_403 = vector.extract %slice3A_402[0] : i32 from vector<1xi32>
    %eq3A_404 = vector.broadcast %squeeze3A_403 : i32 to vector<16xi32>
    %eq3A_405 = arith.cmpi eq, %iota3A, %eq3A_404 : vector<16xi32>
    %jit3A_406 = arith.constant 0 : i32
    %broadcast_in_dim3A_407 = vector.broadcast %jit3A_406 : i32 to vector<16xi32>
    %select_n3A_408 = arith.select %eq3A_405, %add3A_401, %broadcast_in_dim3A_407 : vector<16xi1>, vector<16xi32>
    %reduce_sum3A_409 = arith.constant true
    %reduce_sum3A_410 = vector.broadcast %reduce_sum3A_409 : i1 to vector<16xi1>
    %reduce_sum3A_411 = tpu.scan <sum>, %select_n3A_408 masked %reduce_sum3A_410 : vector<16xi32>, vector<16xi1> -> vector<16xi32>
    %reduce_sum3A_412 = vector.extract %reduce_sum3A_411[15] : i32 from vector<16xi32>
    %eq3A_413 = arith.constant 2 : i32
    %eq3A_414 = vector.broadcast %eq3A_413 : i32 to vector<16xi32>
    %eq3A_415 = arith.cmpi eq, %iota3A, %eq3A_414 : vector<16xi32>
    %broadcast_in_dim3A_416 = vector.broadcast %reduce_sum3A_412 : i32 to vector<16xi32>
    %select_n3A_417 = arith.select %eq3A_415, %broadcast_in_dim3A_416, %select_n3A_395 : vector<16xi1>, vector<16xi32>
    %jit3A_418 = arith.constant 1 : i32
    %jit3A_419 = arith.constant 0 : i32
    %broadcast_in_dim3A_420 = vector.broadcast %jit3A_418 : i32 to vector<16xi32>
    %broadcast_in_dim3A_421 = vector.broadcast %jit3A_419 : i32 to vector<16xi32>
    %select_n3A_422 = arith.select %eq3A_405, %broadcast_in_dim3A_420, %broadcast_in_dim3A_421 : vector<16xi1>, vector<16xi32>
    %add3A_423 = arith.addi %add3A_401, %select_n3A_422 : vector<16xi32>
    %slice3A_424 = vector.extract_strided_slice %get3A_355 {offsets = [3], sizes = [1], strides = [1]} : vector<16xi32> to vector<1xi32>
    %squeeze3A_425 = vector.extract %slice3A_424[0] : i32 from vector<1xi32>
    %eq3A_426 = vector.broadcast %squeeze3A_425 : i32 to vector<16xi32>
    %eq3A_427 = arith.cmpi eq, %iota3A, %eq3A_426 : vector<16xi32>
    %jit3A_428 = arith.constant 0 : i32
    %broadcast_in_dim3A_429 = vector.broadcast %jit3A_428 : i32 to vector<16xi32>
    %select_n3A_430 = arith.select %eq3A_427, %add3A_423, %broadcast_in_dim3A_429 : vector<16xi1>, vector<16xi32>
    %reduce_sum3A_431 = arith.constant true
    %reduce_sum3A_432 = vector.broadcast %reduce_sum3A_431 : i1 to vector<16xi1>
    %reduce_sum3A_433 = tpu.scan <sum>, %select_n3A_430 masked %reduce_sum3A_432 : vector<16xi32>, vector<16xi1> -> vector<16xi32>
    %reduce_sum3A_434 = vector.extract %reduce_sum3A_433[15] : i32 from vector<16xi32>
    %eq3A_435 = arith.constant 3 : i32
    %eq3A_436 = vector.broadcast %eq3A_435 : i32 to vector<16xi32>
    %eq3A_437 = arith.cmpi eq, %iota3A, %eq3A_436 : vector<16xi32>
    %broadcast_in_dim3A_438 = vector.broadcast %reduce_sum3A_434 : i32 to vector<16xi32>
    %select_n3A_439 = arith.select %eq3A_437, %broadcast_in_dim3A_438, %select_n3A_417 : vector<16xi1>, vector<16xi32>
    %jit3A_440 = arith.constant 1 : i32
    %jit3A_441 = arith.constant 0 : i32
    %broadcast_in_dim3A_442 = vector.broadcast %jit3A_440 : i32 to vector<16xi32>
    %broadcast_in_dim3A_443 = vector.broadcast %jit3A_441 : i32 to vector<16xi32>
    %select_n3A_444 = arith.select %eq3A_427, %broadcast_in_dim3A_442, %broadcast_in_dim3A_443 : vector<16xi1>, vector<16xi32>
    %add3A_445 = arith.addi %add3A_423, %select_n3A_444 : vector<16xi32>
    %slice3A_446 = vector.extract_strided_slice %get3A_355 {offsets = [4], sizes = [1], strides = [1]} : vector<16xi32> to vector<1xi32>
    %squeeze3A_447 = vector.extract %slice3A_446[0] : i32 from vector<1xi32>
    %eq3A_448 = vector.broadcast %squeeze3A_447 : i32 to vector<16xi32>
    %eq3A_449 = arith.cmpi eq, %iota3A, %eq3A_448 : vector<16xi32>
    %jit3A_450 = arith.constant 0 : i32
    %broadcast_in_dim3A_451 = vector.broadcast %jit3A_450 : i32 to vector<16xi32>
    %select_n3A_452 = arith.select %eq3A_449, %add3A_445, %broadcast_in_dim3A_451 : vector<16xi1>, vector<16xi32>
    %reduce_sum3A_453 = arith.constant true
    %reduce_sum3A_454 = vector.broadcast %reduce_sum3A_453 : i1 to vector<16xi1>
    %reduce_sum3A_455 = tpu.scan <sum>, %select_n3A_452 masked %reduce_sum3A_454 : vector<16xi32>, vector<16xi1> -> vector<16xi32>
    %reduce_sum3A_456 = vector.extract %reduce_sum3A_455[15] : i32 from vector<16xi32>
    %eq3A_457 = arith.constant 4 : i32
    %eq3A_458 = vector.broadcast %eq3A_457 : i32 to vector<16xi32>
    %eq3A_459 = arith.cmpi eq, %iota3A, %eq3A_458 : vector<16xi32>
    %broadcast_in_dim3A_460 = vector.broadcast %reduce_sum3A_456 : i32 to vector<16xi32>
    %select_n3A_461 = arith.select %eq3A_459, %broadcast_in_dim3A_460, %select_n3A_439 : vector<16xi1>, vector<16xi32>
    %jit3A_462 = arith.constant 1 : i32
    %jit3A_463 = arith.constant 0 : i32
    %broadcast_in_dim3A_464 = vector.broadcast %jit3A_462 : i32 to vector<16xi32>
    %broadcast_in_dim3A_465 = vector.broadcast %jit3A_463 : i32 to vector<16xi32>
    %select_n3A_466 = arith.select %eq3A_449, %broadcast_in_dim3A_464, %broadcast_in_dim3A_465 : vector<16xi1>, vector<16xi32>
    %add3A_467 = arith.addi %add3A_445, %select_n3A_466 : vector<16xi32>
    %slice3A_468 = vector.extract_strided_slice %get3A_355 {offsets = [5], sizes = [1], strides = [1]} : vector<16xi32> to vector<1xi32>
    %squeeze3A_469 = vector.extract %slice3A_468[0] : i32 from vector<1xi32>
    %eq3A_470 = vector.broadcast %squeeze3A_469 : i32 to vector<16xi32>
    %eq3A_471 = arith.cmpi eq, %iota3A, %eq3A_470 : vector<16xi32>
    %jit3A_472 = arith.constant 0 : i32
    %broadcast_in_dim3A_473 = vector.broadcast %jit3A_472 : i32 to vector<16xi32>
    %select_n3A_474 = arith.select %eq3A_471, %add3A_467, %broadcast_in_dim3A_473 : vector<16xi1>, vector<16xi32>
    %reduce_sum3A_475 = arith.constant true
    %reduce_sum3A_476 = vector.broadcast %reduce_sum3A_475 : i1 to vector<16xi1>
    %reduce_sum3A_477 = tpu.scan <sum>, %select_n3A_474 masked %reduce_sum3A_476 : vector<16xi32>, vector<16xi1> -> vector<16xi32>
    %reduce_sum3A_478 = vector.extract %reduce_sum3A_477[15] : i32 from vector<16xi32>
    %eq3A_479 = arith.constant 5 : i32
    %eq3A_480 = vector.broadcast %eq3A_479 : i32 to vector<16xi32>
    %eq3A_481 = arith.cmpi eq, %iota3A, %eq3A_480 : vector<16xi32>
    %broadcast_in_dim3A_482 = vector.broadcast %reduce_sum3A_478 : i32 to vector<16xi32>
    %select_n3A_483 = arith.select %eq3A_481, %broadcast_in_dim3A_482, %select_n3A_461 : vector<16xi1>, vector<16xi32>
    %jit3A_484 = arith.constant 1 : i32
    %jit3A_485 = arith.constant 0 : i32
    %broadcast_in_dim3A_486 = vector.broadcast %jit3A_484 : i32 to vector<16xi32>
    %broadcast_in_dim3A_487 = vector.broadcast %jit3A_485 : i32 to vector<16xi32>
    %select_n3A_488 = arith.select %eq3A_471, %broadcast_in_dim3A_486, %broadcast_in_dim3A_487 : vector<16xi1>, vector<16xi32>
    %add3A_489 = arith.addi %add3A_467, %select_n3A_488 : vector<16xi32>
    %slice3A_490 = vector.extract_strided_slice %get3A_355 {offsets = [6], sizes = [1], strides = [1]} : vector<16xi32> to vector<1xi32>
    %squeeze3A_491 = vector.extract %slice3A_490[0] : i32 from vector<1xi32>
    %eq3A_492 = vector.broadcast %squeeze3A_491 : i32 to vector<16xi32>
    %eq3A_493 = arith.cmpi eq, %iota3A, %eq3A_492 : vector<16xi32>
    %jit3A_494 = arith.constant 0 : i32
    %broadcast_in_dim3A_495 = vector.broadcast %jit3A_494 : i32 to vector<16xi32>
    %select_n3A_496 = arith.select %eq3A_493, %add3A_489, %broadcast_in_dim3A_495 : vector<16xi1>, vector<16xi32>
    %reduce_sum3A_497 = arith.constant true
    %reduce_sum3A_498 = vector.broadcast %reduce_sum3A_497 : i1 to vector<16xi1>
    %reduce_sum3A_499 = tpu.scan <sum>, %select_n3A_496 masked %reduce_sum3A_498 : vector<16xi32>, vector<16xi1> -> vector<16xi32>
    %reduce_sum3A_500 = vector.extract %reduce_sum3A_499[15] : i32 from vector<16xi32>
    %eq3A_501 = arith.constant 6 : i32
    %eq3A_502 = vector.broadcast %eq3A_501 : i32 to vector<16xi32>
    %eq3A_503 = arith.cmpi eq, %iota3A, %eq3A_502 : vector<16xi32>
    %broadcast_in_dim3A_504 = vector.broadcast %reduce_sum3A_500 : i32 to vector<16xi32>
    %select_n3A_505 = arith.select %eq3A_503, %broadcast_in_dim3A_504, %select_n3A_483 : vector<16xi1>, vector<16xi32>
    %jit3A_506 = arith.constant 1 : i32
    %jit3A_507 = arith.constant 0 : i32
    %broadcast_in_dim3A_508 = vector.broadcast %jit3A_506 : i32 to vector<16xi32>
    %broadcast_in_dim3A_509 = vector.broadcast %jit3A_507 : i32 to vector<16xi32>
    %select_n3A_510 = arith.select %eq3A_493, %broadcast_in_dim3A_508, %broadcast_in_dim3A_509 : vector<16xi1>, vector<16xi32>
    %add3A_511 = arith.addi %add3A_489, %select_n3A_510 : vector<16xi32>
    %slice3A_512 = vector.extract_strided_slice %get3A_355 {offsets = [7], sizes = [1], strides = [1]} : vector<16xi32> to vector<1xi32>
    %squeeze3A_513 = vector.extract %slice3A_512[0] : i32 from vector<1xi32>
    %eq3A_514 = vector.broadcast %squeeze3A_513 : i32 to vector<16xi32>
    %eq3A_515 = arith.cmpi eq, %iota3A, %eq3A_514 : vector<16xi32>
    %jit3A_516 = arith.constant 0 : i32
    %broadcast_in_dim3A_517 = vector.broadcast %jit3A_516 : i32 to vector<16xi32>
    %select_n3A_518 = arith.select %eq3A_515, %add3A_511, %broadcast_in_dim3A_517 : vector<16xi1>, vector<16xi32>
    %reduce_sum3A_519 = arith.constant true
    %reduce_sum3A_520 = vector.broadcast %reduce_sum3A_519 : i1 to vector<16xi1>
    %reduce_sum3A_521 = tpu.scan <sum>, %select_n3A_518 masked %reduce_sum3A_520 : vector<16xi32>, vector<16xi1> -> vector<16xi32>
    %reduce_sum3A_522 = vector.extract %reduce_sum3A_521[15] : i32 from vector<16xi32>
    %eq3A_523 = arith.constant 7 : i32
    %eq3A_524 = vector.broadcast %eq3A_523 : i32 to vector<16xi32>
    %eq3A_525 = arith.cmpi eq, %iota3A, %eq3A_524 : vector<16xi32>
    %broadcast_in_dim3A_526 = vector.broadcast %reduce_sum3A_522 : i32 to vector<16xi32>
    %select_n3A_527 = arith.select %eq3A_525, %broadcast_in_dim3A_526, %select_n3A_505 : vector<16xi1>, vector<16xi32>
    %jit3A_528 = arith.constant 1 : i32
    %jit3A_529 = arith.constant 0 : i32
    %broadcast_in_dim3A_530 = vector.broadcast %jit3A_528 : i32 to vector<16xi32>
    %broadcast_in_dim3A_531 = vector.broadcast %jit3A_529 : i32 to vector<16xi32>
    %select_n3A_532 = arith.select %eq3A_515, %broadcast_in_dim3A_530, %broadcast_in_dim3A_531 : vector<16xi1>, vector<16xi32>
    %add3A_533 = arith.addi %add3A_511, %select_n3A_532 : vector<16xi32>
    %slice3A_534 = vector.extract_strided_slice %get3A_355 {offsets = [8], sizes = [1], strides = [1]} : vector<16xi32> to vector<1xi32>
    %squeeze3A_535 = vector.extract %slice3A_534[0] : i32 from vector<1xi32>
    %eq3A_536 = vector.broadcast %squeeze3A_535 : i32 to vector<16xi32>
    %eq3A_537 = arith.cmpi eq, %iota3A, %eq3A_536 : vector<16xi32>
    %jit3A_538 = arith.constant 0 : i32
    %broadcast_in_dim3A_539 = vector.broadcast %jit3A_538 : i32 to vector<16xi32>
    %select_n3A_540 = arith.select %eq3A_537, %add3A_533, %broadcast_in_dim3A_539 : vector<16xi1>, vector<16xi32>
    %reduce_sum3A_541 = arith.constant true
    %reduce_sum3A_542 = vector.broadcast %reduce_sum3A_541 : i1 to vector<16xi1>
    %reduce_sum3A_543 = tpu.scan <sum>, %select_n3A_540 masked %reduce_sum3A_542 : vector<16xi32>, vector<16xi1> -> vector<16xi32>
    %reduce_sum3A_544 = vector.extract %reduce_sum3A_543[15] : i32 from vector<16xi32>
    %eq3A_545 = arith.constant 8 : i32
    %eq3A_546 = vector.broadcast %eq3A_545 : i32 to vector<16xi32>
    %eq3A_547 = arith.cmpi eq, %iota3A, %eq3A_546 : vector<16xi32>
    %broadcast_in_dim3A_548 = vector.broadcast %reduce_sum3A_544 : i32 to vector<16xi32>
    %select_n3A_549 = arith.select %eq3A_547, %broadcast_in_dim3A_548, %select_n3A_527 : vector<16xi1>, vector<16xi32>
    %jit3A_550 = arith.constant 1 : i32
    %jit3A_551 = arith.constant 0 : i32
    %broadcast_in_dim3A_552 = vector.broadcast %jit3A_550 : i32 to vector<16xi32>
    %broadcast_in_dim3A_553 = vector.broadcast %jit3A_551 : i32 to vector<16xi32>
    %select_n3A_554 = arith.select %eq3A_537, %broadcast_in_dim3A_552, %broadcast_in_dim3A_553 : vector<16xi1>, vector<16xi32>
    %add3A_555 = arith.addi %add3A_533, %select_n3A_554 : vector<16xi32>
    %slice3A_556 = vector.extract_strided_slice %get3A_355 {offsets = [9], sizes = [1], strides = [1]} : vector<16xi32> to vector<1xi32>
    %squeeze3A_557 = vector.extract %slice3A_556[0] : i32 from vector<1xi32>
    %eq3A_558 = vector.broadcast %squeeze3A_557 : i32 to vector<16xi32>
    %eq3A_559 = arith.cmpi eq, %iota3A, %eq3A_558 : vector<16xi32>
    %jit3A_560 = arith.constant 0 : i32
    %broadcast_in_dim3A_561 = vector.broadcast %jit3A_560 : i32 to vector<16xi32>
    %select_n3A_562 = arith.select %eq3A_559, %add3A_555, %broadcast_in_dim3A_561 : vector<16xi1>, vector<16xi32>
    %reduce_sum3A_563 = arith.constant true
    %reduce_sum3A_564 = vector.broadcast %reduce_sum3A_563 : i1 to vector<16xi1>
    %reduce_sum3A_565 = tpu.scan <sum>, %select_n3A_562 masked %reduce_sum3A_564 : vector<16xi32>, vector<16xi1> -> vector<16xi32>
    %reduce_sum3A_566 = vector.extract %reduce_sum3A_565[15] : i32 from vector<16xi32>
    %eq3A_567 = arith.constant 9 : i32
    %eq3A_568 = vector.broadcast %eq3A_567 : i32 to vector<16xi32>
    %eq3A_569 = arith.cmpi eq, %iota3A, %eq3A_568 : vector<16xi32>
    %broadcast_in_dim3A_570 = vector.broadcast %reduce_sum3A_566 : i32 to vector<16xi32>
    %select_n3A_571 = arith.select %eq3A_569, %broadcast_in_dim3A_570, %select_n3A_549 : vector<16xi1>, vector<16xi32>
    %jit3A_572 = arith.constant 1 : i32
    %jit3A_573 = arith.constant 0 : i32
    %broadcast_in_dim3A_574 = vector.broadcast %jit3A_572 : i32 to vector<16xi32>
    %broadcast_in_dim3A_575 = vector.broadcast %jit3A_573 : i32 to vector<16xi32>
    %select_n3A_576 = arith.select %eq3A_559, %broadcast_in_dim3A_574, %broadcast_in_dim3A_575 : vector<16xi1>, vector<16xi32>
    %add3A_577 = arith.addi %add3A_555, %select_n3A_576 : vector<16xi32>
    %slice3A_578 = vector.extract_strided_slice %get3A_355 {offsets = [10], sizes = [1], strides = [1]} : vector<16xi32> to vector<1xi32>
    %squeeze3A_579 = vector.extract %slice3A_578[0] : i32 from vector<1xi32>
    %eq3A_580 = vector.broadcast %squeeze3A_579 : i32 to vector<16xi32>
    %eq3A_581 = arith.cmpi eq, %iota3A, %eq3A_580 : vector<16xi32>
    %jit3A_582 = arith.constant 0 : i32
    %broadcast_in_dim3A_583 = vector.broadcast %jit3A_582 : i32 to vector<16xi32>
    %select_n3A_584 = arith.select %eq3A_581, %add3A_577, %broadcast_in_dim3A_583 : vector<16xi1>, vector<16xi32>
    %reduce_sum3A_585 = arith.constant true
    %reduce_sum3A_586 = vector.broadcast %reduce_sum3A_585 : i1 to vector<16xi1>
    %reduce_sum3A_587 = tpu.scan <sum>, %select_n3A_584 masked %reduce_sum3A_586 : vector<16xi32>, vector<16xi1> -> vector<16xi32>
    %reduce_sum3A_588 = vector.extract %reduce_sum3A_587[15] : i32 from vector<16xi32>
    %eq3A_589 = arith.constant 10 : i32
    %eq3A_590 = vector.broadcast %eq3A_589 : i32 to vector<16xi32>
    %eq3A_591 = arith.cmpi eq, %iota3A, %eq3A_590 : vector<16xi32>
    %broadcast_in_dim3A_592 = vector.broadcast %reduce_sum3A_588 : i32 to vector<16xi32>
    %select_n3A_593 = arith.select %eq3A_591, %broadcast_in_dim3A_592, %select_n3A_571 : vector<16xi1>, vector<16xi32>
    %jit3A_594 = arith.constant 1 : i32
    %jit3A_595 = arith.constant 0 : i32
    %broadcast_in_dim3A_596 = vector.broadcast %jit3A_594 : i32 to vector<16xi32>
    %broadcast_in_dim3A_597 = vector.broadcast %jit3A_595 : i32 to vector<16xi32>
    %select_n3A_598 = arith.select %eq3A_581, %broadcast_in_dim3A_596, %broadcast_in_dim3A_597 : vector<16xi1>, vector<16xi32>
    %add3A_599 = arith.addi %add3A_577, %select_n3A_598 : vector<16xi32>
    %slice3A_600 = vector.extract_strided_slice %get3A_355 {offsets = [11], sizes = [1], strides = [1]} : vector<16xi32> to vector<1xi32>
    %squeeze3A_601 = vector.extract %slice3A_600[0] : i32 from vector<1xi32>
    %eq3A_602 = vector.broadcast %squeeze3A_601 : i32 to vector<16xi32>
    %eq3A_603 = arith.cmpi eq, %iota3A, %eq3A_602 : vector<16xi32>
    %jit3A_604 = arith.constant 0 : i32
    %broadcast_in_dim3A_605 = vector.broadcast %jit3A_604 : i32 to vector<16xi32>
    %select_n3A_606 = arith.select %eq3A_603, %add3A_599, %broadcast_in_dim3A_605 : vector<16xi1>, vector<16xi32>
    %reduce_sum3A_607 = arith.constant true
    %reduce_sum3A_608 = vector.broadcast %reduce_sum3A_607 : i1 to vector<16xi1>
    %reduce_sum3A_609 = tpu.scan <sum>, %select_n3A_606 masked %reduce_sum3A_608 : vector<16xi32>, vector<16xi1> -> vector<16xi32>
    %reduce_sum3A_610 = vector.extract %reduce_sum3A_609[15] : i32 from vector<16xi32>
    %eq3A_611 = arith.constant 11 : i32
    %eq3A_612 = vector.broadcast %eq3A_611 : i32 to vector<16xi32>
    %eq3A_613 = arith.cmpi eq, %iota3A, %eq3A_612 : vector<16xi32>
    %broadcast_in_dim3A_614 = vector.broadcast %reduce_sum3A_610 : i32 to vector<16xi32>
    %select_n3A_615 = arith.select %eq3A_613, %broadcast_in_dim3A_614, %select_n3A_593 : vector<16xi1>, vector<16xi32>
    %jit3A_616 = arith.constant 1 : i32
    %jit3A_617 = arith.constant 0 : i32
    %broadcast_in_dim3A_618 = vector.broadcast %jit3A_616 : i32 to vector<16xi32>
    %broadcast_in_dim3A_619 = vector.broadcast %jit3A_617 : i32 to vector<16xi32>
    %select_n3A_620 = arith.select %eq3A_603, %broadcast_in_dim3A_618, %broadcast_in_dim3A_619 : vector<16xi1>, vector<16xi32>
    %add3A_621 = arith.addi %add3A_599, %select_n3A_620 : vector<16xi32>
    %slice3A_622 = vector.extract_strided_slice %get3A_355 {offsets = [12], sizes = [1], strides = [1]} : vector<16xi32> to vector<1xi32>
    %squeeze3A_623 = vector.extract %slice3A_622[0] : i32 from vector<1xi32>
    %eq3A_624 = vector.broadcast %squeeze3A_623 : i32 to vector<16xi32>
    %eq3A_625 = arith.cmpi eq, %iota3A, %eq3A_624 : vector<16xi32>
    %jit3A_626 = arith.constant 0 : i32
    %broadcast_in_dim3A_627 = vector.broadcast %jit3A_626 : i32 to vector<16xi32>
    %select_n3A_628 = arith.select %eq3A_625, %add3A_621, %broadcast_in_dim3A_627 : vector<16xi1>, vector<16xi32>
    %reduce_sum3A_629 = arith.constant true
    %reduce_sum3A_630 = vector.broadcast %reduce_sum3A_629 : i1 to vector<16xi1>
    %reduce_sum3A_631 = tpu.scan <sum>, %select_n3A_628 masked %reduce_sum3A_630 : vector<16xi32>, vector<16xi1> -> vector<16xi32>
    %reduce_sum3A_632 = vector.extract %reduce_sum3A_631[15] : i32 from vector<16xi32>
    %eq3A_633 = arith.constant 12 : i32
    %eq3A_634 = vector.broadcast %eq3A_633 : i32 to vector<16xi32>
    %eq3A_635 = arith.cmpi eq, %iota3A, %eq3A_634 : vector<16xi32>
    %broadcast_in_dim3A_636 = vector.broadcast %reduce_sum3A_632 : i32 to vector<16xi32>
    %select_n3A_637 = arith.select %eq3A_635, %broadcast_in_dim3A_636, %select_n3A_615 : vector<16xi1>, vector<16xi32>
    %jit3A_638 = arith.constant 1 : i32
    %jit3A_639 = arith.constant 0 : i32
    %broadcast_in_dim3A_640 = vector.broadcast %jit3A_638 : i32 to vector<16xi32>
    %broadcast_in_dim3A_641 = vector.broadcast %jit3A_639 : i32 to vector<16xi32>
    %select_n3A_642 = arith.select %eq3A_625, %broadcast_in_dim3A_640, %broadcast_in_dim3A_641 : vector<16xi1>, vector<16xi32>
    %add3A_643 = arith.addi %add3A_621, %select_n3A_642 : vector<16xi32>
    %slice3A_644 = vector.extract_strided_slice %get3A_355 {offsets = [13], sizes = [1], strides = [1]} : vector<16xi32> to vector<1xi32>
    %squeeze3A_645 = vector.extract %slice3A_644[0] : i32 from vector<1xi32>
    %eq3A_646 = vector.broadcast %squeeze3A_645 : i32 to vector<16xi32>
    %eq3A_647 = arith.cmpi eq, %iota3A, %eq3A_646 : vector<16xi32>
    %jit3A_648 = arith.constant 0 : i32
    %broadcast_in_dim3A_649 = vector.broadcast %jit3A_648 : i32 to vector<16xi32>
    %select_n3A_650 = arith.select %eq3A_647, %add3A_643, %broadcast_in_dim3A_649 : vector<16xi1>, vector<16xi32>
    %reduce_sum3A_651 = arith.constant true
    %reduce_sum3A_652 = vector.broadcast %reduce_sum3A_651 : i1 to vector<16xi1>
    %reduce_sum3A_653 = tpu.scan <sum>, %select_n3A_650 masked %reduce_sum3A_652 : vector<16xi32>, vector<16xi1> -> vector<16xi32>
    %reduce_sum3A_654 = vector.extract %reduce_sum3A_653[15] : i32 from vector<16xi32>
    %eq3A_655 = arith.constant 13 : i32
    %eq3A_656 = vector.broadcast %eq3A_655 : i32 to vector<16xi32>
    %eq3A_657 = arith.cmpi eq, %iota3A, %eq3A_656 : vector<16xi32>
    %broadcast_in_dim3A_658 = vector.broadcast %reduce_sum3A_654 : i32 to vector<16xi32>
    %select_n3A_659 = arith.select %eq3A_657, %broadcast_in_dim3A_658, %select_n3A_637 : vector<16xi1>, vector<16xi32>
    %jit3A_660 = arith.constant 1 : i32
    %jit3A_661 = arith.constant 0 : i32
    %broadcast_in_dim3A_662 = vector.broadcast %jit3A_660 : i32 to vector<16xi32>
    %broadcast_in_dim3A_663 = vector.broadcast %jit3A_661 : i32 to vector<16xi32>
    %select_n3A_664 = arith.select %eq3A_647, %broadcast_in_dim3A_662, %broadcast_in_dim3A_663 : vector<16xi1>, vector<16xi32>
    %add3A_665 = arith.addi %add3A_643, %select_n3A_664 : vector<16xi32>
    %slice3A_666 = vector.extract_strided_slice %get3A_355 {offsets = [14], sizes = [1], strides = [1]} : vector<16xi32> to vector<1xi32>
    %squeeze3A_667 = vector.extract %slice3A_666[0] : i32 from vector<1xi32>
    %eq3A_668 = vector.broadcast %squeeze3A_667 : i32 to vector<16xi32>
    %eq3A_669 = arith.cmpi eq, %iota3A, %eq3A_668 : vector<16xi32>
    %jit3A_670 = arith.constant 0 : i32
    %broadcast_in_dim3A_671 = vector.broadcast %jit3A_670 : i32 to vector<16xi32>
    %select_n3A_672 = arith.select %eq3A_669, %add3A_665, %broadcast_in_dim3A_671 : vector<16xi1>, vector<16xi32>
    %reduce_sum3A_673 = arith.constant true
    %reduce_sum3A_674 = vector.broadcast %reduce_sum3A_673 : i1 to vector<16xi1>
    %reduce_sum3A_675 = tpu.scan <sum>, %select_n3A_672 masked %reduce_sum3A_674 : vector<16xi32>, vector<16xi1> -> vector<16xi32>
    %reduce_sum3A_676 = vector.extract %reduce_sum3A_675[15] : i32 from vector<16xi32>
    %eq3A_677 = arith.constant 14 : i32
    %eq3A_678 = vector.broadcast %eq3A_677 : i32 to vector<16xi32>
    %eq3A_679 = arith.cmpi eq, %iota3A, %eq3A_678 : vector<16xi32>
    %broadcast_in_dim3A_680 = vector.broadcast %reduce_sum3A_676 : i32 to vector<16xi32>
    %select_n3A_681 = arith.select %eq3A_679, %broadcast_in_dim3A_680, %select_n3A_659 : vector<16xi1>, vector<16xi32>
    %jit3A_682 = arith.constant 1 : i32
    %jit3A_683 = arith.constant 0 : i32
    %broadcast_in_dim3A_684 = vector.broadcast %jit3A_682 : i32 to vector<16xi32>
    %broadcast_in_dim3A_685 = vector.broadcast %jit3A_683 : i32 to vector<16xi32>
    %select_n3A_686 = arith.select %eq3A_669, %broadcast_in_dim3A_684, %broadcast_in_dim3A_685 : vector<16xi1>, vector<16xi32>
    %add3A_687 = arith.addi %add3A_665, %select_n3A_686 : vector<16xi32>
    %slice3A_688 = vector.extract_strided_slice %get3A_355 {offsets = [15], sizes = [1], strides = [1]} : vector<16xi32> to vector<1xi32>
    %squeeze3A_689 = vector.extract %slice3A_688[0] : i32 from vector<1xi32>
    %eq3A_690 = vector.broadcast %squeeze3A_689 : i32 to vector<16xi32>
    %eq3A_691 = arith.cmpi eq, %iota3A, %eq3A_690 : vector<16xi32>
    %jit3A_692 = arith.constant 0 : i32
    %broadcast_in_dim3A_693 = vector.broadcast %jit3A_692 : i32 to vector<16xi32>
    %select_n3A_694 = arith.select %eq3A_691, %add3A_687, %broadcast_in_dim3A_693 : vector<16xi1>, vector<16xi32>
    %reduce_sum3A_695 = arith.constant true
    %reduce_sum3A_696 = vector.broadcast %reduce_sum3A_695 : i1 to vector<16xi1>
    %reduce_sum3A_697 = tpu.scan <sum>, %select_n3A_694 masked %reduce_sum3A_696 : vector<16xi32>, vector<16xi1> -> vector<16xi32>
    %reduce_sum3A_698 = vector.extract %reduce_sum3A_697[15] : i32 from vector<16xi32>
    %eq3A_699 = arith.constant 15 : i32
    %eq3A_700 = vector.broadcast %eq3A_699 : i32 to vector<16xi32>
    %eq3A_701 = arith.cmpi eq, %iota3A, %eq3A_700 : vector<16xi32>
    %broadcast_in_dim3A_702 = vector.broadcast %reduce_sum3A_698 : i32 to vector<16xi32>
    %select_n3A_703 = arith.select %eq3A_701, %broadcast_in_dim3A_702, %select_n3A_681 : vector<16xi1>, vector<16xi32>
    %jit3A_704 = arith.constant 1 : i32
    %jit3A_705 = arith.constant 0 : i32
    %broadcast_in_dim3A_706 = vector.broadcast %jit3A_704 : i32 to vector<16xi32>
    %broadcast_in_dim3A_707 = vector.broadcast %jit3A_705 : i32 to vector<16xi32>
    %select_n3A_708 = arith.select %eq3A_691, %broadcast_in_dim3A_706, %broadcast_in_dim3A_707 : vector<16xi1>, vector<16xi32>
    %add3A_709 = arith.addi %add3A_687, %select_n3A_708 : vector<16xi32>
    %swap3A_710 = arith.constant 16 : index
    %swap3A_711 = tpu.vector_load %arg6[%swap3A_710] {strides = array<i32>} : memref<64xi32, #tpu.memory_space<vmem>>, vector<16xi32>,
    tpu.vector_store %arg6[%swap3A_710], %select_n3A_703 {strides = array<i32>} : memref<64xi32, #tpu.memory_space<vmem>>, vector<16xi32>,
    %get3A_712 = arith.constant 32 : index
    %get3A_713 = tpu.vector_load %arg5[%get3A_712] {strides = array<i32>} : memref<64xi32, #tpu.memory_space<vmem>>, vector<16xi32>,
    %broadcast_in_dim3A_714 = arith.constant 0 : i32
    %broadcast_in_dim3A_715 = vector.broadcast %broadcast_in_dim3A_714 : i32 to vector<16xi32>
    %slice3A_716 = vector.extract_strided_slice %get3A_713 {offsets = [0], sizes = [1], strides = [1]} : vector<16xi32> to vector<1xi32>
    %squeeze3A_717 = vector.extract %slice3A_716[0] : i32 from vector<1xi32>
    %eq3A_718 = vector.broadcast %squeeze3A_717 : i32 to vector<16xi32>
    %eq3A_719 = arith.cmpi eq, %iota3A, %eq3A_718 : vector<16xi32>
    %jit3A_720 = arith.constant 0 : i32
    %broadcast_in_dim3A_721 = vector.broadcast %jit3A_720 : i32 to vector<16xi32>
    %select_n3A_722 = arith.select %eq3A_719, %add3A_709, %broadcast_in_dim3A_721 : vector<16xi1>, vector<16xi32>
    %reduce_sum3A_723 = arith.constant true
    %reduce_sum3A_724 = vector.broadcast %reduce_sum3A_723 : i1 to vector<16xi1>
    %reduce_sum3A_725 = tpu.scan <sum>, %select_n3A_722 masked %reduce_sum3A_724 : vector<16xi32>, vector<16xi1> -> vector<16xi32>
    %reduce_sum3A_726 = vector.extract %reduce_sum3A_725[15] : i32 from vector<16xi32>
    %eq3A_727 = arith.constant 0 : i32
    %eq3A_728 = vector.broadcast %eq3A_727 : i32 to vector<16xi32>
    %eq3A_729 = arith.cmpi eq, %iota3A, %eq3A_728 : vector<16xi32>
    %broadcast_in_dim3A_730 = vector.broadcast %reduce_sum3A_726 : i32 to vector<16xi32>
    %select_n3A_731 = arith.select %eq3A_729, %broadcast_in_dim3A_730, %broadcast_in_dim3A_715 : vector<16xi1>, vector<16xi32>
    %jit3A_732 = arith.constant 1 : i32
    %jit3A_733 = arith.constant 0 : i32
    %broadcast_in_dim3A_734 = vector.broadcast %jit3A_732 : i32 to vector<16xi32>
    %broadcast_in_dim3A_735 = vector.broadcast %jit3A_733 : i32 to vector<16xi32>
    %select_n3A_736 = arith.select %eq3A_719, %broadcast_in_dim3A_734, %broadcast_in_dim3A_735 : vector<16xi1>, vector<16xi32>
    %add3A_737 = arith.addi %add3A_709, %select_n3A_736 : vector<16xi32>
    %slice3A_738 = vector.extract_strided_slice %get3A_713 {offsets = [1], sizes = [1], strides = [1]} : vector<16xi32> to vector<1xi32>
    %squeeze3A_739 = vector.extract %slice3A_738[0] : i32 from vector<1xi32>
    %eq3A_740 = vector.broadcast %squeeze3A_739 : i32 to vector<16xi32>
    %eq3A_741 = arith.cmpi eq, %iota3A, %eq3A_740 : vector<16xi32>
    %jit3A_742 = arith.constant 0 : i32
    %broadcast_in_dim3A_743 = vector.broadcast %jit3A_742 : i32 to vector<16xi32>
    %select_n3A_744 = arith.select %eq3A_741, %add3A_737, %broadcast_in_dim3A_743 : vector<16xi1>, vector<16xi32>
    %reduce_sum3A_745 = arith.constant true
    %reduce_sum3A_746 = vector.broadcast %reduce_sum3A_745 : i1 to vector<16xi1>
    %reduce_sum3A_747 = tpu.scan <sum>, %select_n3A_744 masked %reduce_sum3A_746 : vector<16xi32>, vector<16xi1> -> vector<16xi32>
    %reduce_sum3A_748 = vector.extract %reduce_sum3A_747[15] : i32 from vector<16xi32>
    %eq3A_749 = arith.constant 1 : i32
    %eq3A_750 = vector.broadcast %eq3A_749 : i32 to vector<16xi32>
    %eq3A_751 = arith.cmpi eq, %iota3A, %eq3A_750 : vector<16xi32>
    %broadcast_in_dim3A_752 = vector.broadcast %reduce_sum3A_748 : i32 to vector<16xi32>
    %select_n3A_753 = arith.select %eq3A_751, %broadcast_in_dim3A_752, %select_n3A_731 : vector<16xi1>, vector<16xi32>
    %jit3A_754 = arith.constant 1 : i32
    %jit3A_755 = arith.constant 0 : i32
    %broadcast_in_dim3A_756 = vector.broadcast %jit3A_754 : i32 to vector<16xi32>
    %broadcast_in_dim3A_757 = vector.broadcast %jit3A_755 : i32 to vector<16xi32>
    %select_n3A_758 = arith.select %eq3A_741, %broadcast_in_dim3A_756, %broadcast_in_dim3A_757 : vector<16xi1>, vector<16xi32>
    %add3A_759 = arith.addi %add3A_737, %select_n3A_758 : vector<16xi32>
    %slice3A_760 = vector.extract_strided_slice %get3A_713 {offsets = [2], sizes = [1], strides = [1]} : vector<16xi32> to vector<1xi32>
    %squeeze3A_761 = vector.extract %slice3A_760[0] : i32 from vector<1xi32>
    %eq3A_762 = vector.broadcast %squeeze3A_761 : i32 to vector<16xi32>
    %eq3A_763 = arith.cmpi eq, %iota3A, %eq3A_762 : vector<16xi32>
    %jit3A_764 = arith.constant 0 : i32
    %broadcast_in_dim3A_765 = vector.broadcast %jit3A_764 : i32 to vector<16xi32>
    %select_n3A_766 = arith.select %eq3A_763, %add3A_759, %broadcast_in_dim3A_765 : vector<16xi1>, vector<16xi32>
    %reduce_sum3A_767 = arith.constant true
    %reduce_sum3A_768 = vector.broadcast %reduce_sum3A_767 : i1 to vector<16xi1>
    %reduce_sum3A_769 = tpu.scan <sum>, %select_n3A_766 masked %reduce_sum3A_768 : vector<16xi32>, vector<16xi1> -> vector<16xi32>
    %reduce_sum3A_770 = vector.extract %reduce_sum3A_769[15] : i32 from vector<16xi32>
    %eq3A_771 = arith.constant 2 : i32
    %eq3A_772 = vector.broadcast %eq3A_771 : i32 to vector<16xi32>
    %eq3A_773 = arith.cmpi eq, %iota3A, %eq3A_772 : vector<16xi32>
    %broadcast_in_dim3A_774 = vector.broadcast %reduce_sum3A_770 : i32 to vector<16xi32>
    %select_n3A_775 = arith.select %eq3A_773, %broadcast_in_dim3A_774, %select_n3A_753 : vector<16xi1>, vector<16xi32>
    %jit3A_776 = arith.constant 1 : i32
    %jit3A_777 = arith.constant 0 : i32
    %broadcast_in_dim3A_778 = vector.broadcast %jit3A_776 : i32 to vector<16xi32>
    %broadcast_in_dim3A_779 = vector.broadcast %jit3A_777 : i32 to vector<16xi32>
    %select_n3A_780 = arith.select %eq3A_763, %broadcast_in_dim3A_778, %broadcast_in_dim3A_779 : vector<16xi1>, vector<16xi32>
    %add3A_781 = arith.addi %add3A_759, %select_n3A_780 : vector<16xi32>
    %slice3A_782 = vector.extract_strided_slice %get3A_713 {offsets = [3], sizes = [1], strides = [1]} : vector<16xi32> to vector<1xi32>
    %squeeze3A_783 = vector.extract %slice3A_782[0] : i32 from vector<1xi32>
    %eq3A_784 = vector.broadcast %squeeze3A_783 : i32 to vector<16xi32>
    %eq3A_785 = arith.cmpi eq, %iota3A, %eq3A_784 : vector<16xi32>
    %jit3A_786 = arith.constant 0 : i32
    %broadcast_in_dim3A_787 = vector.broadcast %jit3A_786 : i32 to vector<16xi32>
    %select_n3A_788 = arith.select %eq3A_785, %add3A_781, %broadcast_in_dim3A_787 : vector<16xi1>, vector<16xi32>
    %reduce_sum3A_789 = arith.constant true
    %reduce_sum3A_790 = vector.broadcast %reduce_sum3A_789 : i1 to vector<16xi1>
    %reduce_sum3A_791 = tpu.scan <sum>, %select_n3A_788 masked %reduce_sum3A_790 : vector<16xi32>, vector<16xi1> -> vector<16xi32>
    %reduce_sum3A_792 = vector.extract %reduce_sum3A_791[15] : i32 from vector<16xi32>
    %eq3A_793 = arith.constant 3 : i32
    %eq3A_794 = vector.broadcast %eq3A_793 : i32 to vector<16xi32>
    %eq3A_795 = arith.cmpi eq, %iota3A, %eq3A_794 : vector<16xi32>
    %broadcast_in_dim3A_796 = vector.broadcast %reduce_sum3A_792 : i32 to vector<16xi32>
    %select_n3A_797 = arith.select %eq3A_795, %broadcast_in_dim3A_796, %select_n3A_775 : vector<16xi1>, vector<16xi32>
    %jit3A_798 = arith.constant 1 : i32
    %jit3A_799 = arith.constant 0 : i32
    %broadcast_in_dim3A_800 = vector.broadcast %jit3A_798 : i32 to vector<16xi32>
    %broadcast_in_dim3A_801 = vector.broadcast %jit3A_799 : i32 to vector<16xi32>
    %select_n3A_802 = arith.select %eq3A_785, %broadcast_in_dim3A_800, %broadcast_in_dim3A_801 : vector<16xi1>, vector<16xi32>
    %add3A_803 = arith.addi %add3A_781, %select_n3A_802 : vector<16xi32>
    %slice3A_804 = vector.extract_strided_slice %get3A_713 {offsets = [4], sizes = [1], strides = [1]} : vector<16xi32> to vector<1xi32>
    %squeeze3A_805 = vector.extract %slice3A_804[0] : i32 from vector<1xi32>
    %eq3A_806 = vector.broadcast %squeeze3A_805 : i32 to vector<16xi32>
    %eq3A_807 = arith.cmpi eq, %iota3A, %eq3A_806 : vector<16xi32>
    %jit3A_808 = arith.constant 0 : i32
    %broadcast_in_dim3A_809 = vector.broadcast %jit3A_808 : i32 to vector<16xi32>
    %select_n3A_810 = arith.select %eq3A_807, %add3A_803, %broadcast_in_dim3A_809 : vector<16xi1>, vector<16xi32>
    %reduce_sum3A_811 = arith.constant true
    %reduce_sum3A_812 = vector.broadcast %reduce_sum3A_811 : i1 to vector<16xi1>
    %reduce_sum3A_813 = tpu.scan <sum>, %select_n3A_810 masked %reduce_sum3A_812 : vector<16xi32>, vector<16xi1> -> vector<16xi32>
    %reduce_sum3A_814 = vector.extract %reduce_sum3A_813[15] : i32 from vector<16xi32>
    %eq3A_815 = arith.constant 4 : i32
    %eq3A_816 = vector.broadcast %eq3A_815 : i32 to vector<16xi32>
    %eq3A_817 = arith.cmpi eq, %iota3A, %eq3A_816 : vector<16xi32>
    %broadcast_in_dim3A_818 = vector.broadcast %reduce_sum3A_814 : i32 to vector<16xi32>
    %select_n3A_819 = arith.select %eq3A_817, %broadcast_in_dim3A_818, %select_n3A_797 : vector<16xi1>, vector<16xi32>
    %jit3A_820 = arith.constant 1 : i32
    %jit3A_821 = arith.constant 0 : i32
    %broadcast_in_dim3A_822 = vector.broadcast %jit3A_820 : i32 to vector<16xi32>
    %broadcast_in_dim3A_823 = vector.broadcast %jit3A_821 : i32 to vector<16xi32>
    %select_n3A_824 = arith.select %eq3A_807, %broadcast_in_dim3A_822, %broadcast_in_dim3A_823 : vector<16xi1>, vector<16xi32>
    %add3A_825 = arith.addi %add3A_803, %select_n3A_824 : vector<16xi32>
    %slice3A_826 = vector.extract_strided_slice %get3A_713 {offsets = [5], sizes = [1], strides = [1]} : vector<16xi32> to vector<1xi32>
    %squeeze3A_827 = vector.extract %slice3A_826[0] : i32 from vector<1xi32>
    %eq3A_828 = vector.broadcast %squeeze3A_827 : i32 to vector<16xi32>
    %eq3A_829 = arith.cmpi eq, %iota3A, %eq3A_828 : vector<16xi32>
    %jit3A_830 = arith.constant 0 : i32
    %broadcast_in_dim3A_831 = vector.broadcast %jit3A_830 : i32 to vector<16xi32>
    %select_n3A_832 = arith.select %eq3A_829, %add3A_825, %broadcast_in_dim3A_831 : vector<16xi1>, vector<16xi32>
    %reduce_sum3A_833 = arith.constant true
    %reduce_sum3A_834 = vector.broadcast %reduce_sum3A_833 : i1 to vector<16xi1>
    %reduce_sum3A_835 = tpu.scan <sum>, %select_n3A_832 masked %reduce_sum3A_834 : vector<16xi32>, vector<16xi1> -> vector<16xi32>
    %reduce_sum3A_836 = vector.extract %reduce_sum3A_835[15] : i32 from vector<16xi32>
    %eq3A_837 = arith.constant 5 : i32
    %eq3A_838 = vector.broadcast %eq3A_837 : i32 to vector<16xi32>
    %eq3A_839 = arith.cmpi eq, %iota3A, %eq3A_838 : vector<16xi32>
    %broadcast_in_dim3A_840 = vector.broadcast %reduce_sum3A_836 : i32 to vector<16xi32>
    %select_n3A_841 = arith.select %eq3A_839, %broadcast_in_dim3A_840, %select_n3A_819 : vector<16xi1>, vector<16xi32>
    %jit3A_842 = arith.constant 1 : i32
    %jit3A_843 = arith.constant 0 : i32
    %broadcast_in_dim3A_844 = vector.broadcast %jit3A_842 : i32 to vector<16xi32>
    %broadcast_in_dim3A_845 = vector.broadcast %jit3A_843 : i32 to vector<16xi32>
    %select_n3A_846 = arith.select %eq3A_829, %broadcast_in_dim3A_844, %broadcast_in_dim3A_845 : vector<16xi1>, vector<16xi32>
    %add3A_847 = arith.addi %add3A_825, %select_n3A_846 : vector<16xi32>
    %slice3A_848 = vector.extract_strided_slice %get3A_713 {offsets = [6], sizes = [1], strides = [1]} : vector<16xi32> to vector<1xi32>
    %squeeze3A_849 = vector.extract %slice3A_848[0] : i32 from vector<1xi32>
    %eq3A_850 = vector.broadcast %squeeze3A_849 : i32 to vector<16xi32>
    %eq3A_851 = arith.cmpi eq, %iota3A, %eq3A_850 : vector<16xi32>
    %jit3A_852 = arith.constant 0 : i32
    %broadcast_in_dim3A_853 = vector.broadcast %jit3A_852 : i32 to vector<16xi32>
    %select_n3A_854 = arith.select %eq3A_851, %add3A_847, %broadcast_in_dim3A_853 : vector<16xi1>, vector<16xi32>
    %reduce_sum3A_855 = arith.constant true
    %reduce_sum3A_856 = vector.broadcast %reduce_sum3A_855 : i1 to vector<16xi1>
    %reduce_sum3A_857 = tpu.scan <sum>, %select_n3A_854 masked %reduce_sum3A_856 : vector<16xi32>, vector<16xi1> -> vector<16xi32>
    %reduce_sum3A_858 = vector.extract %reduce_sum3A_857[15] : i32 from vector<16xi32>
    %eq3A_859 = arith.constant 6 : i32
    %eq3A_860 = vector.broadcast %eq3A_859 : i32 to vector<16xi32>
    %eq3A_861 = arith.cmpi eq, %iota3A, %eq3A_860 : vector<16xi32>
    %broadcast_in_dim3A_862 = vector.broadcast %reduce_sum3A_858 : i32 to vector<16xi32>
    %select_n3A_863 = arith.select %eq3A_861, %broadcast_in_dim3A_862, %select_n3A_841 : vector<16xi1>, vector<16xi32>
    %jit3A_864 = arith.constant 1 : i32
    %jit3A_865 = arith.constant 0 : i32
    %broadcast_in_dim3A_866 = vector.broadcast %jit3A_864 : i32 to vector<16xi32>
    %broadcast_in_dim3A_867 = vector.broadcast %jit3A_865 : i32 to vector<16xi32>
    %select_n3A_868 = arith.select %eq3A_851, %broadcast_in_dim3A_866, %broadcast_in_dim3A_867 : vector<16xi1>, vector<16xi32>
    %add3A_869 = arith.addi %add3A_847, %select_n3A_868 : vector<16xi32>
    %slice3A_870 = vector.extract_strided_slice %get3A_713 {offsets = [7], sizes = [1], strides = [1]} : vector<16xi32> to vector<1xi32>
    %squeeze3A_871 = vector.extract %slice3A_870[0] : i32 from vector<1xi32>
    %eq3A_872 = vector.broadcast %squeeze3A_871 : i32 to vector<16xi32>
    %eq3A_873 = arith.cmpi eq, %iota3A, %eq3A_872 : vector<16xi32>
    %jit3A_874 = arith.constant 0 : i32
    %broadcast_in_dim3A_875 = vector.broadcast %jit3A_874 : i32 to vector<16xi32>
    %select_n3A_876 = arith.select %eq3A_873, %add3A_869, %broadcast_in_dim3A_875 : vector<16xi1>, vector<16xi32>
    %reduce_sum3A_877 = arith.constant true
    %reduce_sum3A_878 = vector.broadcast %reduce_sum3A_877 : i1 to vector<16xi1>
    %reduce_sum3A_879 = tpu.scan <sum>, %select_n3A_876 masked %reduce_sum3A_878 : vector<16xi32>, vector<16xi1> -> vector<16xi32>
    %reduce_sum3A_880 = vector.extract %reduce_sum3A_879[15] : i32 from vector<16xi32>
    %eq3A_881 = arith.constant 7 : i32
    %eq3A_882 = vector.broadcast %eq3A_881 : i32 to vector<16xi32>
    %eq3A_883 = arith.cmpi eq, %iota3A, %eq3A_882 : vector<16xi32>
    %broadcast_in_dim3A_884 = vector.broadcast %reduce_sum3A_880 : i32 to vector<16xi32>
    %select_n3A_885 = arith.select %eq3A_883, %broadcast_in_dim3A_884, %select_n3A_863 : vector<16xi1>, vector<16xi32>
    %jit3A_886 = arith.constant 1 : i32
    %jit3A_887 = arith.constant 0 : i32
    %broadcast_in_dim3A_888 = vector.broadcast %jit3A_886 : i32 to vector<16xi32>
    %broadcast_in_dim3A_889 = vector.broadcast %jit3A_887 : i32 to vector<16xi32>
    %select_n3A_890 = arith.select %eq3A_873, %broadcast_in_dim3A_888, %broadcast_in_dim3A_889 : vector<16xi1>, vector<16xi32>
    %add3A_891 = arith.addi %add3A_869, %select_n3A_890 : vector<16xi32>
    %slice3A_892 = vector.extract_strided_slice %get3A_713 {offsets = [8], sizes = [1], strides = [1]} : vector<16xi32> to vector<1xi32>
    %squeeze3A_893 = vector.extract %slice3A_892[0] : i32 from vector<1xi32>
    %eq3A_894 = vector.broadcast %squeeze3A_893 : i32 to vector<16xi32>
    %eq3A_895 = arith.cmpi eq, %iota3A, %eq3A_894 : vector<16xi32>
    %jit3A_896 = arith.constant 0 : i32
    %broadcast_in_dim3A_897 = vector.broadcast %jit3A_896 : i32 to vector<16xi32>
    %select_n3A_898 = arith.select %eq3A_895, %add3A_891, %broadcast_in_dim3A_897 : vector<16xi1>, vector<16xi32>
    %reduce_sum3A_899 = arith.constant true
    %reduce_sum3A_900 = vector.broadcast %reduce_sum3A_899 : i1 to vector<16xi1>
    %reduce_sum3A_901 = tpu.scan <sum>, %select_n3A_898 masked %reduce_sum3A_900 : vector<16xi32>, vector<16xi1> -> vector<16xi32>
    %reduce_sum3A_902 = vector.extract %reduce_sum3A_901[15] : i32 from vector<16xi32>
    %eq3A_903 = arith.constant 8 : i32
    %eq3A_904 = vector.broadcast %eq3A_903 : i32 to vector<16xi32>
    %eq3A_905 = arith.cmpi eq, %iota3A, %eq3A_904 : vector<16xi32>
    %broadcast_in_dim3A_906 = vector.broadcast %reduce_sum3A_902 : i32 to vector<16xi32>
    %select_n3A_907 = arith.select %eq3A_905, %broadcast_in_dim3A_906, %select_n3A_885 : vector<16xi1>, vector<16xi32>
    %jit3A_908 = arith.constant 1 : i32
    %jit3A_909 = arith.constant 0 : i32
    %broadcast_in_dim3A_910 = vector.broadcast %jit3A_908 : i32 to vector<16xi32>
    %broadcast_in_dim3A_911 = vector.broadcast %jit3A_909 : i32 to vector<16xi32>
    %select_n3A_912 = arith.select %eq3A_895, %broadcast_in_dim3A_910, %broadcast_in_dim3A_911 : vector<16xi1>, vector<16xi32>
    %add3A_913 = arith.addi %add3A_891, %select_n3A_912 : vector<16xi32>
    %slice3A_914 = vector.extract_strided_slice %get3A_713 {offsets = [9], sizes = [1], strides = [1]} : vector<16xi32> to vector<1xi32>
    %squeeze3A_915 = vector.extract %slice3A_914[0] : i32 from vector<1xi32>
    %eq3A_916 = vector.broadcast %squeeze3A_915 : i32 to vector<16xi32>
    %eq3A_917 = arith.cmpi eq, %iota3A, %eq3A_916 : vector<16xi32>
    %jit3A_918 = arith.constant 0 : i32
    %broadcast_in_dim3A_919 = vector.broadcast %jit3A_918 : i32 to vector<16xi32>
    %select_n3A_920 = arith.select %eq3A_917, %add3A_913, %broadcast_in_dim3A_919 : vector<16xi1>, vector<16xi32>
    %reduce_sum3A_921 = arith.constant true
    %reduce_sum3A_922 = vector.broadcast %reduce_sum3A_921 : i1 to vector<16xi1>
    %reduce_sum3A_923 = tpu.scan <sum>, %select_n3A_920 masked %reduce_sum3A_922 : vector<16xi32>, vector<16xi1> -> vector<16xi32>
    %reduce_sum3A_924 = vector.extract %reduce_sum3A_923[15] : i32 from vector<16xi32>
    %eq3A_925 = arith.constant 9 : i32
    %eq3A_926 = vector.broadcast %eq3A_925 : i32 to vector<16xi32>
    %eq3A_927 = arith.cmpi eq, %iota3A, %eq3A_926 : vector<16xi32>
    %broadcast_in_dim3A_928 = vector.broadcast %reduce_sum3A_924 : i32 to vector<16xi32>
    %select_n3A_929 = arith.select %eq3A_927, %broadcast_in_dim3A_928, %select_n3A_907 : vector<16xi1>, vector<16xi32>
    %jit3A_930 = arith.constant 1 : i32
    %jit3A_931 = arith.constant 0 : i32
    %broadcast_in_dim3A_932 = vector.broadcast %jit3A_930 : i32 to vector<16xi32>
    %broadcast_in_dim3A_933 = vector.broadcast %jit3A_931 : i32 to vector<16xi32>
    %select_n3A_934 = arith.select %eq3A_917, %broadcast_in_dim3A_932, %broadcast_in_dim3A_933 : vector<16xi1>, vector<16xi32>
    %add3A_935 = arith.addi %add3A_913, %select_n3A_934 : vector<16xi32>
    %slice3A_936 = vector.extract_strided_slice %get3A_713 {offsets = [10], sizes = [1], strides = [1]} : vector<16xi32> to vector<1xi32>
    %squeeze3A_937 = vector.extract %slice3A_936[0] : i32 from vector<1xi32>
    %eq3A_938 = vector.broadcast %squeeze3A_937 : i32 to vector<16xi32>
    %eq3A_939 = arith.cmpi eq, %iota3A, %eq3A_938 : vector<16xi32>
    %jit3A_940 = arith.constant 0 : i32
    %broadcast_in_dim3A_941 = vector.broadcast %jit3A_940 : i32 to vector<16xi32>
    %select_n3A_942 = arith.select %eq3A_939, %add3A_935, %broadcast_in_dim3A_941 : vector<16xi1>, vector<16xi32>
    %reduce_sum3A_943 = arith.constant true
    %reduce_sum3A_944 = vector.broadcast %reduce_sum3A_943 : i1 to vector<16xi1>
    %reduce_sum3A_945 = tpu.scan <sum>, %select_n3A_942 masked %reduce_sum3A_944 : vector<16xi32>, vector<16xi1> -> vector<16xi32>
    %reduce_sum3A_946 = vector.extract %reduce_sum3A_945[15] : i32 from vector<16xi32>
    %eq3A_947 = arith.constant 10 : i32
    %eq3A_948 = vector.broadcast %eq3A_947 : i32 to vector<16xi32>
    %eq3A_949 = arith.cmpi eq, %iota3A, %eq3A_948 : vector<16xi32>
    %broadcast_in_dim3A_950 = vector.broadcast %reduce_sum3A_946 : i32 to vector<16xi32>
    %select_n3A_951 = arith.select %eq3A_949, %broadcast_in_dim3A_950, %select_n3A_929 : vector<16xi1>, vector<16xi32>
    %jit3A_952 = arith.constant 1 : i32
    %jit3A_953 = arith.constant 0 : i32
    %broadcast_in_dim3A_954 = vector.broadcast %jit3A_952 : i32 to vector<16xi32>
    %broadcast_in_dim3A_955 = vector.broadcast %jit3A_953 : i32 to vector<16xi32>
    %select_n3A_956 = arith.select %eq3A_939, %broadcast_in_dim3A_954, %broadcast_in_dim3A_955 : vector<16xi1>, vector<16xi32>
    %add3A_957 = arith.addi %add3A_935, %select_n3A_956 : vector<16xi32>
    %slice3A_958 = vector.extract_strided_slice %get3A_713 {offsets = [11], sizes = [1], strides = [1]} : vector<16xi32> to vector<1xi32>
    %squeeze3A_959 = vector.extract %slice3A_958[0] : i32 from vector<1xi32>
    %eq3A_960 = vector.broadcast %squeeze3A_959 : i32 to vector<16xi32>
    %eq3A_961 = arith.cmpi eq, %iota3A, %eq3A_960 : vector<16xi32>
    %jit3A_962 = arith.constant 0 : i32
    %broadcast_in_dim3A_963 = vector.broadcast %jit3A_962 : i32 to vector<16xi32>
    %select_n3A_964 = arith.select %eq3A_961, %add3A_957, %broadcast_in_dim3A_963 : vector<16xi1>, vector<16xi32>
    %reduce_sum3A_965 = arith.constant true
    %reduce_sum3A_966 = vector.broadcast %reduce_sum3A_965 : i1 to vector<16xi1>
    %reduce_sum3A_967 = tpu.scan <sum>, %select_n3A_964 masked %reduce_sum3A_966 : vector<16xi32>, vector<16xi1> -> vector<16xi32>
    %reduce_sum3A_968 = vector.extract %reduce_sum3A_967[15] : i32 from vector<16xi32>
    %eq3A_969 = arith.constant 11 : i32
    %eq3A_970 = vector.broadcast %eq3A_969 : i32 to vector<16xi32>
    %eq3A_971 = arith.cmpi eq, %iota3A, %eq3A_970 : vector<16xi32>
    %broadcast_in_dim3A_972 = vector.broadcast %reduce_sum3A_968 : i32 to vector<16xi32>
    %select_n3A_973 = arith.select %eq3A_971, %broadcast_in_dim3A_972, %select_n3A_951 : vector<16xi1>, vector<16xi32>
    %jit3A_974 = arith.constant 1 : i32
    %jit3A_975 = arith.constant 0 : i32
    %broadcast_in_dim3A_976 = vector.broadcast %jit3A_974 : i32 to vector<16xi32>
    %broadcast_in_dim3A_977 = vector.broadcast %jit3A_975 : i32 to vector<16xi32>
    %select_n3A_978 = arith.select %eq3A_961, %broadcast_in_dim3A_976, %broadcast_in_dim3A_977 : vector<16xi1>, vector<16xi32>
    %add3A_979 = arith.addi %add3A_957, %select_n3A_978 : vector<16xi32>
    %slice3A_980 = vector.extract_strided_slice %get3A_713 {offsets = [12], sizes = [1], strides = [1]} : vector<16xi32> to vector<1xi32>
    %squeeze3A_981 = vector.extract %slice3A_980[0] : i32 from vector<1xi32>
    %eq3A_982 = vector.broadcast %squeeze3A_981 : i32 to vector<16xi32>
    %eq3A_983 = arith.cmpi eq, %iota3A, %eq3A_982 : vector<16xi32>
    %jit3A_984 = arith.constant 0 : i32
    %broadcast_in_dim3A_985 = vector.broadcast %jit3A_984 : i32 to vector<16xi32>
    %select_n3A_986 = arith.select %eq3A_983, %add3A_979, %broadcast_in_dim3A_985 : vector<16xi1>, vector<16xi32>
    %reduce_sum3A_987 = arith.constant true
    %reduce_sum3A_988 = vector.broadcast %reduce_sum3A_987 : i1 to vector<16xi1>
    %reduce_sum3A_989 = tpu.scan <sum>, %select_n3A_986 masked %reduce_sum3A_988 : vector<16xi32>, vector<16xi1> -> vector<16xi32>
    %reduce_sum3A_990 = vector.extract %reduce_sum3A_989[15] : i32 from vector<16xi32>
    %eq3A_991 = arith.constant 12 : i32
    %eq3A_992 = vector.broadcast %eq3A_991 : i32 to vector<16xi32>
    %eq3A_993 = arith.cmpi eq, %iota3A, %eq3A_992 : vector<16xi32>
    %broadcast_in_dim3A_994 = vector.broadcast %reduce_sum3A_990 : i32 to vector<16xi32>
    %select_n3A_995 = arith.select %eq3A_993, %broadcast_in_dim3A_994, %select_n3A_973 : vector<16xi1>, vector<16xi32>
    %jit3A_996 = arith.constant 1 : i32
    %jit3A_997 = arith.constant 0 : i32
    %broadcast_in_dim3A_998 = vector.broadcast %jit3A_996 : i32 to vector<16xi32>
    %broadcast_in_dim3A_999 = vector.broadcast %jit3A_997 : i32 to vector<16xi32>
    %select_n3A_1000 = arith.select %eq3A_983, %broadcast_in_dim3A_998, %broadcast_in_dim3A_999 : vector<16xi1>, vector<16xi32>
    %add3A_1001 = arith.addi %add3A_979, %select_n3A_1000 : vector<16xi32>
    %slice3A_1002 = vector.extract_strided_slice %get3A_713 {offsets = [13], sizes = [1], strides = [1]} : vector<16xi32> to vector<1xi32>
    %squeeze3A_1003 = vector.extract %slice3A_1002[0] : i32 from vector<1xi32>
    %eq3A_1004 = vector.broadcast %squeeze3A_1003 : i32 to vector<16xi32>
    %eq3A_1005 = arith.cmpi eq, %iota3A, %eq3A_1004 : vector<16xi32>
    %jit3A_1006 = arith.constant 0 : i32
    %broadcast_in_dim3A_1007 = vector.broadcast %jit3A_1006 : i32 to vector<16xi32>
    %select_n3A_1008 = arith.select %eq3A_1005, %add3A_1001, %broadcast_in_dim3A_1007 : vector<16xi1>, vector<16xi32>
    %reduce_sum3A_1009 = arith.constant true
    %reduce_sum3A_1010 = vector.broadcast %reduce_sum3A_1009 : i1 to vector<16xi1>
    %reduce_sum3A_1011 = tpu.scan <sum>, %select_n3A_1008 masked %reduce_sum3A_1010 : vector<16xi32>, vector<16xi1> -> vector<16xi32>
    %reduce_sum3A_1012 = vector.extract %reduce_sum3A_1011[15] : i32 from vector<16xi32>
    %eq3A_1013 = arith.constant 13 : i32
    %eq3A_1014 = vector.broadcast %eq3A_1013 : i32 to vector<16xi32>
    %eq3A_1015 = arith.cmpi eq, %iota3A, %eq3A_1014 : vector<16xi32>
    %broadcast_in_dim3A_1016 = vector.broadcast %reduce_sum3A_1012 : i32 to vector<16xi32>
    %select_n3A_1017 = arith.select %eq3A_1015, %broadcast_in_dim3A_1016, %select_n3A_995 : vector<16xi1>, vector<16xi32>
    %jit3A_1018 = arith.constant 1 : i32
    %jit3A_1019 = arith.constant 0 : i32
    %broadcast_in_dim3A_1020 = vector.broadcast %jit3A_1018 : i32 to vector<16xi32>
    %broadcast_in_dim3A_1021 = vector.broadcast %jit3A_1019 : i32 to vector<16xi32>
    %select_n3A_1022 = arith.select %eq3A_1005, %broadcast_in_dim3A_1020, %broadcast_in_dim3A_1021 : vector<16xi1>, vector<16xi32>
    %add3A_1023 = arith.addi %add3A_1001, %select_n3A_1022 : vector<16xi32>
    %slice3A_1024 = vector.extract_strided_slice %get3A_713 {offsets = [14], sizes = [1], strides = [1]} : vector<16xi32> to vector<1xi32>
    %squeeze3A_1025 = vector.extract %slice3A_1024[0] : i32 from vector<1xi32>
    %eq3A_1026 = vector.broadcast %squeeze3A_1025 : i32 to vector<16xi32>
    %eq3A_1027 = arith.cmpi eq, %iota3A, %eq3A_1026 : vector<16xi32>
    %jit3A_1028 = arith.constant 0 : i32
    %broadcast_in_dim3A_1029 = vector.broadcast %jit3A_1028 : i32 to vector<16xi32>
    %select_n3A_1030 = arith.select %eq3A_1027, %add3A_1023, %broadcast_in_dim3A_1029 : vector<16xi1>, vector<16xi32>
    %reduce_sum3A_1031 = arith.constant true
    %reduce_sum3A_1032 = vector.broadcast %reduce_sum3A_1031 : i1 to vector<16xi1>
    %reduce_sum3A_1033 = tpu.scan <sum>, %select_n3A_1030 masked %reduce_sum3A_1032 : vector<16xi32>, vector<16xi1> -> vector<16xi32>
    %reduce_sum3A_1034 = vector.extract %reduce_sum3A_1033[15] : i32 from vector<16xi32>
    %eq3A_1035 = arith.constant 14 : i32
    %eq3A_1036 = vector.broadcast %eq3A_1035 : i32 to vector<16xi32>
    %eq3A_1037 = arith.cmpi eq, %iota3A, %eq3A_1036 : vector<16xi32>
    %broadcast_in_dim3A_1038 = vector.broadcast %reduce_sum3A_1034 : i32 to vector<16xi32>
    %select_n3A_1039 = arith.select %eq3A_1037, %broadcast_in_dim3A_1038, %select_n3A_1017 : vector<16xi1>, vector<16xi32>
    %jit3A_1040 = arith.constant 1 : i32
    %jit3A_1041 = arith.constant 0 : i32
    %broadcast_in_dim3A_1042 = vector.broadcast %jit3A_1040 : i32 to vector<16xi32>
    %broadcast_in_dim3A_1043 = vector.broadcast %jit3A_1041 : i32 to vector<16xi32>
    %select_n3A_1044 = arith.select %eq3A_1027, %broadcast_in_dim3A_1042, %broadcast_in_dim3A_1043 : vector<16xi1>, vector<16xi32>
    %add3A_1045 = arith.addi %add3A_1023, %select_n3A_1044 : vector<16xi32>
    %slice3A_1046 = vector.extract_strided_slice %get3A_713 {offsets = [15], sizes = [1], strides = [1]} : vector<16xi32> to vector<1xi32>
    %squeeze3A_1047 = vector.extract %slice3A_1046[0] : i32 from vector<1xi32>
    %eq3A_1048 = vector.broadcast %squeeze3A_1047 : i32 to vector<16xi32>
    %eq3A_1049 = arith.cmpi eq, %iota3A, %eq3A_1048 : vector<16xi32>
    %jit3A_1050 = arith.constant 0 : i32
    %broadcast_in_dim3A_1051 = vector.broadcast %jit3A_1050 : i32 to vector<16xi32>
    %select_n3A_1052 = arith.select %eq3A_1049, %add3A_1045, %broadcast_in_dim3A_1051 : vector<16xi1>, vector<16xi32>
    %reduce_sum3A_1053 = arith.constant true
    %reduce_sum3A_1054 = vector.broadcast %reduce_sum3A_1053 : i1 to vector<16xi1>
    %reduce_sum3A_1055 = tpu.scan <sum>, %select_n3A_1052 masked %reduce_sum3A_1054 : vector<16xi32>, vector<16xi1> -> vector<16xi32>
    %reduce_sum3A_1056 = vector.extract %reduce_sum3A_1055[15] : i32 from vector<16xi32>
    %eq3A_1057 = arith.constant 15 : i32
    %eq3A_1058 = vector.broadcast %eq3A_1057 : i32 to vector<16xi32>
    %eq3A_1059 = arith.cmpi eq, %iota3A, %eq3A_1058 : vector<16xi32>
    %broadcast_in_dim3A_1060 = vector.broadcast %reduce_sum3A_1056 : i32 to vector<16xi32>
    %select_n3A_1061 = arith.select %eq3A_1059, %broadcast_in_dim3A_1060, %select_n3A_1039 : vector<16xi1>, vector<16xi32>
    %jit3A_1062 = arith.constant 1 : i32
    %jit3A_1063 = arith.constant 0 : i32
    %broadcast_in_dim3A_1064 = vector.broadcast %jit3A_1062 : i32 to vector<16xi32>
    %broadcast_in_dim3A_1065 = vector.broadcast %jit3A_1063 : i32 to vector<16xi32>
    %select_n3A_1066 = arith.select %eq3A_1049, %broadcast_in_dim3A_1064, %broadcast_in_dim3A_1065 : vector<16xi1>, vector<16xi32>
    %add3A_1067 = arith.addi %add3A_1045, %select_n3A_1066 : vector<16xi32>
    %swap3A_1068 = arith.constant 32 : index
    %swap3A_1069 = tpu.vector_load %arg6[%swap3A_1068] {strides = array<i32>} : memref<64xi32, #tpu.memory_space<vmem>>, vector<16xi32>,
    tpu.vector_store %arg6[%swap3A_1068], %select_n3A_1061 {strides = array<i32>} : memref<64xi32, #tpu.memory_space<vmem>>, vector<16xi32>,
    %get3A_1070 = arith.constant 48 : index
    %get3A_1071 = tpu.vector_load %arg5[%get3A_1070] {strides = array<i32>} : memref<64xi32, #tpu.memory_space<vmem>>, vector<16xi32>,
    %broadcast_in_dim3A_1072 = arith.constant 0 : i32
    %broadcast_in_dim3A_1073 = vector.broadcast %broadcast_in_dim3A_1072 : i32 to vector<16xi32>
    %slice3A_1074 = vector.extract_strided_slice %get3A_1071 {offsets = [0], sizes = [1], strides = [1]} : vector<16xi32> to vector<1xi32>
    %squeeze3A_1075 = vector.extract %slice3A_1074[0] : i32 from vector<1xi32>
    %eq3A_1076 = vector.broadcast %squeeze3A_1075 : i32 to vector<16xi32>
    %eq3A_1077 = arith.cmpi eq, %iota3A, %eq3A_1076 : vector<16xi32>
    %jit3A_1078 = arith.constant 0 : i32
    %broadcast_in_dim3A_1079 = vector.broadcast %jit3A_1078 : i32 to vector<16xi32>
    %select_n3A_1080 = arith.select %eq3A_1077, %add3A_1067, %broadcast_in_dim3A_1079 : vector<16xi1>, vector<16xi32>
    %reduce_sum3A_1081 = arith.constant true
    %reduce_sum3A_1082 = vector.broadcast %reduce_sum3A_1081 : i1 to vector<16xi1>
    %reduce_sum3A_1083 = tpu.scan <sum>, %select_n3A_1080 masked %reduce_sum3A_1082 : vector<16xi32>, vector<16xi1> -> vector<16xi32>
    %reduce_sum3A_1084 = vector.extract %reduce_sum3A_1083[15] : i32 from vector<16xi32>
    %eq3A_1085 = arith.constant 0 : i32
    %eq3A_1086 = vector.broadcast %eq3A_1085 : i32 to vector<16xi32>
    %eq3A_1087 = arith.cmpi eq, %iota3A, %eq3A_1086 : vector<16xi32>
    %broadcast_in_dim3A_1088 = vector.broadcast %reduce_sum3A_1084 : i32 to vector<16xi32>
    %select_n3A_1089 = arith.select %eq3A_1087, %broadcast_in_dim3A_1088, %broadcast_in_dim3A_1073 : vector<16xi1>, vector<16xi32>
    %jit3A_1090 = arith.constant 1 : i32
    %jit3A_1091 = arith.constant 0 : i32
    %broadcast_in_dim3A_1092 = vector.broadcast %jit3A_1090 : i32 to vector<16xi32>
    %broadcast_in_dim3A_1093 = vector.broadcast %jit3A_1091 : i32 to vector<16xi32>
    %select_n3A_1094 = arith.select %eq3A_1077, %broadcast_in_dim3A_1092, %broadcast_in_dim3A_1093 : vector<16xi1>, vector<16xi32>
    %add3A_1095 = arith.addi %add3A_1067, %select_n3A_1094 : vector<16xi32>
    %slice3A_1096 = vector.extract_strided_slice %get3A_1071 {offsets = [1], sizes = [1], strides = [1]} : vector<16xi32> to vector<1xi32>
    %squeeze3A_1097 = vector.extract %slice3A_1096[0] : i32 from vector<1xi32>
    %eq3A_1098 = vector.broadcast %squeeze3A_1097 : i32 to vector<16xi32>
    %eq3A_1099 = arith.cmpi eq, %iota3A, %eq3A_1098 : vector<16xi32>
    %jit3A_1100 = arith.constant 0 : i32
    %broadcast_in_dim3A_1101 = vector.broadcast %jit3A_1100 : i32 to vector<16xi32>
    %select_n3A_1102 = arith.select %eq3A_1099, %add3A_1095, %broadcast_in_dim3A_1101 : vector<16xi1>, vector<16xi32>
    %reduce_sum3A_1103 = arith.constant true
    %reduce_sum3A_1104 = vector.broadcast %reduce_sum3A_1103 : i1 to vector<16xi1>
    %reduce_sum3A_1105 = tpu.scan <sum>, %select_n3A_1102 masked %reduce_sum3A_1104 : vector<16xi32>, vector<16xi1> -> vector<16xi32>
    %reduce_sum3A_1106 = vector.extract %reduce_sum3A_1105[15] : i32 from vector<16xi32>
    %eq3A_1107 = arith.constant 1 : i32
    %eq3A_1108 = vector.broadcast %eq3A_1107 : i32 to vector<16xi32>
    %eq3A_1109 = arith.cmpi eq, %iota3A, %eq3A_1108 : vector<16xi32>
    %broadcast_in_dim3A_1110 = vector.broadcast %reduce_sum3A_1106 : i32 to vector<16xi32>
    %select_n3A_1111 = arith.select %eq3A_1109, %broadcast_in_dim3A_1110, %select_n3A_1089 : vector<16xi1>, vector<16xi32>
    %jit3A_1112 = arith.constant 1 : i32
    %jit3A_1113 = arith.constant 0 : i32
    %broadcast_in_dim3A_1114 = vector.broadcast %jit3A_1112 : i32 to vector<16xi32>
    %broadcast_in_dim3A_1115 = vector.broadcast %jit3A_1113 : i32 to vector<16xi32>
    %select_n3A_1116 = arith.select %eq3A_1099, %broadcast_in_dim3A_1114, %broadcast_in_dim3A_1115 : vector<16xi1>, vector<16xi32>
    %add3A_1117 = arith.addi %add3A_1095, %select_n3A_1116 : vector<16xi32>
    %slice3A_1118 = vector.extract_strided_slice %get3A_1071 {offsets = [2], sizes = [1], strides = [1]} : vector<16xi32> to vector<1xi32>
    %squeeze3A_1119 = vector.extract %slice3A_1118[0] : i32 from vector<1xi32>
    %eq3A_1120 = vector.broadcast %squeeze3A_1119 : i32 to vector<16xi32>
    %eq3A_1121 = arith.cmpi eq, %iota3A, %eq3A_1120 : vector<16xi32>
    %jit3A_1122 = arith.constant 0 : i32
    %broadcast_in_dim3A_1123 = vector.broadcast %jit3A_1122 : i32 to vector<16xi32>
    %select_n3A_1124 = arith.select %eq3A_1121, %add3A_1117, %broadcast_in_dim3A_1123 : vector<16xi1>, vector<16xi32>
    %reduce_sum3A_1125 = arith.constant true
    %reduce_sum3A_1126 = vector.broadcast %reduce_sum3A_1125 : i1 to vector<16xi1>
    %reduce_sum3A_1127 = tpu.scan <sum>, %select_n3A_1124 masked %reduce_sum3A_1126 : vector<16xi32>, vector<16xi1> -> vector<16xi32>
    %reduce_sum3A_1128 = vector.extract %reduce_sum3A_1127[15] : i32 from vector<16xi32>
    %eq3A_1129 = arith.constant 2 : i32
    %eq3A_1130 = vector.broadcast %eq3A_1129 : i32 to vector<16xi32>
    %eq3A_1131 = arith.cmpi eq, %iota3A, %eq3A_1130 : vector<16xi32>
    %broadcast_in_dim3A_1132 = vector.broadcast %reduce_sum3A_1128 : i32 to vector<16xi32>
    %select_n3A_1133 = arith.select %eq3A_1131, %broadcast_in_dim3A_1132, %select_n3A_1111 : vector<16xi1>, vector<16xi32>
    %jit3A_1134 = arith.constant 1 : i32
    %jit3A_1135 = arith.constant 0 : i32
    %broadcast_in_dim3A_1136 = vector.broadcast %jit3A_1134 : i32 to vector<16xi32>
    %broadcast_in_dim3A_1137 = vector.broadcast %jit3A_1135 : i32 to vector<16xi32>
    %select_n3A_1138 = arith.select %eq3A_1121, %broadcast_in_dim3A_1136, %broadcast_in_dim3A_1137 : vector<16xi1>, vector<16xi32>
    %add3A_1139 = arith.addi %add3A_1117, %select_n3A_1138 : vector<16xi32>
    %slice3A_1140 = vector.extract_strided_slice %get3A_1071 {offsets = [3], sizes = [1], strides = [1]} : vector<16xi32> to vector<1xi32>
    %squeeze3A_1141 = vector.extract %slice3A_1140[0] : i32 from vector<1xi32>
    %eq3A_1142 = vector.broadcast %squeeze3A_1141 : i32 to vector<16xi32>
    %eq3A_1143 = arith.cmpi eq, %iota3A, %eq3A_1142 : vector<16xi32>
    %jit3A_1144 = arith.constant 0 : i32
    %broadcast_in_dim3A_1145 = vector.broadcast %jit3A_1144 : i32 to vector<16xi32>
    %select_n3A_1146 = arith.select %eq3A_1143, %add3A_1139, %broadcast_in_dim3A_1145 : vector<16xi1>, vector<16xi32>
    %reduce_sum3A_1147 = arith.constant true
    %reduce_sum3A_1148 = vector.broadcast %reduce_sum3A_1147 : i1 to vector<16xi1>
    %reduce_sum3A_1149 = tpu.scan <sum>, %select_n3A_1146 masked %reduce_sum3A_1148 : vector<16xi32>, vector<16xi1> -> vector<16xi32>
    %reduce_sum3A_1150 = vector.extract %reduce_sum3A_1149[15] : i32 from vector<16xi32>
    %eq3A_1151 = arith.constant 3 : i32
    %eq3A_1152 = vector.broadcast %eq3A_1151 : i32 to vector<16xi32>
    %eq3A_1153 = arith.cmpi eq, %iota3A, %eq3A_1152 : vector<16xi32>
    %broadcast_in_dim3A_1154 = vector.broadcast %reduce_sum3A_1150 : i32 to vector<16xi32>
    %select_n3A_1155 = arith.select %eq3A_1153, %broadcast_in_dim3A_1154, %select_n3A_1133 : vector<16xi1>, vector<16xi32>
    %jit3A_1156 = arith.constant 1 : i32
    %jit3A_1157 = arith.constant 0 : i32
    %broadcast_in_dim3A_1158 = vector.broadcast %jit3A_1156 : i32 to vector<16xi32>
    %broadcast_in_dim3A_1159 = vector.broadcast %jit3A_1157 : i32 to vector<16xi32>
    %select_n3A_1160 = arith.select %eq3A_1143, %broadcast_in_dim3A_1158, %broadcast_in_dim3A_1159 : vector<16xi1>, vector<16xi32>
    %add3A_1161 = arith.addi %add3A_1139, %select_n3A_1160 : vector<16xi32>
    %slice3A_1162 = vector.extract_strided_slice %get3A_1071 {offsets = [4], sizes = [1], strides = [1]} : vector<16xi32> to vector<1xi32>
    %squeeze3A_1163 = vector.extract %slice3A_1162[0] : i32 from vector<1xi32>
    %eq3A_1164 = vector.broadcast %squeeze3A_1163 : i32 to vector<16xi32>
    %eq3A_1165 = arith.cmpi eq, %iota3A, %eq3A_1164 : vector<16xi32>
    %jit3A_1166 = arith.constant 0 : i32
    %broadcast_in_dim3A_1167 = vector.broadcast %jit3A_1166 : i32 to vector<16xi32>
    %select_n3A_1168 = arith.select %eq3A_1165, %add3A_1161, %broadcast_in_dim3A_1167 : vector<16xi1>, vector<16xi32>
    %reduce_sum3A_1169 = arith.constant true
    %reduce_sum3A_1170 = vector.broadcast %reduce_sum3A_1169 : i1 to vector<16xi1>
    %reduce_sum3A_1171 = tpu.scan <sum>, %select_n3A_1168 masked %reduce_sum3A_1170 : vector<16xi32>, vector<16xi1> -> vector<16xi32>
    %reduce_sum3A_1172 = vector.extract %reduce_sum3A_1171[15] : i32 from vector<16xi32>
    %eq3A_1173 = arith.constant 4 : i32
    %eq3A_1174 = vector.broadcast %eq3A_1173 : i32 to vector<16xi32>
    %eq3A_1175 = arith.cmpi eq, %iota3A, %eq3A_1174 : vector<16xi32>
    %broadcast_in_dim3A_1176 = vector.broadcast %reduce_sum3A_1172 : i32 to vector<16xi32>
    %select_n3A_1177 = arith.select %eq3A_1175, %broadcast_in_dim3A_1176, %select_n3A_1155 : vector<16xi1>, vector<16xi32>
    %jit3A_1178 = arith.constant 1 : i32
    %jit3A_1179 = arith.constant 0 : i32
    %broadcast_in_dim3A_1180 = vector.broadcast %jit3A_1178 : i32 to vector<16xi32>
    %broadcast_in_dim3A_1181 = vector.broadcast %jit3A_1179 : i32 to vector<16xi32>
    %select_n3A_1182 = arith.select %eq3A_1165, %broadcast_in_dim3A_1180, %broadcast_in_dim3A_1181 : vector<16xi1>, vector<16xi32>
    %add3A_1183 = arith.addi %add3A_1161, %select_n3A_1182 : vector<16xi32>
    %slice3A_1184 = vector.extract_strided_slice %get3A_1071 {offsets = [5], sizes = [1], strides = [1]} : vector<16xi32> to vector<1xi32>
    %squeeze3A_1185 = vector.extract %slice3A_1184[0] : i32 from vector<1xi32>
    %eq3A_1186 = vector.broadcast %squeeze3A_1185 : i32 to vector<16xi32>
    %eq3A_1187 = arith.cmpi eq, %iota3A, %eq3A_1186 : vector<16xi32>
    %jit3A_1188 = arith.constant 0 : i32
    %broadcast_in_dim3A_1189 = vector.broadcast %jit3A_1188 : i32 to vector<16xi32>
    %select_n3A_1190 = arith.select %eq3A_1187, %add3A_1183, %broadcast_in_dim3A_1189 : vector<16xi1>, vector<16xi32>
    %reduce_sum3A_1191 = arith.constant true
    %reduce_sum3A_1192 = vector.broadcast %reduce_sum3A_1191 : i1 to vector<16xi1>
    %reduce_sum3A_1193 = tpu.scan <sum>, %select_n3A_1190 masked %reduce_sum3A_1192 : vector<16xi32>, vector<16xi1> -> vector<16xi32>
    %reduce_sum3A_1194 = vector.extract %reduce_sum3A_1193[15] : i32 from vector<16xi32>
    %eq3A_1195 = arith.constant 5 : i32
    %eq3A_1196 = vector.broadcast %eq3A_1195 : i32 to vector<16xi32>
    %eq3A_1197 = arith.cmpi eq, %iota3A, %eq3A_1196 : vector<16xi32>
    %broadcast_in_dim3A_1198 = vector.broadcast %reduce_sum3A_1194 : i32 to vector<16xi32>
    %select_n3A_1199 = arith.select %eq3A_1197, %broadcast_in_dim3A_1198, %select_n3A_1177 : vector<16xi1>, vector<16xi32>
    %jit3A_1200 = arith.constant 1 : i32
    %jit3A_1201 = arith.constant 0 : i32
    %broadcast_in_dim3A_1202 = vector.broadcast %jit3A_1200 : i32 to vector<16xi32>
    %broadcast_in_dim3A_1203 = vector.broadcast %jit3A_1201 : i32 to vector<16xi32>
    %select_n3A_1204 = arith.select %eq3A_1187, %broadcast_in_dim3A_1202, %broadcast_in_dim3A_1203 : vector<16xi1>, vector<16xi32>
    %add3A_1205 = arith.addi %add3A_1183, %select_n3A_1204 : vector<16xi32>
    %slice3A_1206 = vector.extract_strided_slice %get3A_1071 {offsets = [6], sizes = [1], strides = [1]} : vector<16xi32> to vector<1xi32>
    %squeeze3A_1207 = vector.extract %slice3A_1206[0] : i32 from vector<1xi32>
    %eq3A_1208 = vector.broadcast %squeeze3A_1207 : i32 to vector<16xi32>
    %eq3A_1209 = arith.cmpi eq, %iota3A, %eq3A_1208 : vector<16xi32>
    %jit3A_1210 = arith.constant 0 : i32
    %broadcast_in_dim3A_1211 = vector.broadcast %jit3A_1210 : i32 to vector<16xi32>
    %select_n3A_1212 = arith.select %eq3A_1209, %add3A_1205, %broadcast_in_dim3A_1211 : vector<16xi1>, vector<16xi32>
    %reduce_sum3A_1213 = arith.constant true
    %reduce_sum3A_1214 = vector.broadcast %reduce_sum3A_1213 : i1 to vector<16xi1>
    %reduce_sum3A_1215 = tpu.scan <sum>, %select_n3A_1212 masked %reduce_sum3A_1214 : vector<16xi32>, vector<16xi1> -> vector<16xi32>
    %reduce_sum3A_1216 = vector.extract %reduce_sum3A_1215[15] : i32 from vector<16xi32>
    %eq3A_1217 = arith.constant 6 : i32
    %eq3A_1218 = vector.broadcast %eq3A_1217 : i32 to vector<16xi32>
    %eq3A_1219 = arith.cmpi eq, %iota3A, %eq3A_1218 : vector<16xi32>
    %broadcast_in_dim3A_1220 = vector.broadcast %reduce_sum3A_1216 : i32 to vector<16xi32>
    %select_n3A_1221 = arith.select %eq3A_1219, %broadcast_in_dim3A_1220, %select_n3A_1199 : vector<16xi1>, vector<16xi32>
    %jit3A_1222 = arith.constant 1 : i32
    %jit3A_1223 = arith.constant 0 : i32
    %broadcast_in_dim3A_1224 = vector.broadcast %jit3A_1222 : i32 to vector<16xi32>
    %broadcast_in_dim3A_1225 = vector.broadcast %jit3A_1223 : i32 to vector<16xi32>
    %select_n3A_1226 = arith.select %eq3A_1209, %broadcast_in_dim3A_1224, %broadcast_in_dim3A_1225 : vector<16xi1>, vector<16xi32>
    %add3A_1227 = arith.addi %add3A_1205, %select_n3A_1226 : vector<16xi32>
    %slice3A_1228 = vector.extract_strided_slice %get3A_1071 {offsets = [7], sizes = [1], strides = [1]} : vector<16xi32> to vector<1xi32>
    %squeeze3A_1229 = vector.extract %slice3A_1228[0] : i32 from vector<1xi32>
    %eq3A_1230 = vector.broadcast %squeeze3A_1229 : i32 to vector<16xi32>
    %eq3A_1231 = arith.cmpi eq, %iota3A, %eq3A_1230 : vector<16xi32>
    %jit3A_1232 = arith.constant 0 : i32
    %broadcast_in_dim3A_1233 = vector.broadcast %jit3A_1232 : i32 to vector<16xi32>
    %select_n3A_1234 = arith.select %eq3A_1231, %add3A_1227, %broadcast_in_dim3A_1233 : vector<16xi1>, vector<16xi32>
    %reduce_sum3A_1235 = arith.constant true
    %reduce_sum3A_1236 = vector.broadcast %reduce_sum3A_1235 : i1 to vector<16xi1>
    %reduce_sum3A_1237 = tpu.scan <sum>, %select_n3A_1234 masked %reduce_sum3A_1236 : vector<16xi32>, vector<16xi1> -> vector<16xi32>
    %reduce_sum3A_1238 = vector.extract %reduce_sum3A_1237[15] : i32 from vector<16xi32>
    %eq3A_1239 = arith.constant 7 : i32
    %eq3A_1240 = vector.broadcast %eq3A_1239 : i32 to vector<16xi32>
    %eq3A_1241 = arith.cmpi eq, %iota3A, %eq3A_1240 : vector<16xi32>
    %broadcast_in_dim3A_1242 = vector.broadcast %reduce_sum3A_1238 : i32 to vector<16xi32>
    %select_n3A_1243 = arith.select %eq3A_1241, %broadcast_in_dim3A_1242, %select_n3A_1221 : vector<16xi1>, vector<16xi32>
    %jit3A_1244 = arith.constant 1 : i32
    %jit3A_1245 = arith.constant 0 : i32
    %broadcast_in_dim3A_1246 = vector.broadcast %jit3A_1244 : i32 to vector<16xi32>
    %broadcast_in_dim3A_1247 = vector.broadcast %jit3A_1245 : i32 to vector<16xi32>
    %select_n3A_1248 = arith.select %eq3A_1231, %broadcast_in_dim3A_1246, %broadcast_in_dim3A_1247 : vector<16xi1>, vector<16xi32>
    %add3A_1249 = arith.addi %add3A_1227, %select_n3A_1248 : vector<16xi32>
    %slice3A_1250 = vector.extract_strided_slice %get3A_1071 {offsets = [8], sizes = [1], strides = [1]} : vector<16xi32> to vector<1xi32>
    %squeeze3A_1251 = vector.extract %slice3A_1250[0] : i32 from vector<1xi32>
    %eq3A_1252 = vector.broadcast %squeeze3A_1251 : i32 to vector<16xi32>
    %eq3A_1253 = arith.cmpi eq, %iota3A, %eq3A_1252 : vector<16xi32>
    %jit3A_1254 = arith.constant 0 : i32
    %broadcast_in_dim3A_1255 = vector.broadcast %jit3A_1254 : i32 to vector<16xi32>
    %select_n3A_1256 = arith.select %eq3A_1253, %add3A_1249, %broadcast_in_dim3A_1255 : vector<16xi1>, vector<16xi32>
    %reduce_sum3A_1257 = arith.constant true
    %reduce_sum3A_1258 = vector.broadcast %reduce_sum3A_1257 : i1 to vector<16xi1>
    %reduce_sum3A_1259 = tpu.scan <sum>, %select_n3A_1256 masked %reduce_sum3A_1258 : vector<16xi32>, vector<16xi1> -> vector<16xi32>
    %reduce_sum3A_1260 = vector.extract %reduce_sum3A_1259[15] : i32 from vector<16xi32>
    %eq3A_1261 = arith.constant 8 : i32
    %eq3A_1262 = vector.broadcast %eq3A_1261 : i32 to vector<16xi32>
    %eq3A_1263 = arith.cmpi eq, %iota3A, %eq3A_1262 : vector<16xi32>
    %broadcast_in_dim3A_1264 = vector.broadcast %reduce_sum3A_1260 : i32 to vector<16xi32>
    %select_n3A_1265 = arith.select %eq3A_1263, %broadcast_in_dim3A_1264, %select_n3A_1243 : vector<16xi1>, vector<16xi32>
    %jit3A_1266 = arith.constant 1 : i32
    %jit3A_1267 = arith.constant 0 : i32
    %broadcast_in_dim3A_1268 = vector.broadcast %jit3A_1266 : i32 to vector<16xi32>
    %broadcast_in_dim3A_1269 = vector.broadcast %jit3A_1267 : i32 to vector<16xi32>
    %select_n3A_1270 = arith.select %eq3A_1253, %broadcast_in_dim3A_1268, %broadcast_in_dim3A_1269 : vector<16xi1>, vector<16xi32>
    %add3A_1271 = arith.addi %add3A_1249, %select_n3A_1270 : vector<16xi32>
    %slice3A_1272 = vector.extract_strided_slice %get3A_1071 {offsets = [9], sizes = [1], strides = [1]} : vector<16xi32> to vector<1xi32>
    %squeeze3A_1273 = vector.extract %slice3A_1272[0] : i32 from vector<1xi32>
    %eq3A_1274 = vector.broadcast %squeeze3A_1273 : i32 to vector<16xi32>
    %eq3A_1275 = arith.cmpi eq, %iota3A, %eq3A_1274 : vector<16xi32>
    %jit3A_1276 = arith.constant 0 : i32
    %broadcast_in_dim3A_1277 = vector.broadcast %jit3A_1276 : i32 to vector<16xi32>
    %select_n3A_1278 = arith.select %eq3A_1275, %add3A_1271, %broadcast_in_dim3A_1277 : vector<16xi1>, vector<16xi32>
    %reduce_sum3A_1279 = arith.constant true
    %reduce_sum3A_1280 = vector.broadcast %reduce_sum3A_1279 : i1 to vector<16xi1>
    %reduce_sum3A_1281 = tpu.scan <sum>, %select_n3A_1278 masked %reduce_sum3A_1280 : vector<16xi32>, vector<16xi1> -> vector<16xi32>
    %reduce_sum3A_1282 = vector.extract %reduce_sum3A_1281[15] : i32 from vector<16xi32>
    %eq3A_1283 = arith.constant 9 : i32
    %eq3A_1284 = vector.broadcast %eq3A_1283 : i32 to vector<16xi32>
    %eq3A_1285 = arith.cmpi eq, %iota3A, %eq3A_1284 : vector<16xi32>
    %broadcast_in_dim3A_1286 = vector.broadcast %reduce_sum3A_1282 : i32 to vector<16xi32>
    %select_n3A_1287 = arith.select %eq3A_1285, %broadcast_in_dim3A_1286, %select_n3A_1265 : vector<16xi1>, vector<16xi32>
    %jit3A_1288 = arith.constant 1 : i32
    %jit3A_1289 = arith.constant 0 : i32
    %broadcast_in_dim3A_1290 = vector.broadcast %jit3A_1288 : i32 to vector<16xi32>
    %broadcast_in_dim3A_1291 = vector.broadcast %jit3A_1289 : i32 to vector<16xi32>
    %select_n3A_1292 = arith.select %eq3A_1275, %broadcast_in_dim3A_1290, %broadcast_in_dim3A_1291 : vector<16xi1>, vector<16xi32>
    %add3A_1293 = arith.addi %add3A_1271, %select_n3A_1292 : vector<16xi32>
    %slice3A_1294 = vector.extract_strided_slice %get3A_1071 {offsets = [10], sizes = [1], strides = [1]} : vector<16xi32> to vector<1xi32>
    %squeeze3A_1295 = vector.extract %slice3A_1294[0] : i32 from vector<1xi32>
    %eq3A_1296 = vector.broadcast %squeeze3A_1295 : i32 to vector<16xi32>
    %eq3A_1297 = arith.cmpi eq, %iota3A, %eq3A_1296 : vector<16xi32>
    %jit3A_1298 = arith.constant 0 : i32
    %broadcast_in_dim3A_1299 = vector.broadcast %jit3A_1298 : i32 to vector<16xi32>
    %select_n3A_1300 = arith.select %eq3A_1297, %add3A_1293, %broadcast_in_dim3A_1299 : vector<16xi1>, vector<16xi32>
    %reduce_sum3A_1301 = arith.constant true
    %reduce_sum3A_1302 = vector.broadcast %reduce_sum3A_1301 : i1 to vector<16xi1>
    %reduce_sum3A_1303 = tpu.scan <sum>, %select_n3A_1300 masked %reduce_sum3A_1302 : vector<16xi32>, vector<16xi1> -> vector<16xi32>
    %reduce_sum3A_1304 = vector.extract %reduce_sum3A_1303[15] : i32 from vector<16xi32>
    %eq3A_1305 = arith.constant 10 : i32
    %eq3A_1306 = vector.broadcast %eq3A_1305 : i32 to vector<16xi32>
    %eq3A_1307 = arith.cmpi eq, %iota3A, %eq3A_1306 : vector<16xi32>
    %broadcast_in_dim3A_1308 = vector.broadcast %reduce_sum3A_1304 : i32 to vector<16xi32>
    %select_n3A_1309 = arith.select %eq3A_1307, %broadcast_in_dim3A_1308, %select_n3A_1287 : vector<16xi1>, vector<16xi32>
    %jit3A_1310 = arith.constant 1 : i32
    %jit3A_1311 = arith.constant 0 : i32
    %broadcast_in_dim3A_1312 = vector.broadcast %jit3A_1310 : i32 to vector<16xi32>
    %broadcast_in_dim3A_1313 = vector.broadcast %jit3A_1311 : i32 to vector<16xi32>
    %select_n3A_1314 = arith.select %eq3A_1297, %broadcast_in_dim3A_1312, %broadcast_in_dim3A_1313 : vector<16xi1>, vector<16xi32>
    %add3A_1315 = arith.addi %add3A_1293, %select_n3A_1314 : vector<16xi32>
    %slice3A_1316 = vector.extract_strided_slice %get3A_1071 {offsets = [11], sizes = [1], strides = [1]} : vector<16xi32> to vector<1xi32>
    %squeeze3A_1317 = vector.extract %slice3A_1316[0] : i32 from vector<1xi32>
    %eq3A_1318 = vector.broadcast %squeeze3A_1317 : i32 to vector<16xi32>
    %eq3A_1319 = arith.cmpi eq, %iota3A, %eq3A_1318 : vector<16xi32>
    %jit3A_1320 = arith.constant 0 : i32
    %broadcast_in_dim3A_1321 = vector.broadcast %jit3A_1320 : i32 to vector<16xi32>
    %select_n3A_1322 = arith.select %eq3A_1319, %add3A_1315, %broadcast_in_dim3A_1321 : vector<16xi1>, vector<16xi32>
    %reduce_sum3A_1323 = arith.constant true
    %reduce_sum3A_1324 = vector.broadcast %reduce_sum3A_1323 : i1 to vector<16xi1>
    %reduce_sum3A_1325 = tpu.scan <sum>, %select_n3A_1322 masked %reduce_sum3A_1324 : vector<16xi32>, vector<16xi1> -> vector<16xi32>
    %reduce_sum3A_1326 = vector.extract %reduce_sum3A_1325[15] : i32 from vector<16xi32>
    %eq3A_1327 = arith.constant 11 : i32
    %eq3A_1328 = vector.broadcast %eq3A_1327 : i32 to vector<16xi32>
    %eq3A_1329 = arith.cmpi eq, %iota3A, %eq3A_1328 : vector<16xi32>
    %broadcast_in_dim3A_1330 = vector.broadcast %reduce_sum3A_1326 : i32 to vector<16xi32>
    %select_n3A_1331 = arith.select %eq3A_1329, %broadcast_in_dim3A_1330, %select_n3A_1309 : vector<16xi1>, vector<16xi32>
    %jit3A_1332 = arith.constant 1 : i32
    %jit3A_1333 = arith.constant 0 : i32
    %broadcast_in_dim3A_1334 = vector.broadcast %jit3A_1332 : i32 to vector<16xi32>
    %broadcast_in_dim3A_1335 = vector.broadcast %jit3A_1333 : i32 to vector<16xi32>
    %select_n3A_1336 = arith.select %eq3A_1319, %broadcast_in_dim3A_1334, %broadcast_in_dim3A_1335 : vector<16xi1>, vector<16xi32>
    %add3A_1337 = arith.addi %add3A_1315, %select_n3A_1336 : vector<16xi32>
    %slice3A_1338 = vector.extract_strided_slice %get3A_1071 {offsets = [12], sizes = [1], strides = [1]} : vector<16xi32> to vector<1xi32>
    %squeeze3A_1339 = vector.extract %slice3A_1338[0] : i32 from vector<1xi32>
    %eq3A_1340 = vector.broadcast %squeeze3A_1339 : i32 to vector<16xi32>
    %eq3A_1341 = arith.cmpi eq, %iota3A, %eq3A_1340 : vector<16xi32>
    %jit3A_1342 = arith.constant 0 : i32
    %broadcast_in_dim3A_1343 = vector.broadcast %jit3A_1342 : i32 to vector<16xi32>
    %select_n3A_1344 = arith.select %eq3A_1341, %add3A_1337, %broadcast_in_dim3A_1343 : vector<16xi1>, vector<16xi32>
    %reduce_sum3A_1345 = arith.constant true
    %reduce_sum3A_1346 = vector.broadcast %reduce_sum3A_1345 : i1 to vector<16xi1>
    %reduce_sum3A_1347 = tpu.scan <sum>, %select_n3A_1344 masked %reduce_sum3A_1346 : vector<16xi32>, vector<16xi1> -> vector<16xi32>
    %reduce_sum3A_1348 = vector.extract %reduce_sum3A_1347[15] : i32 from vector<16xi32>
    %eq3A_1349 = arith.constant 12 : i32
    %eq3A_1350 = vector.broadcast %eq3A_1349 : i32 to vector<16xi32>
    %eq3A_1351 = arith.cmpi eq, %iota3A, %eq3A_1350 : vector<16xi32>
    %broadcast_in_dim3A_1352 = vector.broadcast %reduce_sum3A_1348 : i32 to vector<16xi32>
    %select_n3A_1353 = arith.select %eq3A_1351, %broadcast_in_dim3A_1352, %select_n3A_1331 : vector<16xi1>, vector<16xi32>
    %jit3A_1354 = arith.constant 1 : i32
    %jit3A_1355 = arith.constant 0 : i32
    %broadcast_in_dim3A_1356 = vector.broadcast %jit3A_1354 : i32 to vector<16xi32>
    %broadcast_in_dim3A_1357 = vector.broadcast %jit3A_1355 : i32 to vector<16xi32>
    %select_n3A_1358 = arith.select %eq3A_1341, %broadcast_in_dim3A_1356, %broadcast_in_dim3A_1357 : vector<16xi1>, vector<16xi32>
    %add3A_1359 = arith.addi %add3A_1337, %select_n3A_1358 : vector<16xi32>
    %slice3A_1360 = vector.extract_strided_slice %get3A_1071 {offsets = [13], sizes = [1], strides = [1]} : vector<16xi32> to vector<1xi32>
    %squeeze3A_1361 = vector.extract %slice3A_1360[0] : i32 from vector<1xi32>
    %eq3A_1362 = vector.broadcast %squeeze3A_1361 : i32 to vector<16xi32>
    %eq3A_1363 = arith.cmpi eq, %iota3A, %eq3A_1362 : vector<16xi32>
    %jit3A_1364 = arith.constant 0 : i32
    %broadcast_in_dim3A_1365 = vector.broadcast %jit3A_1364 : i32 to vector<16xi32>
    %select_n3A_1366 = arith.select %eq3A_1363, %add3A_1359, %broadcast_in_dim3A_1365 : vector<16xi1>, vector<16xi32>
    %reduce_sum3A_1367 = arith.constant true
    %reduce_sum3A_1368 = vector.broadcast %reduce_sum3A_1367 : i1 to vector<16xi1>
    %reduce_sum3A_1369 = tpu.scan <sum>, %select_n3A_1366 masked %reduce_sum3A_1368 : vector<16xi32>, vector<16xi1> -> vector<16xi32>
    %reduce_sum3A_1370 = vector.extract %reduce_sum3A_1369[15] : i32 from vector<16xi32>
    %eq3A_1371 = arith.constant 13 : i32
    %eq3A_1372 = vector.broadcast %eq3A_1371 : i32 to vector<16xi32>
    %eq3A_1373 = arith.cmpi eq, %iota3A, %eq3A_1372 : vector<16xi32>
    %broadcast_in_dim3A_1374 = vector.broadcast %reduce_sum3A_1370 : i32 to vector<16xi32>
    %select_n3A_1375 = arith.select %eq3A_1373, %broadcast_in_dim3A_1374, %select_n3A_1353 : vector<16xi1>, vector<16xi32>
    %jit3A_1376 = arith.constant 1 : i32
    %jit3A_1377 = arith.constant 0 : i32
    %broadcast_in_dim3A_1378 = vector.broadcast %jit3A_1376 : i32 to vector<16xi32>
    %broadcast_in_dim3A_1379 = vector.broadcast %jit3A_1377 : i32 to vector<16xi32>
    %select_n3A_1380 = arith.select %eq3A_1363, %broadcast_in_dim3A_1378, %broadcast_in_dim3A_1379 : vector<16xi1>, vector<16xi32>
    %add3A_1381 = arith.addi %add3A_1359, %select_n3A_1380 : vector<16xi32>
    %slice3A_1382 = vector.extract_strided_slice %get3A_1071 {offsets = [14], sizes = [1], strides = [1]} : vector<16xi32> to vector<1xi32>
    %squeeze3A_1383 = vector.extract %slice3A_1382[0] : i32 from vector<1xi32>
    %eq3A_1384 = vector.broadcast %squeeze3A_1383 : i32 to vector<16xi32>
    %eq3A_1385 = arith.cmpi eq, %iota3A, %eq3A_1384 : vector<16xi32>
    %jit3A_1386 = arith.constant 0 : i32
    %broadcast_in_dim3A_1387 = vector.broadcast %jit3A_1386 : i32 to vector<16xi32>
    %select_n3A_1388 = arith.select %eq3A_1385, %add3A_1381, %broadcast_in_dim3A_1387 : vector<16xi1>, vector<16xi32>
    %reduce_sum3A_1389 = arith.constant true
    %reduce_sum3A_1390 = vector.broadcast %reduce_sum3A_1389 : i1 to vector<16xi1>
    %reduce_sum3A_1391 = tpu.scan <sum>, %select_n3A_1388 masked %reduce_sum3A_1390 : vector<16xi32>, vector<16xi1> -> vector<16xi32>
    %reduce_sum3A_1392 = vector.extract %reduce_sum3A_1391[15] : i32 from vector<16xi32>
    %eq3A_1393 = arith.constant 14 : i32
    %eq3A_1394 = vector.broadcast %eq3A_1393 : i32 to vector<16xi32>
    %eq3A_1395 = arith.cmpi eq, %iota3A, %eq3A_1394 : vector<16xi32>
    %broadcast_in_dim3A_1396 = vector.broadcast %reduce_sum3A_1392 : i32 to vector<16xi32>
    %select_n3A_1397 = arith.select %eq3A_1395, %broadcast_in_dim3A_1396, %select_n3A_1375 : vector<16xi1>, vector<16xi32>
    %jit3A_1398 = arith.constant 1 : i32
    %jit3A_1399 = arith.constant 0 : i32
    %broadcast_in_dim3A_1400 = vector.broadcast %jit3A_1398 : i32 to vector<16xi32>
    %broadcast_in_dim3A_1401 = vector.broadcast %jit3A_1399 : i32 to vector<16xi32>
    %select_n3A_1402 = arith.select %eq3A_1385, %broadcast_in_dim3A_1400, %broadcast_in_dim3A_1401 : vector<16xi1>, vector<16xi32>
    %add3A_1403 = arith.addi %add3A_1381, %select_n3A_1402 : vector<16xi32>
    %slice3A_1404 = vector.extract_strided_slice %get3A_1071 {offsets = [15], sizes = [1], strides = [1]} : vector<16xi32> to vector<1xi32>
    %squeeze3A_1405 = vector.extract %slice3A_1404[0] : i32 from vector<1xi32>
    %eq3A_1406 = vector.broadcast %squeeze3A_1405 : i32 to vector<16xi32>
    %eq3A_1407 = arith.cmpi eq, %iota3A, %eq3A_1406 : vector<16xi32>
    %jit3A_1408 = arith.constant 0 : i32
    %broadcast_in_dim3A_1409 = vector.broadcast %jit3A_1408 : i32 to vector<16xi32>
    %select_n3A_1410 = arith.select %eq3A_1407, %add3A_1403, %broadcast_in_dim3A_1409 : vector<16xi1>, vector<16xi32>
    %reduce_sum3A_1411 = arith.constant true
    %reduce_sum3A_1412 = vector.broadcast %reduce_sum3A_1411 : i1 to vector<16xi1>
    %reduce_sum3A_1413 = tpu.scan <sum>, %select_n3A_1410 masked %reduce_sum3A_1412 : vector<16xi32>, vector<16xi1> -> vector<16xi32>
    %reduce_sum3A_1414 = vector.extract %reduce_sum3A_1413[15] : i32 from vector<16xi32>
    %eq3A_1415 = arith.constant 15 : i32
    %eq3A_1416 = vector.broadcast %eq3A_1415 : i32 to vector<16xi32>
    %eq3A_1417 = arith.cmpi eq, %iota3A, %eq3A_1416 : vector<16xi32>
    %broadcast_in_dim3A_1418 = vector.broadcast %reduce_sum3A_1414 : i32 to vector<16xi32>
    %select_n3A_1419 = arith.select %eq3A_1417, %broadcast_in_dim3A_1418, %select_n3A_1397 : vector<16xi1>, vector<16xi32>
    %jit3A_1420 = arith.constant 1 : i32
    %jit3A_1421 = arith.constant 0 : i32
    %broadcast_in_dim3A_1422 = vector.broadcast %jit3A_1420 : i32 to vector<16xi32>
    %broadcast_in_dim3A_1423 = vector.broadcast %jit3A_1421 : i32 to vector<16xi32>
    %select_n3A_1424 = arith.select %eq3A_1407, %broadcast_in_dim3A_1422, %broadcast_in_dim3A_1423 : vector<16xi1>, vector<16xi32>
    %add3A_1425 = arith.addi %add3A_1403, %select_n3A_1424 : vector<16xi32>
    %swap3A_1426 = arith.constant 48 : index
    %swap3A_1427 = tpu.vector_load %arg6[%swap3A_1426] {strides = array<i32>} : memref<64xi32, #tpu.memory_space<vmem>>, vector<16xi32>,
    tpu.vector_store %arg6[%swap3A_1426], %select_n3A_1419 {strides = array<i32>} : memref<64xi32, #tpu.memory_space<vmem>>, vector<16xi32>,
    %swap3A_1428 = arith.constant 0 : index
    %swap3A_1429 = tpu.vector_load %arg7[%swap3A_1428] {strides = array<i32>} : memref<16xi32, #tpu.memory_space<vmem>>, vector<16xi32>,
    tpu.vector_store %arg7[%swap3A_1428], %add3A_1425 {strides = array<i32>} : memref<16xi32, #tpu.memory_space<vmem>>, vector<16xi32>,
    "tpu.region"() ({
      %run_scoped3A = tpu.sem_alloc : memref<!tpu.dma_semaphore, #tpu.memory_space<semaphore_mem>>
      %dma_start3A = arith.constant 0 : i32
      %dma_start3A_1430 = tpu.memref_slice %arg3[%add3A, %dma_start3A] : memref<32x16xi32, #tpu.memory_space<hbm>> -> memref<1x16xi32, #tpu.memory_space<hbm>>
      %dma_start3A_1431 = tpu.memref_squeeze %dma_start3A_1430 : memref<1x16xi32, #tpu.memory_space<hbm>> -> memref<16xi32, #tpu.memory_space<hbm>>
      %dma_start3A_1432 = arith.constant 0 : i32
      %dma_start3A_1433 = tpu.memref_slice %arg3[%add3A, %dma_start3A_1432] : memref<32x16xi32, #tpu.memory_space<hbm>> -> memref<1x16xi32, #tpu.memory_space<hbm>>
      %dma_start3A_1434 = tpu.memref_squeeze %dma_start3A_1433 : memref<1x16xi32, #tpu.memory_space<hbm>> -> memref<16xi32, #tpu.memory_space<hbm>>
      tpu.enqueue_dma source(%arg7 : memref<16xi32, #tpu.memory_space<vmem>>) target(%dma_start3A_1434 : memref<16xi32, #tpu.memory_space<hbm>>) target_semaphore(%run_scoped3A : memref<!tpu.dma_semaphore, #tpu.memory_space<semaphore_mem>>)
      %dma_wait3A = arith.constant 0 : i32
      %dma_wait3A_1435 = tpu.memref_slice %arg3[%add3A, %dma_wait3A] : memref<32x16xi32, #tpu.memory_space<hbm>> -> memref<1x16xi32, #tpu.memory_space<hbm>>
      %dma_wait3A_1436 = tpu.memref_squeeze %dma_wait3A_1435 : memref<1x16xi32, #tpu.memory_space<hbm>> -> memref<16xi32, #tpu.memory_space<hbm>>
      %dma_wait3A_1437 = arith.constant 0 : i32
      %dma_wait3A_1438 = tpu.memref_slice %arg3[%add3A, %dma_wait3A_1437] : memref<32x16xi32, #tpu.memory_space<hbm>> -> memref<1x16xi32, #tpu.memory_space<hbm>>
      %dma_wait3A_1439 = tpu.memref_squeeze %dma_wait3A_1438 : memref<1x16xi32, #tpu.memory_space<hbm>> -> memref<16xi32, #tpu.memory_space<hbm>>
      tpu.wait_dma2 semaphore(%run_scoped3A : memref<!tpu.dma_semaphore, #tpu.memory_space<semaphore_mem>>) src(%arg7 : memref<16xi32, #tpu.memory_space<vmem>>) dst(%dma_wait3A_1439 : memref<16xi32, #tpu.memory_space<hbm>>)
      tpu.yield
    }) : () -> ()
    "tpu.region"() ({
      %run_scoped3A = tpu.sem_alloc : memref<!tpu.dma_semaphore, #tpu.memory_space<semaphore_mem>>
      %dma_start3A = tpu.memref_slice %arg4[%mul3A_2] : memref<2048xi32, #tpu.memory_space<hbm>> -> memref<64xi32, #tpu.memory_space<hbm>>
      %dma_start3A_1430 = tpu.memref_slice %arg4[%mul3A_2] : memref<2048xi32, #tpu.memory_space<hbm>> -> memref<64xi32, #tpu.memory_space<hbm>>
      tpu.enqueue_dma source(%arg6 : memref<64xi32, #tpu.memory_space<vmem>>) target(%dma_start3A_1430 : memref<64xi32, #tpu.memory_space<hbm>>) target_semaphore(%run_scoped3A : memref<!tpu.dma_semaphore, #tpu.memory_space<semaphore_mem>>)
      %dma_wait3A = tpu.memref_slice %arg4[%mul3A_2] : memref<2048xi32, #tpu.memory_space<hbm>> -> memref<64xi32, #tpu.memory_space<hbm>>
      %dma_wait3A_1431 = tpu.memref_slice %arg4[%mul3A_2] : memref<2048xi32, #tpu.memory_space<hbm>> -> memref<64xi32, #tpu.memory_space<hbm>>
      tpu.wait_dma2 semaphore(%run_scoped3A : memref<!tpu.dma_semaphore, #tpu.memory_space<semaphore_mem>>) src(%arg6 : memref<64xi32, #tpu.memory_space<vmem>>) dst(%dma_wait3A_1431 : memref<64xi32, #tpu.memory_space<hbm>>)
      tpu.yield
    }) : () -> ()
    return
  }
}

#map = affine_map<(d0, d1) -> (0, 0)>
#map1 = affine_map<(d0, d1) -> (0)>
module attributes {stable_mosaic.version = 14 : i64} {
  func.func @_unsort_body(%arg0: i32, %arg1: i32, %arg2: memref<8x5888xf32, #tpu.memory_space<hbm>>, %arg3: memref<2048xi32, #tpu.memory_space<hbm>>, %arg4: memref<2048xf32, #tpu.memory_space<hbm>>, %arg5: memref<5888xf32, #tpu.memory_space<vmem>>, %arg6: memref<64xi32, #tpu.memory_space<vmem>>, %arg7: memref<64xf32, #tpu.memory_space<vmem>>) attributes {dimension_semantics = [#tpu.dimension_semantics<core_parallel>, #tpu.dimension_semantics<subcore_parallel>], iteration_bounds = array<i64: 2, 16>, scalar_prefetch = 0 : i64, scratch_operands = 3 : i64, tpu.core_type = #tpu.core_type<sc_vector_subcore>, window_params = [{transform_indices = #map}, {transform_indices = #map1}, {transform_indices = #map1}]} {
    %mul3A = arith.constant 16 : i32
    %mul3A_0 = arith.muli %arg0, %mul3A : i32
    %add3A = arith.addi %mul3A_0, %arg1 : i32
    %mul3A_1 = arith.constant 64 : i32
    %mul3A_2 = arith.muli %add3A, %mul3A_1 : i32
    %run_scoped3A = arith.constant 0 : i32
    "tpu.region"() ({
      %run_scoped3A_20 = tpu.sem_alloc : memref<!tpu.dma_semaphore, #tpu.memory_space<semaphore_mem>>
      %dma_start3A = arith.constant 0 : i32
      %dma_start3A_21 = tpu.memref_slice %arg2[%run_scoped3A, %dma_start3A] : memref<8x5888xf32, #tpu.memory_space<hbm>> -> memref<1x5888xf32, #tpu.memory_space<hbm>>
      %dma_start3A_22 = tpu.memref_squeeze %dma_start3A_21 : memref<1x5888xf32, #tpu.memory_space<hbm>> -> memref<5888xf32, #tpu.memory_space<hbm>>
      %dma_start3A_23 = arith.constant 0 : i32
      %dma_start3A_24 = tpu.memref_slice %arg2[%run_scoped3A, %dma_start3A_23] : memref<8x5888xf32, #tpu.memory_space<hbm>> -> memref<1x5888xf32, #tpu.memory_space<hbm>>
      %dma_start3A_25 = tpu.memref_squeeze %dma_start3A_24 : memref<1x5888xf32, #tpu.memory_space<hbm>> -> memref<5888xf32, #tpu.memory_space<hbm>>
      tpu.enqueue_dma source(%dma_start3A_25 : memref<5888xf32, #tpu.memory_space<hbm>>) target(%arg5 : memref<5888xf32, #tpu.memory_space<vmem>>) target_semaphore(%run_scoped3A_20 : memref<!tpu.dma_semaphore, #tpu.memory_space<semaphore_mem>>)
      %dma_wait3A = arith.constant 0 : i32
      %dma_wait3A_26 = tpu.memref_slice %arg2[%run_scoped3A, %dma_wait3A] : memref<8x5888xf32, #tpu.memory_space<hbm>> -> memref<1x5888xf32, #tpu.memory_space<hbm>>
      %dma_wait3A_27 = tpu.memref_squeeze %dma_wait3A_26 : memref<1x5888xf32, #tpu.memory_space<hbm>> -> memref<5888xf32, #tpu.memory_space<hbm>>
      %dma_wait3A_28 = arith.constant 0 : i32
      %dma_wait3A_29 = tpu.memref_slice %arg2[%run_scoped3A, %dma_wait3A_28] : memref<8x5888xf32, #tpu.memory_space<hbm>> -> memref<1x5888xf32, #tpu.memory_space<hbm>>
      %dma_wait3A_30 = tpu.memref_squeeze %dma_wait3A_29 : memref<1x5888xf32, #tpu.memory_space<hbm>> -> memref<5888xf32, #tpu.memory_space<hbm>>
      tpu.wait_dma2 semaphore(%run_scoped3A_20 : memref<!tpu.dma_semaphore, #tpu.memory_space<semaphore_mem>>) src(%dma_wait3A_30 : memref<5888xf32, #tpu.memory_space<hbm>>) dst(%arg5 : memref<5888xf32, #tpu.memory_space<vmem>>)
      tpu.yield
    }) : () -> ()
    "tpu.region"() ({
      %run_scoped3A_20 = tpu.sem_alloc : memref<!tpu.dma_semaphore, #tpu.memory_space<semaphore_mem>>
      %dma_start3A = tpu.memref_slice %arg3[%mul3A_2] : memref<2048xi32, #tpu.memory_space<hbm>> -> memref<64xi32, #tpu.memory_space<hbm>>
      %dma_start3A_21 = tpu.memref_slice %arg3[%mul3A_2] : memref<2048xi32, #tpu.memory_space<hbm>> -> memref<64xi32, #tpu.memory_space<hbm>>
      tpu.enqueue_dma source(%dma_start3A_21 : memref<64xi32, #tpu.memory_space<hbm>>) target(%arg6 : memref<64xi32, #tpu.memory_space<vmem>>) target_semaphore(%run_scoped3A_20 : memref<!tpu.dma_semaphore, #tpu.memory_space<semaphore_mem>>)
      %dma_wait3A = tpu.memref_slice %arg3[%mul3A_2] : memref<2048xi32, #tpu.memory_space<hbm>> -> memref<64xi32, #tpu.memory_space<hbm>>
      %dma_wait3A_22 = tpu.memref_slice %arg3[%mul3A_2] : memref<2048xi32, #tpu.memory_space<hbm>> -> memref<64xi32, #tpu.memory_space<hbm>>
      tpu.wait_dma2 semaphore(%run_scoped3A_20 : memref<!tpu.dma_semaphore, #tpu.memory_space<semaphore_mem>>) src(%dma_wait3A_22 : memref<64xi32, #tpu.memory_space<hbm>>) dst(%arg6 : memref<64xi32, #tpu.memory_space<vmem>>)
      tpu.yield
    }) : () -> ()
    %get3A = arith.constant 0 : index
    %get3A_3 = tpu.vector_load %arg6[%get3A] {strides = array<i32>} : memref<64xi32, #tpu.memory_space<vmem>>, vector<16xi32>,
    %gather3A = tpu.vector_load_idx %arg5[%get3A_3] : memref<5888xf32, #tpu.memory_space<vmem>>[vector<16xi32>], vector<16xf32>,
    %swap3A = arith.constant 0 : index
    %swap3A_4 = tpu.vector_load %arg7[%swap3A] {strides = array<i32>} : memref<64xf32, #tpu.memory_space<vmem>>, vector<16xf32>,
    tpu.vector_store %arg7[%swap3A], %gather3A {strides = array<i32>} : memref<64xf32, #tpu.memory_space<vmem>>, vector<16xf32>,
    %get3A_5 = arith.constant 16 : index
    %get3A_6 = tpu.vector_load %arg6[%get3A_5] {strides = array<i32>} : memref<64xi32, #tpu.memory_space<vmem>>, vector<16xi32>,
    %gather3A_7 = tpu.vector_load_idx %arg5[%get3A_6] : memref<5888xf32, #tpu.memory_space<vmem>>[vector<16xi32>], vector<16xf32>,
    %swap3A_8 = arith.constant 16 : index
    %swap3A_9 = tpu.vector_load %arg7[%swap3A_8] {strides = array<i32>} : memref<64xf32, #tpu.memory_space<vmem>>, vector<16xf32>,
    tpu.vector_store %arg7[%swap3A_8], %gather3A_7 {strides = array<i32>} : memref<64xf32, #tpu.memory_space<vmem>>, vector<16xf32>,
    %get3A_10 = arith.constant 32 : index
    %get3A_11 = tpu.vector_load %arg6[%get3A_10] {strides = array<i32>} : memref<64xi32, #tpu.memory_space<vmem>>, vector<16xi32>,
    %gather3A_12 = tpu.vector_load_idx %arg5[%get3A_11] : memref<5888xf32, #tpu.memory_space<vmem>>[vector<16xi32>], vector<16xf32>,
    %swap3A_13 = arith.constant 32 : index
    %swap3A_14 = tpu.vector_load %arg7[%swap3A_13] {strides = array<i32>} : memref<64xf32, #tpu.memory_space<vmem>>, vector<16xf32>,
    tpu.vector_store %arg7[%swap3A_13], %gather3A_12 {strides = array<i32>} : memref<64xf32, #tpu.memory_space<vmem>>, vector<16xf32>,
    %get3A_15 = arith.constant 48 : index
    %get3A_16 = tpu.vector_load %arg6[%get3A_15] {strides = array<i32>} : memref<64xi32, #tpu.memory_space<vmem>>, vector<16xi32>,
    %gather3A_17 = tpu.vector_load_idx %arg5[%get3A_16] : memref<5888xf32, #tpu.memory_space<vmem>>[vector<16xi32>], vector<16xf32>,
    %swap3A_18 = arith.constant 48 : index
    %swap3A_19 = tpu.vector_load %arg7[%swap3A_18] {strides = array<i32>} : memref<64xf32, #tpu.memory_space<vmem>>, vector<16xf32>,
    tpu.vector_store %arg7[%swap3A_18], %gather3A_17 {strides = array<i32>} : memref<64xf32, #tpu.memory_space<vmem>>, vector<16xf32>,
    "tpu.region"() ({
      %run_scoped3A_20 = tpu.sem_alloc : memref<!tpu.dma_semaphore, #tpu.memory_space<semaphore_mem>>
      %dma_start3A = tpu.memref_slice %arg4[%mul3A_2] : memref<2048xf32, #tpu.memory_space<hbm>> -> memref<64xf32, #tpu.memory_space<hbm>>
      %dma_start3A_21 = tpu.memref_slice %arg4[%mul3A_2] : memref<2048xf32, #tpu.memory_space<hbm>> -> memref<64xf32, #tpu.memory_space<hbm>>
      tpu.enqueue_dma source(%arg7 : memref<64xf32, #tpu.memory_space<vmem>>) target(%dma_start3A_21 : memref<64xf32, #tpu.memory_space<hbm>>) target_semaphore(%run_scoped3A_20 : memref<!tpu.dma_semaphore, #tpu.memory_space<semaphore_mem>>)
      %dma_wait3A = tpu.memref_slice %arg4[%mul3A_2] : memref<2048xf32, #tpu.memory_space<hbm>> -> memref<64xf32, #tpu.memory_space<hbm>>
      %dma_wait3A_22 = tpu.memref_slice %arg4[%mul3A_2] : memref<2048xf32, #tpu.memory_space<hbm>> -> memref<64xf32, #tpu.memory_space<hbm>>
      tpu.wait_dma2 semaphore(%run_scoped3A_20 : memref<!tpu.dma_semaphore, #tpu.memory_space<semaphore_mem>>) src(%arg7 : memref<64xf32, #tpu.memory_space<vmem>>) dst(%dma_wait3A_22 : memref<64xf32, #tpu.memory_space<hbm>>)
      tpu.yield
    }) : () -> ()
    return
  }
}

#map = affine_map<(d0, d1) -> (0, 0)>
#map1 = affine_map<(d0, d1) -> (0)>
module attributes {stable_mosaic.version = 14 : i64} {
  func.func @_scatter_body(%arg0: i32, %arg1: i32, %arg2: memref<2048x1024xf32, #tpu.memory_space<hbm>>, %arg3: memref<2048xi32, #tpu.memory_space<hbm>>, %arg4: memref<32x16xi32, #tpu.memory_space<hbm>>, %arg5: memref<2048xi32, #tpu.memory_space<hbm>>, %arg6: memref<5888x1024xf32, #tpu.memory_space<hbm>>, %arg7: memref<2048xi32, #tpu.memory_space<hbm>>, %arg8: memref<32xi32, #tpu.memory_space<hbm>>, %arg9: memref<64xi32, #tpu.memory_space<vmem>>, %arg10: memref<64xi32, #tpu.memory_space<vmem>>, %arg11: memref<64xi32, #tpu.memory_space<vmem>>, %arg12: memref<16xi32, #tpu.memory_space<vmem>>, %arg13: memref<32x16xi32, #tpu.memory_space<vmem>>, %arg14: memref<32xi32, #tpu.memory_space<vmem>>, %arg15: memref<64x1024xf32, #tpu.memory_space<vmem>>, %arg16: memref<!tpu.dma_semaphore, #tpu.memory_space<semaphore_mem>>) attributes {dimension_semantics = [#tpu.dimension_semantics<core_parallel>, #tpu.dimension_semantics<subcore_parallel>], iteration_bounds = array<i64: 2, 16>, scalar_prefetch = 0 : i64, scratch_operands = 8 : i64, tpu.core_type = #tpu.core_type<sc_vector_subcore>, window_params = [{transform_indices = #map}, {transform_indices = #map1}, {transform_indices = #map}, {transform_indices = #map1}, {transform_indices = #map}, {transform_indices = #map1}, {transform_indices = #map1}]} {
    %mul3A = arith.constant 16 : i32
    %mul3A_0 = arith.muli %arg0, %mul3A : i32
    %add3A = arith.addi %mul3A_0, %arg1 : i32
    %mul3A_1 = arith.constant 64 : i32
    %mul3A_2 = arith.muli %add3A, %mul3A_1 : i32
    %iota3A = tpu.iota {dimensions = array<i32: 0>} : vector<16xi32>
    "tpu.region"() ({
      %run_scoped3A = tpu.sem_alloc : memref<!tpu.dma_semaphore, #tpu.memory_space<semaphore_mem>>
      tpu.enqueue_dma source(%arg4 : memref<32x16xi32, #tpu.memory_space<hbm>>) target(%arg13 : memref<32x16xi32, #tpu.memory_space<vmem>>) target_semaphore(%run_scoped3A : memref<!tpu.dma_semaphore, #tpu.memory_space<semaphore_mem>>)
      tpu.wait_dma2 semaphore(%run_scoped3A : memref<!tpu.dma_semaphore, #tpu.memory_space<semaphore_mem>>) src(%arg4 : memref<32x16xi32, #tpu.memory_space<hbm>>) dst(%arg13 : memref<32x16xi32, #tpu.memory_space<vmem>>)
      tpu.yield
    }) : () -> ()
    "tpu.region"() ({
      %run_scoped3A = tpu.sem_alloc : memref<!tpu.dma_semaphore, #tpu.memory_space<semaphore_mem>>
      %dma_start3A_884 = tpu.memref_slice %arg3[%mul3A_2] : memref<2048xi32, #tpu.memory_space<hbm>> -> memref<64xi32, #tpu.memory_space<hbm>>
      %dma_start3A_885 = tpu.memref_slice %arg3[%mul3A_2] : memref<2048xi32, #tpu.memory_space<hbm>> -> memref<64xi32, #tpu.memory_space<hbm>>
      tpu.enqueue_dma source(%dma_start3A_885 : memref<64xi32, #tpu.memory_space<hbm>>) target(%arg9 : memref<64xi32, #tpu.memory_space<vmem>>) target_semaphore(%run_scoped3A : memref<!tpu.dma_semaphore, #tpu.memory_space<semaphore_mem>>)
      %dma_wait3A_886 = tpu.memref_slice %arg3[%mul3A_2] : memref<2048xi32, #tpu.memory_space<hbm>> -> memref<64xi32, #tpu.memory_space<hbm>>
      %dma_wait3A_887 = tpu.memref_slice %arg3[%mul3A_2] : memref<2048xi32, #tpu.memory_space<hbm>> -> memref<64xi32, #tpu.memory_space<hbm>>
      tpu.wait_dma2 semaphore(%run_scoped3A : memref<!tpu.dma_semaphore, #tpu.memory_space<semaphore_mem>>) src(%dma_wait3A_887 : memref<64xi32, #tpu.memory_space<hbm>>) dst(%arg9 : memref<64xi32, #tpu.memory_space<vmem>>)
      tpu.yield
    }) : () -> ()
    "tpu.region"() ({
      %run_scoped3A = tpu.sem_alloc : memref<!tpu.dma_semaphore, #tpu.memory_space<semaphore_mem>>
      %dma_start3A_884 = tpu.memref_slice %arg5[%mul3A_2] : memref<2048xi32, #tpu.memory_space<hbm>> -> memref<64xi32, #tpu.memory_space<hbm>>
      %dma_start3A_885 = tpu.memref_slice %arg5[%mul3A_2] : memref<2048xi32, #tpu.memory_space<hbm>> -> memref<64xi32, #tpu.memory_space<hbm>>
      tpu.enqueue_dma source(%dma_start3A_885 : memref<64xi32, #tpu.memory_space<hbm>>) target(%arg10 : memref<64xi32, #tpu.memory_space<vmem>>) target_semaphore(%run_scoped3A : memref<!tpu.dma_semaphore, #tpu.memory_space<semaphore_mem>>)
      %dma_wait3A_886 = tpu.memref_slice %arg5[%mul3A_2] : memref<2048xi32, #tpu.memory_space<hbm>> -> memref<64xi32, #tpu.memory_space<hbm>>
      %dma_wait3A_887 = tpu.memref_slice %arg5[%mul3A_2] : memref<2048xi32, #tpu.memory_space<hbm>> -> memref<64xi32, #tpu.memory_space<hbm>>
      tpu.wait_dma2 semaphore(%run_scoped3A : memref<!tpu.dma_semaphore, #tpu.memory_space<semaphore_mem>>) src(%dma_wait3A_887 : memref<64xi32, #tpu.memory_space<hbm>>) dst(%arg10 : memref<64xi32, #tpu.memory_space<vmem>>)
      tpu.yield
    }) : () -> ()
    %broadcast_in_dim3A = arith.constant 0 : i32
    %broadcast_in_dim3A_3 = vector.broadcast %broadcast_in_dim3A : i32 to vector<16xi32>
    %broadcast_in_dim3A_4 = arith.constant 0 : i32
    %broadcast_in_dim3A_5 = vector.broadcast %broadcast_in_dim3A_4 : i32 to vector<16xi32>
    %get3A = arith.constant 0 : i32
    %get3A_6 = arith.index_cast %get3A : i32 to index
    %get3A_7 = arith.constant 0 : index
    %get3A_8 = tpu.vector_load %arg13[%get3A_6, %get3A_7] {strides = array<i32>} : memref<32x16xi32, #tpu.memory_space<vmem>>, vector<16xi32>,
    %add3A_9 = arith.addi %broadcast_in_dim3A_3, %get3A_8 : vector<16xi32>
    %gt3A = arith.constant 0 : i32
    %gt3A_10 = arith.cmpi sgt, %add3A, %gt3A : i32
    %convert_element_type3A = arith.extui %gt3A_10 : i1 to i32
    %mul3A_11 = vector.broadcast %convert_element_type3A : i32 to vector<16xi32>
    %mul3A_12 = arith.muli %get3A_8, %mul3A_11 : vector<16xi32>
    %add3A_13 = arith.addi %broadcast_in_dim3A_5, %mul3A_12 : vector<16xi32>
    %get3A_14 = arith.constant 1 : i32
    %get3A_15 = arith.index_cast %get3A_14 : i32 to index
    %get3A_16 = arith.constant 0 : index
    %get3A_17 = tpu.vector_load %arg13[%get3A_15, %get3A_16] {strides = array<i32>} : memref<32x16xi32, #tpu.memory_space<vmem>>, vector<16xi32>,
    %add3A_18 = arith.addi %add3A_9, %get3A_17 : vector<16xi32>
    %gt3A_19 = arith.constant 1 : i32
    %gt3A_20 = arith.cmpi sgt, %add3A, %gt3A_19 : i32
    %convert_element_type3A_21 = arith.extui %gt3A_20 : i1 to i32
    %mul3A_22 = vector.broadcast %convert_element_type3A_21 : i32 to vector<16xi32>
    %mul3A_23 = arith.muli %get3A_17, %mul3A_22 : vector<16xi32>
    %add3A_24 = arith.addi %add3A_13, %mul3A_23 : vector<16xi32>
    %get3A_25 = arith.constant 2 : i32
    %get3A_26 = arith.index_cast %get3A_25 : i32 to index
    %get3A_27 = arith.constant 0 : index
    %get3A_28 = tpu.vector_load %arg13[%get3A_26, %get3A_27] {strides = array<i32>} : memref<32x16xi32, #tpu.memory_space<vmem>>, vector<16xi32>,
    %add3A_29 = arith.addi %add3A_18, %get3A_28 : vector<16xi32>
    %gt3A_30 = arith.constant 2 : i32
    %gt3A_31 = arith.cmpi sgt, %add3A, %gt3A_30 : i32
    %convert_element_type3A_32 = arith.extui %gt3A_31 : i1 to i32
    %mul3A_33 = vector.broadcast %convert_element_type3A_32 : i32 to vector<16xi32>
    %mul3A_34 = arith.muli %get3A_28, %mul3A_33 : vector<16xi32>
    %add3A_35 = arith.addi %add3A_24, %mul3A_34 : vector<16xi32>
    %get3A_36 = arith.constant 3 : i32
    %get3A_37 = arith.index_cast %get3A_36 : i32 to index
    %get3A_38 = arith.constant 0 : index
    %get3A_39 = tpu.vector_load %arg13[%get3A_37, %get3A_38] {strides = array<i32>} : memref<32x16xi32, #tpu.memory_space<vmem>>, vector<16xi32>,
    %add3A_40 = arith.addi %add3A_29, %get3A_39 : vector<16xi32>
    %gt3A_41 = arith.constant 3 : i32
    %gt3A_42 = arith.cmpi sgt, %add3A, %gt3A_41 : i32
    %convert_element_type3A_43 = arith.extui %gt3A_42 : i1 to i32
    %mul3A_44 = vector.broadcast %convert_element_type3A_43 : i32 to vector<16xi32>
    %mul3A_45 = arith.muli %get3A_39, %mul3A_44 : vector<16xi32>
    %add3A_46 = arith.addi %add3A_35, %mul3A_45 : vector<16xi32>
    %get3A_47 = arith.constant 4 : i32
    %get3A_48 = arith.index_cast %get3A_47 : i32 to index
    %get3A_49 = arith.constant 0 : index
    %get3A_50 = tpu.vector_load %arg13[%get3A_48, %get3A_49] {strides = array<i32>} : memref<32x16xi32, #tpu.memory_space<vmem>>, vector<16xi32>,
    %add3A_51 = arith.addi %add3A_40, %get3A_50 : vector<16xi32>
    %gt3A_52 = arith.constant 4 : i32
    %gt3A_53 = arith.cmpi sgt, %add3A, %gt3A_52 : i32
    %convert_element_type3A_54 = arith.extui %gt3A_53 : i1 to i32
    %mul3A_55 = vector.broadcast %convert_element_type3A_54 : i32 to vector<16xi32>
    %mul3A_56 = arith.muli %get3A_50, %mul3A_55 : vector<16xi32>
    %add3A_57 = arith.addi %add3A_46, %mul3A_56 : vector<16xi32>
    %get3A_58 = arith.constant 5 : i32
    %get3A_59 = arith.index_cast %get3A_58 : i32 to index
    %get3A_60 = arith.constant 0 : index
    %get3A_61 = tpu.vector_load %arg13[%get3A_59, %get3A_60] {strides = array<i32>} : memref<32x16xi32, #tpu.memory_space<vmem>>, vector<16xi32>,
    %add3A_62 = arith.addi %add3A_51, %get3A_61 : vector<16xi32>
    %gt3A_63 = arith.constant 5 : i32
    %gt3A_64 = arith.cmpi sgt, %add3A, %gt3A_63 : i32
    %convert_element_type3A_65 = arith.extui %gt3A_64 : i1 to i32
    %mul3A_66 = vector.broadcast %convert_element_type3A_65 : i32 to vector<16xi32>
    %mul3A_67 = arith.muli %get3A_61, %mul3A_66 : vector<16xi32>
    %add3A_68 = arith.addi %add3A_57, %mul3A_67 : vector<16xi32>
    %get3A_69 = arith.constant 6 : i32
    %get3A_70 = arith.index_cast %get3A_69 : i32 to index
    %get3A_71 = arith.constant 0 : index
    %get3A_72 = tpu.vector_load %arg13[%get3A_70, %get3A_71] {strides = array<i32>} : memref<32x16xi32, #tpu.memory_space<vmem>>, vector<16xi32>,
    %add3A_73 = arith.addi %add3A_62, %get3A_72 : vector<16xi32>
    %gt3A_74 = arith.constant 6 : i32
    %gt3A_75 = arith.cmpi sgt, %add3A, %gt3A_74 : i32
    %convert_element_type3A_76 = arith.extui %gt3A_75 : i1 to i32
    %mul3A_77 = vector.broadcast %convert_element_type3A_76 : i32 to vector<16xi32>
    %mul3A_78 = arith.muli %get3A_72, %mul3A_77 : vector<16xi32>
    %add3A_79 = arith.addi %add3A_68, %mul3A_78 : vector<16xi32>
    %get3A_80 = arith.constant 7 : i32
    %get3A_81 = arith.index_cast %get3A_80 : i32 to index
    %get3A_82 = arith.constant 0 : index
    %get3A_83 = tpu.vector_load %arg13[%get3A_81, %get3A_82] {strides = array<i32>} : memref<32x16xi32, #tpu.memory_space<vmem>>, vector<16xi32>,
    %add3A_84 = arith.addi %add3A_73, %get3A_83 : vector<16xi32>
    %gt3A_85 = arith.constant 7 : i32
    %gt3A_86 = arith.cmpi sgt, %add3A, %gt3A_85 : i32
    %convert_element_type3A_87 = arith.extui %gt3A_86 : i1 to i32
    %mul3A_88 = vector.broadcast %convert_element_type3A_87 : i32 to vector<16xi32>
    %mul3A_89 = arith.muli %get3A_83, %mul3A_88 : vector<16xi32>
    %add3A_90 = arith.addi %add3A_79, %mul3A_89 : vector<16xi32>
    %get3A_91 = arith.constant 8 : i32
    %get3A_92 = arith.index_cast %get3A_91 : i32 to index
    %get3A_93 = arith.constant 0 : index
    %get3A_94 = tpu.vector_load %arg13[%get3A_92, %get3A_93] {strides = array<i32>} : memref<32x16xi32, #tpu.memory_space<vmem>>, vector<16xi32>,
    %add3A_95 = arith.addi %add3A_84, %get3A_94 : vector<16xi32>
    %gt3A_96 = arith.constant 8 : i32
    %gt3A_97 = arith.cmpi sgt, %add3A, %gt3A_96 : i32
    %convert_element_type3A_98 = arith.extui %gt3A_97 : i1 to i32
    %mul3A_99 = vector.broadcast %convert_element_type3A_98 : i32 to vector<16xi32>
    %mul3A_100 = arith.muli %get3A_94, %mul3A_99 : vector<16xi32>
    %add3A_101 = arith.addi %add3A_90, %mul3A_100 : vector<16xi32>
    %get3A_102 = arith.constant 9 : i32
    %get3A_103 = arith.index_cast %get3A_102 : i32 to index
    %get3A_104 = arith.constant 0 : index
    %get3A_105 = tpu.vector_load %arg13[%get3A_103, %get3A_104] {strides = array<i32>} : memref<32x16xi32, #tpu.memory_space<vmem>>, vector<16xi32>,
    %add3A_106 = arith.addi %add3A_95, %get3A_105 : vector<16xi32>
    %gt3A_107 = arith.constant 9 : i32
    %gt3A_108 = arith.cmpi sgt, %add3A, %gt3A_107 : i32
    %convert_element_type3A_109 = arith.extui %gt3A_108 : i1 to i32
    %mul3A_110 = vector.broadcast %convert_element_type3A_109 : i32 to vector<16xi32>
    %mul3A_111 = arith.muli %get3A_105, %mul3A_110 : vector<16xi32>
    %add3A_112 = arith.addi %add3A_101, %mul3A_111 : vector<16xi32>
    %get3A_113 = arith.constant 10 : i32
    %get3A_114 = arith.index_cast %get3A_113 : i32 to index
    %get3A_115 = arith.constant 0 : index
    %get3A_116 = tpu.vector_load %arg13[%get3A_114, %get3A_115] {strides = array<i32>} : memref<32x16xi32, #tpu.memory_space<vmem>>, vector<16xi32>,
    %add3A_117 = arith.addi %add3A_106, %get3A_116 : vector<16xi32>
    %gt3A_118 = arith.constant 10 : i32
    %gt3A_119 = arith.cmpi sgt, %add3A, %gt3A_118 : i32
    %convert_element_type3A_120 = arith.extui %gt3A_119 : i1 to i32
    %mul3A_121 = vector.broadcast %convert_element_type3A_120 : i32 to vector<16xi32>
    %mul3A_122 = arith.muli %get3A_116, %mul3A_121 : vector<16xi32>
    %add3A_123 = arith.addi %add3A_112, %mul3A_122 : vector<16xi32>
    %get3A_124 = arith.constant 11 : i32
    %get3A_125 = arith.index_cast %get3A_124 : i32 to index
    %get3A_126 = arith.constant 0 : index
    %get3A_127 = tpu.vector_load %arg13[%get3A_125, %get3A_126] {strides = array<i32>} : memref<32x16xi32, #tpu.memory_space<vmem>>, vector<16xi32>,
    %add3A_128 = arith.addi %add3A_117, %get3A_127 : vector<16xi32>
    %gt3A_129 = arith.constant 11 : i32
    %gt3A_130 = arith.cmpi sgt, %add3A, %gt3A_129 : i32
    %convert_element_type3A_131 = arith.extui %gt3A_130 : i1 to i32
    %mul3A_132 = vector.broadcast %convert_element_type3A_131 : i32 to vector<16xi32>
    %mul3A_133 = arith.muli %get3A_127, %mul3A_132 : vector<16xi32>
    %add3A_134 = arith.addi %add3A_123, %mul3A_133 : vector<16xi32>
    %get3A_135 = arith.constant 12 : i32
    %get3A_136 = arith.index_cast %get3A_135 : i32 to index
    %get3A_137 = arith.constant 0 : index
    %get3A_138 = tpu.vector_load %arg13[%get3A_136, %get3A_137] {strides = array<i32>} : memref<32x16xi32, #tpu.memory_space<vmem>>, vector<16xi32>,
    %add3A_139 = arith.addi %add3A_128, %get3A_138 : vector<16xi32>
    %gt3A_140 = arith.constant 12 : i32
    %gt3A_141 = arith.cmpi sgt, %add3A, %gt3A_140 : i32
    %convert_element_type3A_142 = arith.extui %gt3A_141 : i1 to i32
    %mul3A_143 = vector.broadcast %convert_element_type3A_142 : i32 to vector<16xi32>
    %mul3A_144 = arith.muli %get3A_138, %mul3A_143 : vector<16xi32>
    %add3A_145 = arith.addi %add3A_134, %mul3A_144 : vector<16xi32>
    %get3A_146 = arith.constant 13 : i32
    %get3A_147 = arith.index_cast %get3A_146 : i32 to index
    %get3A_148 = arith.constant 0 : index
    %get3A_149 = tpu.vector_load %arg13[%get3A_147, %get3A_148] {strides = array<i32>} : memref<32x16xi32, #tpu.memory_space<vmem>>, vector<16xi32>,
    %add3A_150 = arith.addi %add3A_139, %get3A_149 : vector<16xi32>
    %gt3A_151 = arith.constant 13 : i32
    %gt3A_152 = arith.cmpi sgt, %add3A, %gt3A_151 : i32
    %convert_element_type3A_153 = arith.extui %gt3A_152 : i1 to i32
    %mul3A_154 = vector.broadcast %convert_element_type3A_153 : i32 to vector<16xi32>
    %mul3A_155 = arith.muli %get3A_149, %mul3A_154 : vector<16xi32>
    %add3A_156 = arith.addi %add3A_145, %mul3A_155 : vector<16xi32>
    %get3A_157 = arith.constant 14 : i32
    %get3A_158 = arith.index_cast %get3A_157 : i32 to index
    %get3A_159 = arith.constant 0 : index
    %get3A_160 = tpu.vector_load %arg13[%get3A_158, %get3A_159] {strides = array<i32>} : memref<32x16xi32, #tpu.memory_space<vmem>>, vector<16xi32>,
    %add3A_161 = arith.addi %add3A_150, %get3A_160 : vector<16xi32>
    %gt3A_162 = arith.constant 14 : i32
    %gt3A_163 = arith.cmpi sgt, %add3A, %gt3A_162 : i32
    %convert_element_type3A_164 = arith.extui %gt3A_163 : i1 to i32
    %mul3A_165 = vector.broadcast %convert_element_type3A_164 : i32 to vector<16xi32>
    %mul3A_166 = arith.muli %get3A_160, %mul3A_165 : vector<16xi32>
    %add3A_167 = arith.addi %add3A_156, %mul3A_166 : vector<16xi32>
    %get3A_168 = arith.constant 15 : i32
    %get3A_169 = arith.index_cast %get3A_168 : i32 to index
    %get3A_170 = arith.constant 0 : index
    %get3A_171 = tpu.vector_load %arg13[%get3A_169, %get3A_170] {strides = array<i32>} : memref<32x16xi32, #tpu.memory_space<vmem>>, vector<16xi32>,
    %add3A_172 = arith.addi %add3A_161, %get3A_171 : vector<16xi32>
    %gt3A_173 = arith.constant 15 : i32
    %gt3A_174 = arith.cmpi sgt, %add3A, %gt3A_173 : i32
    %convert_element_type3A_175 = arith.extui %gt3A_174 : i1 to i32
    %mul3A_176 = vector.broadcast %convert_element_type3A_175 : i32 to vector<16xi32>
    %mul3A_177 = arith.muli %get3A_171, %mul3A_176 : vector<16xi32>
    %add3A_178 = arith.addi %add3A_167, %mul3A_177 : vector<16xi32>
    %get3A_179 = arith.constant 16 : i32
    %get3A_180 = arith.index_cast %get3A_179 : i32 to index
    %get3A_181 = arith.constant 0 : index
    %get3A_182 = tpu.vector_load %arg13[%get3A_180, %get3A_181] {strides = array<i32>} : memref<32x16xi32, #tpu.memory_space<vmem>>, vector<16xi32>,
    %add3A_183 = arith.addi %add3A_172, %get3A_182 : vector<16xi32>
    %gt3A_184 = arith.constant 16 : i32
    %gt3A_185 = arith.cmpi sgt, %add3A, %gt3A_184 : i32
    %convert_element_type3A_186 = arith.extui %gt3A_185 : i1 to i32
    %mul3A_187 = vector.broadcast %convert_element_type3A_186 : i32 to vector<16xi32>
    %mul3A_188 = arith.muli %get3A_182, %mul3A_187 : vector<16xi32>
    %add3A_189 = arith.addi %add3A_178, %mul3A_188 : vector<16xi32>
    %get3A_190 = arith.constant 17 : i32
    %get3A_191 = arith.index_cast %get3A_190 : i32 to index
    %get3A_192 = arith.constant 0 : index
    %get3A_193 = tpu.vector_load %arg13[%get3A_191, %get3A_192] {strides = array<i32>} : memref<32x16xi32, #tpu.memory_space<vmem>>, vector<16xi32>,
    %add3A_194 = arith.addi %add3A_183, %get3A_193 : vector<16xi32>
    %gt3A_195 = arith.constant 17 : i32
    %gt3A_196 = arith.cmpi sgt, %add3A, %gt3A_195 : i32
    %convert_element_type3A_197 = arith.extui %gt3A_196 : i1 to i32
    %mul3A_198 = vector.broadcast %convert_element_type3A_197 : i32 to vector<16xi32>
    %mul3A_199 = arith.muli %get3A_193, %mul3A_198 : vector<16xi32>
    %add3A_200 = arith.addi %add3A_189, %mul3A_199 : vector<16xi32>
    %get3A_201 = arith.constant 18 : i32
    %get3A_202 = arith.index_cast %get3A_201 : i32 to index
    %get3A_203 = arith.constant 0 : index
    %get3A_204 = tpu.vector_load %arg13[%get3A_202, %get3A_203] {strides = array<i32>} : memref<32x16xi32, #tpu.memory_space<vmem>>, vector<16xi32>,
    %add3A_205 = arith.addi %add3A_194, %get3A_204 : vector<16xi32>
    %gt3A_206 = arith.constant 18 : i32
    %gt3A_207 = arith.cmpi sgt, %add3A, %gt3A_206 : i32
    %convert_element_type3A_208 = arith.extui %gt3A_207 : i1 to i32
    %mul3A_209 = vector.broadcast %convert_element_type3A_208 : i32 to vector<16xi32>
    %mul3A_210 = arith.muli %get3A_204, %mul3A_209 : vector<16xi32>
    %add3A_211 = arith.addi %add3A_200, %mul3A_210 : vector<16xi32>
    %get3A_212 = arith.constant 19 : i32
    %get3A_213 = arith.index_cast %get3A_212 : i32 to index
    %get3A_214 = arith.constant 0 : index
    %get3A_215 = tpu.vector_load %arg13[%get3A_213, %get3A_214] {strides = array<i32>} : memref<32x16xi32, #tpu.memory_space<vmem>>, vector<16xi32>,
    %add3A_216 = arith.addi %add3A_205, %get3A_215 : vector<16xi32>
    %gt3A_217 = arith.constant 19 : i32
    %gt3A_218 = arith.cmpi sgt, %add3A, %gt3A_217 : i32
    %convert_element_type3A_219 = arith.extui %gt3A_218 : i1 to i32
    %mul3A_220 = vector.broadcast %convert_element_type3A_219 : i32 to vector<16xi32>
    %mul3A_221 = arith.muli %get3A_215, %mul3A_220 : vector<16xi32>
    %add3A_222 = arith.addi %add3A_211, %mul3A_221 : vector<16xi32>
    %get3A_223 = arith.constant 20 : i32
    %get3A_224 = arith.index_cast %get3A_223 : i32 to index
    %get3A_225 = arith.constant 0 : index
    %get3A_226 = tpu.vector_load %arg13[%get3A_224, %get3A_225] {strides = array<i32>} : memref<32x16xi32, #tpu.memory_space<vmem>>, vector<16xi32>,
    %add3A_227 = arith.addi %add3A_216, %get3A_226 : vector<16xi32>
    %gt3A_228 = arith.constant 20 : i32
    %gt3A_229 = arith.cmpi sgt, %add3A, %gt3A_228 : i32
    %convert_element_type3A_230 = arith.extui %gt3A_229 : i1 to i32
    %mul3A_231 = vector.broadcast %convert_element_type3A_230 : i32 to vector<16xi32>
    %mul3A_232 = arith.muli %get3A_226, %mul3A_231 : vector<16xi32>
    %add3A_233 = arith.addi %add3A_222, %mul3A_232 : vector<16xi32>
    %get3A_234 = arith.constant 21 : i32
    %get3A_235 = arith.index_cast %get3A_234 : i32 to index
    %get3A_236 = arith.constant 0 : index
    %get3A_237 = tpu.vector_load %arg13[%get3A_235, %get3A_236] {strides = array<i32>} : memref<32x16xi32, #tpu.memory_space<vmem>>, vector<16xi32>,
    %add3A_238 = arith.addi %add3A_227, %get3A_237 : vector<16xi32>
    %gt3A_239 = arith.constant 21 : i32
    %gt3A_240 = arith.cmpi sgt, %add3A, %gt3A_239 : i32
    %convert_element_type3A_241 = arith.extui %gt3A_240 : i1 to i32
    %mul3A_242 = vector.broadcast %convert_element_type3A_241 : i32 to vector<16xi32>
    %mul3A_243 = arith.muli %get3A_237, %mul3A_242 : vector<16xi32>
    %add3A_244 = arith.addi %add3A_233, %mul3A_243 : vector<16xi32>
    %get3A_245 = arith.constant 22 : i32
    %get3A_246 = arith.index_cast %get3A_245 : i32 to index
    %get3A_247 = arith.constant 0 : index
    %get3A_248 = tpu.vector_load %arg13[%get3A_246, %get3A_247] {strides = array<i32>} : memref<32x16xi32, #tpu.memory_space<vmem>>, vector<16xi32>,
    %add3A_249 = arith.addi %add3A_238, %get3A_248 : vector<16xi32>
    %gt3A_250 = arith.constant 22 : i32
    %gt3A_251 = arith.cmpi sgt, %add3A, %gt3A_250 : i32
    %convert_element_type3A_252 = arith.extui %gt3A_251 : i1 to i32
    %mul3A_253 = vector.broadcast %convert_element_type3A_252 : i32 to vector<16xi32>
    %mul3A_254 = arith.muli %get3A_248, %mul3A_253 : vector<16xi32>
    %add3A_255 = arith.addi %add3A_244, %mul3A_254 : vector<16xi32>
    %get3A_256 = arith.constant 23 : i32
    %get3A_257 = arith.index_cast %get3A_256 : i32 to index
    %get3A_258 = arith.constant 0 : index
    %get3A_259 = tpu.vector_load %arg13[%get3A_257, %get3A_258] {strides = array<i32>} : memref<32x16xi32, #tpu.memory_space<vmem>>, vector<16xi32>,
    %add3A_260 = arith.addi %add3A_249, %get3A_259 : vector<16xi32>
    %gt3A_261 = arith.constant 23 : i32
    %gt3A_262 = arith.cmpi sgt, %add3A, %gt3A_261 : i32
    %convert_element_type3A_263 = arith.extui %gt3A_262 : i1 to i32
    %mul3A_264 = vector.broadcast %convert_element_type3A_263 : i32 to vector<16xi32>
    %mul3A_265 = arith.muli %get3A_259, %mul3A_264 : vector<16xi32>
    %add3A_266 = arith.addi %add3A_255, %mul3A_265 : vector<16xi32>
    %get3A_267 = arith.constant 24 : i32
    %get3A_268 = arith.index_cast %get3A_267 : i32 to index
    %get3A_269 = arith.constant 0 : index
    %get3A_270 = tpu.vector_load %arg13[%get3A_268, %get3A_269] {strides = array<i32>} : memref<32x16xi32, #tpu.memory_space<vmem>>, vector<16xi32>,
    %add3A_271 = arith.addi %add3A_260, %get3A_270 : vector<16xi32>
    %gt3A_272 = arith.constant 24 : i32
    %gt3A_273 = arith.cmpi sgt, %add3A, %gt3A_272 : i32
    %convert_element_type3A_274 = arith.extui %gt3A_273 : i1 to i32
    %mul3A_275 = vector.broadcast %convert_element_type3A_274 : i32 to vector<16xi32>
    %mul3A_276 = arith.muli %get3A_270, %mul3A_275 : vector<16xi32>
    %add3A_277 = arith.addi %add3A_266, %mul3A_276 : vector<16xi32>
    %get3A_278 = arith.constant 25 : i32
    %get3A_279 = arith.index_cast %get3A_278 : i32 to index
    %get3A_280 = arith.constant 0 : index
    %get3A_281 = tpu.vector_load %arg13[%get3A_279, %get3A_280] {strides = array<i32>} : memref<32x16xi32, #tpu.memory_space<vmem>>, vector<16xi32>,
    %add3A_282 = arith.addi %add3A_271, %get3A_281 : vector<16xi32>
    %gt3A_283 = arith.constant 25 : i32
    %gt3A_284 = arith.cmpi sgt, %add3A, %gt3A_283 : i32
    %convert_element_type3A_285 = arith.extui %gt3A_284 : i1 to i32
    %mul3A_286 = vector.broadcast %convert_element_type3A_285 : i32 to vector<16xi32>
    %mul3A_287 = arith.muli %get3A_281, %mul3A_286 : vector<16xi32>
    %add3A_288 = arith.addi %add3A_277, %mul3A_287 : vector<16xi32>
    %get3A_289 = arith.constant 26 : i32
    %get3A_290 = arith.index_cast %get3A_289 : i32 to index
    %get3A_291 = arith.constant 0 : index
    %get3A_292 = tpu.vector_load %arg13[%get3A_290, %get3A_291] {strides = array<i32>} : memref<32x16xi32, #tpu.memory_space<vmem>>, vector<16xi32>,
    %add3A_293 = arith.addi %add3A_282, %get3A_292 : vector<16xi32>
    %gt3A_294 = arith.constant 26 : i32
    %gt3A_295 = arith.cmpi sgt, %add3A, %gt3A_294 : i32
    %convert_element_type3A_296 = arith.extui %gt3A_295 : i1 to i32
    %mul3A_297 = vector.broadcast %convert_element_type3A_296 : i32 to vector<16xi32>
    %mul3A_298 = arith.muli %get3A_292, %mul3A_297 : vector<16xi32>
    %add3A_299 = arith.addi %add3A_288, %mul3A_298 : vector<16xi32>
    %get3A_300 = arith.constant 27 : i32
    %get3A_301 = arith.index_cast %get3A_300 : i32 to index
    %get3A_302 = arith.constant 0 : index
    %get3A_303 = tpu.vector_load %arg13[%get3A_301, %get3A_302] {strides = array<i32>} : memref<32x16xi32, #tpu.memory_space<vmem>>, vector<16xi32>,
    %add3A_304 = arith.addi %add3A_293, %get3A_303 : vector<16xi32>
    %gt3A_305 = arith.constant 27 : i32
    %gt3A_306 = arith.cmpi sgt, %add3A, %gt3A_305 : i32
    %convert_element_type3A_307 = arith.extui %gt3A_306 : i1 to i32
    %mul3A_308 = vector.broadcast %convert_element_type3A_307 : i32 to vector<16xi32>
    %mul3A_309 = arith.muli %get3A_303, %mul3A_308 : vector<16xi32>
    %add3A_310 = arith.addi %add3A_299, %mul3A_309 : vector<16xi32>
    %get3A_311 = arith.constant 28 : i32
    %get3A_312 = arith.index_cast %get3A_311 : i32 to index
    %get3A_313 = arith.constant 0 : index
    %get3A_314 = tpu.vector_load %arg13[%get3A_312, %get3A_313] {strides = array<i32>} : memref<32x16xi32, #tpu.memory_space<vmem>>, vector<16xi32>,
    %add3A_315 = arith.addi %add3A_304, %get3A_314 : vector<16xi32>
    %gt3A_316 = arith.constant 28 : i32
    %gt3A_317 = arith.cmpi sgt, %add3A, %gt3A_316 : i32
    %convert_element_type3A_318 = arith.extui %gt3A_317 : i1 to i32
    %mul3A_319 = vector.broadcast %convert_element_type3A_318 : i32 to vector<16xi32>
    %mul3A_320 = arith.muli %get3A_314, %mul3A_319 : vector<16xi32>
    %add3A_321 = arith.addi %add3A_310, %mul3A_320 : vector<16xi32>
    %get3A_322 = arith.constant 29 : i32
    %get3A_323 = arith.index_cast %get3A_322 : i32 to index
    %get3A_324 = arith.constant 0 : index
    %get3A_325 = tpu.vector_load %arg13[%get3A_323, %get3A_324] {strides = array<i32>} : memref<32x16xi32, #tpu.memory_space<vmem>>, vector<16xi32>,
    %add3A_326 = arith.addi %add3A_315, %get3A_325 : vector<16xi32>
    %gt3A_327 = arith.constant 29 : i32
    %gt3A_328 = arith.cmpi sgt, %add3A, %gt3A_327 : i32
    %convert_element_type3A_329 = arith.extui %gt3A_328 : i1 to i32
    %mul3A_330 = vector.broadcast %convert_element_type3A_329 : i32 to vector<16xi32>
    %mul3A_331 = arith.muli %get3A_325, %mul3A_330 : vector<16xi32>
    %add3A_332 = arith.addi %add3A_321, %mul3A_331 : vector<16xi32>
    %get3A_333 = arith.constant 30 : i32
    %get3A_334 = arith.index_cast %get3A_333 : i32 to index
    %get3A_335 = arith.constant 0 : index
    %get3A_336 = tpu.vector_load %arg13[%get3A_334, %get3A_335] {strides = array<i32>} : memref<32x16xi32, #tpu.memory_space<vmem>>, vector<16xi32>,
    %add3A_337 = arith.addi %add3A_326, %get3A_336 : vector<16xi32>
    %gt3A_338 = arith.constant 30 : i32
    %gt3A_339 = arith.cmpi sgt, %add3A, %gt3A_338 : i32
    %convert_element_type3A_340 = arith.extui %gt3A_339 : i1 to i32
    %mul3A_341 = vector.broadcast %convert_element_type3A_340 : i32 to vector<16xi32>
    %mul3A_342 = arith.muli %get3A_336, %mul3A_341 : vector<16xi32>
    %add3A_343 = arith.addi %add3A_332, %mul3A_342 : vector<16xi32>
    %get3A_344 = arith.constant 31 : i32
    %get3A_345 = arith.index_cast %get3A_344 : i32 to index
    %get3A_346 = arith.constant 0 : index
    %get3A_347 = tpu.vector_load %arg13[%get3A_345, %get3A_346] {strides = array<i32>} : memref<32x16xi32, #tpu.memory_space<vmem>>, vector<16xi32>,
    %add3A_348 = arith.addi %add3A_337, %get3A_347 : vector<16xi32>
    %gt3A_349 = arith.constant 31 : i32
    %gt3A_350 = arith.cmpi sgt, %add3A, %gt3A_349 : i32
    %convert_element_type3A_351 = arith.extui %gt3A_350 : i1 to i32
    %mul3A_352 = vector.broadcast %convert_element_type3A_351 : i32 to vector<16xi32>
    %mul3A_353 = arith.muli %get3A_347, %mul3A_352 : vector<16xi32>
    %add3A_354 = arith.addi %add3A_343, %mul3A_353 : vector<16xi32>
    %add3A_355 = arith.constant 255 : i32
    %add3A_356 = vector.broadcast %add3A_355 : i32 to vector<16xi32>
    %add3A_357 = arith.addi %add3A_348, %add3A_356 : vector<16xi32>
    %jit3A = arith.constant 256 : i32
    %div3A = vector.broadcast %jit3A : i32 to vector<16xi32>
    %div3A_358 = arith.divsi %add3A_357, %div3A : vector<16xi32>
    %sign3A = arith.constant 0 : i32
    %sign3A_359 = vector.broadcast %sign3A : i32 to vector<16xi32>
    %sign3A_360 = arith.cmpi sgt, %add3A_357, %sign3A_359 : vector<16xi32>
    %sign3A_361 = arith.extui %sign3A_360 : vector<16xi1> to vector<16xi32>
    %sign3A_362 = arith.constant 0 : i32
    %sign3A_363 = vector.broadcast %sign3A_362 : i32 to vector<16xi32>
    %sign3A_364 = arith.cmpi slt, %add3A_357, %sign3A_363 : vector<16xi32>
    %sign3A_365 = arith.extui %sign3A_364 : vector<16xi1> to vector<16xi32>
    %sign3A_366 = arith.subi %sign3A_361, %sign3A_365 : vector<16xi32>
    %sign3A_367 = arith.constant 0 : i32
    %sign3A_368 = arith.cmpi sgt, %jit3A, %sign3A_367 : i32
    %sign3A_369 = arith.extui %sign3A_368 : i1 to i32
    %sign3A_370 = arith.constant 0 : i32
    %sign3A_371 = arith.cmpi slt, %jit3A, %sign3A_370 : i32
    %sign3A_372 = arith.extui %sign3A_371 : i1 to i32
    %sign3A_373 = arith.subi %sign3A_369, %sign3A_372 : i32
    %ne3A = vector.broadcast %sign3A_373 : i32 to vector<16xi32>
    %ne3A_374 = arith.cmpi ne, %sign3A_366, %ne3A : vector<16xi32>
    %rem3A = vector.broadcast %jit3A : i32 to vector<16xi32>
    %rem3A_375 = arith.remsi %add3A_357, %rem3A : vector<16xi32>
    %ne3A_376 = arith.constant 0 : i32
    %ne3A_377 = vector.broadcast %ne3A_376 : i32 to vector<16xi32>
    %ne3A_378 = arith.cmpi ne, %rem3A_375, %ne3A_377 : vector<16xi32>
    %and3A = arith.andi %ne3A_374, %ne3A_378 : vector<16xi1>
    %sub3A = arith.constant 1 : i32
    %sub3A_379 = vector.broadcast %sub3A : i32 to vector<16xi32>
    %sub3A_380 = arith.subi %div3A_358, %sub3A_379 : vector<16xi32>
    %select_n3A = arith.select %and3A, %sub3A_380, %div3A_358 : vector<16xi1>, vector<16xi32>
    %mul3A_381 = arith.constant 256 : i32
    %mul3A_382 = vector.broadcast %mul3A_381 : i32 to vector<16xi32>
    %mul3A_383 = arith.muli %select_n3A, %mul3A_382 : vector<16xi32>
    %broadcast_in_dim3A_384 = arith.constant true
    %broadcast_in_dim3A_385 = vector.broadcast %broadcast_in_dim3A_384 : i1 to vector<16xi1>
    %masked_cumsum3A = tpu.scan <sum>, %mul3A_383 masked %broadcast_in_dim3A_385 : vector<16xi32>, vector<16xi1> -> vector<16xi32>
    %sub3A_386 = arith.subi %masked_cumsum3A, %mul3A_383 : vector<16xi32>
    %add3A_387 = arith.addi %sub3A_386, %add3A_354 : vector<16xi32>
    %swap3A = arith.constant 0 : index
    %swap3A_388 = tpu.vector_load %arg12[%swap3A] {strides = array<i32>} : memref<16xi32, #tpu.memory_space<vmem>>, vector<16xi32>,
    tpu.vector_store %arg12[%swap3A], %add3A_387 {strides = array<i32>} : memref<16xi32, #tpu.memory_space<vmem>>, vector<16xi32>,
    %get3A_389 = arith.constant 0 : index
    %get3A_390 = tpu.vector_load %arg9[%get3A_389] {strides = array<i32>} : memref<64xi32, #tpu.memory_space<vmem>>, vector<16xi32>,
    %get3A_391 = arith.constant 0 : index
    %get3A_392 = tpu.vector_load %arg10[%get3A_391] {strides = array<i32>} : memref<64xi32, #tpu.memory_space<vmem>>, vector<16xi32>,
    %gather3A = tpu.vector_load_idx %arg12[%get3A_390] : memref<16xi32, #tpu.memory_space<vmem>>[vector<16xi32>], vector<16xi32>,
    %add3A_393 = arith.addi %gather3A, %get3A_392 : vector<16xi32>
    %swap3A_394 = arith.constant 0 : index
    %swap3A_395 = tpu.vector_load %arg11[%swap3A_394] {strides = array<i32>} : memref<64xi32, #tpu.memory_space<vmem>>, vector<16xi32>,
    tpu.vector_store %arg11[%swap3A_394], %add3A_393 {strides = array<i32>} : memref<64xi32, #tpu.memory_space<vmem>>, vector<16xi32>,
    %get3A_396 = arith.constant 16 : index
    %get3A_397 = tpu.vector_load %arg9[%get3A_396] {strides = array<i32>} : memref<64xi32, #tpu.memory_space<vmem>>, vector<16xi32>,
    %get3A_398 = arith.constant 16 : index
    %get3A_399 = tpu.vector_load %arg10[%get3A_398] {strides = array<i32>} : memref<64xi32, #tpu.memory_space<vmem>>, vector<16xi32>,
    %gather3A_400 = tpu.vector_load_idx %arg12[%get3A_397] : memref<16xi32, #tpu.memory_space<vmem>>[vector<16xi32>], vector<16xi32>,
    %add3A_401 = arith.addi %gather3A_400, %get3A_399 : vector<16xi32>
    %swap3A_402 = arith.constant 16 : index
    %swap3A_403 = tpu.vector_load %arg11[%swap3A_402] {strides = array<i32>} : memref<64xi32, #tpu.memory_space<vmem>>, vector<16xi32>,
    tpu.vector_store %arg11[%swap3A_402], %add3A_401 {strides = array<i32>} : memref<64xi32, #tpu.memory_space<vmem>>, vector<16xi32>,
    %get3A_404 = arith.constant 32 : index
    %get3A_405 = tpu.vector_load %arg9[%get3A_404] {strides = array<i32>} : memref<64xi32, #tpu.memory_space<vmem>>, vector<16xi32>,
    %get3A_406 = arith.constant 32 : index
    %get3A_407 = tpu.vector_load %arg10[%get3A_406] {strides = array<i32>} : memref<64xi32, #tpu.memory_space<vmem>>, vector<16xi32>,
    %gather3A_408 = tpu.vector_load_idx %arg12[%get3A_405] : memref<16xi32, #tpu.memory_space<vmem>>[vector<16xi32>], vector<16xi32>,
    %add3A_409 = arith.addi %gather3A_408, %get3A_407 : vector<16xi32>
    %swap3A_410 = arith.constant 32 : index
    %swap3A_411 = tpu.vector_load %arg11[%swap3A_410] {strides = array<i32>} : memref<64xi32, #tpu.memory_space<vmem>>, vector<16xi32>,
    tpu.vector_store %arg11[%swap3A_410], %add3A_409 {strides = array<i32>} : memref<64xi32, #tpu.memory_space<vmem>>, vector<16xi32>,
    %get3A_412 = arith.constant 48 : index
    %get3A_413 = tpu.vector_load %arg9[%get3A_412] {strides = array<i32>} : memref<64xi32, #tpu.memory_space<vmem>>, vector<16xi32>,
    %get3A_414 = arith.constant 48 : index
    %get3A_415 = tpu.vector_load %arg10[%get3A_414] {strides = array<i32>} : memref<64xi32, #tpu.memory_space<vmem>>, vector<16xi32>,
    %gather3A_416 = tpu.vector_load_idx %arg12[%get3A_413] : memref<16xi32, #tpu.memory_space<vmem>>[vector<16xi32>], vector<16xi32>,
    %add3A_417 = arith.addi %gather3A_416, %get3A_415 : vector<16xi32>
    %swap3A_418 = arith.constant 48 : index
    %swap3A_419 = tpu.vector_load %arg11[%swap3A_418] {strides = array<i32>} : memref<64xi32, #tpu.memory_space<vmem>>, vector<16xi32>,
    tpu.vector_store %arg11[%swap3A_418], %add3A_417 {strides = array<i32>} : memref<64xi32, #tpu.memory_space<vmem>>, vector<16xi32>,
    "tpu.region"() ({
      %run_scoped3A = tpu.sem_alloc : memref<!tpu.dma_semaphore, #tpu.memory_space<semaphore_mem>>
      %dma_start3A_884 = tpu.memref_slice %arg7[%mul3A_2] : memref<2048xi32, #tpu.memory_space<hbm>> -> memref<64xi32, #tpu.memory_space<hbm>>
      %dma_start3A_885 = tpu.memref_slice %arg7[%mul3A_2] : memref<2048xi32, #tpu.memory_space<hbm>> -> memref<64xi32, #tpu.memory_space<hbm>>
      tpu.enqueue_dma source(%arg11 : memref<64xi32, #tpu.memory_space<vmem>>) target(%dma_start3A_885 : memref<64xi32, #tpu.memory_space<hbm>>) target_semaphore(%run_scoped3A : memref<!tpu.dma_semaphore, #tpu.memory_space<semaphore_mem>>)
      %dma_wait3A_886 = tpu.memref_slice %arg7[%mul3A_2] : memref<2048xi32, #tpu.memory_space<hbm>> -> memref<64xi32, #tpu.memory_space<hbm>>
      %dma_wait3A_887 = tpu.memref_slice %arg7[%mul3A_2] : memref<2048xi32, #tpu.memory_space<hbm>> -> memref<64xi32, #tpu.memory_space<hbm>>
      tpu.wait_dma2 semaphore(%run_scoped3A : memref<!tpu.dma_semaphore, #tpu.memory_space<semaphore_mem>>) src(%arg11 : memref<64xi32, #tpu.memory_space<vmem>>) dst(%dma_wait3A_887 : memref<64xi32, #tpu.memory_space<hbm>>)
      tpu.yield
    }) : () -> ()
    "tpu.region"() ({
      %run_scoped3A = tpu.sem_alloc : memref<!tpu.dma_semaphore, #tpu.memory_space<semaphore_mem>>
      %dma_start3A_884 = arith.constant 0 : i32
      %dma_start3A_885 = tpu.memref_slice %arg2[%mul3A_2, %dma_start3A_884] : memref<2048x1024xf32, #tpu.memory_space<hbm>> -> memref<64x1024xf32, #tpu.memory_space<hbm>>
      %dma_start3A_886 = arith.constant 0 : i32
      %dma_start3A_887 = tpu.memref_slice %arg2[%mul3A_2, %dma_start3A_886] : memref<2048x1024xf32, #tpu.memory_space<hbm>> -> memref<64x1024xf32, #tpu.memory_space<hbm>>
      tpu.enqueue_dma source(%dma_start3A_887 : memref<64x1024xf32, #tpu.memory_space<hbm>>) target(%arg15 : memref<64x1024xf32, #tpu.memory_space<vmem>>) target_semaphore(%run_scoped3A : memref<!tpu.dma_semaphore, #tpu.memory_space<semaphore_mem>>)
      %dma_wait3A_888 = arith.constant 0 : i32
      %dma_wait3A_889 = tpu.memref_slice %arg2[%mul3A_2, %dma_wait3A_888] : memref<2048x1024xf32, #tpu.memory_space<hbm>> -> memref<64x1024xf32, #tpu.memory_space<hbm>>
      %dma_wait3A_890 = arith.constant 0 : i32
      %dma_wait3A_891 = tpu.memref_slice %arg2[%mul3A_2, %dma_wait3A_890] : memref<2048x1024xf32, #tpu.memory_space<hbm>> -> memref<64x1024xf32, #tpu.memory_space<hbm>>
      tpu.wait_dma2 semaphore(%run_scoped3A : memref<!tpu.dma_semaphore, #tpu.memory_space<semaphore_mem>>) src(%dma_wait3A_891 : memref<64x1024xf32, #tpu.memory_space<hbm>>) dst(%arg15 : memref<64x1024xf32, #tpu.memory_space<vmem>>)
      tpu.yield
    }) : () -> ()
    %dma_start3A = arith.constant 0 : i32
    %dma_start3A_420 = arith.constant 0 : i32
    %dma_start3A_421 = tpu.memref_slice %arg6[%dma_start3A, %dma_start3A_420] : memref<5888x1024xf32, #tpu.memory_space<hbm>> -> memref<5888x1024xf32, #tpu.memory_space<hbm>>
    tpu.enqueue_indirect_dma source(%arg15 : memref<64x1024xf32, #tpu.memory_space<vmem>>) target(%dma_start3A_421 : memref<5888x1024xf32, #tpu.memory_space<hbm>>) offsets(%arg11 : memref<64xi32, #tpu.memory_space<vmem>>) semaphore(%arg16 : memref<!tpu.dma_semaphore, #tpu.memory_space<semaphore_mem>>)
    %dma_wait3A = arith.constant 0 : i32
    %dma_wait3A_422 = arith.constant 0 : i32
    %dma_wait3A_423 = tpu.memref_slice %arg6[%dma_wait3A, %dma_wait3A_422] : memref<5888x1024xf32, #tpu.memory_space<hbm>> -> memref<5888x1024xf32, #tpu.memory_space<hbm>>
    tpu.wait_indirect_dma semaphore(%arg16 : memref<!tpu.dma_semaphore, #tpu.memory_space<semaphore_mem>>) src(%arg15 : memref<64x1024xf32, #tpu.memory_space<vmem>>) dst(%dma_wait3A_423 : memref<5888x1024xf32, #tpu.memory_space<hbm>>)
    %jit3A_424 = arith.constant 256 : i32
    %div3A_425 = vector.broadcast %jit3A_424 : i32 to vector<16xi32>
    %div3A_426 = arith.divsi %sub3A_386, %div3A_425 : vector<16xi32>
    %sign3A_427 = arith.constant 0 : i32
    %sign3A_428 = vector.broadcast %sign3A_427 : i32 to vector<16xi32>
    %sign3A_429 = arith.cmpi sgt, %sub3A_386, %sign3A_428 : vector<16xi32>
    %sign3A_430 = arith.extui %sign3A_429 : vector<16xi1> to vector<16xi32>
    %sign3A_431 = arith.constant 0 : i32
    %sign3A_432 = vector.broadcast %sign3A_431 : i32 to vector<16xi32>
    %sign3A_433 = arith.cmpi slt, %sub3A_386, %sign3A_432 : vector<16xi32>
    %sign3A_434 = arith.extui %sign3A_433 : vector<16xi1> to vector<16xi32>
    %sign3A_435 = arith.subi %sign3A_430, %sign3A_434 : vector<16xi32>
    %sign3A_436 = arith.constant 0 : i32
    %sign3A_437 = arith.cmpi sgt, %jit3A_424, %sign3A_436 : i32
    %sign3A_438 = arith.extui %sign3A_437 : i1 to i32
    %sign3A_439 = arith.constant 0 : i32
    %sign3A_440 = arith.cmpi slt, %jit3A_424, %sign3A_439 : i32
    %sign3A_441 = arith.extui %sign3A_440 : i1 to i32
    %sign3A_442 = arith.subi %sign3A_438, %sign3A_441 : i32
    %ne3A_443 = vector.broadcast %sign3A_442 : i32 to vector<16xi32>
    %ne3A_444 = arith.cmpi ne, %sign3A_435, %ne3A_443 : vector<16xi32>
    %rem3A_445 = vector.broadcast %jit3A_424 : i32 to vector<16xi32>
    %rem3A_446 = arith.remsi %sub3A_386, %rem3A_445 : vector<16xi32>
    %ne3A_447 = arith.constant 0 : i32
    %ne3A_448 = vector.broadcast %ne3A_447 : i32 to vector<16xi32>
    %ne3A_449 = arith.cmpi ne, %rem3A_446, %ne3A_448 : vector<16xi32>
    %and3A_450 = arith.andi %ne3A_444, %ne3A_449 : vector<16xi1>
    %sub3A_451 = arith.constant 1 : i32
    %sub3A_452 = vector.broadcast %sub3A_451 : i32 to vector<16xi32>
    %sub3A_453 = arith.subi %div3A_426, %sub3A_452 : vector<16xi32>
    %select_n3A_454 = arith.select %and3A_450, %sub3A_453, %div3A_426 : vector<16xi1>, vector<16xi32>
    %jit3A_455 = arith.constant 256 : i32
    %div3A_456 = vector.broadcast %jit3A_455 : i32 to vector<16xi32>
    %div3A_457 = arith.divsi %mul3A_383, %div3A_456 : vector<16xi32>
    %sign3A_458 = arith.constant 0 : i32
    %sign3A_459 = vector.broadcast %sign3A_458 : i32 to vector<16xi32>
    %sign3A_460 = arith.cmpi sgt, %mul3A_383, %sign3A_459 : vector<16xi32>
    %sign3A_461 = arith.extui %sign3A_460 : vector<16xi1> to vector<16xi32>
    %sign3A_462 = arith.constant 0 : i32
    %sign3A_463 = vector.broadcast %sign3A_462 : i32 to vector<16xi32>
    %sign3A_464 = arith.cmpi slt, %mul3A_383, %sign3A_463 : vector<16xi32>
    %sign3A_465 = arith.extui %sign3A_464 : vector<16xi1> to vector<16xi32>
    %sign3A_466 = arith.subi %sign3A_461, %sign3A_465 : vector<16xi32>
    %sign3A_467 = arith.constant 0 : i32
    %sign3A_468 = arith.cmpi sgt, %jit3A_455, %sign3A_467 : i32
    %sign3A_469 = arith.extui %sign3A_468 : i1 to i32
    %sign3A_470 = arith.constant 0 : i32
    %sign3A_471 = arith.cmpi slt, %jit3A_455, %sign3A_470 : i32
    %sign3A_472 = arith.extui %sign3A_471 : i1 to i32
    %sign3A_473 = arith.subi %sign3A_469, %sign3A_472 : i32
    %ne3A_474 = vector.broadcast %sign3A_473 : i32 to vector<16xi32>
    %ne3A_475 = arith.cmpi ne, %sign3A_466, %ne3A_474 : vector<16xi32>
    %rem3A_476 = vector.broadcast %jit3A_455 : i32 to vector<16xi32>
    %rem3A_477 = arith.remsi %mul3A_383, %rem3A_476 : vector<16xi32>
    %ne3A_478 = arith.constant 0 : i32
    %ne3A_479 = vector.broadcast %ne3A_478 : i32 to vector<16xi32>
    %ne3A_480 = arith.cmpi ne, %rem3A_477, %ne3A_479 : vector<16xi32>
    %and3A_481 = arith.andi %ne3A_475, %ne3A_480 : vector<16xi1>
    %sub3A_482 = arith.constant 1 : i32
    %sub3A_483 = vector.broadcast %sub3A_482 : i32 to vector<16xi32>
    %sub3A_484 = arith.subi %div3A_457, %sub3A_483 : vector<16xi32>
    %select_n3A_485 = arith.select %and3A_481, %sub3A_484, %div3A_457 : vector<16xi1>, vector<16xi32>
    %add3A_486 = arith.addi %select_n3A_454, %select_n3A_485 : vector<16xi32>
    %add3A_487 = arith.constant 0 : i32
    %add3A_488 = vector.broadcast %add3A_487 : i32 to vector<16xi32>
    %add3A_489 = arith.addi %iota3A, %add3A_488 : vector<16xi32>
    %broadcast_in_dim3A_490 = arith.constant -1 : i32
    %broadcast_in_dim3A_491 = vector.broadcast %broadcast_in_dim3A_490 : i32 to vector<16xi32>
    %slice3A = vector.extract_strided_slice %select_n3A_454 {offsets = [0], sizes = [1], strides = [1]} : vector<16xi32> to vector<1xi32>
    %squeeze3A = vector.extract %slice3A[0] : i32 from vector<1xi32>
    %ge3A = vector.broadcast %squeeze3A : i32 to vector<16xi32>
    %ge3A_492 = arith.cmpi sge, %add3A_489, %ge3A : vector<16xi32>
    %slice3A_493 = vector.extract_strided_slice %add3A_486 {offsets = [0], sizes = [1], strides = [1]} : vector<16xi32> to vector<1xi32>
    %squeeze3A_494 = vector.extract %slice3A_493[0] : i32 from vector<1xi32>
    %lt3A = vector.broadcast %squeeze3A_494 : i32 to vector<16xi32>
    %lt3A_495 = arith.cmpi slt, %add3A_489, %lt3A : vector<16xi32>
    %and3A_496 = arith.andi %ge3A_492, %lt3A_495 : vector<16xi1>
    %jit3A_497 = arith.constant 0 : i32
    %broadcast_in_dim3A_498 = vector.broadcast %jit3A_497 : i32 to vector<16xi32>
    %select_n3A_499 = arith.select %and3A_496, %broadcast_in_dim3A_498, %broadcast_in_dim3A_491 : vector<16xi1>, vector<16xi32>
    %slice3A_500 = vector.extract_strided_slice %select_n3A_454 {offsets = [1], sizes = [1], strides = [1]} : vector<16xi32> to vector<1xi32>
    %squeeze3A_501 = vector.extract %slice3A_500[0] : i32 from vector<1xi32>
    %ge3A_502 = vector.broadcast %squeeze3A_501 : i32 to vector<16xi32>
    %ge3A_503 = arith.cmpi sge, %add3A_489, %ge3A_502 : vector<16xi32>
    %slice3A_504 = vector.extract_strided_slice %add3A_486 {offsets = [1], sizes = [1], strides = [1]} : vector<16xi32> to vector<1xi32>
    %squeeze3A_505 = vector.extract %slice3A_504[0] : i32 from vector<1xi32>
    %lt3A_506 = vector.broadcast %squeeze3A_505 : i32 to vector<16xi32>
    %lt3A_507 = arith.cmpi slt, %add3A_489, %lt3A_506 : vector<16xi32>
    %and3A_508 = arith.andi %ge3A_503, %lt3A_507 : vector<16xi1>
    %jit3A_509 = arith.constant 1 : i32
    %broadcast_in_dim3A_510 = vector.broadcast %jit3A_509 : i32 to vector<16xi32>
    %select_n3A_511 = arith.select %and3A_508, %broadcast_in_dim3A_510, %select_n3A_499 : vector<16xi1>, vector<16xi32>
    %slice3A_512 = vector.extract_strided_slice %select_n3A_454 {offsets = [2], sizes = [1], strides = [1]} : vector<16xi32> to vector<1xi32>
    %squeeze3A_513 = vector.extract %slice3A_512[0] : i32 from vector<1xi32>
    %ge3A_514 = vector.broadcast %squeeze3A_513 : i32 to vector<16xi32>
    %ge3A_515 = arith.cmpi sge, %add3A_489, %ge3A_514 : vector<16xi32>
    %slice3A_516 = vector.extract_strided_slice %add3A_486 {offsets = [2], sizes = [1], strides = [1]} : vector<16xi32> to vector<1xi32>
    %squeeze3A_517 = vector.extract %slice3A_516[0] : i32 from vector<1xi32>
    %lt3A_518 = vector.broadcast %squeeze3A_517 : i32 to vector<16xi32>
    %lt3A_519 = arith.cmpi slt, %add3A_489, %lt3A_518 : vector<16xi32>
    %and3A_520 = arith.andi %ge3A_515, %lt3A_519 : vector<16xi1>
    %jit3A_521 = arith.constant 2 : i32
    %broadcast_in_dim3A_522 = vector.broadcast %jit3A_521 : i32 to vector<16xi32>
    %select_n3A_523 = arith.select %and3A_520, %broadcast_in_dim3A_522, %select_n3A_511 : vector<16xi1>, vector<16xi32>
    %slice3A_524 = vector.extract_strided_slice %select_n3A_454 {offsets = [3], sizes = [1], strides = [1]} : vector<16xi32> to vector<1xi32>
    %squeeze3A_525 = vector.extract %slice3A_524[0] : i32 from vector<1xi32>
    %ge3A_526 = vector.broadcast %squeeze3A_525 : i32 to vector<16xi32>
    %ge3A_527 = arith.cmpi sge, %add3A_489, %ge3A_526 : vector<16xi32>
    %slice3A_528 = vector.extract_strided_slice %add3A_486 {offsets = [3], sizes = [1], strides = [1]} : vector<16xi32> to vector<1xi32>
    %squeeze3A_529 = vector.extract %slice3A_528[0] : i32 from vector<1xi32>
    %lt3A_530 = vector.broadcast %squeeze3A_529 : i32 to vector<16xi32>
    %lt3A_531 = arith.cmpi slt, %add3A_489, %lt3A_530 : vector<16xi32>
    %and3A_532 = arith.andi %ge3A_527, %lt3A_531 : vector<16xi1>
    %jit3A_533 = arith.constant 3 : i32
    %broadcast_in_dim3A_534 = vector.broadcast %jit3A_533 : i32 to vector<16xi32>
    %select_n3A_535 = arith.select %and3A_532, %broadcast_in_dim3A_534, %select_n3A_523 : vector<16xi1>, vector<16xi32>
    %slice3A_536 = vector.extract_strided_slice %select_n3A_454 {offsets = [4], sizes = [1], strides = [1]} : vector<16xi32> to vector<1xi32>
    %squeeze3A_537 = vector.extract %slice3A_536[0] : i32 from vector<1xi32>
    %ge3A_538 = vector.broadcast %squeeze3A_537 : i32 to vector<16xi32>
    %ge3A_539 = arith.cmpi sge, %add3A_489, %ge3A_538 : vector<16xi32>
    %slice3A_540 = vector.extract_strided_slice %add3A_486 {offsets = [4], sizes = [1], strides = [1]} : vector<16xi32> to vector<1xi32>
    %squeeze3A_541 = vector.extract %slice3A_540[0] : i32 from vector<1xi32>
    %lt3A_542 = vector.broadcast %squeeze3A_541 : i32 to vector<16xi32>
    %lt3A_543 = arith.cmpi slt, %add3A_489, %lt3A_542 : vector<16xi32>
    %and3A_544 = arith.andi %ge3A_539, %lt3A_543 : vector<16xi1>
    %jit3A_545 = arith.constant 4 : i32
    %broadcast_in_dim3A_546 = vector.broadcast %jit3A_545 : i32 to vector<16xi32>
    %select_n3A_547 = arith.select %and3A_544, %broadcast_in_dim3A_546, %select_n3A_535 : vector<16xi1>, vector<16xi32>
    %slice3A_548 = vector.extract_strided_slice %select_n3A_454 {offsets = [5], sizes = [1], strides = [1]} : vector<16xi32> to vector<1xi32>
    %squeeze3A_549 = vector.extract %slice3A_548[0] : i32 from vector<1xi32>
    %ge3A_550 = vector.broadcast %squeeze3A_549 : i32 to vector<16xi32>
    %ge3A_551 = arith.cmpi sge, %add3A_489, %ge3A_550 : vector<16xi32>
    %slice3A_552 = vector.extract_strided_slice %add3A_486 {offsets = [5], sizes = [1], strides = [1]} : vector<16xi32> to vector<1xi32>
    %squeeze3A_553 = vector.extract %slice3A_552[0] : i32 from vector<1xi32>
    %lt3A_554 = vector.broadcast %squeeze3A_553 : i32 to vector<16xi32>
    %lt3A_555 = arith.cmpi slt, %add3A_489, %lt3A_554 : vector<16xi32>
    %and3A_556 = arith.andi %ge3A_551, %lt3A_555 : vector<16xi1>
    %jit3A_557 = arith.constant 5 : i32
    %broadcast_in_dim3A_558 = vector.broadcast %jit3A_557 : i32 to vector<16xi32>
    %select_n3A_559 = arith.select %and3A_556, %broadcast_in_dim3A_558, %select_n3A_547 : vector<16xi1>, vector<16xi32>
    %slice3A_560 = vector.extract_strided_slice %select_n3A_454 {offsets = [6], sizes = [1], strides = [1]} : vector<16xi32> to vector<1xi32>
    %squeeze3A_561 = vector.extract %slice3A_560[0] : i32 from vector<1xi32>
    %ge3A_562 = vector.broadcast %squeeze3A_561 : i32 to vector<16xi32>
    %ge3A_563 = arith.cmpi sge, %add3A_489, %ge3A_562 : vector<16xi32>
    %slice3A_564 = vector.extract_strided_slice %add3A_486 {offsets = [6], sizes = [1], strides = [1]} : vector<16xi32> to vector<1xi32>
    %squeeze3A_565 = vector.extract %slice3A_564[0] : i32 from vector<1xi32>
    %lt3A_566 = vector.broadcast %squeeze3A_565 : i32 to vector<16xi32>
    %lt3A_567 = arith.cmpi slt, %add3A_489, %lt3A_566 : vector<16xi32>
    %and3A_568 = arith.andi %ge3A_563, %lt3A_567 : vector<16xi1>
    %jit3A_569 = arith.constant 6 : i32
    %broadcast_in_dim3A_570 = vector.broadcast %jit3A_569 : i32 to vector<16xi32>
    %select_n3A_571 = arith.select %and3A_568, %broadcast_in_dim3A_570, %select_n3A_559 : vector<16xi1>, vector<16xi32>
    %slice3A_572 = vector.extract_strided_slice %select_n3A_454 {offsets = [7], sizes = [1], strides = [1]} : vector<16xi32> to vector<1xi32>
    %squeeze3A_573 = vector.extract %slice3A_572[0] : i32 from vector<1xi32>
    %ge3A_574 = vector.broadcast %squeeze3A_573 : i32 to vector<16xi32>
    %ge3A_575 = arith.cmpi sge, %add3A_489, %ge3A_574 : vector<16xi32>
    %slice3A_576 = vector.extract_strided_slice %add3A_486 {offsets = [7], sizes = [1], strides = [1]} : vector<16xi32> to vector<1xi32>
    %squeeze3A_577 = vector.extract %slice3A_576[0] : i32 from vector<1xi32>
    %lt3A_578 = vector.broadcast %squeeze3A_577 : i32 to vector<16xi32>
    %lt3A_579 = arith.cmpi slt, %add3A_489, %lt3A_578 : vector<16xi32>
    %and3A_580 = arith.andi %ge3A_575, %lt3A_579 : vector<16xi1>
    %jit3A_581 = arith.constant 7 : i32
    %broadcast_in_dim3A_582 = vector.broadcast %jit3A_581 : i32 to vector<16xi32>
    %select_n3A_583 = arith.select %and3A_580, %broadcast_in_dim3A_582, %select_n3A_571 : vector<16xi1>, vector<16xi32>
    %slice3A_584 = vector.extract_strided_slice %select_n3A_454 {offsets = [8], sizes = [1], strides = [1]} : vector<16xi32> to vector<1xi32>
    %squeeze3A_585 = vector.extract %slice3A_584[0] : i32 from vector<1xi32>
    %ge3A_586 = vector.broadcast %squeeze3A_585 : i32 to vector<16xi32>
    %ge3A_587 = arith.cmpi sge, %add3A_489, %ge3A_586 : vector<16xi32>
    %slice3A_588 = vector.extract_strided_slice %add3A_486 {offsets = [8], sizes = [1], strides = [1]} : vector<16xi32> to vector<1xi32>
    %squeeze3A_589 = vector.extract %slice3A_588[0] : i32 from vector<1xi32>
    %lt3A_590 = vector.broadcast %squeeze3A_589 : i32 to vector<16xi32>
    %lt3A_591 = arith.cmpi slt, %add3A_489, %lt3A_590 : vector<16xi32>
    %and3A_592 = arith.andi %ge3A_587, %lt3A_591 : vector<16xi1>
    %jit3A_593 = arith.constant 8 : i32
    %broadcast_in_dim3A_594 = vector.broadcast %jit3A_593 : i32 to vector<16xi32>
    %select_n3A_595 = arith.select %and3A_592, %broadcast_in_dim3A_594, %select_n3A_583 : vector<16xi1>, vector<16xi32>
    %slice3A_596 = vector.extract_strided_slice %select_n3A_454 {offsets = [9], sizes = [1], strides = [1]} : vector<16xi32> to vector<1xi32>
    %squeeze3A_597 = vector.extract %slice3A_596[0] : i32 from vector<1xi32>
    %ge3A_598 = vector.broadcast %squeeze3A_597 : i32 to vector<16xi32>
    %ge3A_599 = arith.cmpi sge, %add3A_489, %ge3A_598 : vector<16xi32>
    %slice3A_600 = vector.extract_strided_slice %add3A_486 {offsets = [9], sizes = [1], strides = [1]} : vector<16xi32> to vector<1xi32>
    %squeeze3A_601 = vector.extract %slice3A_600[0] : i32 from vector<1xi32>
    %lt3A_602 = vector.broadcast %squeeze3A_601 : i32 to vector<16xi32>
    %lt3A_603 = arith.cmpi slt, %add3A_489, %lt3A_602 : vector<16xi32>
    %and3A_604 = arith.andi %ge3A_599, %lt3A_603 : vector<16xi1>
    %jit3A_605 = arith.constant 9 : i32
    %broadcast_in_dim3A_606 = vector.broadcast %jit3A_605 : i32 to vector<16xi32>
    %select_n3A_607 = arith.select %and3A_604, %broadcast_in_dim3A_606, %select_n3A_595 : vector<16xi1>, vector<16xi32>
    %slice3A_608 = vector.extract_strided_slice %select_n3A_454 {offsets = [10], sizes = [1], strides = [1]} : vector<16xi32> to vector<1xi32>
    %squeeze3A_609 = vector.extract %slice3A_608[0] : i32 from vector<1xi32>
    %ge3A_610 = vector.broadcast %squeeze3A_609 : i32 to vector<16xi32>
    %ge3A_611 = arith.cmpi sge, %add3A_489, %ge3A_610 : vector<16xi32>
    %slice3A_612 = vector.extract_strided_slice %add3A_486 {offsets = [10], sizes = [1], strides = [1]} : vector<16xi32> to vector<1xi32>
    %squeeze3A_613 = vector.extract %slice3A_612[0] : i32 from vector<1xi32>
    %lt3A_614 = vector.broadcast %squeeze3A_613 : i32 to vector<16xi32>
    %lt3A_615 = arith.cmpi slt, %add3A_489, %lt3A_614 : vector<16xi32>
    %and3A_616 = arith.andi %ge3A_611, %lt3A_615 : vector<16xi1>
    %jit3A_617 = arith.constant 10 : i32
    %broadcast_in_dim3A_618 = vector.broadcast %jit3A_617 : i32 to vector<16xi32>
    %select_n3A_619 = arith.select %and3A_616, %broadcast_in_dim3A_618, %select_n3A_607 : vector<16xi1>, vector<16xi32>
    %slice3A_620 = vector.extract_strided_slice %select_n3A_454 {offsets = [11], sizes = [1], strides = [1]} : vector<16xi32> to vector<1xi32>
    %squeeze3A_621 = vector.extract %slice3A_620[0] : i32 from vector<1xi32>
    %ge3A_622 = vector.broadcast %squeeze3A_621 : i32 to vector<16xi32>
    %ge3A_623 = arith.cmpi sge, %add3A_489, %ge3A_622 : vector<16xi32>
    %slice3A_624 = vector.extract_strided_slice %add3A_486 {offsets = [11], sizes = [1], strides = [1]} : vector<16xi32> to vector<1xi32>
    %squeeze3A_625 = vector.extract %slice3A_624[0] : i32 from vector<1xi32>
    %lt3A_626 = vector.broadcast %squeeze3A_625 : i32 to vector<16xi32>
    %lt3A_627 = arith.cmpi slt, %add3A_489, %lt3A_626 : vector<16xi32>
    %and3A_628 = arith.andi %ge3A_623, %lt3A_627 : vector<16xi1>
    %jit3A_629 = arith.constant 11 : i32
    %broadcast_in_dim3A_630 = vector.broadcast %jit3A_629 : i32 to vector<16xi32>
    %select_n3A_631 = arith.select %and3A_628, %broadcast_in_dim3A_630, %select_n3A_619 : vector<16xi1>, vector<16xi32>
    %slice3A_632 = vector.extract_strided_slice %select_n3A_454 {offsets = [12], sizes = [1], strides = [1]} : vector<16xi32> to vector<1xi32>
    %squeeze3A_633 = vector.extract %slice3A_632[0] : i32 from vector<1xi32>
    %ge3A_634 = vector.broadcast %squeeze3A_633 : i32 to vector<16xi32>
    %ge3A_635 = arith.cmpi sge, %add3A_489, %ge3A_634 : vector<16xi32>
    %slice3A_636 = vector.extract_strided_slice %add3A_486 {offsets = [12], sizes = [1], strides = [1]} : vector<16xi32> to vector<1xi32>
    %squeeze3A_637 = vector.extract %slice3A_636[0] : i32 from vector<1xi32>
    %lt3A_638 = vector.broadcast %squeeze3A_637 : i32 to vector<16xi32>
    %lt3A_639 = arith.cmpi slt, %add3A_489, %lt3A_638 : vector<16xi32>
    %and3A_640 = arith.andi %ge3A_635, %lt3A_639 : vector<16xi1>
    %jit3A_641 = arith.constant 12 : i32
    %broadcast_in_dim3A_642 = vector.broadcast %jit3A_641 : i32 to vector<16xi32>
    %select_n3A_643 = arith.select %and3A_640, %broadcast_in_dim3A_642, %select_n3A_631 : vector<16xi1>, vector<16xi32>
    %slice3A_644 = vector.extract_strided_slice %select_n3A_454 {offsets = [13], sizes = [1], strides = [1]} : vector<16xi32> to vector<1xi32>
    %squeeze3A_645 = vector.extract %slice3A_644[0] : i32 from vector<1xi32>
    %ge3A_646 = vector.broadcast %squeeze3A_645 : i32 to vector<16xi32>
    %ge3A_647 = arith.cmpi sge, %add3A_489, %ge3A_646 : vector<16xi32>
    %slice3A_648 = vector.extract_strided_slice %add3A_486 {offsets = [13], sizes = [1], strides = [1]} : vector<16xi32> to vector<1xi32>
    %squeeze3A_649 = vector.extract %slice3A_648[0] : i32 from vector<1xi32>
    %lt3A_650 = vector.broadcast %squeeze3A_649 : i32 to vector<16xi32>
    %lt3A_651 = arith.cmpi slt, %add3A_489, %lt3A_650 : vector<16xi32>
    %and3A_652 = arith.andi %ge3A_647, %lt3A_651 : vector<16xi1>
    %jit3A_653 = arith.constant 13 : i32
    %broadcast_in_dim3A_654 = vector.broadcast %jit3A_653 : i32 to vector<16xi32>
    %select_n3A_655 = arith.select %and3A_652, %broadcast_in_dim3A_654, %select_n3A_643 : vector<16xi1>, vector<16xi32>
    %slice3A_656 = vector.extract_strided_slice %select_n3A_454 {offsets = [14], sizes = [1], strides = [1]} : vector<16xi32> to vector<1xi32>
    %squeeze3A_657 = vector.extract %slice3A_656[0] : i32 from vector<1xi32>
    %ge3A_658 = vector.broadcast %squeeze3A_657 : i32 to vector<16xi32>
    %ge3A_659 = arith.cmpi sge, %add3A_489, %ge3A_658 : vector<16xi32>
    %slice3A_660 = vector.extract_strided_slice %add3A_486 {offsets = [14], sizes = [1], strides = [1]} : vector<16xi32> to vector<1xi32>
    %squeeze3A_661 = vector.extract %slice3A_660[0] : i32 from vector<1xi32>
    %lt3A_662 = vector.broadcast %squeeze3A_661 : i32 to vector<16xi32>
    %lt3A_663 = arith.cmpi slt, %add3A_489, %lt3A_662 : vector<16xi32>
    %and3A_664 = arith.andi %ge3A_659, %lt3A_663 : vector<16xi1>
    %jit3A_665 = arith.constant 14 : i32
    %broadcast_in_dim3A_666 = vector.broadcast %jit3A_665 : i32 to vector<16xi32>
    %select_n3A_667 = arith.select %and3A_664, %broadcast_in_dim3A_666, %select_n3A_655 : vector<16xi1>, vector<16xi32>
    %slice3A_668 = vector.extract_strided_slice %select_n3A_454 {offsets = [15], sizes = [1], strides = [1]} : vector<16xi32> to vector<1xi32>
    %squeeze3A_669 = vector.extract %slice3A_668[0] : i32 from vector<1xi32>
    %ge3A_670 = vector.broadcast %squeeze3A_669 : i32 to vector<16xi32>
    %ge3A_671 = arith.cmpi sge, %add3A_489, %ge3A_670 : vector<16xi32>
    %slice3A_672 = vector.extract_strided_slice %add3A_486 {offsets = [15], sizes = [1], strides = [1]} : vector<16xi32> to vector<1xi32>
    %squeeze3A_673 = vector.extract %slice3A_672[0] : i32 from vector<1xi32>
    %lt3A_674 = vector.broadcast %squeeze3A_673 : i32 to vector<16xi32>
    %lt3A_675 = arith.cmpi slt, %add3A_489, %lt3A_674 : vector<16xi32>
    %and3A_676 = arith.andi %ge3A_671, %lt3A_675 : vector<16xi1>
    %jit3A_677 = arith.constant 15 : i32
    %broadcast_in_dim3A_678 = vector.broadcast %jit3A_677 : i32 to vector<16xi32>
    %select_n3A_679 = arith.select %and3A_676, %broadcast_in_dim3A_678, %select_n3A_667 : vector<16xi1>, vector<16xi32>
    %swap3A_680 = arith.constant 0 : index
    %swap3A_681 = tpu.vector_load %arg14[%swap3A_680] {strides = array<i32>} : memref<32xi32, #tpu.memory_space<vmem>>, vector<16xi32>,
    tpu.vector_store %arg14[%swap3A_680], %select_n3A_679 {strides = array<i32>} : memref<32xi32, #tpu.memory_space<vmem>>, vector<16xi32>,
    %add3A_682 = arith.constant 16 : i32
    %add3A_683 = vector.broadcast %add3A_682 : i32 to vector<16xi32>
    %add3A_684 = arith.addi %iota3A, %add3A_683 : vector<16xi32>
    %broadcast_in_dim3A_685 = arith.constant -1 : i32
    %broadcast_in_dim3A_686 = vector.broadcast %broadcast_in_dim3A_685 : i32 to vector<16xi32>
    %slice3A_687 = vector.extract_strided_slice %select_n3A_454 {offsets = [0], sizes = [1], strides = [1]} : vector<16xi32> to vector<1xi32>
    %squeeze3A_688 = vector.extract %slice3A_687[0] : i32 from vector<1xi32>
    %ge3A_689 = vector.broadcast %squeeze3A_688 : i32 to vector<16xi32>
    %ge3A_690 = arith.cmpi sge, %add3A_684, %ge3A_689 : vector<16xi32>
    %slice3A_691 = vector.extract_strided_slice %add3A_486 {offsets = [0], sizes = [1], strides = [1]} : vector<16xi32> to vector<1xi32>
    %squeeze3A_692 = vector.extract %slice3A_691[0] : i32 from vector<1xi32>
    %lt3A_693 = vector.broadcast %squeeze3A_692 : i32 to vector<16xi32>
    %lt3A_694 = arith.cmpi slt, %add3A_684, %lt3A_693 : vector<16xi32>
    %and3A_695 = arith.andi %ge3A_690, %lt3A_694 : vector<16xi1>
    %jit3A_696 = arith.constant 0 : i32
    %broadcast_in_dim3A_697 = vector.broadcast %jit3A_696 : i32 to vector<16xi32>
    %select_n3A_698 = arith.select %and3A_695, %broadcast_in_dim3A_697, %broadcast_in_dim3A_686 : vector<16xi1>, vector<16xi32>
    %slice3A_699 = vector.extract_strided_slice %select_n3A_454 {offsets = [1], sizes = [1], strides = [1]} : vector<16xi32> to vector<1xi32>
    %squeeze3A_700 = vector.extract %slice3A_699[0] : i32 from vector<1xi32>
    %ge3A_701 = vector.broadcast %squeeze3A_700 : i32 to vector<16xi32>
    %ge3A_702 = arith.cmpi sge, %add3A_684, %ge3A_701 : vector<16xi32>
    %slice3A_703 = vector.extract_strided_slice %add3A_486 {offsets = [1], sizes = [1], strides = [1]} : vector<16xi32> to vector<1xi32>
    %squeeze3A_704 = vector.extract %slice3A_703[0] : i32 from vector<1xi32>
    %lt3A_705 = vector.broadcast %squeeze3A_704 : i32 to vector<16xi32>
    %lt3A_706 = arith.cmpi slt, %add3A_684, %lt3A_705 : vector<16xi32>
    %and3A_707 = arith.andi %ge3A_702, %lt3A_706 : vector<16xi1>
    %jit3A_708 = arith.constant 1 : i32
    %broadcast_in_dim3A_709 = vector.broadcast %jit3A_708 : i32 to vector<16xi32>
    %select_n3A_710 = arith.select %and3A_707, %broadcast_in_dim3A_709, %select_n3A_698 : vector<16xi1>, vector<16xi32>
    %slice3A_711 = vector.extract_strided_slice %select_n3A_454 {offsets = [2], sizes = [1], strides = [1]} : vector<16xi32> to vector<1xi32>
    %squeeze3A_712 = vector.extract %slice3A_711[0] : i32 from vector<1xi32>
    %ge3A_713 = vector.broadcast %squeeze3A_712 : i32 to vector<16xi32>
    %ge3A_714 = arith.cmpi sge, %add3A_684, %ge3A_713 : vector<16xi32>
    %slice3A_715 = vector.extract_strided_slice %add3A_486 {offsets = [2], sizes = [1], strides = [1]} : vector<16xi32> to vector<1xi32>
    %squeeze3A_716 = vector.extract %slice3A_715[0] : i32 from vector<1xi32>
    %lt3A_717 = vector.broadcast %squeeze3A_716 : i32 to vector<16xi32>
    %lt3A_718 = arith.cmpi slt, %add3A_684, %lt3A_717 : vector<16xi32>
    %and3A_719 = arith.andi %ge3A_714, %lt3A_718 : vector<16xi1>
    %jit3A_720 = arith.constant 2 : i32
    %broadcast_in_dim3A_721 = vector.broadcast %jit3A_720 : i32 to vector<16xi32>
    %select_n3A_722 = arith.select %and3A_719, %broadcast_in_dim3A_721, %select_n3A_710 : vector<16xi1>, vector<16xi32>
    %slice3A_723 = vector.extract_strided_slice %select_n3A_454 {offsets = [3], sizes = [1], strides = [1]} : vector<16xi32> to vector<1xi32>
    %squeeze3A_724 = vector.extract %slice3A_723[0] : i32 from vector<1xi32>
    %ge3A_725 = vector.broadcast %squeeze3A_724 : i32 to vector<16xi32>
    %ge3A_726 = arith.cmpi sge, %add3A_684, %ge3A_725 : vector<16xi32>
    %slice3A_727 = vector.extract_strided_slice %add3A_486 {offsets = [3], sizes = [1], strides = [1]} : vector<16xi32> to vector<1xi32>
    %squeeze3A_728 = vector.extract %slice3A_727[0] : i32 from vector<1xi32>
    %lt3A_729 = vector.broadcast %squeeze3A_728 : i32 to vector<16xi32>
    %lt3A_730 = arith.cmpi slt, %add3A_684, %lt3A_729 : vector<16xi32>
    %and3A_731 = arith.andi %ge3A_726, %lt3A_730 : vector<16xi1>
    %jit3A_732 = arith.constant 3 : i32
    %broadcast_in_dim3A_733 = vector.broadcast %jit3A_732 : i32 to vector<16xi32>
    %select_n3A_734 = arith.select %and3A_731, %broadcast_in_dim3A_733, %select_n3A_722 : vector<16xi1>, vector<16xi32>
    %slice3A_735 = vector.extract_strided_slice %select_n3A_454 {offsets = [4], sizes = [1], strides = [1]} : vector<16xi32> to vector<1xi32>
    %squeeze3A_736 = vector.extract %slice3A_735[0] : i32 from vector<1xi32>
    %ge3A_737 = vector.broadcast %squeeze3A_736 : i32 to vector<16xi32>
    %ge3A_738 = arith.cmpi sge, %add3A_684, %ge3A_737 : vector<16xi32>
    %slice3A_739 = vector.extract_strided_slice %add3A_486 {offsets = [4], sizes = [1], strides = [1]} : vector<16xi32> to vector<1xi32>
    %squeeze3A_740 = vector.extract %slice3A_739[0] : i32 from vector<1xi32>
    %lt3A_741 = vector.broadcast %squeeze3A_740 : i32 to vector<16xi32>
    %lt3A_742 = arith.cmpi slt, %add3A_684, %lt3A_741 : vector<16xi32>
    %and3A_743 = arith.andi %ge3A_738, %lt3A_742 : vector<16xi1>
    %jit3A_744 = arith.constant 4 : i32
    %broadcast_in_dim3A_745 = vector.broadcast %jit3A_744 : i32 to vector<16xi32>
    %select_n3A_746 = arith.select %and3A_743, %broadcast_in_dim3A_745, %select_n3A_734 : vector<16xi1>, vector<16xi32>
    %slice3A_747 = vector.extract_strided_slice %select_n3A_454 {offsets = [5], sizes = [1], strides = [1]} : vector<16xi32> to vector<1xi32>
    %squeeze3A_748 = vector.extract %slice3A_747[0] : i32 from vector<1xi32>
    %ge3A_749 = vector.broadcast %squeeze3A_748 : i32 to vector<16xi32>
    %ge3A_750 = arith.cmpi sge, %add3A_684, %ge3A_749 : vector<16xi32>
    %slice3A_751 = vector.extract_strided_slice %add3A_486 {offsets = [5], sizes = [1], strides = [1]} : vector<16xi32> to vector<1xi32>
    %squeeze3A_752 = vector.extract %slice3A_751[0] : i32 from vector<1xi32>
    %lt3A_753 = vector.broadcast %squeeze3A_752 : i32 to vector<16xi32>
    %lt3A_754 = arith.cmpi slt, %add3A_684, %lt3A_753 : vector<16xi32>
    %and3A_755 = arith.andi %ge3A_750, %lt3A_754 : vector<16xi1>
    %jit3A_756 = arith.constant 5 : i32
    %broadcast_in_dim3A_757 = vector.broadcast %jit3A_756 : i32 to vector<16xi32>
    %select_n3A_758 = arith.select %and3A_755, %broadcast_in_dim3A_757, %select_n3A_746 : vector<16xi1>, vector<16xi32>
    %slice3A_759 = vector.extract_strided_slice %select_n3A_454 {offsets = [6], sizes = [1], strides = [1]} : vector<16xi32> to vector<1xi32>
    %squeeze3A_760 = vector.extract %slice3A_759[0] : i32 from vector<1xi32>
    %ge3A_761 = vector.broadcast %squeeze3A_760 : i32 to vector<16xi32>
    %ge3A_762 = arith.cmpi sge, %add3A_684, %ge3A_761 : vector<16xi32>
    %slice3A_763 = vector.extract_strided_slice %add3A_486 {offsets = [6], sizes = [1], strides = [1]} : vector<16xi32> to vector<1xi32>
    %squeeze3A_764 = vector.extract %slice3A_763[0] : i32 from vector<1xi32>
    %lt3A_765 = vector.broadcast %squeeze3A_764 : i32 to vector<16xi32>
    %lt3A_766 = arith.cmpi slt, %add3A_684, %lt3A_765 : vector<16xi32>
    %and3A_767 = arith.andi %ge3A_762, %lt3A_766 : vector<16xi1>
    %jit3A_768 = arith.constant 6 : i32
    %broadcast_in_dim3A_769 = vector.broadcast %jit3A_768 : i32 to vector<16xi32>
    %select_n3A_770 = arith.select %and3A_767, %broadcast_in_dim3A_769, %select_n3A_758 : vector<16xi1>, vector<16xi32>
    %slice3A_771 = vector.extract_strided_slice %select_n3A_454 {offsets = [7], sizes = [1], strides = [1]} : vector<16xi32> to vector<1xi32>
    %squeeze3A_772 = vector.extract %slice3A_771[0] : i32 from vector<1xi32>
    %ge3A_773 = vector.broadcast %squeeze3A_772 : i32 to vector<16xi32>
    %ge3A_774 = arith.cmpi sge, %add3A_684, %ge3A_773 : vector<16xi32>
    %slice3A_775 = vector.extract_strided_slice %add3A_486 {offsets = [7], sizes = [1], strides = [1]} : vector<16xi32> to vector<1xi32>
    %squeeze3A_776 = vector.extract %slice3A_775[0] : i32 from vector<1xi32>
    %lt3A_777 = vector.broadcast %squeeze3A_776 : i32 to vector<16xi32>
    %lt3A_778 = arith.cmpi slt, %add3A_684, %lt3A_777 : vector<16xi32>
    %and3A_779 = arith.andi %ge3A_774, %lt3A_778 : vector<16xi1>
    %jit3A_780 = arith.constant 7 : i32
    %broadcast_in_dim3A_781 = vector.broadcast %jit3A_780 : i32 to vector<16xi32>
    %select_n3A_782 = arith.select %and3A_779, %broadcast_in_dim3A_781, %select_n3A_770 : vector<16xi1>, vector<16xi32>
    %slice3A_783 = vector.extract_strided_slice %select_n3A_454 {offsets = [8], sizes = [1], strides = [1]} : vector<16xi32> to vector<1xi32>
    %squeeze3A_784 = vector.extract %slice3A_783[0] : i32 from vector<1xi32>
    %ge3A_785 = vector.broadcast %squeeze3A_784 : i32 to vector<16xi32>
    %ge3A_786 = arith.cmpi sge, %add3A_684, %ge3A_785 : vector<16xi32>
    %slice3A_787 = vector.extract_strided_slice %add3A_486 {offsets = [8], sizes = [1], strides = [1]} : vector<16xi32> to vector<1xi32>
    %squeeze3A_788 = vector.extract %slice3A_787[0] : i32 from vector<1xi32>
    %lt3A_789 = vector.broadcast %squeeze3A_788 : i32 to vector<16xi32>
    %lt3A_790 = arith.cmpi slt, %add3A_684, %lt3A_789 : vector<16xi32>
    %and3A_791 = arith.andi %ge3A_786, %lt3A_790 : vector<16xi1>
    %jit3A_792 = arith.constant 8 : i32
    %broadcast_in_dim3A_793 = vector.broadcast %jit3A_792 : i32 to vector<16xi32>
    %select_n3A_794 = arith.select %and3A_791, %broadcast_in_dim3A_793, %select_n3A_782 : vector<16xi1>, vector<16xi32>
    %slice3A_795 = vector.extract_strided_slice %select_n3A_454 {offsets = [9], sizes = [1], strides = [1]} : vector<16xi32> to vector<1xi32>
    %squeeze3A_796 = vector.extract %slice3A_795[0] : i32 from vector<1xi32>
    %ge3A_797 = vector.broadcast %squeeze3A_796 : i32 to vector<16xi32>
    %ge3A_798 = arith.cmpi sge, %add3A_684, %ge3A_797 : vector<16xi32>
    %slice3A_799 = vector.extract_strided_slice %add3A_486 {offsets = [9], sizes = [1], strides = [1]} : vector<16xi32> to vector<1xi32>
    %squeeze3A_800 = vector.extract %slice3A_799[0] : i32 from vector<1xi32>
    %lt3A_801 = vector.broadcast %squeeze3A_800 : i32 to vector<16xi32>
    %lt3A_802 = arith.cmpi slt, %add3A_684, %lt3A_801 : vector<16xi32>
    %and3A_803 = arith.andi %ge3A_798, %lt3A_802 : vector<16xi1>
    %jit3A_804 = arith.constant 9 : i32
    %broadcast_in_dim3A_805 = vector.broadcast %jit3A_804 : i32 to vector<16xi32>
    %select_n3A_806 = arith.select %and3A_803, %broadcast_in_dim3A_805, %select_n3A_794 : vector<16xi1>, vector<16xi32>
    %slice3A_807 = vector.extract_strided_slice %select_n3A_454 {offsets = [10], sizes = [1], strides = [1]} : vector<16xi32> to vector<1xi32>
    %squeeze3A_808 = vector.extract %slice3A_807[0] : i32 from vector<1xi32>
    %ge3A_809 = vector.broadcast %squeeze3A_808 : i32 to vector<16xi32>
    %ge3A_810 = arith.cmpi sge, %add3A_684, %ge3A_809 : vector<16xi32>
    %slice3A_811 = vector.extract_strided_slice %add3A_486 {offsets = [10], sizes = [1], strides = [1]} : vector<16xi32> to vector<1xi32>
    %squeeze3A_812 = vector.extract %slice3A_811[0] : i32 from vector<1xi32>
    %lt3A_813 = vector.broadcast %squeeze3A_812 : i32 to vector<16xi32>
    %lt3A_814 = arith.cmpi slt, %add3A_684, %lt3A_813 : vector<16xi32>
    %and3A_815 = arith.andi %ge3A_810, %lt3A_814 : vector<16xi1>
    %jit3A_816 = arith.constant 10 : i32
    %broadcast_in_dim3A_817 = vector.broadcast %jit3A_816 : i32 to vector<16xi32>
    %select_n3A_818 = arith.select %and3A_815, %broadcast_in_dim3A_817, %select_n3A_806 : vector<16xi1>, vector<16xi32>
    %slice3A_819 = vector.extract_strided_slice %select_n3A_454 {offsets = [11], sizes = [1], strides = [1]} : vector<16xi32> to vector<1xi32>
    %squeeze3A_820 = vector.extract %slice3A_819[0] : i32 from vector<1xi32>
    %ge3A_821 = vector.broadcast %squeeze3A_820 : i32 to vector<16xi32>
    %ge3A_822 = arith.cmpi sge, %add3A_684, %ge3A_821 : vector<16xi32>
    %slice3A_823 = vector.extract_strided_slice %add3A_486 {offsets = [11], sizes = [1], strides = [1]} : vector<16xi32> to vector<1xi32>
    %squeeze3A_824 = vector.extract %slice3A_823[0] : i32 from vector<1xi32>
    %lt3A_825 = vector.broadcast %squeeze3A_824 : i32 to vector<16xi32>
    %lt3A_826 = arith.cmpi slt, %add3A_684, %lt3A_825 : vector<16xi32>
    %and3A_827 = arith.andi %ge3A_822, %lt3A_826 : vector<16xi1>
    %jit3A_828 = arith.constant 11 : i32
    %broadcast_in_dim3A_829 = vector.broadcast %jit3A_828 : i32 to vector<16xi32>
    %select_n3A_830 = arith.select %and3A_827, %broadcast_in_dim3A_829, %select_n3A_818 : vector<16xi1>, vector<16xi32>
    %slice3A_831 = vector.extract_strided_slice %select_n3A_454 {offsets = [12], sizes = [1], strides = [1]} : vector<16xi32> to vector<1xi32>
    %squeeze3A_832 = vector.extract %slice3A_831[0] : i32 from vector<1xi32>
    %ge3A_833 = vector.broadcast %squeeze3A_832 : i32 to vector<16xi32>
    %ge3A_834 = arith.cmpi sge, %add3A_684, %ge3A_833 : vector<16xi32>
    %slice3A_835 = vector.extract_strided_slice %add3A_486 {offsets = [12], sizes = [1], strides = [1]} : vector<16xi32> to vector<1xi32>
    %squeeze3A_836 = vector.extract %slice3A_835[0] : i32 from vector<1xi32>
    %lt3A_837 = vector.broadcast %squeeze3A_836 : i32 to vector<16xi32>
    %lt3A_838 = arith.cmpi slt, %add3A_684, %lt3A_837 : vector<16xi32>
    %and3A_839 = arith.andi %ge3A_834, %lt3A_838 : vector<16xi1>
    %jit3A_840 = arith.constant 12 : i32
    %broadcast_in_dim3A_841 = vector.broadcast %jit3A_840 : i32 to vector<16xi32>
    %select_n3A_842 = arith.select %and3A_839, %broadcast_in_dim3A_841, %select_n3A_830 : vector<16xi1>, vector<16xi32>
    %slice3A_843 = vector.extract_strided_slice %select_n3A_454 {offsets = [13], sizes = [1], strides = [1]} : vector<16xi32> to vector<1xi32>
    %squeeze3A_844 = vector.extract %slice3A_843[0] : i32 from vector<1xi32>
    %ge3A_845 = vector.broadcast %squeeze3A_844 : i32 to vector<16xi32>
    %ge3A_846 = arith.cmpi sge, %add3A_684, %ge3A_845 : vector<16xi32>
    %slice3A_847 = vector.extract_strided_slice %add3A_486 {offsets = [13], sizes = [1], strides = [1]} : vector<16xi32> to vector<1xi32>
    %squeeze3A_848 = vector.extract %slice3A_847[0] : i32 from vector<1xi32>
    %lt3A_849 = vector.broadcast %squeeze3A_848 : i32 to vector<16xi32>
    %lt3A_850 = arith.cmpi slt, %add3A_684, %lt3A_849 : vector<16xi32>
    %and3A_851 = arith.andi %ge3A_846, %lt3A_850 : vector<16xi1>
    %jit3A_852 = arith.constant 13 : i32
    %broadcast_in_dim3A_853 = vector.broadcast %jit3A_852 : i32 to vector<16xi32>
    %select_n3A_854 = arith.select %and3A_851, %broadcast_in_dim3A_853, %select_n3A_842 : vector<16xi1>, vector<16xi32>
    %slice3A_855 = vector.extract_strided_slice %select_n3A_454 {offsets = [14], sizes = [1], strides = [1]} : vector<16xi32> to vector<1xi32>
    %squeeze3A_856 = vector.extract %slice3A_855[0] : i32 from vector<1xi32>
    %ge3A_857 = vector.broadcast %squeeze3A_856 : i32 to vector<16xi32>
    %ge3A_858 = arith.cmpi sge, %add3A_684, %ge3A_857 : vector<16xi32>
    %slice3A_859 = vector.extract_strided_slice %add3A_486 {offsets = [14], sizes = [1], strides = [1]} : vector<16xi32> to vector<1xi32>
    %squeeze3A_860 = vector.extract %slice3A_859[0] : i32 from vector<1xi32>
    %lt3A_861 = vector.broadcast %squeeze3A_860 : i32 to vector<16xi32>
    %lt3A_862 = arith.cmpi slt, %add3A_684, %lt3A_861 : vector<16xi32>
    %and3A_863 = arith.andi %ge3A_858, %lt3A_862 : vector<16xi1>
    %jit3A_864 = arith.constant 14 : i32
    %broadcast_in_dim3A_865 = vector.broadcast %jit3A_864 : i32 to vector<16xi32>
    %select_n3A_866 = arith.select %and3A_863, %broadcast_in_dim3A_865, %select_n3A_854 : vector<16xi1>, vector<16xi32>
    %slice3A_867 = vector.extract_strided_slice %select_n3A_454 {offsets = [15], sizes = [1], strides = [1]} : vector<16xi32> to vector<1xi32>
    %squeeze3A_868 = vector.extract %slice3A_867[0] : i32 from vector<1xi32>
    %ge3A_869 = vector.broadcast %squeeze3A_868 : i32 to vector<16xi32>
    %ge3A_870 = arith.cmpi sge, %add3A_684, %ge3A_869 : vector<16xi32>
    %slice3A_871 = vector.extract_strided_slice %add3A_486 {offsets = [15], sizes = [1], strides = [1]} : vector<16xi32> to vector<1xi32>
    %squeeze3A_872 = vector.extract %slice3A_871[0] : i32 from vector<1xi32>
    %lt3A_873 = vector.broadcast %squeeze3A_872 : i32 to vector<16xi32>
    %lt3A_874 = arith.cmpi slt, %add3A_684, %lt3A_873 : vector<16xi32>
    %and3A_875 = arith.andi %ge3A_870, %lt3A_874 : vector<16xi1>
    %jit3A_876 = arith.constant 15 : i32
    %broadcast_in_dim3A_877 = vector.broadcast %jit3A_876 : i32 to vector<16xi32>
    %select_n3A_878 = arith.select %and3A_875, %broadcast_in_dim3A_877, %select_n3A_866 : vector<16xi1>, vector<16xi32>
    %swap3A_879 = arith.constant 16 : index
    %swap3A_880 = tpu.vector_load %arg14[%swap3A_879] {strides = array<i32>} : memref<32xi32, #tpu.memory_space<vmem>>, vector<16xi32>,
    tpu.vector_store %arg14[%swap3A_879], %select_n3A_878 {strides = array<i32>} : memref<32xi32, #tpu.memory_space<vmem>>, vector<16xi32>,
    %eq3A = arith.constant 0 : i32
    %eq3A_881 = arith.cmpi eq, %add3A, %eq3A : i32
    %convert_element_type3A_882 = arith.extui %eq3A_881 : i1 to i32
    %cond3A = arith.constant 0 : i32
    %cond3A_883 = arith.cmpi ne, %convert_element_type3A_882, %cond3A : i32
    scf.if %cond3A_883 {
      "tpu.region"() ({
        %run_scoped3A = tpu.sem_alloc : memref<!tpu.dma_semaphore, #tpu.memory_space<semaphore_mem>>
        tpu.enqueue_dma source(%arg14 : memref<32xi32, #tpu.memory_space<vmem>>) target(%arg8 : memref<32xi32, #tpu.memory_space<hbm>>) target_semaphore(%run_scoped3A : memref<!tpu.dma_semaphore, #tpu.memory_space<semaphore_mem>>)
        tpu.wait_dma2 semaphore(%run_scoped3A : memref<!tpu.dma_semaphore, #tpu.memory_space<semaphore_mem>>) src(%arg14 : memref<32xi32, #tpu.memory_space<vmem>>) dst(%arg8 : memref<32xi32, #tpu.memory_space<hbm>>)
        tpu.yield
      }) : () -> ()
    } else {
    }
    return
  }
}

module attributes {stable_mosaic.version = 14 : i64} {
  func.func @_backbone_body(%arg0: i32, %arg1: memref<256x1024xf32, #tpu.memory_space<vmem>>, %arg2: memref<1024x1024xf32, #tpu.memory_space<vmem>>, %arg3: memref<1x1024xf32, #tpu.memory_space<vmem>>, %arg4: memref<256x1024xf32, #tpu.memory_space<vmem>>) attributes {dimension_semantics = [#tpu.dimension_semantics<arbitrary>], iteration_bounds = array<i64: 8>, scalar_prefetch = 0 : i64, scratch_operands = 0 : i64, tpu.core_type = #tpu.core_type<tc>, window_params = [{transform_indices = @transform_0, window_bounds = array<i64: 256, 1024>}, {pipeline_mode = #tpu.pipeline_mode<synchronous>, transform_indices = @transform_1, window_bounds = array<i64: 1024, 1024>}, {pipeline_mode = #tpu.pipeline_mode<synchronous>, transform_indices = @transform_2, window_bounds = array<i64: 1, 1024>}, {transform_indices = @transform_3, window_bounds = array<i64: 256, 1024>}]} {
    %get3A = arith.constant 0 : index
    %get3A_0 = arith.constant 0 : index
    %get3A_1 = vector.load %arg1[%get3A, %get3A_0] : memref<256x1024xf32, #tpu.memory_space<vmem>>, vector<256x1024xf32>
    %convert_element_type3A = arith.truncf %get3A_1 : vector<256x1024xf32> to vector<256x1024xbf16>
    %get3A_2 = arith.constant 0 : index
    %get3A_3 = arith.constant 0 : index
    %get3A_4 = vector.load %arg2[%get3A_2, %get3A_3] : memref<1024x1024xf32, #tpu.memory_space<vmem>>, vector<1024x1024xf32>
    %convert_element_type3A_5 = arith.truncf %get3A_4 : vector<1024x1024xf32> to vector<1024x1024xbf16>
    %dot_general3A = arith.constant dense<0.000000e+00> : vector<256x1024xf32>
    %dot_general3A_6 = tpu.matmul %convert_element_type3A, %convert_element_type3A_5, %dot_general3A {dimension_numbers = #tpu.dot_dimension_numbers<[1], [0], [0], [1], [0, 0, 1, 1], [], []>, transpose_lhs_hint = false} : vector<256x1024xbf16>, vector<1024x1024xbf16>, vector<256x1024xf32> -> vector<256x1024xf32>
    %get3A_7 = arith.constant 0 : index
    %get3A_8 = arith.constant 0 : index
    %get3A_9 = vector.load %arg3[%get3A_7, %get3A_8] : memref<1x1024xf32, #tpu.memory_space<vmem>>, vector<1x1024xf32>
    %add3A = vector.broadcast %get3A_9 : vector<1x1024xf32> to vector<256x1024xf32>
    %add3A_10 = arith.addf %dot_general3A_6, %add3A : vector<256x1024xf32>
    %max3A = arith.constant 0.000000e+00 : f32
    %max3A_11 = vector.broadcast %max3A : f32 to vector<256x1024xf32>
    %max3A_12 = arith.maximumf %add3A_10, %max3A_11 : vector<256x1024xf32>
    %swap3A = arith.constant 0 : index
    %swap3A_13 = arith.constant 0 : index
    %swap3A_14 = vector.load %arg4[%swap3A, %swap3A_13] : memref<256x1024xf32, #tpu.memory_space<vmem>>, vector<256x1024xf32>
    tpu.vector_store %arg4[%swap3A, %swap3A_13], %max3A_12 {strides = array<i32>} : memref<256x1024xf32, #tpu.memory_space<vmem>>, vector<256x1024xf32>,
    return
  }
  func.func @transform_0(%arg0: i32) -> (i32, i32) {
    %c0_i32 = arith.constant 0 : i32
    %c0_i32_0 = arith.constant 0 : i32
    return %arg0, %c0_i32 : i32, i32
  }
  func.func @transform_1(%arg0: i32) -> (i32, i32) {
    %c0_i32 = arith.constant 0 : i32
    %c0_i32_0 = arith.constant 0 : i32
    %c0_i32_1 = arith.constant 0 : i32
    return %c0_i32, %c0_i32_0 : i32, i32
  }
  func.func @transform_2(%arg0: i32) -> (i32, i32) {
    %c0_i32 = arith.constant 0 : i32
    %c0_i32_0 = arith.constant 0 : i32
    %c0_i32_1 = arith.constant 0 : i32
    return %c0_i32, %c0_i32_0 : i32, i32
  }
  func.func @transform_3(%arg0: i32) -> (i32, i32) {
    %c0_i32 = arith.constant 0 : i32
    %c0_i32_0 = arith.constant 0 : i32
    return %arg0, %c0_i32 : i32, i32
  }
}

module attributes {stable_mosaic.version = 14 : i64} {
  func.func @_heads_body(%arg0: i32, %arg1: memref<32xi32, #tpu.memory_space<smem>>, %arg2: memref<256x1024xf32, #tpu.memory_space<vmem>>, %arg3: memref<1x1024x128xf32, #tpu.memory_space<vmem>>, %arg4: memref<1x1x128xf32, #tpu.memory_space<vmem>>, %arg5: memref<1x128x128xf32, #tpu.memory_space<vmem>>, %arg6: memref<1x1x128xf32, #tpu.memory_space<vmem>>, %arg7: memref<1x1x128xf32, #tpu.memory_space<vmem>>, %arg8: memref<8x256xf32, #tpu.memory_space<vmem>>) attributes {dimension_semantics = [#tpu.dimension_semantics<arbitrary>], iteration_bounds = array<i64: 23>, scalar_prefetch = 1 : i64, scratch_operands = 0 : i64, tpu.core_type = #tpu.core_type<tc>, window_params = [{transform_indices = @transform_0, window_bounds = array<i64: 256, 1024>}, {transform_indices = @transform_1, window_bounds = array<i64: 1, 1024, 128>}, {transform_indices = @transform_2, window_bounds = array<i64: 1, 1, 128>}, {transform_indices = @transform_3, window_bounds = array<i64: 1, 128, 128>}, {transform_indices = @transform_4, window_bounds = array<i64: 1, 1, 128>}, {transform_indices = @transform_5, window_bounds = array<i64: 1, 1, 128>}, {transform_indices = @transform_6, window_bounds = array<i64: 8, 256>}]} {
    %get3A = arith.constant 0 : index
    %get3A_0 = arith.constant 0 : index
    %get3A_1 = vector.load %arg2[%get3A, %get3A_0] : memref<256x1024xf32, #tpu.memory_space<vmem>>, vector<256x1024xf32>
    %convert_element_type3A = arith.truncf %get3A_1 : vector<256x1024xf32> to vector<256x1024xbf16>
    %get3A_2 = arith.constant 0 : index
    %get3A_3 = arith.constant 0 : index
    %get3A_4 = arith.constant 0 : index
    %get3A_5 = vector.load %arg3[%get3A_2, %get3A_3, %get3A_4] : memref<1x1024x128xf32, #tpu.memory_space<vmem>>, vector<1x1024x128xf32>
    %get3A_6 = vector.shape_cast %get3A_5 : vector<1x1024x128xf32> to vector<1024x128xf32>
    %convert_element_type3A_7 = arith.truncf %get3A_6 : vector<1024x128xf32> to vector<1024x128xbf16>
    %dot_general3A = arith.constant dense<0.000000e+00> : vector<256x128xf32>
    %dot_general3A_8 = tpu.matmul %convert_element_type3A, %convert_element_type3A_7, %dot_general3A {dimension_numbers = #tpu.dot_dimension_numbers<[1], [0], [0], [1], [0, 0, 1, 1], [], []>, transpose_lhs_hint = false} : vector<256x1024xbf16>, vector<1024x128xbf16>, vector<256x128xf32> -> vector<256x128xf32>
    %get3A_9 = arith.constant 0 : index
    %get3A_10 = arith.constant 0 : index
    %get3A_11 = arith.constant 0 : index
    %get3A_12 = vector.load %arg4[%get3A_9, %get3A_10, %get3A_11] : memref<1x1x128xf32, #tpu.memory_space<vmem>>, vector<1x1x128xf32>
    %get3A_13 = vector.shape_cast %get3A_12 : vector<1x1x128xf32> to vector<1x128xf32>
    %add3A = vector.broadcast %get3A_13 : vector<1x128xf32> to vector<256x128xf32>
    %add3A_14 = arith.addf %dot_general3A_8, %add3A : vector<256x128xf32>
    %max3A = arith.constant 0.000000e+00 : f32
    %max3A_15 = vector.broadcast %max3A : f32 to vector<256x128xf32>
    %max3A_16 = arith.maximumf %add3A_14, %max3A_15 : vector<256x128xf32>
    %get3A_17 = arith.constant 0 : index
    %get3A_18 = arith.constant 0 : index
    %get3A_19 = arith.constant 0 : index
    %get3A_20 = vector.load %arg5[%get3A_17, %get3A_18, %get3A_19] : memref<1x128x128xf32, #tpu.memory_space<vmem>>, vector<1x128x128xf32>
    %get3A_21 = vector.shape_cast %get3A_20 : vector<1x128x128xf32> to vector<128x128xf32>
    %dot_general3A_22 = arith.constant dense<0.000000e+00> : vector<256x128xf32>
    %dot_general3A_23 = tpu.matmul %max3A_16, %get3A_21, %dot_general3A_22 {dimension_numbers = #tpu.dot_dimension_numbers<[1], [0], [0], [1], [0, 0, 1, 1], [], []>, transpose_lhs_hint = false} : vector<256x128xf32>, vector<128x128xf32>, vector<256x128xf32> -> vector<256x128xf32>
    %get3A_24 = arith.constant 0 : index
    %get3A_25 = arith.constant 0 : index
    %get3A_26 = arith.constant 0 : index
    %get3A_27 = vector.load %arg6[%get3A_24, %get3A_25, %get3A_26] : memref<1x1x128xf32, #tpu.memory_space<vmem>>, vector<1x1x128xf32>
    %get3A_28 = vector.shape_cast %get3A_27 : vector<1x1x128xf32> to vector<1x128xf32>
    %add3A_29 = vector.broadcast %get3A_28 : vector<1x128xf32> to vector<256x128xf32>
    %add3A_30 = arith.addf %dot_general3A_23, %add3A_29 : vector<256x128xf32>
    %max3A_31 = arith.constant 0.000000e+00 : f32
    %max3A_32 = vector.broadcast %max3A_31 : f32 to vector<256x128xf32>
    %max3A_33 = arith.maximumf %add3A_30, %max3A_32 : vector<256x128xf32>
    %get3A_34 = arith.constant 0 : index
    %get3A_35 = arith.constant 0 : index
    %get3A_36 = arith.constant 0 : index
    %get3A_37 = vector.load %arg7[%get3A_34, %get3A_35, %get3A_36] : memref<1x1x128xf32, #tpu.memory_space<vmem>>, vector<1x1x128xf32>
    %get3A_38 = vector.shape_cast %get3A_37 : vector<1x1x128xf32> to vector<1x128xf32>
    %dot_general3A_39 = arith.constant dense<0.000000e+00> : vector<1x256xf32>
    %dot_general3A_40 = tpu.matmul %get3A_38, %max3A_33, %dot_general3A_39 {dimension_numbers = #tpu.dot_dimension_numbers<[1], [1], [0], [0], [0, 0, 1, 0], [], []>, transpose_lhs_hint = false} : vector<1x128xf32>, vector<256x128xf32>, vector<1x256xf32> -> vector<1x256xf32>
    %broadcast_in_dim3A = vector.shape_cast %dot_general3A_40 : vector<1x256xf32> to vector<1x256xf32>
    %broadcast_in_dim3A_41 = vector.broadcast %broadcast_in_dim3A : vector<1x256xf32> to vector<8x256xf32>
    %swap3A = arith.constant 0 : index
    %swap3A_42 = arith.constant 0 : index
    %swap3A_43 = vector.load %arg8[%swap3A, %swap3A_42] : memref<8x256xf32, #tpu.memory_space<vmem>>, vector<8x256xf32>
    tpu.vector_store %arg8[%swap3A, %swap3A_42], %broadcast_in_dim3A_41 {strides = array<i32>} : memref<8x256xf32, #tpu.memory_space<vmem>>, vector<8x256xf32>,
    return
  }
  func.func @transform_0(%arg0: i32, %arg1: memref<32xi32, #tpu.memory_space<smem>>) -> (i32, i32) {
    %get3A = arith.index_cast %arg0 : i32 to index
    %get3A_0 = memref.load %arg1[%get3A] : memref<32xi32, #tpu.memory_space<smem>>
    %lt3A = arith.constant 0 : i32
    %lt3A_1 = arith.cmpi slt, %get3A_0, %lt3A : i32
    %jit3A = arith.constant 0 : i32
    %select_n3A = arith.select %lt3A_1, %jit3A, %arg0 : i32
    %c0_i32 = arith.constant 0 : i32
    %c0_i32_2 = arith.constant 0 : i32
    return %select_n3A, %c0_i32 : i32, i32
  }
  func.func @transform_1(%arg0: i32, %arg1: memref<32xi32, #tpu.memory_space<smem>>) -> (i32, i32, i32) {
    %get3A = arith.index_cast %arg0 : i32 to index
    %get3A_0 = memref.load %arg1[%get3A] : memref<32xi32, #tpu.memory_space<smem>>
    %max3A = arith.constant 0 : i32
    %max3A_1 = arith.maxsi %get3A_0, %max3A : i32
    %c0_i32 = arith.constant 0 : i32
    %c0_i32_2 = arith.constant 0 : i32
    %c0_i32_3 = arith.constant 0 : i32
    return %max3A_1, %c0_i32, %c0_i32_2 : i32, i32, i32
  }
  func.func @transform_2(%arg0: i32, %arg1: memref<32xi32, #tpu.memory_space<smem>>) -> (i32, i32, i32) {
    %get3A = arith.index_cast %arg0 : i32 to index
    %get3A_0 = memref.load %arg1[%get3A] : memref<32xi32, #tpu.memory_space<smem>>
    %max3A = arith.constant 0 : i32
    %max3A_1 = arith.maxsi %get3A_0, %max3A : i32
    %c0_i32 = arith.constant 0 : i32
    %c0_i32_2 = arith.constant 0 : i32
    %c0_i32_3 = arith.constant 0 : i32
    return %max3A_1, %c0_i32, %c0_i32_2 : i32, i32, i32
  }
  func.func @transform_3(%arg0: i32, %arg1: memref<32xi32, #tpu.memory_space<smem>>) -> (i32, i32, i32) {
    %get3A = arith.index_cast %arg0 : i32 to index
    %get3A_0 = memref.load %arg1[%get3A] : memref<32xi32, #tpu.memory_space<smem>>
    %max3A = arith.constant 0 : i32
    %max3A_1 = arith.maxsi %get3A_0, %max3A : i32
    %c0_i32 = arith.constant 0 : i32
    %c0_i32_2 = arith.constant 0 : i32
    %c0_i32_3 = arith.constant 0 : i32
    return %max3A_1, %c0_i32, %c0_i32_2 : i32, i32, i32
  }
  func.func @transform_4(%arg0: i32, %arg1: memref<32xi32, #tpu.memory_space<smem>>) -> (i32, i32, i32) {
    %get3A = arith.index_cast %arg0 : i32 to index
    %get3A_0 = memref.load %arg1[%get3A] : memref<32xi32, #tpu.memory_space<smem>>
    %max3A = arith.constant 0 : i32
    %max3A_1 = arith.maxsi %get3A_0, %max3A : i32
    %c0_i32 = arith.constant 0 : i32
    %c0_i32_2 = arith.constant 0 : i32
    %c0_i32_3 = arith.constant 0 : i32
    return %max3A_1, %c0_i32, %c0_i32_2 : i32, i32, i32
  }
  func.func @transform_5(%arg0: i32, %arg1: memref<32xi32, #tpu.memory_space<smem>>) -> (i32, i32, i32) {
    %get3A = arith.index_cast %arg0 : i32 to index
    %get3A_0 = memref.load %arg1[%get3A] : memref<32xi32, #tpu.memory_space<smem>>
    %max3A = arith.constant 0 : i32
    %max3A_1 = arith.maxsi %get3A_0, %max3A : i32
    %c0_i32 = arith.constant 0 : i32
    %c0_i32_2 = arith.constant 0 : i32
    %c0_i32_3 = arith.constant 0 : i32
    return %max3A_1, %c0_i32, %c0_i32_2 : i32, i32, i32
  }
  func.func @transform_6(%arg0: i32, %arg1: memref<32xi32, #tpu.memory_space<smem>>) -> (i32, i32) {
    %c0_i32 = arith.constant 0 : i32
    %c0_i32_0 = arith.constant 0 : i32
    return %c0_i32, %arg0 : i32, i32
  }
}

</mosaic_0001>

<sc_bundles>
// kernel: kernel.10.cloned.1.call-start
scs
__scs_entry_jumppad:
0x0: {  	(pc) =	sbr.rel $0x88, $3  }
0x1: {  	(tag) =	ssettag $0x0;
	lr =	simm.s32 $0x1  }
0x2: {  	[smem:$0x3F97] =	sst lr;
	_ =	strace $0xD0000000  }
0x3: {  	_ = 	snop  }
0x4: {  	_ = 	snop  }
0x5: {  	_ = 	snop  }
0x6: {  	_ = 	snop  }
0x7: {  	_ = 	snop  }
__scs_overlays_trampoline_lowered:
0x8: {  	[smem:$0x3FA6] =	sst s0  }
0x9: {  	[smem:$0x3FA7] =	sst s1  }
0xa: {  	[smem:$0x3FA8] =	sst s2  }
0xb: {  	[smem:$0x3FA9] =	sst s3  }
0xc: {  	[smem:$0x3FAA] =	sst s4  }
0xd: {  	[smem:$0x3FAB] =	sst s5  }
0xe: {  	[smem:$0x3FAC] =	sst s6  }
0xf: {  	[smem:$0x3FAD] =	sst s7  }
0x10: {  	[smem:$0x3FAE] =	sst s8  }
0x11: {  	[smem:$0x3FAF] =	sst s9;
	s0 =	simm.s32 @!p0 $0x0  }
0x12: {  	s1 =	sld [smem:$0x3F95];
	s0 =	simm.s32 @p0 $0x1  }
0x13: {  	[smem:$0x3FB0] =	sst s0;
	s0 =	simm.s32 @!p1 $0x0  }
0x14: {  	s2 =	sld [smem:$0x3F94];
	s0 =	simm.s32 @p1 $0x1  }
0x15: {  	[smem:$0x3FB1] =	sst s0;
	s0 =	simm.s32 @!p2 $0x0  }
0x16: {  	s3 =	sld [smem:$0x3FDB];
	s0 =	simm.s32 @p2 $0x1  }
0x17: {  	s4 =	simm.s32 $0x1BF5;
	[smem:$0x3FB3] =	sst s0  }
0x18: {  	s0 =	sld [smem:$0x3F96];
	_ =	swait.ge [sflag:s4], $0x0  }
0x19: {  	s7 =	sld [smem:$0x3F97]  }
0x1a: {  	s8 =	sadd.s32 $0xFFFFE003, lr  }
0x1b: {  	s9 =	sadd.s32 $0xFFFFFEF7, lr;
	s5 =	simm.s32 $0xFFFFFFFF;
	p2 =	slt.u32 s8, $0xFFFFF086  }
0x1c: {  	p1 =	slt.u32 s9, $0xF7A;
	s5 =	simm.s32 @!p2 $0x0  }
0x1d: {  	s5 =	simm.s32 @p1 $0x1;
	p0 =	seq.s32 s7, s2  }
0x1e: {  	s7 =	smul.u32 @!p0 $0xF7A, s2;
	p2 =	seq.s32 @!p0 s5, $0x0  }
0x1f: {  	s9 =	smul.u32 $0xF7A, s1;
	s8 =	simm.s32 @!p0 $0x1BF5;
	p2 =	por !p2, p0  }
0x20: {  	[sflag:s8] =	ssyncset.s32 @!p0 $0xFFFFF086;
	s6 =	sadd.s32 @!p0 s3, s7;
	s7 =	simm.s32 @!p0 $0x108  }
0x21: {  	s3 =	sadd.s32 s3, s9;
	s6 =	sadd.s32 @!p0 $0x88, s6;
	s7 =	simm.s32 @p2 $0x1082  }
0x22: {  	[simem:s7], [sflag:s8] =	dma.local @!p0 [hbm:s6], $0xF7A  }
0x23: {  	s9 =	sor.u32 $0xD0000000, s2;
	s6 =	simm.s32 $0x108;
	_ =	swait.ge @!p0 [sflag:s8], $0x0  }
0x24: {  	s3 =	sadd.s32 $0x88, s3;
	s6 =	simm.s32 @!p1 $0x1082;
	[sflag:s4] =	ssyncset.s32 $0xFFFFF086  }
0x25: {  	[simem:s6], [sflag:s4] =	dma.local [hbm:s3], $0xF7A  }
0x26: {  	[smem:$0x3F97] =	sst s1;
	(tag) =	ssettag s2;
	_ =	strace s9  }
0x27: {  	s1 =	sld [smem:$0x3FA7]  }
0x28: {  	s2 =	sld [smem:$0x3FA8]  }
0x29: {  	s4 =	sld [smem:$0x3FAA]  }
0x2a: {  	p0 =	seq.s32 s5, $0x0;
	s5 =	sld [smem:$0x3FAB]  }
0x2b: {  	s6 =	sld [smem:$0x3FAC]  }
0x2c: {  	s7 =	sld [smem:$0x3FAD]  }
0x2d: {  	s3 =	simm.s32 $0x108;
	s8 =	sld [smem:$0x3FAE]  }
0x2e: {  	s3 =	simm.s32 @!p0 $0x1082;
	s9 =	sld [smem:$0x3FAF]  }
0x2f: {  	lr =	sadd.s32 s0, s3;
	s0 =	sld [smem:$0x3FA6]  }
0x30: {  	s3 =	sld [smem:$0x3FA9]  }
0x31: {  	[smem:$0x3FB2] =	sst s10  }
0x32: {  	s10 =	sld [smem:$0x3FB0];
	_ =	sdelay $0x3  }
0x33: {  	p0 =	seq.s32 s10, $0x1;
	s10 =	sld [smem:$0x3FB2];
	_ =	sdelay $0x3  }
0x34: {  	[smem:$0x3FB2] =	sst s10  }
0x35: {  	s10 =	sld [smem:$0x3FB1];
	_ =	sdelay $0x3  }
0x36: {  	p1 =	seq.s32 s10, $0x1;
	s10 =	sld [smem:$0x3FB2];
	_ =	sdelay $0x3  }
0x37: {  	[smem:$0x3FB2] =	sst s10  }
0x38: {  	s10 =	sld [smem:$0x3FB3]  }
0x39: {  	_ = 	snop;
	(pc) =	sbr.ind lr, $3  }
0x3a: {  	_ = 	snop  }
0x3b: {  	_ = 	snop  }
0x3c: {  	p2 =	seq.s32 s10, $0x1;
	s10 =	sld [smem:$0x3FB2]  }
0x3d: {  	_ =	shalt  }
0x3e: {  	_ =	shalt  }
0x3f: {  	_ =	shalt  }
0x40: {  	_ =	shalt  }
0x41: {  	_ =	shalt  }
0x42: {  	_ =	shalt  }
0x43: {  	_ =	shalt  }
0x44: {  	_ =	shalt  }
0x45: {  	_ =	shalt  }
0x46: {  	_ =	shalt  }
0x47: {  	_ =	shalt  }
0x48: {  	_ =	shalt  }
0x49: {  	_ =	shalt  }
0x4a: {  	_ =	shalt  }
0x4b: {  	_ =	shalt  }
0x4c: {  	_ =	shalt  }
0x4d: {  	_ =	shalt  }
0x4e: {  	_ =	shalt  }
0x4f: {  	_ =	shalt  }
0x50: {  	_ =	shalt  }
0x51: {  	_ =	shalt  }
0x52: {  	_ =	shalt  }
0x53: {  	_ =	shalt  }
0x54: {  	_ =	shalt  }
0x55: {  	_ =	shalt  }
0x56: {  	_ =	shalt  }
0x57: {  	_ =	shalt  }
0x58: {  	_ =	shalt  }
0x59: {  	_ =	shalt  }
0x5a: {  	_ =	shalt  }
0x5b: {  	_ =	shalt  }
0x5c: {  	_ =	shalt  }
0x5d: {  	_ =	shalt  }
0x5e: {  	_ =	shalt  }
0x5f: {  	_ =	shalt  }
0x60: {  	_ =	shalt  }
0x61: {  	_ =	shalt  }
0x62: {  	_ =	shalt  }
0x63: {  	_ =	shalt  }
0x64: {  	_ =	shalt  }
0x65: {  	_ =	shalt  }
0x66: {  	_ =	shalt  }
0x67: {  	_ =	shalt  }
0x68: {  	_ =	shalt  }
0x69: {  	_ =	shalt  }
0x6a: {  	_ =	shalt  }
0x6b: {  	_ =	shalt  }
0x6c: {  	_ =	shalt  }
0x6d: {  	_ =	shalt  }
0x6e: {  	_ =	shalt  }
0x6f: {  	_ =	shalt  }
0x70: {  	_ =	shalt  }
0x71: {  	_ =	shalt  }
0x72: {  	_ =	shalt  }
0x73: {  	_ =	shalt  }
0x74: {  	_ =	shalt  }
0x75: {  	_ =	shalt  }
0x76: {  	_ =	shalt  }
0x77: {  	_ =	shalt  }
0x78: {  	_ =	shalt  }
0x79: {  	_ =	shalt  }
0x7a: {  	_ =	shalt  }
0x7b: {  	_ =	shalt  }
0x7c: {  	_ =	shalt  }
0x7d: {  	_ =	shalt  }
0x7e: {  	_ =	shalt  }
0x7f: {  	_ =	shalt  }
0x80: {  	_ =	shalt  }
0x81: {  	_ =	shalt  }
0x82: {  	_ =	shalt  }
0x83: {  	_ =	shalt  }
0x84: {  	_ =	shalt  }
0x85: {  	_ =	shalt  }
0x86: {  	_ =	shalt  }
0x87: {  	_ =	shalt  }
.Lfunc_end0:
.L_simem_size_0:
called_computation.1_lowered:
.L_overlay_start_0:
0x88: {  	s2 =	sld [smem:$0x3FD9]  }
0x89: {  	s3 =	sld [smem:$0x3FFE];
	_ =	sdelay $0x1  }
0x8a: {  	s1 =	srdreg.scid  }
0x8b: {  	s0 =	sand.u32 $0x1, s1  }
0x8c: {  	s17 =	sshll.u32 s0, $0xA;
	s2 =	sadd.s32 s3, s2  }
0x8d: {  	s2 =	sadd.s32 s2, s17  }
0x8e: {  	[smem:$0x3FBE] =	sst s2  }
0x8f: {  	_ = 	snop  }
0x90: {  	s2 =	sld [smem:$0x3FC8]  }
0x91: {  	s18 =	sld [smem:$0x3FD0];
	(tm) =	ssettm $0x1  }
0x92: {  	s4 =	sld [smem:$0x3FFB];
	_ =	sdelay $0x3  }
0x93: {  	_ =	strace s4  }
0x94: {  	s4 =	sld [smem:$0x3FFC];
	_ =	sdelay $0x3  }
0x95: {  	_ =	strace s4  }
0x96: {  	s4 =	sld [smem:$0x3FFD];
	_ =	sdelay $0x3  }
0x97: {  	_ =	strace s4  }
0x98: {  	_ =	strace $0x8FFFFFFF  }
0x99: {  	s19 =	sld [smem:$0x3FDB];
	_ =	sdelay $0x1  }
0x9a: {  	s5 =	simm.s32 $_scs_section_size  }
0x9b: {  	s6 =	simm.s32 $_size__tile_overlayer_lowered;
	s7 =	simm.s32 $_tile_overlayer_lowered  }
0x9c: {  	s22 =	simm.s32 $0x1BFF;
	s21 =	sshll.u32 s7, $0x1;
	s4 =	sadd.s32 s5, s19  }
0x9d: {  	s8 =	simm.s32 $0x0;
	s20 =	sshll.u32 s6, $0x1;
	s6 =	sadd.s32 s21, s4  }
0x9e: {  	[timem:s8], [sflag:s22] =	dma.local [hbm:s6], s20  }
0x9f: {  	_ =	swait.ge [sflag:s22], s20  }
0xa0: {  	s5 =	ssub.s32 $0x0, s20;
	[sflag:s22] =	ssyncset.done $0x0  }
0xa1: {  	[sflag:s22] =	ssyncadd.s32 s5;
	_ =	sdelay $0x1  }
0xa2: {  	s23 =	simm.s32 $0x1B8B  }
0xa3: {  	_ =	swait.ge [sflag:s23], $0x1  }
0xa4: {  	[sflag:s23] =	ssyncset.done $0x0  }
0xa5: {  	s25 =	simm.s32 $0x1B8E;
	s24 =	sld [smem:$0x3FFE];
	[sflag:s23] =	ssyncadd.s32 $0xFFFFFFFF  }
0xa6: {  	s26 =	simm.s32 $execute0_lowered;
	[smem:$0x3FD2] =	sst s25  }
0xa7: {  	s6 =	sshll.u32 s26, $0x1;
	_ =	strace $0x80000049;
	[dreg:$0x1] =	wrdreg $0xFFFFFFFF  }
0xa8: {  	s28 =	simm.s32 $_size_execute0_lowered;
	s4 =	sadd.s32 s4, s6;
	[dreg:$0x0] =	wrdreg $0x0  }
0xa9: {  	s6 =	sshll.u32 s28, $0x1;
	[dreg:$0x2] =	wrdreg s4  }
0xaa: {  	[dreg:$0x3] =	wrdreg s6  }
0xab: {  	[dreg:$0x4] =	wrdreg $0xC0  }
0xac: {  	_ =	task [dreg:s8], $0x5FFFF  }
0xad: {  	[dreg:$0x1] =	wrdreg $0xFFFFFFFF  }
0xae: {  	[dreg:$0x0] =	wrdreg $0x60  }
0xaf: {  	[dreg:$0x2] =	wrdreg s24  }
0xb0: {  	[dreg:$0x3] =	wrdreg s2  }
0xb1: {  	[dreg:$0x4] =	wrdreg s18  }
0xb2: {  	[dreg:$0x5] =	wrdreg $0x9  }
0xb3: {  	_ =	task.clear_ibuf [dreg:s8], $0x6FFFF;
	_ =	strace $0x90000049  }
0xb4: {  	s29 =	simm.s32 $0x9;
	_ =	strace $0x8000004B  }
0xb5: {  	_ =	swait.ge [sflag:s29], $0x1  }
0xb6: {  	[sflag:s29] =	ssyncadd.s32 $0xFFFFFFFF  }
0xb7: {  	_ =	strace $0x9000004B  }
0xb8: {  	_ =	sfence  }
0xb9: {  	s30 =	sld [smem:$0x0];
	_ =	sdelay $0x2  }
0xba: {  	s31 =	sshll.u32 s1, $0xD;
	s1 =	sshrl.u32 s1, $0x2  }
0xbb: {  	s3 =	sand.u32 $0x4000, s31;
	s1 =	sadd.s32 s1, s30  }
0xbc: {  	s0 =	sor.u32 s3, s0;
	s1 =	sshll.u32 s1, $0x11  }
0xbd: {  	s0 =	sor.u32 s1, s0  }
0xbe: {  	s0 =	sadd.s32 $0x8F2B, s0  }
0xbf: {  	[sflag:s0] =	ssyncadd.remote.s32 $0x1  }
0xc0: {  	_ =	sfence.sel $0xFFFF  }
0xc1: {  	[dreg:$0x0] =	wrdreg $0xFFFFFFFF;
	(pc) =	sbr.abs _section_cstart, $3  }
0xc2: {  	[dreg:$0x1] =	wrdreg $0xFFFFFFFF  }
0xc3: {  	_ =	task.clear_ibuf [dreg:s8], $0x2FFFF;
	_ =	strace $0x9FFFFFFF  }
0xc4: {  	(tm) =	ssettm $0x7FFFFFFF  }
0xc5: {  	_ =	shalt  }
tec
execute0_lowered:
.L_overlay_start_1:
0x0: {  	(tag) =	ssettag $0x1  }
0x1: {  	s9 =	rddreg [dreg:$0x0]  }
0x2: {  	s4 =	rddreg [dreg:$0x1]  }
0x3: {  	s5 =	rddreg [dreg:$0x2];
	s1 =	srdreg.scid  }
0x4: {  	s2 =	simm.s32 $0x0;
	s0 =	stileid.u32;
	s11 =	simm.s32 $0x1  }
0x5: {  	s7 =	simm.s32 $0x1;
	s15 =	simm.s32 $0x1;
	s16 =	simm.s32 $0x1  }
0x6: {  	s23 =	simm.s32 $0x200;
	s24 =	simm.s32 $0x80;
	s25 =	simm.s32 $0x1A80  }
0x7: {  	s26 =	simm.s32 $0x2280;
	s1 =	sand.u32 $0x1, s1;
	[smem:$0x7FF] =	sst s2  }
0x8: {  	s12 =	simm.s32 $0x3280;
	s8 =	sadd.s32 $0x3400, s9;
	[dreg:$0x1b] =	wrdreg s1  }
0x9: {  	s18 =	sadd.s32 $0x43600, s9;
	_ =	strace $0x8000004A;
	[dreg:$0x4] =	wrdreg s8  }
0xa: {  	s13 =	simm.s32 $0x3A80;
	s14 =	simm.s32 $0x4A80;
	[dreg:$0x5] =	wrdreg s18  }
0xb: {  	s28 =	simm.s32 $0x1;
	s29 =	simm.s32 $0x1;
	[dreg:$0xa] =	wrdreg s23  }
0xc: {  	s30 =	simm.s32 $0x1;
	s31 =	simm.s32 $0x1;
	[dreg:$0xb] =	wrdreg s24  }
0xd: {  	s3 =	sshll.u32 s1, $0x4;
	s10 =	ssub.s32 $0x2, s1;
	[dreg:$0xd] =	wrdreg s25  }
0xe: {  	s1 =	simm.s32 $0x1;
	s3 =	sor.u32 s0, s3;
	[dreg:$0xe] =	wrdreg s26  }
0xf: {  	s19 =	sshrl.u32 s10, $0x1;
	s0 =	simm.s32 $0x1;
	[dreg:$0x10] =	wrdreg s12  }
0x10: {  	s18 =	simm.s32 $0x1;
	s23 =	simm.s32 $0x2A80;
	[dreg:$0x11] =	wrdreg s13  }
0x11: {  	s24 =	simm.s32 $0x4280;
	[dreg:$0x13] =	wrdreg s14;
	s25 =	simm.s32 $0x5280  }
0x12: {  	s26 =	simm.s32 $0x6280;
	s14 =	simm.s32 $0x1;
	s13 =	simm.s32 $0x1  }
0x13: {  	s6 =	sshll.u32 s3, $0xD;
	s17 =	sshll.u32 s3, $0x3;
	s8 =	ssub.s32 s10, s19  }
0x14: {  	p0 =	sgt.u32 s3, $0x1;
	p1 =	sgt.u32 s3, $0x3;
	[dreg:$0xf] =	wrdreg s23  }
0x15: {  	s10 =	simm.s32 $0x1;
	s19 =	simm.s32 $0x1;
	[dreg:$0x12] =	wrdreg s24  }
0x16: {  	s23 =	simm.s32 $0x1;
	[dreg:$0x14] =	wrdreg s25;
	s25 =	simm.s32 $0x5A80  }
0x17: {  	s24 =	simm.s32 $0x1;
	p2 =	sgt.u32 s3, $0x14;
	[dreg:$0x16] =	wrdreg s26  }
0x18: {  	p3 =	sgt.u32 s3, $0x17;
	p6 =	sgt.u32 s3, $0x18;
	p4 =	sgt.u32 s3, $0x19  }
0x19: {  	p5 =	sgt.u32 s3, $0x1A;
	s26 =	simm.s32 $0x1;
	s20 =	sadd.s32 s6, s9  }
0x1a: {  	s4 =	sadd.s32 s4, s17;
	s21 =	sadd.s32 s17, s9;
	s5 =	sadd.s32 s5, s17  }
0x1b: {  	s0 =	simm.s32 @!p0 $0x0;
	p0 =	sgt.u32 s3, $0x2;
	s6 =	simm.s32 $0x1  }
0x1c: {  	s17 =	simm.s32 $0x1;
	[dreg:$0x15] =	wrdreg s25;
	s25 =	simm.s32 $0x1  }
0x1d: {  	s12 =	simm.s32 @!p5 $0x0;
	s29 =	simm.s32 @!p3 $0x0;
	s30 =	simm.s32 @!p6 $0x0  }
0x1e: {  	s31 =	simm.s32 @!p4 $0x0;
	s8 =	smax.u32 s8, $0x1;
	[dreg:$0x6] =	wrdreg s4  }
0x1f: {  	[dreg:$0x7] =	wrdreg s5;
	s1 =	simm.s32 @!p0 $0x0;
	s6 =	simm.s32 @!p1 $0x0  }
0x20: {  	p0 =	sgt.u32 s3, $0x4;
	p1 =	sgt.u32 s3, $0x5;
	s5 =	simm.s32 $0x1  }
0x21: {  	s4 =	simm.s32 $0x1;
	s21 =	sadd.s32 $0xFB800, s21;
	s22 =	sadd.s32 $0x3600, s20  }
0x22: {  	s20 =	simm.s32 $0x1;
	s25 =	simm.s32 @!p2 $0x0;
	p2 =	sgt.u32 s3, $0x16  }
0x23: {  	s12 =	simm.s32 @p5 $0x1;
	p5 =	sgt.u32 s3, $0x1B;
	v1 =	vmov s0;
	s0 =	simm.s32 $0x1  }
0x24: {  	v23 =	vmov s29;
	v24 =	vmov s30;
	v25 =	vmov s31;
	s30 =	simm.s32 $0x8A80;
	s31 =	simm.s32 $0x9280;
	s29 =	simm.s32 $0x10A80  }
0x25: {  	s11 =	simm.s32 @!p0 $0x0;
	s10 =	simm.s32 @!p1 $0x0;
	[dreg:$0x8] =	wrdreg s21  }
0x26: {  	p0 =	sgt.u32 s3, $0x6;
	p1 =	sgt.u32 s3, $0x7;
	[dreg:$0x9] =	wrdreg s22  }
0x27: {  	s22 =	simm.s32 $0x100;
	s21 =	simm.s32 $0x1;
	[smem:$0x7FA] =	sst s12  }
0x28: {  	s12 =	simm.s32 @!p5 $0x0;
	s28 =	simm.s32 @!p2 $0x0;
	v2 =	vmov s1;
	s1 =	simm.s32 $0x1  }
0x29: {  	v20 =	vmov s25;
	s25 =	simm.s32 $0xF280;
	s5 =	simm.s32 @!p0 $0x0;
	s4 =	simm.s32 @!p1 $0x0  }
0x2a: {  	p0 =	sgt.u32 s3, $0x8;
	p1 =	sgt.u32 s3, $0x9;
	[dreg:$0xc] =	wrdreg s22  }
0x2b: {  	s22 =	simm.s32 $0x1;
	s12 =	simm.s32 @p5 $0x1;
	p5 =	sgt.u32 s3, $0x1C  }
0x2c: {  	v5 =	vmov s10;
	s10 =	simm.s32 $0x180;
	v22 =	vmov s28;
	s28 =	simm.s32 $0x10280;
	s7 =	simm.s32 @!p0 $0x0  }
0x2d: {  	s15 =	simm.s32 @!p1 $0x0;
	p0 =	sgt.u32 s3, $0xA;
	p1 =	sgt.u32 s3, $0xB  }
0x2e: {  	[smem:$0x7FB] =	sst s12;
	s12 =	simm.s32 @!p5 $0x0;
	v7 =	vmov s4;
	s4 =	simm.s32 $0x1  }
0x2f: {  	v6 =	vmov s5;
	s5 =	sadd.s32 $0x43900, s9;
	s17 =	simm.s32 @!p0 $0x0;
	s16 =	simm.s32 @!p1 $0x0  }
0x30: {  	p0 =	sgt.u32 s3, $0xC;
	p1 =	sgt.u32 s3, $0xD;
	s12 =	simm.s32 @p5 $0x1  }
0x31: {  	p5 =	sgt.u32 s3, $0x1D;
	v8 =	vmov s7;
	v9 =	vmov s15;
	s7 =	sadd.s32 $0x43B00, s9;
	s15 =	simm.s32 $0xA280  }
0x32: {  	s18 =	simm.s32 @!p0 $0x0;
	s19 =	simm.s32 @!p1 $0x0;
	p0 =	sgt.u32 s3, $0xE  }
0x33: {  	p1 =	sgt.u32 s3, $0x13;
	[smem:$0x7FC] =	sst s12;
	s12 =	simm.s32 @!p5 $0x0  }
0x34: {  	v10 =	vmov s17;
	v11 =	vmov s16;
	s16 =	simm.s32 $0xAA80;
	s17 =	simm.s32 $0xB280;
	s20 =	simm.s32 @!p0 $0x0  }
0x35: {  	v3 =	vmov s6;
	p0 =	sgt.u32 s3, $0x10;
	s12 =	simm.s32 @p5 $0x1;
	s6 =	sld [smem:$0x7FC]  }
0x36: {  	s24 =	simm.s32 @!p1 $0x0;
	p1 =	sgt.u32 s3, $0x15;
	[smem:$0x7FD] =	sst s12  }
0x37: {  	p5 =	seq.s32 s3, $0x1F;
	v13 =	vmov s19;
	s19 =	simm.s32 $0x6A80;
	s12 =	sld [smem:$0x7FA]  }
0x38: {  	v12 =	vmov s18;
	s18 =	simm.s32 $0xBA80;
	s21 =	simm.s32 @!p0 $0x0;
	v14 =	vmov s20;
	s20 =	rddreg [dreg:$0x1b]  }
0x39: {  	p0 =	sgt.u32 s3, $0x11;
	s26 =	simm.s32 @!p1 $0x0;
	[dreg:$0x17] =	wrdreg s19  }
0x3a: {  	v4 =	vmov s11;
	v19 =	vmov s24;
	s24 =	simm.s32 $0x7A80;
	s22 =	simm.s32 @!p0 $0x0;
	s11 =	sld [smem:$0x7FD]  }
0x3b: {  	p0 =	sgt.u32 s3, $0x12;
	v16 =	vmov s21;
	s21 =	simm.s32 $0x7280;
	[dreg:$0x19] =	wrdreg s24  }
0x3c: {  	s23 =	simm.s32 @!p0 $0x0;
	p0 =	sne.s32 s3, $0x0;
	s3 =	simm.s32 $0x1  }
0x3d: {  	s1 =	simm.s32 @!p5 $0x0;
	[dreg:$0x18] =	wrdreg s21;
	s3 =	simm.s32 @!p0 $0x0  }
0x3e: {  	s19 =	simm.s32 $0xC280;
	v21 =	vmov s26;
	s26 =	simm.s32 $0x8280;
	v0 =	vmov s3;
	s3 =	sld [smem:$0x7FB]  }
0x3f: {  	v15 =	vmov s20;
	s20 =	simm.s32 $0xCA80;
	s24 =	simm.s32 $0xEA80;
	[dreg:$0x1a] =	wrdreg s26  }
0x40: {  	v31 =	vlaneseq.u32;
	v17 =	vmov s22;
	s21 =	simm.s32 $0xD280;
	s22 =	simm.s32 $0xDA80;
	p1 =	seq.s32 s12, $0x1  }
0x41: {  	v32 =	vimm.s32 $0x0;
	vm0 =	vmmov $0xffff;
	v34 =	vshrl.u32 v31, $0x3;
	s26 =	simm.s32 $0xFA80;
	s14 =	simm.s32 @!p1 $0x0;
	p1 =	seq.s32 s3, $0x1  }
0x42: {  	v33 =	vand.u32 $0x7, v31;
	v35 =	vor.u32 $0x8, v31;
	v36 =	vadd.s32 $0x1, v31;
	s12 =	simm.s32 $0x1;
	s13 =	simm.s32 @!p1 $0x0;
	p1 =	seq.s32 s6, $0x1  }
0x43: {  	v37 =	vor.u32 $0x10, v31;
	v38 =	vadd.s32 $0x11, v31;
	v18 =	vmov s23;
	s23 =	simm.s32 $0xE280;
	s12 =	simm.s32 @!p1 $0x0;
	p1 =	seq.s32 s11, $0x1  }
0x44: {  	v34 =	vmul.u32 $0x8, v34;
	v30 =	vmov s1;
	v26 =	vmov s14;
	s14 =	simm.s32 $0x9A80;
	s3 =	sadd.s32 $0x43800, s9;
	s0 =	simm.s32 @!p1 $0x0  }
0x45: {  	s6 =	sadd.s32 $0x43A00, s9;
	s9 =	simm.s32 $0x2;
	s11 =	simm.s32 $0x1280;
	v27 =	vmov s13;
	v28 =	vmov s12;
	v29 =	vmov s0  }
.LBB2_1:
0x46: {  	s0 =	rddreg [dreg:$0x4]  }
0x47: {  	s1 =	rddreg [dreg:$0xa]  }
0x48: {  	[tilespmem:s1], [sflag:$0x2] =	stream.linear.gather [hbm4b:s0+s2], $0x1000, $0x38;
	[tilespmem:$0x11280] =	vst v63  }
0x49: {  	_ =	swait.ge [sflag:s9], $0x1000  }
0x4a: {  	[sflag:s9] =	ssyncset.done $0x0  }
0x4b: {  	s1 =	rddreg [dreg:$0x6];
	[sflag:s9] =	ssyncadd.s32 $0xFFFFF000  }
0x4c: {  	[tilespmem:s2], [sflag:$0x2] =	stream.linear.gather [hbm4b:s1+s2], $0x40, $0x38;
	[tilespmem:$0x11280] =	vst v63  }
0x4d: {  	_ =	swait.ge [sflag:s9], $0x40  }
0x4e: {  	s12 =	rddreg [dreg:$0x7];
	[sflag:s9] =	ssyncset.done $0x0  }
0x4f: {  	s13 =	rddreg [dreg:$0xb];
	[sflag:s9] =	ssyncadd.s32 $0xFFFFFFC0  }
0x50: {  	[tilespmem:s13], [sflag:$0x2] =	stream.linear.gather [hbm4b:s12+s2], $0x40, $0x38;
	[tilespmem:$0x11280] =	vst v63  }
0x51: {  	_ =	swait.ge [sflag:s9], $0x40  }
0x52: {  	[sflag:s9] =	ssyncset.done $0x0  }
0x53: {  	[sflag:s9] =	ssyncadd.s32 $0xFFFFFFC0  }
0x54: {  	v39 =	vld [tilespmem:$0x200]  }
0x55: {  	v40 =	vld [tilespmem:$0x280]  }
0x56: {  	v41 =	vld [tilespmem:$0x300]  }
0x57: {  	v42 =	vld [tilespmem:$0x380]  }
0x58: {  	v43 =	vld [tilespmem:$0x400]  }
0x59: {  	v44 =	vld [tilespmem:$0x480]  }
0x5a: {  	v45 =	vld [tilespmem:$0x500];
	v46 =	vadd.s32 v40, v39  }
0x5b: {  	v47 =	vld [tilespmem:$0x580];
	v46 =	vadd.s32 v41, v46  }
0x5c: {  	v48 =	vld [tilespmem:$0x600];
	v46 =	vadd.s32 v42, v46  }
0x5d: {  	v49 =	vld [tilespmem:$0x680];
	v46 =	vadd.s32 v43, v46  }
0x5e: {  	v50 =	vld [tilespmem:$0x700];
	v46 =	vadd.s32 v44, v46  }
0x5f: {  	v51 =	vld [tilespmem:$0x780];
	v46 =	vadd.s32 v45, v46  }
0x60: {  	v52 =	vld [tilespmem:$0x800];
	v46 =	vadd.s32 v47, v46  }
0x61: {  	v53 =	vld [tilespmem:$0x880];
	v46 =	vadd.s32 v48, v46  }
0x62: {  	v54 =	vld [tilespmem:$0x900];
	v46 =	vadd.s32 v49, v46  }
0x63: {  	v55 =	vld [tilespmem:$0x980];
	v46 =	vadd.s32 v50, v46  }
0x64: {  	v56 =	vld [tilespmem:$0xA00];
	v46 =	vadd.s32 v51, v46  }
0x65: {  	v57 =	vld [tilespmem:$0xA80];
	v46 =	vadd.s32 v52, v46  }
0x66: {  	v58 =	vld [tilespmem:$0xB00];
	v39 =	vmul.u32 v0, v39;
	v40 =	vmul.u32 v1, v40;
	v46 =	vadd.s32 v53, v46  }
0x67: {  	v59 =	vmul.u32 v3, v42;
	v41 =	vmul.u32 v2, v41;
	v42 =	vld [tilespmem:$0xB80];
	v46 =	vadd.s32 v54, v46  }
0x68: {  	v60 =	vmul.u32 v4, v43;
	v39 =	vadd.s32 v39, v40;
	v43 =	vld [tilespmem:$0xC00];
	v46 =	vadd.s32 v55, v46  }
0x69: {  	v61 =	vmul.u32 v5, v44;
	v39 =	vadd.s32 v41, v39;
	v44 =	vld [tilespmem:$0xC80];
	v46 =	vadd.s32 v56, v46  }
0x6a: {  	v62 =	vmul.u32 v6, v45;
	v39 =	vadd.s32 v59, v39;
	v45 =	vld [tilespmem:$0xD00];
	v46 =	vadd.s32 v57, v46  }
0x6b: {  	v63 =	vmul.u32 v7, v47;
	v39 =	vadd.s32 v60, v39;
	v47 =	vld [tilespmem:$0xD80];
	v46 =	vadd.s32 v58, v46  }
0x6c: {  	v59 =	vmul.u32 v8, v48;
	v39 =	vadd.s32 v61, v39;
	v48 =	vld [tilespmem:$0xE00];
	v46 =	vadd.s32 v42, v46  }
0x6d: {  	v60 =	vmul.u32 v9, v49;
	v39 =	vadd.s32 v62, v39;
	v49 =	vld [tilespmem:$0xE80];
	v46 =	vadd.s32 v43, v46  }
0x6e: {  	v61 =	vmul.u32 v10, v50;
	v39 =	vadd.s32 v63, v39;
	v50 =	vld [tilespmem:$0xF00];
	v46 =	vadd.s32 v44, v46  }
0x6f: {  	v62 =	vmul.u32 v11, v51;
	v39 =	vadd.s32 v59, v39;
	v51 =	vld [tilespmem:$0xF80];
	v46 =	vadd.s32 v45, v46  }
0x70: {  	v63 =	vmul.u32 v12, v52;
	v39 =	vadd.s32 v60, v39;
	v52 =	vld [tilespmem:$0x1000];
	v46 =	vadd.s32 v47, v46  }
0x71: {  	v59 =	vmul.u32 v13, v53;
	v39 =	vadd.s32 v61, v39;
	v53 =	vld [tilespmem:$0x1080];
	v46 =	vadd.s32 v48, v46  }
0x72: {  	v60 =	vmul.u32 v14, v54;
	v39 =	vadd.s32 v62, v39;
	v54 =	vld [tilespmem:$0x1100];
	v46 =	vadd.s32 v49, v46  }
0x73: {  	v61 =	vmul.u32 v15, v55;
	v62 =	vld [tilespmem:$0x1180];
	v39 =	vadd.s32 v63, v39;
	v46 =	vadd.s32 v50, v46  }
0x74: {  	v63 =	vmul.u32 v16, v56;
	v39 =	vadd.s32 v59, v39;
	v46 =	vadd.s32 v51, v46  }
0x75: {  	v39 =	vadd.s32 v60, v39;
	v56 =	vmul.u32 v17, v57;
	v46 =	vadd.s32 v52, v46  }
0x76: {  	v60 =	vmul.u32 v20, v43;
	v39 =	vadd.s32 v61, v39;
	v46 =	vadd.s32 v53, v46  }
0x77: {  	v57 =	vmul.u32 v18, v58;
	v39 =	vadd.s32 v63, v39;
	v59 =	vadd.s32 v54, v46  }
0x78: {  	v58 =	vmul.u32 v19, v42;
	v39 =	vadd.s32 v56, v39;
	v42 =	vadd.s32 v62, v59  }
0x79: {  	v63 =	vmul.u32 v21, v44;
	v39 =	vadd.s32 v57, v39;
	v61 =	vadd.s32 $0xFF, v42  }
0x7a: {  	v39 =	vadd.s32 v58, v39;
	v62 =	vshra.s32 v61, $0x1F;
	v42 =	vand.u32 $0xFF, v61  }
0x7b: {  	vm1 =	vlt.s32 v61, $0x1;
	v41 =	vshrl.u32 v62, $0x18;
	vm2 =	vne.s32 v42, $0x0  }
0x7c: {  	v39 =	vadd.s32 v60, v39;
	v40 =	vadd.s32 v41, v61;
	vm1 =	vmand vm1, vm2  }
0x7d: {  	v45 =	vmul.u32 v22, v45;
	v40 =	vshrl.u32 v40, $0x8;
	v46 =	vsel vm1, $0xFFFFFFFF, v32  }
0x7e: {  	v39 =	vadd.s32 v63, v39;
	v47 =	vmul.u32 v23, v47;
	v40 =	vadd.s32 v46, v40  }
0x7f: {  	v39 =	vadd.s32 v45, v39;
	v48 =	vmul.u32 v24, v48;
	v40 =	vshll.u32 v40, $0x8  }
0x80: {  	v39 =	vadd.s32 v47, v39;
	v49 =	vmul.u32 v25, v49;
	(xrf0) =	vadd.scan.msk.s32 $0xffff, v40  }
0x81: {  	v39 =	vadd.s32 v48, v39;
	v50 =	vmul.u32 v26, v50  }
0x82: {  	v55 =	vld [tilespmem:$0x0];
	v39 =	vadd.s32 v49, v39;
	v51 =	vmul.u32 v27, v51  }
0x83: {  	v56 =	vmul.u32 v28, v52;
	v39 =	vadd.s32 v50, v39  }
0x84: {  	v57 =	vmul.u32 v29, v53;
	v39 =	vadd.s32 v51, v39  }
0x85: {  	v58 =	vmul.u32 v30, v54;
	v39 =	vadd.s32 v56, v39  }
0x86: {  	v39 =	vadd.s32 v57, v39;
	v59, _, _ =	vpop (xrf0)  }
0x87: {  	v39 =	vadd.s32 v58, v39;
	v60 =	vsub.s32 v59, v40  }
0x88: {  	v62 =	vld [tilespmem:$0x10];
	v39 =	vadd.s32 v60, v39  }
0x89: {  	v61 =	vld [tilespmem:$0x80];
	[tilespmem:$0x180] =	vst v39  }
0x8a: {  	v43 =	vld.idx.msk [tilespmem:v55+s10+$0x0], $0xffff;
	_ =	sdelay $0x4  }
0x8b: {  	v63 =	vld [tilespmem:$0x90];
	v43 =	vadd.s32 v61, v43  }
0x8c: {  	v48 =	vld [tilespmem:$0x20];
	[tilespmem:$0x100] =	vst v43  }
0x8d: {  	v39 =	vld.idx.msk [tilespmem:v62+s10+$0x0], $0xffff;
	_ =	sdelay $0x4  }
0x8e: {  	v49 =	vld [tilespmem:$0xA0];
	v39 =	vadd.s32 v63, v39  }
0x8f: {  	v50 =	vld [tilespmem:$0x30];
	[tilespmem:$0x110] =	vst v39  }
0x90: {  	v43 =	vld.idx.msk [tilespmem:v48+s10+$0x0], $0xffff;
	_ =	sdelay $0x4  }
0x91: {  	v43 =	vadd.s32 v49, v43  }
0x92: {  	v51 =	vld [tilespmem:$0xB0];
	[tilespmem:$0x120] =	vst v43  }
0x93: {  	v39 =	vld.idx.msk [tilespmem:v50+s10+$0x0], $0xffff;
	_ =	sdelay $0x4  }
0x94: {  	s1 =	rddreg [dreg:$0x8];
	v39 =	vadd.s32 v51, v39  }
0x95: {  	s12 =	rddreg [dreg:$0xc];
	[tilespmem:$0x130] =	vst v39  }
0x96: {  	[hbm4b:s1+s2] =	stream.linear.scatter [tilespmem:s12], [sflag:$0x2], $0x40, $0x38;
	[tilespmem:$0x11280] =	vst v63  }
0x97: {  	_ =	swait.ge [sflag:s9], $0x40  }
0x98: {  	[sflag:s9] =	ssyncset.done $0x0  }
0x99: {  	s13 =	rddreg [dreg:$0x9];
	[sflag:s9] =	ssyncadd.s32 $0xFFFFFFC0  }
0x9a: {  	[tilespmem:s11], [sflag:$0x2] =	stream.linear.gather [hbm4b:s13+s2], $0x10000, $0x38;
	[tilespmem:$0x11280] =	vst v63  }
0x9b: {  	_ =	swait.ge [sflag:s9], $0x10000  }
0x9c: {  	[sflag:s9] =	ssyncset.done $0x0  }
0x9d: {  	[sflag:s9] =	ssyncadd.s32 $0xFFFF0000  }
0x9e: {  	v52 =	vld [tilespmem:$0x100];
	_ =	sdelay $0x4  }
0x9f: {  	v53 =	vshll.u32 v52, $0x3  }
0xa0: {  	v39 =	vand.u32 $0x7, v52;
	v43 =	vand.u32 $0xFFFFFFC0, v53  }
0xa1: {  	v39 =	vor.u32 v39, v43  }
0xa2: {  	v43 =	vperm.xlane v39, v33;
	_ =	sdelay $0x1  }
0xa3: {  	v43 =	vadd.s32 v34, v43;
	_ =	sdelay $0x4  }
0xa4: {  	[hbm4b:s3+s2] =	stream.indirect_vreg.scatter [tilespmem:s11], [sflag:$0x1], $0x80, v43, vm0, $0xb8;
	[tilespmem:$0x11280] =	vst v63  }
0xa5: {  	s1 =	rddreg [dreg:$0xd];
	v39 =	vperm.xlane v39, v35  }
0xa6: {  	[hbm4b:s5+s2] =	stream.indirect_vreg.scatter [tilespmem:s1], [sflag:$0x1], $0x80, v43, vm0, $0xb8;
	[tilespmem:$0x11280] =	vst v63  }
0xa7: {  	s12 =	rddreg [dreg:$0xe];
	v39 =	vadd.s32 v34, v39  }
0xa8: {  	[hbm4b:s6+s2] =	stream.indirect_vreg.scatter [tilespmem:s12], [sflag:$0x1], $0x80, v43, vm0, $0xb8;
	[tilespmem:$0x11280] =	vst v63  }
0xa9: {  	s13 =	rddreg [dreg:$0xf]  }
0xaa: {  	[hbm4b:s7+s2] =	stream.indirect_vreg.scatter [tilespmem:s13], [sflag:$0x1], $0x80, v43, vm0, $0xb8;
	[tilespmem:$0x11280] =	vst v63  }
0xab: {  	s12 =	rddreg [dreg:$0x10]  }
0xac: {  	[hbm4b:s3+s2] =	stream.indirect_vreg.scatter [tilespmem:s12], [sflag:$0x1], $0x80, v39, vm0, $0xb8;
	[tilespmem:$0x11280] =	vst v63  }
0xad: {  	s13 =	rddreg [dreg:$0x11]  }
0xae: {  	[hbm4b:s5+s2] =	stream.indirect_vreg.scatter [tilespmem:s13], [sflag:$0x1], $0x80, v39, vm0, $0xb8;
	[tilespmem:$0x11280] =	vst v63  }
0xaf: {  	s12 =	rddreg [dreg:$0x12]  }
0xb0: {  	[hbm4b:s6+s2] =	stream.indirect_vreg.scatter [tilespmem:s12], [sflag:$0x1], $0x80, v39, vm0, $0xb8;
	[tilespmem:$0x11280] =	vst v63  }
0xb1: {  	s13 =	rddreg [dreg:$0x13]  }
0xb2: {  	[hbm4b:s7+s2] =	stream.indirect_vreg.scatter [tilespmem:s13], [sflag:$0x1], $0x80, v39, vm0, $0xb8;
	[tilespmem:$0x11280] =	vst v63  }
0xb3: {  	v39 =	vld [tilespmem:$0x110];
	_ =	sdelay $0x4  }
0xb4: {  	v54 =	vshll.u32 v39, $0x3  }
0xb5: {  	v39 =	vand.u32 $0x7, v39;
	v43 =	vand.u32 $0xFFFFFFC0, v54  }
0xb6: {  	v39 =	vor.u32 v39, v43  }
0xb7: {  	v43 =	vperm.xlane v39, v33;
	_ =	sdelay $0x1  }
0xb8: {  	v43 =	vadd.s32 v34, v43;
	_ =	sdelay $0x3  }
0xb9: {  	s1 =	rddreg [dreg:$0x14]  }
0xba: {  	[hbm4b:s3+s2] =	stream.indirect_vreg.scatter [tilespmem:s1], [sflag:$0x1], $0x80, v43, vm0, $0xb8;
	[tilespmem:$0x11280] =	vst v63  }
0xbb: {  	s12 =	rddreg [dreg:$0x15];
	v39 =	vperm.xlane v39, v35  }
0xbc: {  	[hbm4b:s5+s2] =	stream.indirect_vreg.scatter [tilespmem:s12], [sflag:$0x1], $0x80, v43, vm0, $0xb8;
	[tilespmem:$0x11280] =	vst v63  }
0xbd: {  	s13 =	rddreg [dreg:$0x16];
	v39 =	vadd.s32 v34, v39  }
0xbe: {  	[hbm4b:s6+s2] =	stream.indirect_vreg.scatter [tilespmem:s13], [sflag:$0x1], $0x80, v43, vm0, $0xb8;
	[tilespmem:$0x11280] =	vst v63  }
0xbf: {  	s12 =	rddreg [dreg:$0x17]  }
0xc0: {  	[hbm4b:s7+s2] =	stream.indirect_vreg.scatter [tilespmem:s12], [sflag:$0x1], $0x80, v43, vm0, $0xb8;
	[tilespmem:$0x11280] =	vst v63  }
0xc1: {  	s13 =	rddreg [dreg:$0x18]  }
0xc2: {  	[hbm4b:s3+s2] =	stream.indirect_vreg.scatter [tilespmem:s13], [sflag:$0x1], $0x80, v39, vm0, $0xb8;
	[tilespmem:$0x11280] =	vst v63  }
0xc3: {  	s12 =	rddreg [dreg:$0x19]  }
0xc4: {  	[hbm4b:s5+s2] =	stream.indirect_vreg.scatter [tilespmem:s12], [sflag:$0x1], $0x80, v39, vm0, $0xb8;
	[tilespmem:$0x11280] =	vst v63  }
0xc5: {  	s13 =	rddreg [dreg:$0x1a]  }
0xc6: {  	[hbm4b:s6+s2] =	stream.indirect_vreg.scatter [tilespmem:s13], [sflag:$0x1], $0x80, v39, vm0, $0xb8;
	[tilespmem:$0x11280] =	vst v63  }
0xc7: {  	_ = 	snop  }
0xc8: {  	[hbm4b:s7+s2] =	stream.indirect_vreg.scatter [tilespmem:s30], [sflag:$0x1], $0x80, v39, vm0, $0xb8;
	[tilespmem:$0x11280] =	vst v63  }
0xc9: {  	v39 =	vld [tilespmem:$0x120];
	_ =	sdelay $0x4  }
0xca: {  	v55 =	vshll.u32 v39, $0x3  }
0xcb: {  	v39 =	vand.u32 $0x7, v39;
	v43 =	vand.u32 $0xFFFFFFC0, v55  }
0xcc: {  	v39 =	vor.u32 v39, v43  }
0xcd: {  	v43 =	vperm.xlane v39, v33;
	_ =	sdelay $0x1  }
0xce: {  	v43 =	vadd.s32 v34, v43;
	_ =	sdelay $0x4  }
0xcf: {  	[hbm4b:s3+s2] =	stream.indirect_vreg.scatter [tilespmem:s31], [sflag:$0x1], $0x80, v43, vm0, $0xb8;
	[tilespmem:$0x11280] =	vst v63  }
0xd0: {  	v39 =	vperm.xlane v39, v35  }
0xd1: {  	[hbm4b:s5+s2] =	stream.indirect_vreg.scatter [tilespmem:s14], [sflag:$0x1], $0x80, v43, vm0, $0xb8;
	[tilespmem:$0x11280] =	vst v63  }
0xd2: {  	v39 =	vadd.s32 v34, v39  }
0xd3: {  	[hbm4b:s6+s2] =	stream.indirect_vreg.scatter [tilespmem:s15], [sflag:$0x1], $0x80, v43, vm0, $0xb8;
	[tilespmem:$0x11280] =	vst v63  }
0xd4: {  	_ = 	snop  }
0xd5: {  	[hbm4b:s7+s2] =	stream.indirect_vreg.scatter [tilespmem:s16], [sflag:$0x1], $0x80, v43, vm0, $0xb8;
	[tilespmem:$0x11280] =	vst v63  }
0xd6: {  	_ = 	snop  }
0xd7: {  	[hbm4b:s3+s2] =	stream.indirect_vreg.scatter [tilespmem:s17], [sflag:$0x1], $0x80, v39, vm0, $0xb8;
	[tilespmem:$0x11280] =	vst v63  }
0xd8: {  	_ = 	snop  }
0xd9: {  	vm1 =	vne.s32 v59, v40;
	[hbm4b:s5+s2] =	stream.indirect_vreg.scatter [tilespmem:s18], [sflag:$0x1], $0x80, v39, vm0, $0xb8;
	[tilespmem:$0x11280] =	vst v63  }
0xda: {  	v56 =	vshra.s32 v60, $0x1F;
	v57 =	vsel vm1, $0x1, v32  }
0xdb: {  	v42 =	vand.u32 $0xFF, v59;
	v44 =	vor.u32 v57, v56;
	[hbm4b:s6+s2] =	stream.indirect_vreg.scatter [tilespmem:s19], [sflag:$0x1], $0x80, v39, vm0, $0xb8;
	[tilespmem:$0x11280] =	vst v63  }
0xdc: {  	vm2 =	vne.s32 v42, $0x0;
	v58 =	vshrl.u32 v56, $0x18;
	vm1 =	vne.s32 v44, $0x1  }
0xdd: {  	vm1 =	vmand vm2, vm1;
	[hbm4b:s7+s2] =	stream.indirect_vreg.scatter [tilespmem:s20], [sflag:$0x1], $0x80, v39, vm0, $0xb8;
	v39 =	vadd.s32 v58, v60;
	[tilespmem:$0x11280] =	vst v63  }
0xde: {  	v60 =	vsel vm1, $0xFFFFFFFF, v32;
	v39 =	vshra.s32 v39, $0x8  }
0xdf: {  	v39 =	vadd.s32 v60, v39  }
0xe0: {  	v41 =	vbroadcast v39, $0x0;
	v45 =	vbroadcast v39, $0x1  }
0xe1: {  	v47 =	vbroadcast v39, $0x2;
	v50 =	vbroadcast v39, $0x3  }
0xe2: {  	v40 =	vshra.s32 v40, $0x8;
	v52 =	vbroadcast v39, $0x4;
	v54 =	vbroadcast v39, $0x5  }
0xe3: {  	v59 =	vld [tilespmem:$0x130];
	v40 =	vadd.s32 v40, v39;
	v56 =	vbroadcast v39, $0x6;
	v51 =	vbroadcast v39, $0xB  }
0xe4: {  	v43 =	vbroadcast v40, $0x0;
	v46 =	vbroadcast v40, $0x1  }
0xe5: {  	v48 =	vbroadcast v40, $0x2;
	v63 =	vbroadcast v40, $0x3  }
0xe6: {  	v53 =	vbroadcast v40, $0x4;
	v55 =	vbroadcast v40, $0x5  }
0xe7: {  	v57 =	vbroadcast v40, $0x6;
	v58 =	vbroadcast v40, $0x7;
	vm1 =	vgt.s32 v41, v31  }
0xe8: {  	vm15 =	vlt.s32 v54, v38;
	v61 =	vand.u32 $0x7, v59;
	v42 =	vshll.u32 v59, $0x3  }
0xe9: {  	vm2 =	vlt.s32 v43, v36;
	vm3 =	vgt.s32 v46, v31;
	vm4 =	vlt.s32 v43, v38  }
0xea: {  	v43 =	vbroadcast v39, $0x8;
	vm5 =	vgt.s32 v46, v37;
	v46 =	vbroadcast v40, $0x9  }
0xeb: {  	vm9 =	vgt.s32 v48, v37;
	v59 =	vimm.s32 $0x0;
	vm1 =	vmor vm1, vm2  }
0xec: {  	v42 =	vand.u32 $0xFFFFFFC0, v42;
	vm2 =	vlt.s32 v45, v36;
	v62 =	vsel vm1, $0xFFFFFFFF, v32  }
0xed: {  	vm1 =	vmand vm2, vm3;
	vm2 =	vlt.s32 v47, v36;
	vm3 =	vgt.s32 v48, v31  }
0xee: {  	v42 =	vor.u32 v61, v42;
	v61 =	vbroadcast v39, $0x7;
	vm7 =	vlt.s32 v43, v36  }
0xef: {  	vm11 =	vgt.s32 v46, v31;
	v48 =	vbroadcast v40, $0xA;
	v49 =	vsel vm1, $0x1, v62  }
0xf0: {  	vm1 =	vmand vm2, vm3;
	vm2 =	vlt.s32 v50, v36;
	vm3 =	vgt.s32 v63, v31  }
0xf1: {  	v49 =	vsel vm1, $0x2, v49;
	vm1 =	vmand vm2, vm3;
	vm2 =	vlt.s32 v52, v36  }
0xf2: {  	vm3 =	vgt.s32 v53, v31;
	vm14 =	vgt.s32 v48, v31;
	v49 =	vsel vm1, $0x3, v49  }
0xf3: {  	vm1 =	vmand vm2, vm3;
	vm2 =	vlt.s32 v54, v36;
	vm3 =	vgt.s32 v55, v31  }
0xf4: {  	v54 =	vbroadcast v40, $0xC;
	v60 =	vsel vm1, $0x4, v49;
	vm1 =	vmand vm2, vm3  }
0xf5: {  	vm2 =	vlt.s32 v56, v36;
	vm3 =	vgt.s32 v57, v31;
	v44 =	vsel vm1, $0x5, v60  }
0xf6: {  	vm1 =	vmand vm2, vm3;
	vm2 =	vgt.s32 v41, v37;
	vm3 =	vgt.s32 v58, v31  }
0xf7: {  	v60 =	vbroadcast v40, $0xD;
	v62 =	vsel vm1, $0x6, v44;
	vm1 =	vlt.s32 v61, v36  }
0xf8: {  	v44 =	vbroadcast v40, $0x8;
	vm2 =	vmor vm2, vm4;
	vm6 =	vmand vm1, vm3  }
0xf9: {  	vm1 =	vlt.s32 v45, v38;
	v45 =	vbroadcast v39, $0x9;
	vm3 =	vlt.s32 v47, v38  }
0xfa: {  	v47 =	vbroadcast v39, $0xA;
	vm4 =	vgt.s32 v60, v31;
	vm8 =	vgt.s32 v44, v31  }
0xfb: {  	v41 =	vsel vm6, $0x7, v62;
	vm6 =	vlt.s32 v50, v38;
	v62 =	vimm.s32 $0x0  }
0xfc: {  	vm3 =	vmand vm3, vm9;
	vm8 =	vmand vm7, vm8;
	vm10 =	vlt.s32 v45, v36  }
0xfd: {  	vm7 =	vgt.s32 v63, v37;
	v63 =	vperm.xlane v42, v33;
	vm13 =	vlt.s32 v47, v36  }
0xfe: {  	vm9 =	vlt.s32 v47, v38;
	v42 =	vperm.xlane v42, v35;
	v41 =	vsel vm8, $0x8, v41  }
0xff: {  	vm12 =	vmand vm10, vm11;
	vm8 =	vmand vm13, vm14;
	vm10 =	vlt.s32 v52, v38  }
0x100: {  	v52 =	vbroadcast v40, $0xB;
	vm11 =	vgt.s32 v55, v37;
	vm14 =	vgt.s32 v54, v31  }
0x101: {  	v41 =	vsel vm12, $0x9, v41;
	vm12 =	vgt.s32 v53, v37;
	v53 =	vsel vm15, $0xFFFFFFFF, v59  }
0x102: {  	v55 =	vbroadcast v39, $0xD;
	vm15 =	vgt.s32 v57, v37;
	[tilespmem:$0x1FFD0] =	vst v53;
	v53 =	vbroadcast v39, $0xC  }
0x103: {  	v41 =	vsel vm8, $0xA, v41;
	vm8 =	vlt.s32 v51, v36;
	vm13 =	vgt.s32 v52, v31  }
0x104: {  	v57 =	vimm.s32 $0x0;
	v42 =	vadd.s32 v34, v42;
	vm8 =	vmand vm8, vm13  }
0x105: {  	v59 =	vbroadcast v39, $0xE;
	vm13 =	vlt.s32 v53, v36;
	v41 =	vsel vm8, $0xB, v41  }
0x106: {  	vm8 =	vmand vm13, vm14;
	vm13 =	vlt.s32 v61, v38;
	v61 =	vadd.s32 v34, v63  }
0x107: {  	vm10 =	vmand vm10, vm12;
	vm12 =	vgt.s32 v52, v37;
	v39 =	vbroadcast v39, $0xF  }
0x108: {  	vm14 =	vlt.s32 v56, v38;
	v63 =	vsel vm2, $0xFFFFFFFF, v32;
	vm2 =	vlt.s32 v43, v38  }
0x109: {  	v41 =	vsel vm8, $0xC, v41;
	vm8 =	vlt.s32 v55, v36;
	vm14 =	vmand vm14, vm15  }
0x10a: {  	vm15 =	vgt.s32 v60, v37;
	v60 =	vbroadcast v40, $0xE;
	vm4 =	vmand vm8, vm4  }
0x10b: {  	vm8 =	vgt.s32 v58, v37;
	v58 =	vld [tilespmem:$0x1FFD0];
	v50 =	vsel vm4, $0xFFFFFFFF, v62;
	vm4 =	vmand vm1, vm5;
	[hbm4b:s3+s2] =	stream.indirect_vreg.scatter [tilespmem:s21], [sflag:$0x1], $0x80, v61, vm0, $0xb8  }
0x10c: {  	v40 =	vbroadcast v40, $0xF;
	vm1 =	vgt.s32 v44, v37;
	[tilespmem:$0x1FFE0] =	vst v50;
	v50 =	vsel vm4, $0x1, v63  }
0x10d: {  	vm5 =	vgt.s32 v46, v37;
	v43 =	vsel vm3, $0x2, v50;
	vm3 =	vmand vm6, vm7;
	[hbm4b:s5+s2] =	stream.indirect_vreg.scatter [tilespmem:s22], [sflag:$0x1], $0x80, v61, vm0, $0xb8;
	[tilespmem:$0x11280] =	vst v63  }
0x10e: {  	vm8 =	vmand vm13, vm8;
	v43 =	vsel vm3, $0x3, v43;
	vm3 =	vlt.s32 v51, v38  }
0x10f: {  	vm13 =	vlt.s32 v59, v38;
	vm4 =	vlt.s32 v45, v38;
	v44 =	vsel vm3, $0xFFFFFFFF, v57;
	[hbm4b:s6+s2] =	stream.indirect_vreg.scatter [tilespmem:s23], [sflag:$0x1], $0x80, v61, vm0, $0xb8;
	[tilespmem:$0x11280] =	vst v63  }
0x110: {  	vm1 =	vmand vm2, vm1;
	vm2 =	vgt.s32 v60, v37;
	vm3 =	vnez.u8 v58;
	[tilespmem:$0x1FFF0] =	vst v44  }
0x111: {  	vm6 =	vgt.s32 v48, v37;
	v62 =	vld [tilespmem:$0x1FFE0];
	v43 =	vsel vm10, $0x4, v43;
	vm11 =	vmand vm3, vm11;
	[hbm4b:s7+s2] =	stream.indirect_vreg.scatter [tilespmem:s24], [sflag:$0x1], $0x80, v61, vm0, $0xb8  }
0x112: {  	vm7 =	vlt.s32 v53, v38;
	vm2 =	vmand vm13, vm2;
	v43 =	vsel vm11, $0x5, v43;
	v63 =	vld [tilespmem:$0x1FFF0]  }
0x113: {  	vm6 =	vmand vm9, vm6;
	vm9 =	vgt.s32 v40, v37;
	v43 =	vsel vm14, $0x6, v43;
	[hbm4b:s3+s2] =	stream.indirect_vreg.scatter [tilespmem:s25], [sflag:$0x1], $0x80, v42, vm0, $0xb8;
	[tilespmem:$0x11280] =	vst v63  }
0x114: {  	vm10 =	vgt.s32 v54, v37;
	vm11 =	vlt.s32 v55, v38;
	v43 =	vsel vm8, $0x7, v43  }
0x115: {  	vm14 =	vlt.s32 v59, v36;
	v43 =	vsel vm1, $0x8, v43;
	vm1 =	vmand vm4, vm5;
	[hbm4b:s5+s2] =	stream.indirect_vreg.scatter [tilespmem:s26], [sflag:$0x1], $0x80, v42, vm0, $0xb8;
	[tilespmem:$0x11280] =	vst v63  }
0x116: {  	vm3 =	vnez.u8 v62;
	vm4 =	vlt.s32 v39, v36;
	v61 =	vsel vm1, $0x9, v43  }
0x117: {  	vm1 =	vgt.s32 v40, v31;
	v40 =	vsel vm3, $0xD, v41;
	vm3 =	vnez.u8 v63;
	[hbm4b:s6+s2] =	stream.indirect_vreg.scatter [tilespmem:s28], [sflag:$0x1], $0x80, v42, vm0, $0xb8;
	[tilespmem:$0x11280] =	vst v63  }
0x118: {  	vm5 =	vlt.s32 v39, v38;
	v39 =	vsel vm6, $0xA, v61;
	vm3 =	vmand vm3, vm12  }
0x119: {  	vm8 =	vgt.s32 v60, v31;
	v39 =	vsel vm3, $0xB, v39;
	vm3 =	vmand vm7, vm10;
	[hbm4b:s7+s2] =	stream.indirect_vreg.scatter [tilespmem:s29], [sflag:$0x1], $0x80, v42, vm0, $0xb8;
	[tilespmem:$0x11280] =	vst v63  }
0x11a: {  	vm14 =	vmand vm14, vm8;
	v39 =	vsel vm3, $0xC, v39;
	vm3 =	vmand vm11, vm15;
	_ =	swait.ge [sflag:s4], $0x10000  }
0x11b: {  	v40 =	vsel vm14, $0xE, v40;
	vm1 =	vmand vm4, vm1;
	v39 =	vsel vm3, $0xD, v39;
	[sflag:s4] =	ssyncset.done $0x0  }
0x11c: {  	s8 =	sadd.s32 $0xFFFFFFFF, s8;
	v40 =	vsel vm1, $0xF, v40;
	vm1 =	vmand vm5, vm9;
	v39 =	vsel vm2, $0xE, v39;
	[sflag:s4] =	ssyncadd.s32 $0xFFFF0000  }
0x11d: {  	p1 =	sne.s32 s8, $0x0;
	v39 =	vsel vm1, $0xF, v39;
	[tilespmem:$0x1200] =	vst v40  }
0x11e: {  	s1 =	simm.s32 @!p0 $0x0;
	s12 =	simm.s32 @!p0 $0x1200;
	s0 =	rddreg [dreg:$0x5];
	[tilespmem:$0x1210] =	vst v39  }
0x11f: {  	[hbm4b:s0+s1] =	stream.linear.scatter @!p0 [tilespmem:s12], [sflag:$0x2], $0x80, $0x38;
	[tilespmem:$0x11280] =	vst v63  }
.Ltmp0:
0x120: {  	_ = 	snop;
	(pc) =	sbr.rel @p1 .LBB2_1-.Ltmp0, $4  }
0x121: {  	s0 =	simm.s32 @!p0 $0x2  }
0x122: {  	_ =	swait.ge @!p0 [sflag:s0], $0x80  }
0x123: {  	[sflag:s0] =	ssyncset.done @!p0 $0x0  }
0x124: {  	[sflag:s0] =	ssyncadd.s32 @!p0 $0xFFFFFF80  }
0x125: {  	_ =	sfence.sel $0x180000  }
0x126: {  	[bflag:$0x0] =	sbarrier.arrive $0xFFFF  }
0x127: {  	_ =	strace $0x9000004A  }
0x128: {  	s0 =	stileid.u32;
	[bflag:$0x2] =	sbarrier.arrive $0xFFFF  }
0x129: {  	p0 =	sne.s32 s0, $0x0;
	s0 =	rddreg [dreg:$0x3]  }
0x12a: {  	s0 =	sadd.s32 @!p0 $0x100000, s0  }
0x12b: {  	[sflag:s0] =	ssyncadd.tile.s32 @!p0 $0x1;
	_ =	shalt  }
.Lfunc_end2:
_tile_overlayer_lowered:
.L_overlay_start_2:
0x12c: {  	(tag) =	ssettag $0x2  }
0x12d: {  	s0 =	rddreg [dreg:$0x0];
	s2 =	stileid.u32  }
0x12e: {  	s1 =	rddreg [dreg:$0x1];
	p0 =	sne.s32 s2, $0x0  }
0x12f: {  	s3 =	rddreg [dreg:$0x2];
	[bflag:$0x3] =	sbarrier.arrive $0xFFFF;
	s2 =	simm.s32 @!p0 $0x1C02  }
0x130: {  	[timem:s3], [sflag:s2] =	dma.local @!p0 [hbm:s0], s1  }
0x131: {  	s0 =	simm.s32 @!p0 $0x2  }
0x132: {  	_ =	swait.ge @!p0 [sflag:s0], s1  }
0x133: {  	s1 =	ssub.s32 @!p0 $0x0, s1;
	[sflag:s0] =	ssyncset.done @!p0 $0x0  }
0x134: {  	[sflag:s0] =	ssyncadd.s32 @!p0 s1  }
0x135: {  	[bflag:$0x3] =	sbarrier.arrive $0xFFFF  }
0x136: {  	_ =	shalt  }

// kernel: kernel.13.cloned.1.call-start
scs
__scs_entry_jumppad:
0x0: {  	(pc) =	sbr.rel $0x88, $3  }
0x1: {  	(tag) =	ssettag $0x0;
	lr =	simm.s32 $0x1  }
0x2: {  	[smem:$0x3F97] =	sst lr;
	_ =	strace $0xD0000000  }
0x3: {  	_ = 	snop  }
0x4: {  	_ = 	snop  }
0x5: {  	_ = 	snop  }
0x6: {  	_ = 	snop  }
0x7: {  	_ = 	snop  }
__scs_overlays_trampoline_lowered:
0x8: {  	[smem:$0x3FA6] =	sst s0  }
0x9: {  	[smem:$0x3FA7] =	sst s1  }
0xa: {  	[smem:$0x3FA8] =	sst s2  }
0xb: {  	[smem:$0x3FA9] =	sst s3  }
0xc: {  	[smem:$0x3FAA] =	sst s4  }
0xd: {  	[smem:$0x3FAB] =	sst s5  }
0xe: {  	[smem:$0x3FAC] =	sst s6  }
0xf: {  	[smem:$0x3FAD] =	sst s7  }
0x10: {  	[smem:$0x3FAE] =	sst s8  }
0x11: {  	[smem:$0x3FAF] =	sst s9;
	s0 =	simm.s32 @!p0 $0x0  }
0x12: {  	s1 =	sld [smem:$0x3F95];
	s0 =	simm.s32 @p0 $0x1  }
0x13: {  	[smem:$0x3FB0] =	sst s0;
	s0 =	simm.s32 @!p1 $0x0  }
0x14: {  	s2 =	sld [smem:$0x3F94];
	s0 =	simm.s32 @p1 $0x1  }
0x15: {  	[smem:$0x3FB1] =	sst s0;
	s0 =	simm.s32 @!p2 $0x0  }
0x16: {  	s3 =	sld [smem:$0x3FDB];
	s0 =	simm.s32 @p2 $0x1  }
0x17: {  	s4 =	simm.s32 $0x1BF5;
	[smem:$0x3FB3] =	sst s0  }
0x18: {  	s0 =	sld [smem:$0x3F96];
	_ =	swait.ge [sflag:s4], $0x0  }
0x19: {  	s7 =	sld [smem:$0x3F97]  }
0x1a: {  	s8 =	sadd.s32 $0xFFFFE003, lr  }
0x1b: {  	s9 =	sadd.s32 $0xFFFFFEF7, lr;
	s5 =	simm.s32 $0xFFFFFFFF;
	p2 =	slt.u32 s8, $0xFFFFF086  }
0x1c: {  	p1 =	slt.u32 s9, $0xF7A;
	s5 =	simm.s32 @!p2 $0x0  }
0x1d: {  	s5 =	simm.s32 @p1 $0x1;
	p0 =	seq.s32 s7, s2  }
0x1e: {  	s7 =	smul.u32 @!p0 $0xF7A, s2;
	p2 =	seq.s32 @!p0 s5, $0x0  }
0x1f: {  	s9 =	smul.u32 $0xF7A, s1;
	s8 =	simm.s32 @!p0 $0x1BF5;
	p2 =	por !p2, p0  }
0x20: {  	[sflag:s8] =	ssyncset.s32 @!p0 $0xFFFFF086;
	s6 =	sadd.s32 @!p0 s3, s7;
	s7 =	simm.s32 @!p0 $0x108  }
0x21: {  	s3 =	sadd.s32 s3, s9;
	s6 =	sadd.s32 @!p0 $0x88, s6;
	s7 =	simm.s32 @p2 $0x1082  }
0x22: {  	[simem:s7], [sflag:s8] =	dma.local @!p0 [hbm:s6], $0xF7A  }
0x23: {  	s9 =	sor.u32 $0xD0000000, s2;
	s6 =	simm.s32 $0x108;
	_ =	swait.ge @!p0 [sflag:s8], $0x0  }
0x24: {  	s3 =	sadd.s32 $0x88, s3;
	s6 =	simm.s32 @!p1 $0x1082;
	[sflag:s4] =	ssyncset.s32 $0xFFFFF086  }
0x25: {  	[simem:s6], [sflag:s4] =	dma.local [hbm:s3], $0xF7A  }
0x26: {  	[smem:$0x3F97] =	sst s1;
	(tag) =	ssettag s2;
	_ =	strace s9  }
0x27: {  	s1 =	sld [smem:$0x3FA7]  }
0x28: {  	s2 =	sld [smem:$0x3FA8]  }
0x29: {  	s4 =	sld [smem:$0x3FAA]  }
0x2a: {  	p0 =	seq.s32 s5, $0x0;
	s5 =	sld [smem:$0x3FAB]  }
0x2b: {  	s6 =	sld [smem:$0x3FAC]  }
0x2c: {  	s7 =	sld [smem:$0x3FAD]  }
0x2d: {  	s3 =	simm.s32 $0x108;
	s8 =	sld [smem:$0x3FAE]  }
0x2e: {  	s3 =	simm.s32 @!p0 $0x1082;
	s9 =	sld [smem:$0x3FAF]  }
0x2f: {  	lr =	sadd.s32 s0, s3;
	s0 =	sld [smem:$0x3FA6]  }
0x30: {  	s3 =	sld [smem:$0x3FA9]  }
0x31: {  	[smem:$0x3FB2] =	sst s10  }
0x32: {  	s10 =	sld [smem:$0x3FB0];
	_ =	sdelay $0x3  }
0x33: {  	p0 =	seq.s32 s10, $0x1;
	s10 =	sld [smem:$0x3FB2];
	_ =	sdelay $0x3  }
0x34: {  	[smem:$0x3FB2] =	sst s10  }
0x35: {  	s10 =	sld [smem:$0x3FB1];
	_ =	sdelay $0x3  }
0x36: {  	p1 =	seq.s32 s10, $0x1;
	s10 =	sld [smem:$0x3FB2];
	_ =	sdelay $0x3  }
0x37: {  	[smem:$0x3FB2] =	sst s10  }
0x38: {  	s10 =	sld [smem:$0x3FB3]  }
0x39: {  	_ = 	snop;
	(pc) =	sbr.ind lr, $3  }
0x3a: {  	_ = 	snop  }
0x3b: {  	_ = 	snop  }
0x3c: {  	p2 =	seq.s32 s10, $0x1;
	s10 =	sld [smem:$0x3FB2]  }
0x3d: {  	_ =	shalt  }
0x3e: {  	_ =	shalt  }
0x3f: {  	_ =	shalt  }
0x40: {  	_ =	shalt  }
0x41: {  	_ =	shalt  }
0x42: {  	_ =	shalt  }
0x43: {  	_ =	shalt  }
0x44: {  	_ =	shalt  }
0x45: {  	_ =	shalt  }
0x46: {  	_ =	shalt  }
0x47: {  	_ =	shalt  }
0x48: {  	_ =	shalt  }
0x49: {  	_ =	shalt  }
0x4a: {  	_ =	shalt  }
0x4b: {  	_ =	shalt  }
0x4c: {  	_ =	shalt  }
0x4d: {  	_ =	shalt  }
0x4e: {  	_ =	shalt  }
0x4f: {  	_ =	shalt  }
0x50: {  	_ =	shalt  }
0x51: {  	_ =	shalt  }
0x52: {  	_ =	shalt  }
0x53: {  	_ =	shalt  }
0x54: {  	_ =	shalt  }
0x55: {  	_ =	shalt  }
0x56: {  	_ =	shalt  }
0x57: {  	_ =	shalt  }
0x58: {  	_ =	shalt  }
0x59: {  	_ =	shalt  }
0x5a: {  	_ =	shalt  }
0x5b: {  	_ =	shalt  }
0x5c: {  	_ =	shalt  }
0x5d: {  	_ =	shalt  }
0x5e: {  	_ =	shalt  }
0x5f: {  	_ =	shalt  }
0x60: {  	_ =	shalt  }
0x61: {  	_ =	shalt  }
0x62: {  	_ =	shalt  }
0x63: {  	_ =	shalt  }
0x64: {  	_ =	shalt  }
0x65: {  	_ =	shalt  }
0x66: {  	_ =	shalt  }
0x67: {  	_ =	shalt  }
0x68: {  	_ =	shalt  }
0x69: {  	_ =	shalt  }
0x6a: {  	_ =	shalt  }
0x6b: {  	_ =	shalt  }
0x6c: {  	_ =	shalt  }
0x6d: {  	_ =	shalt  }
0x6e: {  	_ =	shalt  }
0x6f: {  	_ =	shalt  }
0x70: {  	_ =	shalt  }
0x71: {  	_ =	shalt  }
0x72: {  	_ =	shalt  }
0x73: {  	_ =	shalt  }
0x74: {  	_ =	shalt  }
0x75: {  	_ =	shalt  }
0x76: {  	_ =	shalt  }
0x77: {  	_ =	shalt  }
0x78: {  	_ =	shalt  }
0x79: {  	_ =	shalt  }
0x7a: {  	_ =	shalt  }
0x7b: {  	_ =	shalt  }
0x7c: {  	_ =	shalt  }
0x7d: {  	_ =	shalt  }
0x7e: {  	_ =	shalt  }
0x7f: {  	_ =	shalt  }
0x80: {  	_ =	shalt  }
0x81: {  	_ =	shalt  }
0x82: {  	_ =	shalt  }
0x83: {  	_ =	shalt  }
0x84: {  	_ =	shalt  }
0x85: {  	_ =	shalt  }
0x86: {  	_ =	shalt  }
0x87: {  	_ =	shalt  }
.Lfunc_end0:
.L_simem_size_0:
called_computation.2_lowered:
.L_overlay_start_0:
0x88: {  	s2 =	sld [smem:$0x3FD9]  }
0x89: {  	s3 =	sld [smem:$0x3FFE];
	_ =	sdelay $0x1  }
0x8a: {  	s1 =	srdreg.scid  }
0x8b: {  	s0 =	sand.u32 $0x1, s1  }
0x8c: {  	s17 =	sshll.u32 s0, $0xA;
	s2 =	sadd.s32 s3, s2  }
0x8d: {  	s2 =	sadd.s32 s2, s17  }
0x8e: {  	[smem:$0x3FBE] =	sst s2  }
0x8f: {  	_ = 	snop  }
0x90: {  	s2 =	sld [smem:$0x3FD0];
	(tm) =	ssettm $0x1  }
0x91: {  	s18 =	sld [smem:$0x3FFB];
	_ =	sdelay $0x3  }
0x92: {  	_ =	strace s18  }
0x93: {  	s3 =	sld [smem:$0x3FFC];
	_ =	sdelay $0x3  }
0x94: {  	_ =	strace s3  }
0x95: {  	s3 =	sld [smem:$0x3FFD];
	_ =	sdelay $0x3  }
0x96: {  	_ =	strace s3  }
0x97: {  	_ =	strace $0x8FFFFFFF  }
0x98: {  	s19 =	sld [smem:$0x3FDB];
	_ =	sdelay $0x1  }
0x99: {  	s4 =	simm.s32 $_scs_section_size  }
0x9a: {  	s5 =	simm.s32 $_size__tile_overlayer_lowered;
	s6 =	simm.s32 $_tile_overlayer_lowered  }
0x9b: {  	s22 =	simm.s32 $0x1BFF;
	s21 =	sshll.u32 s6, $0x1;
	s3 =	sadd.s32 s4, s19  }
0x9c: {  	s7 =	simm.s32 $0x0;
	s20 =	sshll.u32 s5, $0x1;
	s5 =	sadd.s32 s21, s3  }
0x9d: {  	[timem:s7], [sflag:s22] =	dma.local [hbm:s5], s20  }
0x9e: {  	_ =	swait.ge [sflag:s22], s20  }
0x9f: {  	s4 =	ssub.s32 $0x0, s20;
	[sflag:s22] =	ssyncset.done $0x0  }
0xa0: {  	[sflag:s22] =	ssyncadd.s32 s4;
	_ =	sdelay $0x1  }
0xa1: {  	s23 =	simm.s32 $0x1B8B  }
0xa2: {  	_ =	swait.ge [sflag:s23], $0x1  }
0xa3: {  	[sflag:s23] =	ssyncset.done $0x0  }
0xa4: {  	s25 =	simm.s32 $0x1B8E;
	s24 =	sld [smem:$0x3FFE];
	[sflag:s23] =	ssyncadd.s32 $0xFFFFFFFF  }
0xa5: {  	s26 =	simm.s32 $execute0_lowered;
	[smem:$0x3FD2] =	sst s25  }
0xa6: {  	s5 =	sshll.u32 s26, $0x1;
	_ =	strace $0x8000004C;
	[dreg:$0x1] =	wrdreg $0xFFFFFFFF  }
0xa7: {  	s28 =	simm.s32 $_size_execute0_lowered;
	s3 =	sadd.s32 s3, s5;
	[dreg:$0x0] =	wrdreg $0x0  }
0xa8: {  	s5 =	sshll.u32 s28, $0x1;
	[dreg:$0x2] =	wrdreg s3  }
0xa9: {  	[dreg:$0x3] =	wrdreg s5  }
0xaa: {  	[dreg:$0x4] =	wrdreg $0xC0  }
0xab: {  	_ =	task [dreg:s7], $0x5FFFF  }
0xac: {  	[dreg:$0x1] =	wrdreg $0xFFFFFFFF  }
0xad: {  	[dreg:$0x0] =	wrdreg $0x60  }
0xae: {  	[dreg:$0x2] =	wrdreg s24  }
0xaf: {  	[dreg:$0x3] =	wrdreg s2  }
0xb0: {  	[dreg:$0x4] =	wrdreg $0x9  }
0xb1: {  	_ =	task.clear_ibuf [dreg:s7], $0x5FFFF;
	_ =	strace $0x9000004C  }
0xb2: {  	s29 =	simm.s32 $0x9;
	_ =	strace $0x8000004E  }
0xb3: {  	_ =	swait.ge [sflag:s29], $0x1  }
0xb4: {  	[sflag:s29] =	ssyncadd.s32 $0xFFFFFFFF  }
0xb5: {  	_ =	strace $0x9000004E  }
0xb6: {  	_ =	sfence  }
0xb7: {  	s30 =	sld [smem:$0x0];
	_ =	sdelay $0x2  }
0xb8: {  	s31 =	sshll.u32 s1, $0xD;
	s1 =	sshrl.u32 s1, $0x2  }
0xb9: {  	s3 =	sand.u32 $0x4000, s31;
	s1 =	sadd.s32 s1, s30  }
0xba: {  	s0 =	sor.u32 s3, s0;
	s1 =	sshll.u32 s1, $0x11  }
0xbb: {  	s0 =	sor.u32 s1, s0  }
0xbc: {  	s0 =	sadd.s32 $0x8F2B, s0  }
0xbd: {  	[sflag:s0] =	ssyncadd.remote.s32 $0x1  }
0xbe: {  	_ =	sfence.sel $0xFFFF  }
0xbf: {  	[dreg:$0x0] =	wrdreg $0xFFFFFFFF;
	(pc) =	sbr.abs _section_cstart, $3  }
0xc0: {  	[dreg:$0x1] =	wrdreg $0xFFFFFFFF  }
0xc1: {  	_ =	task.clear_ibuf [dreg:s7], $0x2FFFF;
	_ =	strace $0x9FFFFFFF  }
0xc2: {  	(tm) =	ssettm $0x7FFFFFFF  }
0xc3: {  	_ =	shalt  }
tec
execute0_lowered:
.L_overlay_start_1:
0x0: {  	(tag) =	ssettag $0x1  }
0x1: {  	s7 =	rddreg [dreg:$0x0]  }
0x2: {  	s9 =	rddreg [dreg:$0x1]  }
0x3: {  	s0 =	rddreg [dreg:$0x2]  }
0x4: {  	s2 =	simm.s32 $0x0;
	s3 =	srdreg.scid;
	s1 =	stileid.u32  }
0x5: {  	s4 =	simm.s32 $0x80;
	s6 =	simm.s32 $0x400;
	s5 =	simm.s32 $0x1  }
0x6: {  	[smem:$0x7FF] =	sst s2;
	s10 =	sand.u32 $0x1, s3;
	s3 =	sadd.s32 $0x3400, s7  }
0x7: {  	s11 =	sshll.u32 s1, $0x3;
	_ =	strace $0x8000004D;
	s8 =	sshll.u32 s10, $0x7  }
0x8: {  	[tilespmem:s2], [sflag:$0x1] =	stream.strided.gather [hbm4b:s3+s4], $0x1700, s6, s4, $0x38;
	[tilespmem:$0x1800] =	vst v63  }
0x9: {  	s11 =	sor.u32 s11, s8;
	_ =	swait.ge [sflag:s5], $0x1700  }
0xa: {  	s7 =	sadd.s32 s11, s7;
	[sflag:s5] =	ssyncset.done $0x0  }
0xb: {  	s8 =	simm.s32 $0x1700;
	s7 =	sadd.s32 $0xFB800, s7;
	[sflag:s5] =	ssyncadd.s32 $0xFFFFE900  }
0xc: {  	[tilespmem:s8], [sflag:$0x1] =	stream.linear.gather [hbm4b:s7+s2], $0x40, $0x38;
	[tilespmem:$0x1800] =	vst v63  }
0xd: {  	_ =	swait.ge [sflag:s5], $0x40  }
0xe: {  	[sflag:s5] =	ssyncset.done $0x0  }
0xf: {  	[sflag:s5] =	ssyncadd.s32 $0xFFFFFFC0  }
0x10: {  	v0 =	vld [tilespmem:$0x1700];
	_ =	sdelay $0x5  }
0x11: {  	v1 =	vld [tilespmem:$0x1710];
	_ =	sdelay $0x1  }
0x12: {  	v0 =	vld.idx.msk [tilespmem:v0+s2+$0x0], $0xffff;
	_ =	sdelay $0x3  }
0x13: {  	v2 =	vld [tilespmem:$0x1720]  }
0x14: {  	[tilespmem:$0x1780] =	vst v0  }
0x15: {  	v0 =	vld.idx.msk [tilespmem:v1+s2+$0x0], $0xffff;
	_ =	sdelay $0x3  }
0x16: {  	v63 =	vld [tilespmem:$0x1730]  }
0x17: {  	[tilespmem:$0x1790] =	vst v0  }
0x18: {  	v0 =	vld.idx.msk [tilespmem:v2+s2+$0x0], $0xffff;
	_ =	sdelay $0x4  }
0x19: {  	s10 =	ssub.s32 $0x2, s10;
	[tilespmem:$0x17A0] =	vst v0  }
0x1a: {  	s12 =	sshrl.u32 s10, $0x1;
	v0 =	vld.idx.msk [tilespmem:v63+s2+$0x0], $0xffff  }
0x1b: {  	s10 =	ssub.s32 s10, s12  }
0x1c: {  	s31 =	smax.u32 s10, $0x1  }
0x1d: {  	p0 =	sne.s32 s31, $0x1  }
.Ltmp0:
0x1e: {  	_ = 	snop;
	(pc) =	sbr.rel @!p0 .LBB2_2-.Ltmp0, $4  }
0x1f: {  	s9 =	sadd.s32 s9, s11;
	s10 =	simm.s32 $0x1780;
	[tilespmem:$0x17B0] =	vst v0  }
0x20: {  	[hbm4b:s9+s2] =	stream.linear.scatter [tilespmem:s10], [sflag:$0x1], $0x40, $0x38;
	[tilespmem:$0x1800] =	vst v63  }
0x21: {  	_ =	swait.ge [sflag:s5], $0x40  }
0x22: {  	s11 =	sadd.s32 $0xFFFFFFFF, s31;
	[sflag:s5] =	ssyncset.done $0x0  }
.LBB2_1:
0x23: {  	p0 =	sne.s32 s11, $0x1;
	s11 =	sadd.s32 $0xFFFFFFFF, s11;
	[sflag:s5] =	ssyncadd.s32 $0xFFFFFFC0  }
0x24: {  	[tilespmem:s2], [sflag:$0x1] =	stream.strided.gather [hbm4b:s3+s4], $0x1700, s6, s4, $0x38;
	[tilespmem:$0x1800] =	vst v63  }
0x25: {  	_ =	swait.ge [sflag:s5], $0x1700  }
0x26: {  	[sflag:s5] =	ssyncset.done $0x0  }
0x27: {  	[sflag:s5] =	ssyncadd.s32 $0xFFFFE900  }
0x28: {  	[tilespmem:s8], [sflag:$0x1] =	stream.linear.gather [hbm4b:s7+s2], $0x40, $0x38;
	[tilespmem:$0x1800] =	vst v63  }
0x29: {  	_ =	swait.ge [sflag:s5], $0x40  }
0x2a: {  	[sflag:s5] =	ssyncset.done $0x0  }
0x2b: {  	[sflag:s5] =	ssyncadd.s32 $0xFFFFFFC0  }
0x2c: {  	v0 =	vld [tilespmem:$0x1700];
	_ =	sdelay $0x6  }
0x2d: {  	v1 =	vld [tilespmem:$0x1710]  }
0x2e: {  	v0 =	vld.idx.msk [tilespmem:v0+s2+$0x0], $0xffff;
	_ =	sdelay $0x5  }
0x2f: {  	[tilespmem:$0x1780] =	vst v0;
	v0 =	vld [tilespmem:$0x1720]  }
0x30: {  	v1 =	vld.idx.msk [tilespmem:v1+s2+$0x0], $0xffff;
	_ =	sdelay $0x5  }
0x31: {  	[tilespmem:$0x1790] =	vst v1;
	v1 =	vld [tilespmem:$0x1730]  }
0x32: {  	v0 =	vld.idx.msk [tilespmem:v0+s2+$0x0], $0xffff;
	_ =	sdelay $0x5  }
0x33: {  	[tilespmem:$0x17A0] =	vst v0  }
0x34: {  	v0 =	vld.idx.msk [tilespmem:v1+s2+$0x0], $0xffff;
	_ =	sdelay $0x4  }
.Ltmp1:
0x35: {  	(pc) =	sbr.rel @p0 .LBB2_1-.Ltmp1, $4  }
0x36: {  	[tilespmem:$0x17B0] =	vst v0  }
0x37: {  	[hbm4b:s9+s2] =	stream.linear.scatter [tilespmem:s10], [sflag:$0x1], $0x40, $0x38;
	[tilespmem:$0x1800] =	vst v63  }
0x38: {  	_ =	swait.ge [sflag:s5], $0x40  }
0x39: {  	[sflag:s5] =	ssyncset.done $0x0  }
.LBB2_2:
0x3a: {  	[sflag:s5] =	ssyncadd.s32 $0xFFFFFFC0  }
0x3b: {  	_ =	sfence.sel $0x180000  }
0x3c: {  	[bflag:$0x0] =	sbarrier.arrive $0xFFFF  }
0x3d: {  	p0 =	sne.s32 s1, $0x0;
	_ =	strace $0x9000004D  }
0x3e: {  	s0 =	sadd.s32 @!p0 $0x100000, s0;
	[bflag:$0x2] =	sbarrier.arrive $0xFFFF  }
0x3f: {  	[sflag:s0] =	ssyncadd.tile.s32 @!p0 $0x1;
	_ =	shalt  }
.Lfunc_end2:
_tile_overlayer_lowered:
.L_overlay_start_2:
0x40: {  	(tag) =	ssettag $0x2  }
0x41: {  	s0 =	rddreg [dreg:$0x0];
	s2 =	stileid.u32  }
0x42: {  	s1 =	rddreg [dreg:$0x1];
	p0 =	sne.s32 s2, $0x0  }
0x43: {  	s3 =	rddreg [dreg:$0x2];
	[bflag:$0x3] =	sbarrier.arrive $0xFFFF;
	s2 =	simm.s32 @!p0 $0x1C01  }
0x44: {  	[timem:s3], [sflag:s2] =	dma.local @!p0 [hbm:s0], s1  }
0x45: {  	s0 =	simm.s32 @!p0 $0x1  }
0x46: {  	_ =	swait.ge @!p0 [sflag:s0], s1  }
0x47: {  	s1 =	ssub.s32 @!p0 $0x0, s1;
	[sflag:s0] =	ssyncset.done @!p0 $0x0  }
0x48: {  	[sflag:s0] =	ssyncadd.s32 @!p0 s1  }
0x49: {  	[bflag:$0x3] =	sbarrier.arrive $0xFFFF  }
0x4a: {  	_ =	shalt  }

// kernel: kernel.7.cloned.1.call-start
scs
__scs_entry_jumppad:
0x0: {  	(pc) =	sbr.rel $0x88, $3  }
0x1: {  	(tag) =	ssettag $0x0;
	lr =	simm.s32 $0x1  }
0x2: {  	[smem:$0x3F97] =	sst lr;
	_ =	strace $0xD0000000  }
0x3: {  	_ = 	snop  }
0x4: {  	_ = 	snop  }
0x5: {  	_ = 	snop  }
0x6: {  	_ = 	snop  }
0x7: {  	_ = 	snop  }
__scs_overlays_trampoline_lowered:
0x8: {  	[smem:$0x3FA6] =	sst s0  }
0x9: {  	[smem:$0x3FA7] =	sst s1  }
0xa: {  	[smem:$0x3FA8] =	sst s2  }
0xb: {  	[smem:$0x3FA9] =	sst s3  }
0xc: {  	[smem:$0x3FAA] =	sst s4  }
0xd: {  	[smem:$0x3FAB] =	sst s5  }
0xe: {  	[smem:$0x3FAC] =	sst s6  }
0xf: {  	[smem:$0x3FAD] =	sst s7  }
0x10: {  	[smem:$0x3FAE] =	sst s8  }
0x11: {  	[smem:$0x3FAF] =	sst s9;
	s0 =	simm.s32 @!p0 $0x0  }
0x12: {  	s1 =	sld [smem:$0x3F95];
	s0 =	simm.s32 @p0 $0x1  }
0x13: {  	[smem:$0x3FB0] =	sst s0;
	s0 =	simm.s32 @!p1 $0x0  }
0x14: {  	s2 =	sld [smem:$0x3F94];
	s0 =	simm.s32 @p1 $0x1  }
0x15: {  	[smem:$0x3FB1] =	sst s0;
	s0 =	simm.s32 @!p2 $0x0  }
0x16: {  	s3 =	sld [smem:$0x3FDB];
	s0 =	simm.s32 @p2 $0x1  }
0x17: {  	s4 =	simm.s32 $0x1BF5;
	[smem:$0x3FB3] =	sst s0  }
0x18: {  	s0 =	sld [smem:$0x3F96];
	_ =	swait.ge [sflag:s4], $0x0  }
0x19: {  	s7 =	sld [smem:$0x3F97]  }
0x1a: {  	s8 =	sadd.s32 $0xFFFFE003, lr  }
0x1b: {  	s9 =	sadd.s32 $0xFFFFFEF7, lr;
	s5 =	simm.s32 $0xFFFFFFFF;
	p2 =	slt.u32 s8, $0xFFFFF086  }
0x1c: {  	p1 =	slt.u32 s9, $0xF7A;
	s5 =	simm.s32 @!p2 $0x0  }
0x1d: {  	s5 =	simm.s32 @p1 $0x1;
	p0 =	seq.s32 s7, s2  }
0x1e: {  	s7 =	smul.u32 @!p0 $0xF7A, s2;
	p2 =	seq.s32 @!p0 s5, $0x0  }
0x1f: {  	s9 =	smul.u32 $0xF7A, s1;
	s8 =	simm.s32 @!p0 $0x1BF5;
	p2 =	por !p2, p0  }
0x20: {  	[sflag:s8] =	ssyncset.s32 @!p0 $0xFFFFF086;
	s6 =	sadd.s32 @!p0 s3, s7;
	s7 =	simm.s32 @!p0 $0x108  }
0x21: {  	s3 =	sadd.s32 s3, s9;
	s6 =	sadd.s32 @!p0 $0x88, s6;
	s7 =	simm.s32 @p2 $0x1082  }
0x22: {  	[simem:s7], [sflag:s8] =	dma.local @!p0 [hbm:s6], $0xF7A  }
0x23: {  	s9 =	sor.u32 $0xD0000000, s2;
	s6 =	simm.s32 $0x108;
	_ =	swait.ge @!p0 [sflag:s8], $0x0  }
0x24: {  	s3 =	sadd.s32 $0x88, s3;
	s6 =	simm.s32 @!p1 $0x1082;
	[sflag:s4] =	ssyncset.s32 $0xFFFFF086  }
0x25: {  	[simem:s6], [sflag:s4] =	dma.local [hbm:s3], $0xF7A  }
0x26: {  	[smem:$0x3F97] =	sst s1;
	(tag) =	ssettag s2;
	_ =	strace s9  }
0x27: {  	s1 =	sld [smem:$0x3FA7]  }
0x28: {  	s2 =	sld [smem:$0x3FA8]  }
0x29: {  	s4 =	sld [smem:$0x3FAA]  }
0x2a: {  	p0 =	seq.s32 s5, $0x0;
	s5 =	sld [smem:$0x3FAB]  }
0x2b: {  	s6 =	sld [smem:$0x3FAC]  }
0x2c: {  	s7 =	sld [smem:$0x3FAD]  }
0x2d: {  	s3 =	simm.s32 $0x108;
	s8 =	sld [smem:$0x3FAE]  }
0x2e: {  	s3 =	simm.s32 @!p0 $0x1082;
	s9 =	sld [smem:$0x3FAF]  }
0x2f: {  	lr =	sadd.s32 s0, s3;
	s0 =	sld [smem:$0x3FA6]  }
0x30: {  	s3 =	sld [smem:$0x3FA9]  }
0x31: {  	[smem:$0x3FB2] =	sst s10  }
0x32: {  	s10 =	sld [smem:$0x3FB0];
	_ =	sdelay $0x3  }
0x33: {  	p0 =	seq.s32 s10, $0x1;
	s10 =	sld [smem:$0x3FB2];
	_ =	sdelay $0x3  }
0x34: {  	[smem:$0x3FB2] =	sst s10  }
0x35: {  	s10 =	sld [smem:$0x3FB1];
	_ =	sdelay $0x3  }
0x36: {  	p1 =	seq.s32 s10, $0x1;
	s10 =	sld [smem:$0x3FB2];
	_ =	sdelay $0x3  }
0x37: {  	[smem:$0x3FB2] =	sst s10  }
0x38: {  	s10 =	sld [smem:$0x3FB3]  }
0x39: {  	_ = 	snop;
	(pc) =	sbr.ind lr, $3  }
0x3a: {  	_ = 	snop  }
0x3b: {  	_ = 	snop  }
0x3c: {  	p2 =	seq.s32 s10, $0x1;
	s10 =	sld [smem:$0x3FB2]  }
0x3d: {  	_ =	shalt  }
0x3e: {  	_ =	shalt  }
0x3f: {  	_ =	shalt  }
0x40: {  	_ =	shalt  }
0x41: {  	_ =	shalt  }
0x42: {  	_ =	shalt  }
0x43: {  	_ =	shalt  }
0x44: {  	_ =	shalt  }
0x45: {  	_ =	shalt  }
0x46: {  	_ =	shalt  }
0x47: {  	_ =	shalt  }
0x48: {  	_ =	shalt  }
0x49: {  	_ =	shalt  }
0x4a: {  	_ =	shalt  }
0x4b: {  	_ =	shalt  }
0x4c: {  	_ =	shalt  }
0x4d: {  	_ =	shalt  }
0x4e: {  	_ =	shalt  }
0x4f: {  	_ =	shalt  }
0x50: {  	_ =	shalt  }
0x51: {  	_ =	shalt  }
0x52: {  	_ =	shalt  }
0x53: {  	_ =	shalt  }
0x54: {  	_ =	shalt  }
0x55: {  	_ =	shalt  }
0x56: {  	_ =	shalt  }
0x57: {  	_ =	shalt  }
0x58: {  	_ =	shalt  }
0x59: {  	_ =	shalt  }
0x5a: {  	_ =	shalt  }
0x5b: {  	_ =	shalt  }
0x5c: {  	_ =	shalt  }
0x5d: {  	_ =	shalt  }
0x5e: {  	_ =	shalt  }
0x5f: {  	_ =	shalt  }
0x60: {  	_ =	shalt  }
0x61: {  	_ =	shalt  }
0x62: {  	_ =	shalt  }
0x63: {  	_ =	shalt  }
0x64: {  	_ =	shalt  }
0x65: {  	_ =	shalt  }
0x66: {  	_ =	shalt  }
0x67: {  	_ =	shalt  }
0x68: {  	_ =	shalt  }
0x69: {  	_ =	shalt  }
0x6a: {  	_ =	shalt  }
0x6b: {  	_ =	shalt  }
0x6c: {  	_ =	shalt  }
0x6d: {  	_ =	shalt  }
0x6e: {  	_ =	shalt  }
0x6f: {  	_ =	shalt  }
0x70: {  	_ =	shalt  }
0x71: {  	_ =	shalt  }
0x72: {  	_ =	shalt  }
0x73: {  	_ =	shalt  }
0x74: {  	_ =	shalt  }
0x75: {  	_ =	shalt  }
0x76: {  	_ =	shalt  }
0x77: {  	_ =	shalt  }
0x78: {  	_ =	shalt  }
0x79: {  	_ =	shalt  }
0x7a: {  	_ =	shalt  }
0x7b: {  	_ =	shalt  }
0x7c: {  	_ =	shalt  }
0x7d: {  	_ =	shalt  }
0x7e: {  	_ =	shalt  }
0x7f: {  	_ =	shalt  }
0x80: {  	_ =	shalt  }
0x81: {  	_ =	shalt  }
0x82: {  	_ =	shalt  }
0x83: {  	_ =	shalt  }
0x84: {  	_ =	shalt  }
0x85: {  	_ =	shalt  }
0x86: {  	_ =	shalt  }
0x87: {  	_ =	shalt  }
.Lfunc_end0:
.L_simem_size_0:
called_computation_lowered:
.L_overlay_start_0:
0x88: {  	s2 =	sld [smem:$0x3FD9]  }
0x89: {  	s3 =	sld [smem:$0x3FFE];
	_ =	sdelay $0x1  }
0x8a: {  	s1 =	srdreg.scid  }
0x8b: {  	s0 =	sand.u32 $0x1, s1  }
0x8c: {  	s17 =	sshll.u32 s0, $0xA;
	s2 =	sadd.s32 s3, s2  }
0x8d: {  	s2 =	sadd.s32 s2, s17  }
0x8e: {  	[smem:$0x3FBE] =	sst s2  }
0x8f: {  	_ = 	snop  }
0x90: {  	s2 =	sld [smem:$0x3FC8]  }
0x91: {  	s18 =	sld [smem:$0x3FD0];
	(tm) =	ssettm $0x1  }
0x92: {  	s4 =	sld [smem:$0x3FFB];
	_ =	sdelay $0x3  }
0x93: {  	_ =	strace s4  }
0x94: {  	s4 =	sld [smem:$0x3FFC];
	_ =	sdelay $0x3  }
0x95: {  	_ =	strace s4  }
0x96: {  	s4 =	sld [smem:$0x3FFD];
	_ =	sdelay $0x3  }
0x97: {  	_ =	strace s4  }
0x98: {  	_ =	strace $0x8FFFFFFF  }
0x99: {  	s19 =	sld [smem:$0x3FDB];
	_ =	sdelay $0x1  }
0x9a: {  	s5 =	simm.s32 $_scs_section_size  }
0x9b: {  	s6 =	simm.s32 $_size__tile_overlayer_lowered;
	s7 =	simm.s32 $_tile_overlayer_lowered  }
0x9c: {  	s22 =	simm.s32 $0x1BFF;
	s21 =	sshll.u32 s7, $0x1;
	s4 =	sadd.s32 s5, s19  }
0x9d: {  	s8 =	simm.s32 $0x0;
	s20 =	sshll.u32 s6, $0x1;
	s6 =	sadd.s32 s21, s4  }
0x9e: {  	[timem:s8], [sflag:s22] =	dma.local [hbm:s6], s20  }
0x9f: {  	_ =	swait.ge [sflag:s22], s20  }
0xa0: {  	s5 =	ssub.s32 $0x0, s20;
	[sflag:s22] =	ssyncset.done $0x0  }
0xa1: {  	[sflag:s22] =	ssyncadd.s32 s5;
	_ =	sdelay $0x1  }
0xa2: {  	s23 =	simm.s32 $0x1B8B  }
0xa3: {  	_ =	swait.ge [sflag:s23], $0x1  }
0xa4: {  	[sflag:s23] =	ssyncset.done $0x0  }
0xa5: {  	s25 =	simm.s32 $0x1B8E;
	s24 =	sld [smem:$0x3FFE];
	[sflag:s23] =	ssyncadd.s32 $0xFFFFFFFF  }
0xa6: {  	s26 =	simm.s32 $execute0_lowered;
	[smem:$0x3FD2] =	sst s25  }
0xa7: {  	s6 =	sshll.u32 s26, $0x1;
	_ =	strace $0x80000046;
	[dreg:$0x1] =	wrdreg $0xFFFFFFFF  }
0xa8: {  	s28 =	simm.s32 $_size_execute0_lowered;
	s4 =	sadd.s32 s4, s6;
	[dreg:$0x0] =	wrdreg $0x0  }
0xa9: {  	s6 =	sshll.u32 s28, $0x1;
	[dreg:$0x2] =	wrdreg s4  }
0xaa: {  	[dreg:$0x3] =	wrdreg s6  }
0xab: {  	[dreg:$0x4] =	wrdreg $0xC0  }
0xac: {  	_ =	task [dreg:s8], $0x5FFFF  }
0xad: {  	[dreg:$0x1] =	wrdreg $0xFFFFFFFF  }
0xae: {  	[dreg:$0x0] =	wrdreg $0x60  }
0xaf: {  	[dreg:$0x2] =	wrdreg s2  }
0xb0: {  	[dreg:$0x3] =	wrdreg s24  }
0xb1: {  	[dreg:$0x4] =	wrdreg s18  }
0xb2: {  	[dreg:$0x5] =	wrdreg $0x9  }
0xb3: {  	_ =	task.clear_ibuf [dreg:s8], $0x6FFFF;
	_ =	strace $0x90000046  }
0xb4: {  	s29 =	simm.s32 $0x9;
	_ =	strace $0x80000048  }
0xb5: {  	_ =	swait.ge [sflag:s29], $0x1  }
0xb6: {  	[sflag:s29] =	ssyncadd.s32 $0xFFFFFFFF  }
0xb7: {  	_ =	strace $0x90000048  }
0xb8: {  	_ =	sfence  }
0xb9: {  	s30 =	sld [smem:$0x0];
	_ =	sdelay $0x2  }
0xba: {  	s31 =	sshll.u32 s1, $0xD;
	s1 =	sshrl.u32 s1, $0x2  }
0xbb: {  	s3 =	sand.u32 $0x4000, s31;
	s1 =	sadd.s32 s1, s30  }
0xbc: {  	s0 =	sor.u32 s3, s0;
	s1 =	sshll.u32 s1, $0x11  }
0xbd: {  	s0 =	sor.u32 s1, s0  }
0xbe: {  	s0 =	sadd.s32 $0x8F2B, s0  }
0xbf: {  	[sflag:s0] =	ssyncadd.remote.s32 $0x1  }
0xc0: {  	_ =	sfence.sel $0xFFFF  }
0xc1: {  	[dreg:$0x0] =	wrdreg $0xFFFFFFFF;
	(pc) =	sbr.abs _section_cstart, $3  }
0xc2: {  	[dreg:$0x1] =	wrdreg $0xFFFFFFFF  }
0xc3: {  	_ =	task.clear_ibuf [dreg:s8], $0x2FFFF;
	_ =	strace $0x9FFFFFFF  }
0xc4: {  	(tm) =	ssettm $0x7FFFFFFF  }
0xc5: {  	_ =	shalt  }
tec
execute0_lowered:
.L_overlay_start_1:
0x0: {  	(tag) =	ssettag $0x1  }
0x1: {  	s3 =	rddreg [dreg:$0x0]  }
0x2: {  	s4 =	rddreg [dreg:$0x1]  }
0x3: {  	s5 =	rddreg [dreg:$0x2];
	s1 =	simm.s32 $0x0  }
0x4: {  	[smem:$0x7FF] =	sst s1  }
0x5: {  	s0 =	rddreg [dreg:$0x3];
	v0 =	vimm.s32 $0x0;
	_ =	strace $0x80000047  }
0x6: {  	s6 =	srdreg.scid;
	s2 =	stileid.u32;
	(xrf0) =	vadd.scan.msk.s32 $0xffff, v0  }
0x7: {  	v2 =	vlaneseq.u32;
	s6 =	sand.u32 $0x1, s6;
	s7 =	sshll.u32 s2, $0x4  }
0x8: {  	vm1 =	vmmov $0x3;
	vm2 =	vmmov $0x7;
	vm3 =	vmmov $0xf;
	s8 =	sshll.u32 s6, $0x4;
	s7 =	sand.u32 $0x70, s7;
	s6 =	ssub.s32 $0x2, s6  }
0x9: {  	vm4 =	vmmov $0x1f;
	vm5 =	vmmov $0x3f;
	vm6 =	vmmov $0x7f;
	s8 =	sor.u32 s2, s8;
	s4 =	sadd.s32 s7, s4;
	s9 =	sshrl.u32 s6, $0x1  }
0xa: {  	vm7 =	vmmov $0xff;
	vm8 =	vmmov $0x1ff;
	vm9 =	vmmov $0x3ff;
	s31 =	sshll.u32 s8, $0x4;
	s8 =	sshll.u32 s8, $0x3;
	s6 =	ssub.s32 s6, s9  }
0xb: {  	vm10 =	vmmov $0x7ff;
	vm0 =	vmmov $0x1;
	v3 =	vimm.s32 $0x0;
	s9 =	simm.s32 $0x80;
	s7 =	sand.u32 $0x180, s31;
	s3 =	sadd.s32 s3, s8  }
0xc: {  	vm11 =	vmmov $0xfff;
	vm12 =	vmmov $0x1fff;
	v3 =	vsel vm0, $0xFFFFFFFF, v3;
	s5 =	sadd.s32 s5, s8;
	s6 =	smax.u32 s6, $0x1;
	s4 =	sadd.s32 s7, s4;
	v1, _, _ =	vpop (xrf0)  }
0xd: {  	vm13 =	vmmov $0x3fff;
	vm14 =	vmmov $0x7fff;
	[tilespmem:$0x1FFF0] =	vst v3;
	s8 =	simm.s32 $0x100;
	s7 =	simm.s32 $0x1;
	s4 =	sadd.s32 $0x3400, s4;
	v1 =	vbroadcast v1, $0xF  }
.LBB2_1:
0xe: {  	[tilespmem:s1], [sflag:$0x1] =	stream.linear.gather [hbm4b:s3+s1], $0x40, $0x38;
	[tilespmem:$0x180] =	vst v63  }
0xf: {  	_ =	swait.ge [sflag:s7], $0x40  }
0x10: {  	[sflag:s7] =	ssyncset.done $0x0  }
0x11: {  	[sflag:s7] =	ssyncadd.s32 $0xFFFFFFC0  }
0x12: {  	v3 =	vld [tilespmem:$0x0];
	_ =	sdelay $0x4  }
0x13: {  	v4 =	vbroadcast v3, $0x0  }
0x14: {  	v5 =	vbroadcast v3, $0x1;
	v40 =	vbroadcast v3, $0x2  }
0x15: {  	v7 =	vbroadcast v3, $0x3;
	v42 =	vbroadcast v3, $0x4  }
0x16: {  	v46 =	vbroadcast v3, $0x5;
	v50 =	vbroadcast v3, $0x6  }
0x17: {  	v54 =	vbroadcast v3, $0x7;
	v57 =	vbroadcast v3, $0x8  }
0x18: {  	v61 =	vbroadcast v3, $0x9;
	v13 =	vbroadcast v3, $0xA  }
0x19: {  	v17 =	vbroadcast v3, $0xB;
	v21 =	vbroadcast v3, $0xC  }
0x1a: {  	v25 =	vbroadcast v3, $0xD;
	vm0 =	veq.s32 v4, v2;
	vm15 =	veq.s32 v5, v2  }
0x1b: {  	v28 =	vbroadcast v3, $0xE;
	v41 =	vsel vm0, $0x1, v0;
	v6 =	vsel vm15, $0x1, v0  }
0x1c: {  	vm0 =	veq.s32 v40, v2;
	v8 =	vnsel vm15, $0x0, v41;
	v5 =	vadd.s32 v6, v41  }
0x1d: {  	v4 =	vsel vm0, $0x1, v0;
	vm15 =	veq.s32 v7, v2;
	v43 =	vnsel vm0, $0x0, v5  }
0x1e: {  	(xrf0) =	vadd.scan.msk.s32 $0xffff, v8;
	v4 =	vadd.s32 v4, v5;
	v44 =	vsel vm15, $0x1, v0;
	vm0 =	veq.s32 v42, v2  }
0x1f: {  	(xrf0) =	vadd.scan.msk.s32 $0xffff, v43;
	v45 =	vnsel vm15, $0x0, v4;
	v4 =	vadd.s32 v44, v4;
	v6 =	vsel vm0, $0x1, v0  }
0x20: {  	v5 =	vnsel vm0, $0x0, v4;
	v4 =	vadd.s32 v6, v4;
	vm0 =	veq.s32 v46, v2  }
0x21: {  	(xrf0) =	vadd.scan.msk.s32 $0xffff, v45;
	v6 =	vnsel vm0, $0x0, v4;
	v9 =	vsel vm0, $0x1, v0;
	vm0 =	veq.s32 v50, v2  }
0x22: {  	v3 =	vbroadcast v3, $0xF;
	(xrf0) =	vadd.scan.msk.s32 $0xffff, v5;
	v4 =	vadd.s32 v9, v4;
	v55 =	vsel vm0, $0x1, v0  }
0x23: {  	v53 =	vnsel vm0, $0x0, v4;
	v4 =	vadd.s32 v55, v4;
	vm0 =	veq.s32 v54, v2  }
0x24: {  	vm15 =	vcmask $0x704;
	v47, _, _ =	vpop (xrf0);
	v59 =	vnsel vm0, $0x0, v4;
	v60 =	vsel vm0, $0x1, v0  }
0x25: {  	vm0 =	veq.s32 v57, v2;
	v48 =	vbroadcast v47, $0xF;
	v49, _, _ =	vpop (xrf0);
	v4 =	vadd.s32 v60, v4  }
0x26: {  	(xrf0) =	vadd.scan.msk.s32 $0xffff, v6;
	v63 =	vsel vm0, $0x1, v0;
	v7 =	vbroadcast v49, $0xF;
	v62 =	vnsel vm0, $0x0, v4  }
0x27: {  	v51, _, _ =	vpop (xrf0);
	v4 =	vadd.s32 v63, v4;
	vm0 =	veq.s32 v61, v2;
	v5 =	vsel vm15, v48, v1  }
0x28: {  	v8 =	vbroadcast v51, $0xF;
	v10, _, _ =	vpop (xrf0);
	v15 =	vnsel vm0, $0x0, v4;
	v16 =	vsel vm0, $0x1, v0  }
0x29: {  	(xrf0) =	vadd.scan.msk.s32 $0xffff, v53;
	vm0 =	veq.s32 v13, v2;
	v5 =	vsel vm1, v5, v7;
	v52 =	vbroadcast v10, $0xF  }
0x2a: {  	(xrf0) =	vadd.scan.msk.s32 $0xffff, v59;
	v4 =	vadd.s32 v16, v4;
	v19 =	vsel vm0, $0x1, v0;
	v5 =	vsel vm2, v5, v8  }
0x2b: {  	v18 =	vnsel vm0, $0x0, v4;
	v4 =	vadd.s32 v19, v4;
	vm0 =	veq.s32 v17, v2  }
0x2c: {  	(xrf0) =	vadd.scan.msk.s32 $0xffff, v62;
	v23 =	vnsel vm0, $0x0, v4;
	v11 =	vsel vm0, $0x1, v0;
	vm0 =	veq.s32 v21, v2;
	v56, _, _ =	vpop (xrf0)  }
0x2d: {  	v24 =	vadd.s32 v11, v4;
	v27 =	vsel vm0, $0x1, v0;
	v58 =	vbroadcast v56, $0xF  }
0x2e: {  	v4 =	vld [tilespmem:$0x10];
	v26 =	vnsel vm0, $0x0, v24;
	v9 =	vadd.s32 v27, v24;
	vm0 =	veq.s32 v25, v2  }
0x2f: {  	v5 =	vsel vm3, v5, v52;
	(xrf0) =	vadd.scan.msk.s32 $0xffff, v15;
	v12, _, _ =	vpop (xrf0);
	v30 =	vnsel vm0, $0x0, v9;
	v13 =	vsel vm0, $0x1, v0  }
0x30: {  	vm0 =	veq.s32 v28, v2;
	v5 =	vsel vm4, v5, v58;
	v14 =	vbroadcast v12, $0xF;
	v20, _, _ =	vpop (xrf0)  }
0x31: {  	v31 =	vadd.s32 v13, v9;
	v32 =	vsel vm0, $0x1, v0;
	v22 =	vbroadcast v20, $0xF  }
0x32: {  	v12, _, _ =	vpop (xrf0);
	v6 =	vnsel vm0, $0x0, v31;
	v7 =	vadd.s32 v32, v31;
	vm0 =	veq.s32 v3, v2  }
0x33: {  	(xrf0) =	vadd.scan.msk.s32 $0xffff, v18;
	v5 =	vsel vm5, v5, v14;
	v29 =	vbroadcast v12, $0xF;
	v3 =	vbroadcast v4, $0x0  }
0x34: {  	(xrf0) =	vadd.scan.msk.s32 $0xffff, v23;
	v35 =	vnsel vm0, $0x0, v7;
	v60 =	vbroadcast v4, $0x7;
	v19 =	vbroadcast v4, $0x8  }
0x35: {  	v33, _, _ =	vpop (xrf0);
	v36 =	vsel vm0, $0x1, v0;
	v25 =	vbroadcast v4, $0x9;
	v28 =	vbroadcast v4, $0xA  }
0x36: {  	(xrf0) =	vadd.scan.msk.s32 $0xffff, v26;
	v32 =	vbroadcast v4, $0xB;
	v5 =	vsel vm6, v5, v22;
	v34 =	vbroadcast v33, $0xF  }
0x37: {  	v14 =	vld [tilespmem:$0x1FFF0];
	v7 =	vadd.s32 v36, v7;
	v36 =	vbroadcast v4, $0xC;
	vm0 =	veq.s32 v3, v2  }
0x38: {  	v5 =	vsel vm7, v5, v29;
	v3 =	vbroadcast v4, $0x1;
	v38 =	vsel vm0, $0x1, v0  }
0x39: {  	(xrf0) =	vadd.scan.msk.s32 $0xffff, v30;
	v5 =	vsel vm8, v5, v34;
	v37 =	vnsel vm0, $0x0, v7;
	v39, _, _ =	vpop (xrf0);
	v7 =	vadd.s32 v38, v7  }
0x3a: {  	vm0 =	veq.s32 v3, v2;
	v3 =	vbroadcast v4, $0x2;
	v40 =	vbroadcast v39, $0xF;
	v44, _, _ =	vpop (xrf0)  }
0x3b: {  	(xrf0) =	vadd.scan.msk.s32 $0xffff, v6;
	v10 =	vnsel vm0, $0x0, v7;
	v41 =	vsel vm0, $0x1, v0;
	v45 =	vbroadcast v44, $0xF  }
0x3c: {  	(xrf0) =	vadd.scan.msk.s32 $0xffff, v35;
	v48, _, _ =	vpop (xrf0);
	vm15 =	vnez.u8 v14;
	v7 =	vadd.s32 v41, v7;
	vm0 =	veq.s32 v3, v2  }
0x3d: {  	(xrf0) =	vadd.scan.msk.s32 $0xffff, v37;
	v3 =	vbroadcast v4, $0x3;
	v5 =	vsel vm9, v5, v40;
	v49 =	vbroadcast v48, $0xF  }
0x3e: {  	(xrf0) =	vadd.scan.msk.s32 $0xffff, v10;
	v41 =	vbroadcast v4, $0xD;
	v42 =	vnsel vm0, $0x0, v7;
	v43 =	vsel vm0, $0x1, v0  }
0x3f: {  	v51, _, _ =	vpop (xrf0);
	v7 =	vadd.s32 v43, v7;
	vm0 =	veq.s32 v3, v2;
	v3 =	vbroadcast v4, $0x4  }
0x40: {  	v5 =	vsel vm10, v5, v45;
	v10 =	vbroadcast v51, $0xF;
	v46 =	vnsel vm0, $0x0, v7  }
0x41: {  	(xrf0) =	vadd.scan.msk.s32 $0xffff, v42;
	v47 =	vsel vm0, $0x1, v0;
	v53, _, _ =	vpop (xrf0);
	vm0 =	veq.s32 v3, v2;
	v3 =	vbroadcast v4, $0x5  }
0x42: {  	v45 =	vbroadcast v4, $0xE;
	v7 =	vadd.s32 v47, v7;
	v55, _, _ =	vpop (xrf0);
	v17 =	vbroadcast v53, $0xF  }
0x43: {  	(xrf0) =	vadd.scan.msk.s32 $0xffff, v46;
	v50 =	vnsel vm0, $0x0, v7;
	v52 =	vsel vm0, $0x1, v0;
	v57, _, _ =	vpop (xrf0);
	vm0 =	veq.s32 v3, v2  }
0x44: {  	v3 =	vbroadcast v4, $0x6;
	v7 =	vadd.s32 v52, v7;
	v59, _, _ =	vpop (xrf0);
	v4 =	vbroadcast v4, $0xF  }
0x45: {  	v54 =	vsel vm0, $0x1, v0;
	v56 =	vnsel vm0, $0x0, v7;
	v8 =	vbroadcast v59, $0xF  }
0x46: {  	(xrf0) =	vadd.scan.msk.s32 $0xffff, v50;
	v7 =	vadd.s32 v54, v7;
	vm0 =	veq.s32 v3, v2;
	v3 =	vsel vm11, v5, v49  }
0x47: {  	v5 =	vbroadcast v57, $0xF;
	v61, _, _ =	vpop (xrf0);
	v58 =	vnsel vm0, $0x0, v7;
	v3 =	vsel vm12, v3, v10  }
0x48: {  	(xrf0) =	vadd.scan.msk.s32 $0xffff, v56;
	v62 =	vsel vm0, $0x1, v0;
	v9 =	vbroadcast v61, $0xF;
	vm0 =	veq.s32 v60, v2  }
0x49: {  	v63, _, _ =	vpop (xrf0);
	v7 =	vadd.s32 v62, v7;
	v5 =	vsel vm15, v5, v8;
	v22 =	vsel vm0, $0x1, v0  }
0x4a: {  	(xrf0) =	vadd.scan.msk.s32 $0xffff, v58;
	v3 =	vsel vm13, v3, v17;
	v15 =	vbroadcast v63, $0xF;
	v16 =	vnsel vm0, $0x0, v7  }
0x4b: {  	v5 =	vsel vm1, v5, v9;
	v7 =	vadd.s32 v22, v7;
	vm0 =	veq.s32 v19, v2  }
0x4c: {  	v18, _, _ =	vpop (xrf0);
	v8 =	vnsel vm0, $0x0, v7;
	v26 =	vsel vm0, $0x1, v0;
	vm0 =	veq.s32 v25, v2  }
0x4d: {  	v20 =	vbroadcast v18, $0xF;
	v6 =	vadd.s32 v26, v7;
	v31 =	vsel vm0, $0x1, v0  }
0x4e: {  	(xrf0) =	vadd.scan.msk.s32 $0xffff, v16;
	v5 =	vsel vm2, v5, v15;
	v21, _, _ =	vpop (xrf0);
	v30 =	vnsel vm0, $0x0, v6;
	v6 =	vadd.s32 v31, v6  }
0x4f: {  	vm0 =	veq.s32 v28, v2;
	v9 =	vbroadcast v21, $0xF;
	v5 =	vsel vm3, v5, v20  }
0x50: {  	v33 =	vnsel vm0, $0x0, v6;
	v34 =	vsel vm0, $0x1, v0;
	vm0 =	veq.s32 v32, v2;
	v23, _, _ =	vpop (xrf0)  }
0x51: {  	v6 =	vadd.s32 v34, v6;
	v39 =	vsel vm0, $0x1, v0;
	v24 =	vbroadcast v23, $0xF  }
0x52: {  	v38 =	vnsel vm0, $0x0, v6;
	v40 =	vadd.s32 v39, v6;
	vm0 =	veq.s32 v36, v2;
	v6 =	vld [tilespmem:$0x20]  }
0x53: {  	v3 =	vsel vm14, v3, v55;
	v5 =	vsel vm4, v5, v9;
	v42 =	vnsel vm0, $0x0, v40  }
0x54: {  	v27, _, _ =	vpop (xrf0);
	v43 =	vsel vm0, $0x1, v0;
	vm0 =	veq.s32 v41, v2;
	v5 =	vsel vm5, v5, v24  }
0x55: {  	(xrf0) =	vadd.scan.msk.s32 $0xffff, v8;
	v29 =	vbroadcast v27, $0xF;
	v8 =	vadd.s32 v43, v40;
	v48 =	vsel vm0, $0x1, v0  }
0x56: {  	(xrf0) =	vadd.scan.msk.s32 $0xffff, v30;
	v47 =	vnsel vm0, $0x0, v8;
	v8 =	vadd.s32 v48, v8;
	vm0 =	veq.s32 v45, v2  }
0x57: {  	v5 =	vsel vm6, v5, v29;
	v7 =	vnsel vm0, $0x0, v8;
	v51 =	vbroadcast v6, $0x0  }
0x58: {  	(xrf0) =	vadd.scan.msk.s32 $0xffff, v33;
	v49 =	vsel vm0, $0x1, v0;
	v55 =	vbroadcast v6, $0x1;
	v59 =	vbroadcast v6, $0x2  }
0x59: {  	vm0 =	veq.s32 v4, v2;
	v62 =	vbroadcast v6, $0x3;
	v19 =	vbroadcast v6, $0x4  }
0x5a: {  	(xrf0) =	vadd.scan.msk.s32 $0xffff, v38;
	v8 =	vadd.s32 v49, v8;
	v23 =	vbroadcast v6, $0x5;
	v27 =	vbroadcast v6, $0x6  }
0x5b: {  	v35, _, _ =	vpop (xrf0);
	v54 =	vsel vm0, $0x1, v0;
	v31 =	vbroadcast v6, $0x7;
	v34 =	vbroadcast v6, $0x8  }
0x5c: {  	(xrf0) =	vadd.scan.msk.s32 $0xffff, v42;
	v40 =	vbroadcast v6, $0xA;
	v37 =	vbroadcast v35, $0xF;
	v44, _, _ =	vpop (xrf0);
	v53 =	vnsel vm0, $0x0, v8  }
0x5d: {  	v8 =	vadd.s32 v54, v8;
	(xrf0) =	vadd.scan.msk.s32 $0xffff, v47;
	v47 =	vbroadcast v6, $0xC;
	v46 =	vbroadcast v44, $0xF  }
0x5e: {  	v50, _, _ =	vpop (xrf0);
	vm0 =	veq.s32 v51, v2;
	v44 =	vbroadcast v6, $0xB;
	v5 =	vsel vm7, v5, v37  }
0x5f: {  	v52 =	vbroadcast v50, $0xF;
	v56 =	vnsel vm0, $0x0, v8;
	v57 =	vsel vm0, $0x1, v0  }
0x60: {  	v58, _, _ =	vpop (xrf0);
	vm0 =	veq.s32 v55, v2;
	v37 =	vbroadcast v6, $0x9;
	v5 =	vsel vm8, v5, v46  }
0x61: {  	v8 =	vadd.s32 v57, v8;
	v60 =	vbroadcast v58, $0xF;
	v14 =	vsel vm0, $0x1, v0  }
0x62: {  	v5 =	vsel vm9, v5, v52;
	v61 =	vnsel vm0, $0x0, v8;
	v8 =	vadd.s32 v14, v8  }
0x63: {  	vm0 =	veq.s32 v59, v2;
	v52 =	vbroadcast v6, $0xD;
	v5 =	vsel vm10, v5, v60  }
0x64: {  	(xrf0) =	vadd.scan.msk.s32 $0xffff, v7;
	v63 =	vnsel vm0, $0x0, v8;
	v16 =	vsel vm0, $0x1, v0;
	v17, _, _ =	vpop (xrf0);
	vm0 =	veq.s32 v62, v2  }
0x65: {  	(xrf0) =	vadd.scan.msk.s32 $0xffff, v53;
	v18 =	vadd.s32 v16, v8;
	v20 =	vbroadcast v17, $0xF;
	v22 =	vsel vm0, $0x1, v0  }
0x66: {  	(xrf0) =	vadd.scan.msk.s32 $0xffff, v56;
	v56 =	vbroadcast v6, $0xE;
	v26, _, _ =	vpop (xrf0);
	v21 =	vnsel vm0, $0x0, v18;
	v7 =	vadd.s32 v22, v18  }
0x67: {  	(xrf0) =	vadd.scan.msk.s32 $0xffff, v61;
	vm0 =	veq.s32 v19, v2;
	v28 =	vbroadcast v26, $0xF;
	v5 =	vsel vm11, v5, v20  }
0x68: {  	v24 =	vnsel vm0, $0x0, v7;
	v25 =	vsel vm0, $0x1, v0;
	vm0 =	veq.s32 v23, v2  }
0x69: {  	v7 =	vadd.s32 v25, v7;
	v30 =	vsel vm0, $0x1, v0;
	v15 =	vsel vm12, v5, v28  }
0x6a: {  	v14, _, _ =	vpop (xrf0);
	v5 =	vld [tilespmem:$0x30];
	v29 =	vnsel vm0, $0x0, v7;
	v7 =	vadd.s32 v30, v7;
	vm0 =	veq.s32 v27, v2  }
0x6b: {  	v4, _, _ =	vpop (xrf0);
	v32 =	vnsel vm0, $0x0, v7;
	v33 =	vsel vm0, $0x1, v0;
	vm0 =	veq.s32 v31, v2  }
0x6c: {  	v6 =	vbroadcast v6, $0xF;
	v16, _, _ =	vpop (xrf0);
	v7 =	vadd.s32 v33, v7;
	v36 =	vsel vm0, $0x1, v0  }
0x6d: {  	(xrf0) =	vadd.scan.msk.s32 $0xffff, v63;
	v17, _, _ =	vpop (xrf0);
	v13 =	vnsel vm0, $0x0, v7;
	v7 =	vadd.s32 v36, v7;
	vm0 =	veq.s32 v34, v2  }
0x6e: {  	v35 =	vbroadcast v16, $0xF;
	v38 =	vbroadcast v17, $0xF;
	v39 =	vnsel vm0, $0x0, v7  }
0x6f: {  	(xrf0) =	vadd.scan.msk.s32 $0xffff, v21;
	v18 =	vsel vm0, $0x1, v0;
	vm0 =	veq.s32 v37, v2;
	v21 =	vbroadcast v5, $0x0  }
0x70: {  	(xrf0) =	vadd.scan.msk.s32 $0xffff, v24;
	v26 =	vbroadcast v5, $0x1;
	v36 =	vbroadcast v5, $0x2;
	v7 =	vadd.s32 v18, v7  }
0x71: {  	(xrf0) =	vadd.scan.msk.s32 $0xffff, v29;
	v10 =	vsel vm15, v35, v38;
	v42 =	vsel vm0, $0x1, v0;
	v35 =	vbroadcast v14, $0xF  }
0x72: {  	(xrf0) =	vadd.scan.msk.s32 $0xffff, v32;
	v41 =	vnsel vm0, $0x0, v7;
	v7 =	vadd.s32 v42, v7;
	vm0 =	veq.s32 v40, v2  }
0x73: {  	(xrf0) =	vadd.scan.msk.s32 $0xffff, v13;
	v43, _, _ =	vpop (xrf0);
	v46 =	vnsel vm0, $0x0, v7;
	v19 =	vsel vm0, $0x1, v0;
	vm0 =	veq.s32 v44, v2  }
0x74: {  	(xrf0) =	vadd.scan.msk.s32 $0xffff, v39;
	v44 =	vbroadcast v5, $0x4;
	v45 =	vbroadcast v43, $0xF;
	v7 =	vadd.s32 v19, v7  }
0x75: {  	v50 =	vsel vm0, $0x1, v0;
	v51, _, _ =	vpop (xrf0);
	(xrf0) =	vadd.scan.msk.s32 $0xffff, v41;
	v41 =	vbroadcast v5, $0x3;
	v49 =	vnsel vm0, $0x0, v7  }
0x76: {  	v7 =	vadd.s32 v50, v7;
	vm0 =	veq.s32 v47, v2;
	v53 =	vbroadcast v51, $0xF  }
0x77: {  	v59, _, _ =	vpop (xrf0);
	v48 =	vsel vm1, v10, v45;
	v54 =	vnsel vm0, $0x0, v7;
	v55 =	vsel vm0, $0x1, v0  }
0x78: {  	vm0 =	veq.s32 v52, v2;
	v60 =	vbroadcast v59, $0xF;
	v52 =	vbroadcast v5, $0x6  }
0x79: {  	v61, _, _ =	vpop (xrf0);
	v59 =	vbroadcast v5, $0x8;
	v7 =	vadd.s32 v55, v7;
	v9 =	vsel vm2, v48, v53  }
0x7a: {  	v58 =	vsel vm0, $0x1, v0;
	v27 =	vbroadcast v61, $0xF;
	v48 =	vbroadcast v5, $0x5  }
0x7b: {  	v20, _, _ =	vpop (xrf0);
	v55 =	vbroadcast v5, $0x7;
	v57 =	vnsel vm0, $0x0, v7;
	v7 =	vadd.s32 v58, v7  }
0x7c: {  	[tilespmem:$0x80] =	vst v3;
	vm0 =	veq.s32 v56, v2;
	v8 =	vsel vm3, v9, v60;
	v17 =	vbroadcast v20, $0xF  }
0x7d: {  	(xrf0) =	vadd.scan.msk.s32 $0xffff, v46;
	v22, _, _ =	vpop (xrf0);
	v62 =	vnsel vm0, $0x0, v7;
	v63 =	vsel vm0, $0x1, v0;
	vm0 =	veq.s32 v6, v2  }
0x7e: {  	(xrf0) =	vadd.scan.msk.s32 $0xffff, v49;
	v32 =	vsel vm4, v8, v27;
	v33 =	vbroadcast v22, $0xF;
	v8 =	vsel vm13, v15, v35  }
0x7f: {  	(xrf0) =	vadd.scan.msk.s32 $0xffff, v54;
	v25, _, _ =	vpop (xrf0);
	v22 =	vbroadcast v5, $0xC;
	v35 =	vbroadcast v5, $0xD;
	v7 =	vadd.s32 v63, v7  }
0x80: {  	(xrf0) =	vadd.scan.msk.s32 $0xffff, v57;
	v24 =	vsel vm0, $0x1, v0;
	v6 =	vsel vm5, v32, v17;
	v16 =	vbroadcast v25, $0xF  }
0x81: {  	(xrf0) =	vadd.scan.msk.s32 $0xffff, v62;
	v62 =	vbroadcast v5, $0x9;
	v3 =	vsel vm14, v8, v4;
	v23 =	vnsel vm0, $0x0, v7  }
0x82: {  	v28, _, _ =	vpop (xrf0);
	v7 =	vadd.s32 v24, v7;
	vm0 =	veq.s32 v21, v2;
	v6 =	vsel vm6, v6, v33  }
0x83: {  	v12 =	vbroadcast v28, $0xF;
	v28 =	vbroadcast v5, $0xB;
	v29 =	vnsel vm0, $0x0, v7  }
0x84: {  	v18, _, _ =	vpop (xrf0);
	v30 =	vsel vm0, $0x1, v0;
	vm0 =	veq.s32 v26, v2;
	v16 =	vsel vm7, v6, v16  }
0x85: {  	v10, _, _ =	vpop (xrf0);
	v38 =	vbroadcast v18, $0xF;
	v26 =	vbroadcast v5, $0xA;
	v31 =	vadd.s32 v30, v7  }
0x86: {  	(xrf0) =	vadd.scan.msk.s32 $0xffff, v23;
	v37 =	vsel vm0, $0x1, v0;
	v12 =	vsel vm8, v16, v12;
	v10 =	vbroadcast v10, $0xF  }
0x87: {  	(xrf0) =	vadd.scan.msk.s32 $0xffff, v29;
	v34 =	vnsel vm0, $0x0, v31;
	v11 =	vadd.s32 v37, v31;
	vm0 =	veq.s32 v36, v2  }
0x88: {  	(xrf0) =	vadd.scan.msk.s32 $0xffff, v34;
	v39 =	vnsel vm0, $0x0, v11;
	v42 =	vsel vm0, $0x1, v0;
	vm0 =	veq.s32 v41, v2  }
0x89: {  	v14, _, _ =	vpop (xrf0);
	v12 =	vsel vm9, v12, v38;
	v11 =	vadd.s32 v42, v11;
	v47 =	vsel vm0, $0x1, v0  }
0x8a: {  	v9, _, _ =	vpop (xrf0);
	v46 =	vnsel vm0, $0x0, v11;
	v11 =	vadd.s32 v47, v11;
	vm0 =	veq.s32 v44, v2  }
0x8b: {  	v7, _, _ =	vpop (xrf0);
	v49 =	vnsel vm0, $0x0, v11;
	v50 =	vsel vm0, $0x1, v0;
	vm0 =	veq.s32 v48, v2  }
0x8c: {  	v14 =	vbroadcast v14, $0xF;
	v6, _, _ =	vpop (xrf0);
	(xrf0) =	vadd.scan.msk.s32 $0xffff, v39;
	v11 =	vadd.s32 v50, v11;
	v54 =	vsel vm0, $0x1, v0  }
0x8d: {  	v40, _, _ =	vpop (xrf0);
	v17 =	vnsel vm0, $0x0, v11;
	v11 =	vadd.s32 v54, v11;
	vm0 =	veq.s32 v52, v2  }
0x8e: {  	v13 =	vbroadcast v40, $0xF;
	v43, _, _ =	vpop (xrf0);
	v56 =	vnsel vm0, $0x0, v11;
	v57 =	vsel vm0, $0x1, v0  }
0x8f: {  	(xrf0) =	vadd.scan.msk.s32 $0xffff, v46;
	vm0 =	veq.s32 v55, v2;
	v45 =	vbroadcast v43, $0xF;
	v11 =	vadd.s32 v57, v11  }
0x90: {  	v10 =	vsel vm10, v12, v10;
	(xrf0) =	vadd.scan.msk.s32 $0xffff, v49;
	v20 =	vsel vm0, $0x1, v0;
	v61 =	vnsel vm0, $0x0, v11  }
0x91: {  	v11 =	vadd.s32 v20, v11;
	vm0 =	veq.s32 v59, v2;
	v13 =	vsel vm15, v13, v45  }
0x92: {  	(xrf0) =	vadd.scan.msk.s32 $0xffff, v17;
	v51, _, _ =	vpop (xrf0);
	v24 =	vnsel vm0, $0x0, v11;
	v25 =	vsel vm0, $0x1, v0;
	vm0 =	veq.s32 v62, v2  }
0x93: {  	v53 =	vbroadcast v51, $0xF;
	v11 =	vadd.s32 v25, v11;
	v27 =	vsel vm0, $0x1, v0  }
0x94: {  	(xrf0) =	vadd.scan.msk.s32 $0xffff, v56;
	v29 =	vnsel vm0, $0x0, v11;
	v11 =	vadd.s32 v27, v11;
	vm0 =	veq.s32 v26, v2  }
0x95: {  	v39 =	vbroadcast v5, $0xE;
	v13 =	vsel vm1, v13, v53;
	v58, _, _ =	vpop (xrf0);
	v15 =	vnsel vm0, $0x0, v11  }
0x96: {  	v30 =	vsel vm0, $0x1, v0;
	vm0 =	veq.s32 v28, v2;
	v60 =	vbroadcast v58, $0xF;
	v21, _, _ =	vpop (xrf0)  }
0x97: {  	(xrf0) =	vadd.scan.msk.s32 $0xffff, v61;
	v11 =	vadd.s32 v30, v11;
	v32 =	vsel vm0, $0x1, v0;
	v63 =	vbroadcast v21, $0xF  }
0x98: {  	(xrf0) =	vadd.scan.msk.s32 $0xffff, v24;
	v31, _, _ =	vpop (xrf0);
	v16 =	vadd.s32 v32, v11;
	v11 =	vnsel vm0, $0x0, v11;
	vm0 =	veq.s32 v22, v2  }
0x99: {  	(xrf0) =	vadd.scan.msk.s32 $0xffff, v29;
	v13 =	vsel vm2, v13, v60;
	v33 =	vbroadcast v31, $0xF;
	v37 =	vnsel vm0, $0x0, v16  }
0x9a: {  	(xrf0) =	vadd.scan.msk.s32 $0xffff, v15;
	v34, _, _ =	vpop (xrf0);
	v38 =	vsel vm0, $0x1, v0;
	vm0 =	veq.s32 v35, v2;
	v13 =	vsel vm3, v13, v63  }
0x9b: {  	(xrf0) =	vadd.scan.msk.s32 $0xffff, v11;
	v36 =	vbroadcast v34, $0xF;
	v40 =	vadd.s32 v38, v16;
	v41 =	vsel vm0, $0x1, v0  }
0x9c: {  	(xrf0) =	vadd.scan.msk.s32 $0xffff, v37;
	v16 =	vnsel vm0, $0x0, v40;
	v11 =	vadd.s32 v41, v40;
	vm0 =	veq.s32 v39, v2  }
0x9d: {  	v5 =	vbroadcast v5, $0xF;
	v42, _, _ =	vpop (xrf0);
	v13 =	vsel vm4, v13, v33;
	(xrf0) =	vadd.scan.msk.s32 $0xffff, v16;
	v43 =	vnsel vm0, $0x0, v11  }
0x9e: {  	v15 =	vbroadcast v42, $0xF;
	v13 =	vsel vm5, v13, v36;
	v44 =	vsel vm0, $0x1, v0;
	v45, _, _ =	vpop (xrf0);
	(xrf0) =	vadd.scan.msk.s32 $0xffff, v43  }
0x9f: {  	vm0 =	veq.s32 v5, v2;
	v11 =	vadd.s32 v44, v11;
	v46, _, _ =	vpop (xrf0);
	v47 =	vbroadcast v45, $0xF  }
0xa0: {  	v13 =	vsel vm6, v13, v15;
	v48, _, _ =	vpop (xrf0);
	v49 =	vbroadcast v46, $0xF;
	v50 =	vnsel vm0, $0x0, v11  }
0xa1: {  	v10 =	vsel vm11, v10, v14;
	v51 =	vsel vm7, v13, v47;
	v5 =	vbroadcast v48, $0xF;
	v52, _, _ =	vpop (xrf0);
	(xrf0) =	vadd.scan.msk.s32 $0xffff, v50  }
0xa2: {  	v9 =	vbroadcast v9, $0xF;
	v53, _, _ =	vpop (xrf0);
	v12 =	vsel vm8, v51, v49;
	v13 =	vbroadcast v52, $0xF  }
0xa3: {  	v7 =	vbroadcast v7, $0xF;
	v5 =	vsel vm9, v12, v5;
	v55 =	vbroadcast v53, $0xF;
	v54, _, _ =	vpop (xrf0)  }
0xa4: {  	v9 =	vsel vm12, v10, v9;
	v5 =	vsel vm10, v5, v13;
	v56, _, _ =	vpop (xrf0);
	v57 =	vbroadcast v54, $0xF  }
0xa5: {  	v59 =	vsel vm13, v9, v7;
	v5 =	vsel vm11, v5, v55;
	v58 =	vbroadcast v56, $0xF  }
0xa6: {  	[tilespmem:$0x90] =	vst v3;
	v3 =	vsel vm14, v59, v6;
	v62 =	vsel vm0, $0x1, v0;
	v5 =	vsel vm12, v5, v57  }
0xa7: {  	[tilespmem:$0xA0] =	vst v3;
	v63 =	vadd.s32 v62, v11;
	v61, _, _ =	vpop (xrf0);
	v60 =	vsel vm13, v5, v58  }
0xa8: {  	[tilespmem:$0x100] =	vst v63;
	v3 =	vsel vm14, v60, v61  }
0xa9: {  	[tilespmem:$0xB0] =	vst v3  }
0xaa: {  	[hbm4b:s4+s1] =	stream.linear.scatter [tilespmem:s8], [sflag:$0x1], $0x80, $0x38;
	[tilespmem:$0x180] =	vst v63  }
0xab: {  	_ =	swait.ge [sflag:s7], $0x80  }
0xac: {  	p0 =	sne.s32 s6, $0x1;
	[sflag:s7] =	ssyncset.done $0x0  }
.Ltmp0:
0xad: {  	[sflag:s7] =	ssyncadd.s32 $0xFFFFFF80;
	(pc) =	sbr.rel @p0 .LBB2_1-.Ltmp0, $4  }
0xae: {  	[hbm4b:s5+s1] =	stream.linear.scatter [tilespmem:s9], [sflag:$0x1], $0x40, $0x38;
	[tilespmem:$0x180] =	vst v63  }
0xaf: {  	_ =	swait.ge [sflag:s7], $0x40  }
0xb0: {  	[sflag:s7] =	ssyncset.done $0x0  }
0xb1: {  	s6 =	sadd.s32 $0xFFFFFFFF, s6;
	[sflag:s7] =	ssyncadd.s32 $0xFFFFFFC0  }
0xb2: {  	_ =	sfence.sel $0x180000  }
0xb3: {  	[bflag:$0x0] =	sbarrier.arrive $0xFFFF  }
0xb4: {  	p0 =	sne.s32 s2, $0x0;
	_ =	strace $0x90000047  }
0xb5: {  	s0 =	sadd.s32 @!p0 $0x100000, s0;
	[bflag:$0x2] =	sbarrier.arrive $0xFFFF  }
0xb6: {  	[sflag:s0] =	ssyncadd.tile.s32 @!p0 $0x1;
	_ =	shalt  }
.Lfunc_end2:
_tile_overlayer_lowered:
.L_overlay_start_2:
0xb7: {  	(tag) =	ssettag $0x2  }
0xb8: {  	s0 =	rddreg [dreg:$0x0];
	s2 =	stileid.u32  }
0xb9: {  	s1 =	rddreg [dreg:$0x1];
	p0 =	sne.s32 s2, $0x0  }
0xba: {  	s3 =	rddreg [dreg:$0x2];
	[bflag:$0x3] =	sbarrier.arrive $0xFFFF;
	s2 =	simm.s32 @!p0 $0x1C01  }
0xbb: {  	[timem:s3], [sflag:s2] =	dma.local @!p0 [hbm:s0], s1  }
0xbc: {  	s0 =	simm.s32 @!p0 $0x1  }
0xbd: {  	_ =	swait.ge @!p0 [sflag:s0], s1  }
0xbe: {  	s1 =	ssub.s32 @!p0 $0x0, s1;
	[sflag:s0] =	ssyncset.done @!p0 $0x0  }
0xbf: {  	[sflag:s0] =	ssyncadd.s32 @!p0 s1  }
0xc0: {  	[bflag:$0x3] =	sbarrier.arrive $0xFFFF  }
0xc1: {  	_ =	shalt  }

</sc_bundles>
